<compile_context>
chip_gen: v7x
topology: tpu7x:2x2x1
jax: 0.10.2.dev20260603
libtpu: 0.0.44.dev20260713+nightly
codegen_flags: <defaults>
</compile_context>

<pallas_src>
import functools
import jax
import jax.numpy as jnp
from jax import lax
from jax.experimental import pallas as pl
from jax.experimental.pallas import tpu as pltpu
from jax.experimental.pallas import tpu_sc as plsc

EPS = 1e-8
CUTOFF = 5.0
NRBF = 16
B = 512
CHUNK = 200


def _gather_rows_sc(ntab, i_idx, j_idx):
    f32 = jnp.float32
    i32 = jnp.int32
    E = i_idx.shape[0]
    info = plsc.get_sparse_core_info()
    NW = info.num_cores * info.num_subcores
    per_w = E // NW
    assert E % NW == 0 and per_w % CHUNK == 0
    n_chunks = per_w // CHUNK
    npages = NW * n_chunks

    mesh = plsc.VectorSubcoreMesh(core_axis_name="c", subcore_axis_name="s")

    @functools.partial(
        pl.kernel, mesh=mesh,
        out_type=(jax.ShapeDtypeStruct((npages, CHUNK, 128), f32),
                  jax.ShapeDtypeStruct((npages, CHUNK, 128), f32)),
        scratch_types=[
            pltpu.VMEM((CHUNK,), i32),
            pltpu.VMEM((CHUNK,), i32),
            pltpu.VMEM((CHUNK, 128), f32),
            pltpu.VMEM((CHUNK, 128), f32),
            pltpu.SemaphoreType.DMA,
        ],
    )
    def _sc(tab_hbm, ih, jh, oi_hbm, oj_hbm, iv, jv, ri, rj, sem):
        wid = lax.axis_index("s") * info.num_cores + lax.axis_index("c")
        base = wid * per_w

        def outer(ci, _):
            cbase = base + ci * CHUNK
            pg = wid * n_chunks + ci
            pltpu.sync_copy(ih.at[pl.ds(cbase, CHUNK)], iv)
            pltpu.sync_copy(jh.at[pl.ds(cbase, CHUNK)], jv)
            pltpu.async_copy(tab_hbm.at[iv], ri, sem).wait()
            pltpu.async_copy(tab_hbm.at[jv], rj, sem).wait()
            pltpu.sync_copy(ri, oi_hbm.at[pg])
            pltpu.sync_copy(rj, oj_hbm.at[pg])
            return 0
        lax.fori_loop(0, n_chunks, outer, 0)

    oi, oj = _sc(ntab, i_idx.astype(i32), j_idx.astype(i32))
    return oi.reshape(E, 128), oj.reshape(E, 128)


def _fin_rows(rows, rowmask):
    cf = rows[:, 7:8]
    c = jnp.where(cf > 0.0, cf, 1.0)
    t = rows[:, 0:3] / c - (rows[:, 3:6] / c) / ((rows[:, 6:7] / c) + EPS)
    return jnp.sum(t * t * rows[:, 8:9] * rowmask, axis=(0, 1), keepdims=True)


def _edge_kernel(delta_ref, locl_ref, edi_ref, edj_ref, wl_ref, T1j_ref,
                 T1i_ref, W1r_ref, be1_ref, We2_ref, be2_ref, Ws1h_ref,
                 L1_ref, bs1_ref, Ws2_ref, bs2_ref, Ws3_ref, bs3_ref,
                 out_ref, carry_ref):
    pid = pl.program_id(0)
    nb = pl.num_programs(0)
    f32 = jnp.float32

    @pl.when(pid == 0)
    def _init():
        out_ref[...] = jnp.zeros((1, 1), f32)
        carry_ref[...] = jnp.zeros((8, 128), f32)

    edi = edi_ref[...]
    edj = edj_ref[...]
    wl = wl_ref[...]
    d = edi - edj
    dv = d[:, 0:3]
    gtdv = d[:, 3:6]
    sig = edi[:, 6:7]
    msk = (d[:, 7:8] != 0.0).astype(f32)
    tj = edj[:, 9:10]
    ti = edi[:, 10:11]
    bj = edj[:, 11:12]
    wcol = wl[:, 0:1]
    loc = wl[:, 1:2]

    dist = jnp.sqrt(jnp.sum(dv * dv, axis=1, keepdims=True))
    centers = jax.lax.broadcasted_iota(jnp.int32, (B, NRBF), 1).astype(f32) \
        * (CUTOFF / (NRBF - 1))
    rbf = jnp.exp(-10.0 * (dist - centers) ** 2)

    i128 = jax.lax.broadcasted_iota(jnp.int32, (B, 128), 1).astype(f32)
    ohj = (tj == i128).astype(f32)
    ohi = (ti == i128).astype(f32)
    nlat = L1_ref.shape[0]
    ohb = (bj == jax.lax.broadcasted_iota(jnp.int32, (B, nlat), 1)
           .astype(f32)).astype(f32)

    def dot(a, b):
        return jax.lax.dot_general(a, b, (((1,), (0,)), ((), ())),
                                   preferred_element_type=f32)

    h1 = dot(ohj, T1j_ref[...]) + dot(ohi, T1i_ref[...]) \
        + dot(rbf, W1r_ref[...]) + be1_ref[...]
    h = dot(jnp.maximum(h1, 0.0), We2_ref[...]) + be2_ref[...]
    x1 = jnp.maximum(dot(h, Ws1h_ref[...]) + dot(ohb, L1_ref[...])
                     + bs1_ref[...], 0.0)
    x2 = jnp.maximum(dot(x1, Ws2_ref[...]) + bs2_ref[...], 0.0)
    scores = (dot(x2, Ws3_ref[...]) + bs3_ref[...])[:, 0:1]

    inv = 1.0 / (dist + EPS)
    vs = scores * dv * inv
    gt_d = jnp.sqrt(jnp.sum(gtdv * gtdv, axis=1, keepdims=True))
    vg = (gt_d - dist) * dv * inv
    val = jnp.concatenate(
        [msk * vs, msk * vg, msk * sig, msk, wcol, jnp.zeros((B, 7), f32)],
        axis=1)

    ohs = (loc == jax.lax.broadcasted_iota(jnp.int32, (B, B), 1)
           .astype(f32)).astype(f32)
    S = jax.lax.dot_general(ohs, val, (((0,), (0,)), ((), ())),
                            preferred_element_type=f32)

    delta = delta_ref[pid]
    locl = locl_ref[pid]
    rows_i = jax.lax.broadcasted_iota(jnp.int32, (B, 1), 0)
    dfac = jnp.where(delta == 0, 1.0, 0.0).astype(f32)
    crow = carry_ref[0:1, 0:16]
    S0 = S + crow * (rows_i == 0).astype(f32) * dfac

    contrib = _fin_rows(S0, (rows_i < locl).astype(f32))
    contrib = contrib + _fin_rows(crow, jnp.ones((1, 1), f32)) * (1.0 - dfac)
    new_carry = jnp.sum(S0 * (rows_i == locl).astype(f32), axis=0,
                        keepdims=True)
    lastfac = jnp.where(pid == nb - 1, 1.0, 0.0).astype(f32)
    contrib = contrib + _fin_rows(new_carry, jnp.ones((1, 1), f32)) * lastfac

    out_ref[...] += contrib
    carry_ref[0:1, 0:16] = new_carry


def kernel(latents, num_atoms, atom_types, gt_frac_coords, lengths, angles,
           batch, edge_index, time_steps, noise, sigmas, atom_emb,
           W_e1, b_e1, W_e2, b_e2, Ws1, bs1, Ws2, bs2, Ws3, bs3):
    f32 = jnp.float32
    Gn = latents.shape[0]
    N = gt_frac_coords.shape[0]
    E = edge_index.shape[1]
    A = atom_emb.shape[0]
    AE = atom_emb.shape[1]
    H = W_e2.shape[0]
    F = Ws2.shape[0]
    seg = jax.ops.segment_sum
    assert E % B == 0
    nb = E // B

    cnt = jnp.maximum(seg(jnp.ones((N,), f32), batch, Gn), 1.0)
    sigg = sigmas[time_steps]
    sig_n = sigg[batch]
    gt_cart = gt_frac_coords * lengths[batch]
    pert = gt_cart + sig_n[:, None] * noise
    pert = pert - (seg(pert, batch, Gn) / cnt[:, None])[batch]
    gt_cart = gt_cart - (seg(gt_cart, batch, Gn) / cnt[:, None])[batch]

    j = edge_index[0]
    i = edge_index[1]
    mask = i != j
    idx = jnp.arange(E, dtype=jnp.int32)
    pm = jax.lax.cummax(jnp.where(mask, idx, -1))
    prev = jnp.concatenate([jnp.full((1,), -1, pm.dtype), pm[:-1]])
    pc = jnp.maximum(prev, 0)
    start = mask & ((prev < 0) | (i != i[pc]) | (j != j[pc]))
    rid = jnp.cumsum(start.astype(jnp.int32)) - 1
    rid_f = jnp.maximum(jax.lax.cummax(jnp.where(mask, rid, -1)), 0)
    r0 = rid_f[::B]
    loc = rid_f - jnp.repeat(r0, B)
    locl = loc[B - 1::B].astype(jnp.int32)
    delta = jnp.concatenate(
        [jnp.zeros((1,), jnp.int32),
         (r0[1:] - (r0[:-1] + locl[:-1])).astype(jnp.int32)])
    node_cnt = seg(start.astype(f32), i, N)
    w_edge = jnp.where(start, 1.0 / jnp.maximum(node_cnt, 1.0)[i], 0.0)
    nnz = jnp.maximum(jnp.sum(node_cnt > 0.0), 1).astype(f32)

    typef = atom_types.astype(f32)[:, None]
    ntab = jnp.concatenate([
        pert, gt_cart, sig_n[:, None],
        jnp.arange(N, dtype=f32)[:, None], jnp.zeros((N, 1), f32),
        typef, typef, batch.astype(f32)[:, None],
        jnp.zeros((N, 116), f32)], axis=1)
    edi, edj = _gather_rows_sc(ntab, i, j)
    wl = jnp.stack([w_edge, loc.astype(f32)], axis=1)

    T1j = jnp.zeros((128, H), f32).at[:A].set(atom_emb @ W_e1[:AE])
    T1i = jnp.zeros((128, H), f32).at[:A].set(atom_emb @ W_e1[AE:2 * AE])
    W1r = W_e1[2 * AE:]
    Ws1h = Ws1[:H]
    L1 = latents @ Ws1[H:]
    Ws3p = jnp.concatenate([Ws3, jnp.zeros((F, 7), f32)], axis=1)
    bs3p = jnp.concatenate([bs3, jnp.zeros((7,), f32)])

    const = lambda b: (0, 0)
    out = pl.pallas_call(
        _edge_kernel,
        grid=(nb,),
        in_specs=[
            pl.BlockSpec(memory_space=pltpu.SMEM),
            pl.BlockSpec(memory_space=pltpu.SMEM),
            pl.BlockSpec((B, 128), lambda b: (b, 0)),
            pl.BlockSpec((B, 128), lambda b: (b, 0)),
            pl.BlockSpec((B, 2), lambda b: (b, 0)),
            pl.BlockSpec((128, H), const),
            pl.BlockSpec((128, H), const),
            pl.BlockSpec((NRBF, H), const),
            pl.BlockSpec((1, H), const),
            pl.BlockSpec((H, H), const),
            pl.BlockSpec((1, H), const),
            pl.BlockSpec((H, F), const),
            pl.BlockSpec((Gn, F), const),
            pl.BlockSpec((1, F), const),
            pl.BlockSpec((F, F), const),
            pl.BlockSpec((1, F), const),
            pl.BlockSpec((F, 8), const),
            pl.BlockSpec((1, 8), const),
        ],
        out_specs=pl.BlockSpec((1, 1), const),
        out_shape=jax.ShapeDtypeStruct((1, 1), f32),
        scratch_shapes=[pltpu.VMEM((8, 128), f32)],
        compiler_params=pltpu.CompilerParams(
            dimension_semantics=("arbitrary",)),
    )(delta, locl, edi, edj, wl, T1j, T1i, W1r, b_e1[None, :], W_e2,
      b_e2[None, :], Ws1h, L1, bs1[None, :], Ws2, bs2[None, :], Ws3p,
      bs3p[None, :])

    return out[0, 0] / (nnz * 3.0)

# --- scband reference (transcript-rebuilt; emitter-appended) ---
"""Pipeline reference for scband-coord-gen-47519518163661 (READ-ONLY COPY).

The authoritative reference and input builder live on the scoring server;
editing this copy changes nothing except your own understanding.
"""

import jax, jax.numpy as jnp
import numpy as np

EPS = 1e-8
N_NODES = 10000
N_EDGES = 320000
G = 64
LATENT = 128
HIDDEN = 128
ATYPES = 100
AEMB = 64
NRBF = 16
FCH = 256
TSTEPS = 1000
CUTOFF = 5.0


def setup_inputs(seed: int = 0):
    key = jax.random.key(seed)
    ks = jax.random.split(key, 20)

    def lin(k, fi, fo):
        return (jax.random.normal(k, (fi, fo), dtype=jnp.float32) / np.sqrt(fi)).astype(jnp.float32)

    inp = {}
    inp['latents'] = jax.random.normal(ks[0], (G, LATENT), dtype=jnp.float32)
    inp['num_atoms'] = jax.random.randint(ks[1], (G,), 0, 200)
    inp['atom_types'] = jax.random.randint(ks[2], (N_NODES,), 0, ATYPES)
    inp['gt_frac_coords'] = jax.random.uniform(ks[3], (N_NODES, 3), dtype=jnp.float32)
    inp['lengths'] = jax.random.uniform(ks[4], (G, 3), dtype=jnp.float32) * 10.0 + 1.0
    inp['angles'] = jax.random.uniform(ks[5], (G, 3), dtype=jnp.float32) * 60.0 + 60.0
    inp['batch'] = jnp.sort(jax.random.randint(ks[6], (N_NODES,), 0, G))
    inp['edge_index'] = jax.random.randint(ks[7], (2, N_EDGES), 0, N_NODES)
    inp['time_steps'] = jax.random.randint(ks[8], (G,), 0, TSTEPS)
    inp['noise'] = jax.random.normal(ks[9], (N_NODES, 3), dtype=jnp.float32)
    inp['sigmas'] = jnp.asarray(np.exp(np.linspace(np.log(0.01), np.log(10.0), TSTEPS)), dtype=jnp.float32)
    inp['atom_emb'] = jax.random.normal(ks[10], (ATYPES, AEMB), dtype=jnp.float32) * 0.1
    inp['W_e1'] = lin(ks[11], 2 * AEMB + NRBF, HIDDEN)
    inp['b_e1'] = jnp.zeros((HIDDEN,), jnp.float32)
    inp['W_e2'] = lin(ks[12], HIDDEN, HIDDEN)
    inp['b_e2'] = jnp.zeros((HIDDEN,), jnp.float32)
    inp['Ws1'] = lin(ks[13], HIDDEN + LATENT, FCH)
    inp['bs1'] = jnp.zeros((FCH,), jnp.float32)
    inp['Ws2'] = lin(ks[14], FCH, FCH)
    inp['bs2'] = jnp.zeros((FCH,), jnp.float32)
    inp['Ws3'] = lin(ks[15], FCH, 1)
    inp['bs3'] = jnp.zeros((1,), jnp.float32)
    return inp


def reference(latents, num_atoms, atom_types, gt_frac_coords, lengths, angles, batch, edge_index, time_steps, noise, sigmas, atom_emb, W_e1, b_e1, W_e2, b_e2, Ws1, bs1, Ws2, bs2, Ws3, bs3):
    Gn = latents.shape[0]
    N = gt_frac_coords.shape[0]
    cnt = jnp.maximum(jnp.bincount(batch, length=Gn), 1).astype(jnp.float32)
    sig_n = sigmas[time_steps][batch][:, None]
    gt_cart = gt_frac_coords * lengths[batch]
    pert = gt_cart + sig_n * noise
    pert = pert - (jax.ops.segment_sum(pert, batch, Gn) / cnt[:, None])[batch]
    gt_cart = gt_cart - (jax.ops.segment_sum(gt_cart, batch, Gn) / cnt[:, None])[batch]
    j = edge_index[0]
    i = edge_index[1]
    mask = i != j
    E = int(i.shape[0])
    dv = pert[i] - pert[j]
    dist = jnp.linalg.norm(dv, axis=-1, keepdims=True)
    centers = jnp.linspace(0.0, CUTOFF, NRBF)
    rbf = jnp.exp(-10.0 * (dist - centers[None, :]) ** 2)
    feat = jnp.concatenate([atom_emb[atom_types[j]], atom_emb[atom_types[i]], rbf], axis=1)
    h = jax.nn.relu(feat @ W_e1 + b_e1) @ W_e2 + b_e2
    ef = jnp.concatenate([h, latents[batch[j]]], axis=1)
    x = jax.nn.relu(ef @ Ws1 + bs1)
    x = jax.nn.relu(x @ Ws2 + bs2)
    scores = x @ Ws3 + bs3
    gt_dv = gt_cart[i] - gt_cart[j]
    gt_d = jnp.linalg.norm(gt_dv, axis=-1, keepdims=True)
    gt_scores = gt_d - dist
    norms = sig_n[i]
    idx = jnp.arange(E)
    pm = jax.lax.cummax(jnp.where(mask, idx, -1))
    prev = jnp.concatenate([jnp.full((1,), -1, dtype=pm.dtype), pm[:-1]])
    pc = jnp.maximum(prev, 0)
    start = mask & ((prev < 0) | (i != i[pc]) | (j != j[pc]))
    rid = jnp.cumsum(start.astype(jnp.int32)) - 1
    rid = jnp.where(mask, rid, E)
    cef_full = jax.ops.segment_sum(mask.astype(jnp.float32), rid, E)
    occ = cef_full > 0.0
    cef = jnp.where(occ, cef_full, 1.0)[:, None]
    vm = mask[:, None]
    s_e = jax.ops.segment_sum(jnp.where(vm, scores * dv / (dist + EPS), 0.0), rid, E) / cef
    g_e = jax.ops.segment_sum(jnp.where(vm, gt_scores * dv / (dist + EPS), 0.0), rid, E) / cef
    n_e = jax.ops.segment_sum(jnp.where(vm, norms, 0.0), rid, E) / cef
    node_of_edge = jax.ops.segment_sum(jnp.where(start, i, 0), rid, E)
    node_of_edge = jnp.where(occ, node_of_edge, N)
    l_e = (s_e - g_e / (n_e + EPS)) ** 2
    node_sum = jax.ops.segment_sum(l_e, node_of_edge, N)
    node_cnt = jax.ops.segment_sum(occ.astype(jnp.float32), node_of_edge, N)
    node_mean = node_sum / jnp.maximum(node_cnt, 1.0)[:, None]
    loss = node_mean.sum() / (jnp.maximum((node_cnt > 0.0).sum(), 1).astype(jnp.float32) * 3.0)
    return loss

if __name__ == "__main__":
    import jax
    _d = setup_inputs()
    print(jax.jit(kernel)(*tuple(_d.values())))

</pallas_src>

<mosaic_0001>
#map = affine_map<(d0, d1) -> (0, 0)>
#map1 = affine_map<(d0, d1) -> (0)>
#map2 = affine_map<(d0, d1) -> (0, 0, 0)>
module attributes {stable_mosaic.version = 14 : i64} {
  func.func @_sc(%arg0: i32, %arg1: i32, %arg2: memref<10000x128xf32, #tpu.memory_space<hbm>>, %arg3: memref<320000xi32, #tpu.memory_space<hbm>>, %arg4: memref<320000xi32, #tpu.memory_space<hbm>>, %arg5: memref<1600x200x128xf32, #tpu.memory_space<hbm>>, %arg6: memref<1600x200x128xf32, #tpu.memory_space<hbm>>, %arg7: memref<200xi32, #tpu.memory_space<vmem>>, %arg8: memref<200xi32, #tpu.memory_space<vmem>>, %arg9: memref<200x128xf32, #tpu.memory_space<vmem>>, %arg10: memref<200x128xf32, #tpu.memory_space<vmem>>, %arg11: memref<!tpu.dma_semaphore, #tpu.memory_space<semaphore_mem>>) attributes {dimension_semantics = [#tpu.dimension_semantics<core_parallel>, #tpu.dimension_semantics<subcore_parallel>], iteration_bounds = array<i64: 2, 16>, scalar_prefetch = 0 : i64, scratch_operands = 5 : i64, tpu.core_type = #tpu.core_type<sc_vector_subcore>, window_params = [{transform_indices = #map}, {transform_indices = #map1}, {transform_indices = #map1}, {transform_indices = #map2}, {transform_indices = #map2}]} {
    %mul3A = arith.constant 2 : i32
    %mul3A_0 = arith.muli %arg1, %mul3A : i32
    %add3A = arith.addi %mul3A_0, %arg0 : i32
    %mul3A_1 = arith.constant 10000 : i32
    %mul3A_2 = arith.muli %add3A, %mul3A_1 : i32
    %scan3A = arith.constant 0 : i32
    %scan3A_3 = arith.constant 0 : i32
    %scan3A_4 = arith.constant 50 : i32
    %scan3A_5 = arith.addi %scan3A_3, %scan3A_4 : i32
    %scan3A_6 = arith.constant 1 : i32
    %scan3A_7 = scf.for %scan3A_9 = %scan3A_3 to %scan3A_5 step %scan3A_6 iter_args(%scan3A_10 = %scan3A) -> (i32)  : i32 {
      %mul3A_11 = arith.constant 200 : i32
      %mul3A_12 = arith.muli %scan3A_9, %mul3A_11 : i32
      %add3A_13 = arith.addi %mul3A_2, %mul3A_12 : i32
      %mul3A_14 = arith.constant 50 : i32
      %mul3A_15 = arith.muli %add3A, %mul3A_14 : i32
      %add3A_16 = arith.addi %mul3A_15, %scan3A_9 : i32
      "tpu.region"() ({
        %run_scoped3A = tpu.sem_alloc : memref<!tpu.dma_semaphore, #tpu.memory_space<semaphore_mem>>
        %dma_start3A_28 = tpu.memref_slice %arg3[%add3A_13] : memref<320000xi32, #tpu.memory_space<hbm>> -> memref<200xi32, #tpu.memory_space<hbm>>
        %dma_start3A_29 = tpu.memref_slice %arg3[%add3A_13] : memref<320000xi32, #tpu.memory_space<hbm>> -> memref<200xi32, #tpu.memory_space<hbm>>
        tpu.enqueue_dma source(%dma_start3A_29 : memref<200xi32, #tpu.memory_space<hbm>>) target(%arg7 : memref<200xi32, #tpu.memory_space<vmem>>) target_semaphore(%run_scoped3A : memref<!tpu.dma_semaphore, #tpu.memory_space<semaphore_mem>>)
        %dma_wait3A_30 = tpu.memref_slice %arg3[%add3A_13] : memref<320000xi32, #tpu.memory_space<hbm>> -> memref<200xi32, #tpu.memory_space<hbm>>
        %dma_wait3A_31 = tpu.memref_slice %arg3[%add3A_13] : memref<320000xi32, #tpu.memory_space<hbm>> -> memref<200xi32, #tpu.memory_space<hbm>>
        tpu.wait_dma2 semaphore(%run_scoped3A : memref<!tpu.dma_semaphore, #tpu.memory_space<semaphore_mem>>) src(%dma_wait3A_31 : memref<200xi32, #tpu.memory_space<hbm>>) dst(%arg7 : memref<200xi32, #tpu.memory_space<vmem>>)
        tpu.yield
      }) : () -> ()
      "tpu.region"() ({
        %run_scoped3A = tpu.sem_alloc : memref<!tpu.dma_semaphore, #tpu.memory_space<semaphore_mem>>
        %dma_start3A_28 = tpu.memref_slice %arg4[%add3A_13] : memref<320000xi32, #tpu.memory_space<hbm>> -> memref<200xi32, #tpu.memory_space<hbm>>
        %dma_start3A_29 = tpu.memref_slice %arg4[%add3A_13] : memref<320000xi32, #tpu.memory_space<hbm>> -> memref<200xi32, #tpu.memory_space<hbm>>
        tpu.enqueue_dma source(%dma_start3A_29 : memref<200xi32, #tpu.memory_space<hbm>>) target(%arg8 : memref<200xi32, #tpu.memory_space<vmem>>) target_semaphore(%run_scoped3A : memref<!tpu.dma_semaphore, #tpu.memory_space<semaphore_mem>>)
        %dma_wait3A_30 = tpu.memref_slice %arg4[%add3A_13] : memref<320000xi32, #tpu.memory_space<hbm>> -> memref<200xi32, #tpu.memory_space<hbm>>
        %dma_wait3A_31 = tpu.memref_slice %arg4[%add3A_13] : memref<320000xi32, #tpu.memory_space<hbm>> -> memref<200xi32, #tpu.memory_space<hbm>>
        tpu.wait_dma2 semaphore(%run_scoped3A : memref<!tpu.dma_semaphore, #tpu.memory_space<semaphore_mem>>) src(%dma_wait3A_31 : memref<200xi32, #tpu.memory_space<hbm>>) dst(%arg8 : memref<200xi32, #tpu.memory_space<vmem>>)
        tpu.yield
      }) : () -> ()
      %dma_start3A = arith.constant 0 : i32
      %dma_start3A_17 = arith.constant 0 : i32
      %dma_start3A_18 = tpu.memref_slice %arg2[%dma_start3A, %dma_start3A_17] : memref<10000x128xf32, #tpu.memory_space<hbm>> -> memref<10000x128xf32, #tpu.memory_space<hbm>>
      tpu.enqueue_indirect_dma source(%dma_start3A_18 : memref<10000x128xf32, #tpu.memory_space<hbm>>) target(%arg9 : memref<200x128xf32, #tpu.memory_space<vmem>>) offsets(%arg7 : memref<200xi32, #tpu.memory_space<vmem>>) semaphore(%arg11 : memref<!tpu.dma_semaphore, #tpu.memory_space<semaphore_mem>>)
      %dma_wait3A = arith.constant 0 : i32
      %dma_wait3A_19 = arith.constant 0 : i32
      %dma_wait3A_20 = tpu.memref_slice %arg2[%dma_wait3A, %dma_wait3A_19] : memref<10000x128xf32, #tpu.memory_space<hbm>> -> memref<10000x128xf32, #tpu.memory_space<hbm>>
      tpu.wait_indirect_dma semaphore(%arg11 : memref<!tpu.dma_semaphore, #tpu.memory_space<semaphore_mem>>) src(%dma_wait3A_20 : memref<10000x128xf32, #tpu.memory_space<hbm>>) dst(%arg9 : memref<200x128xf32, #tpu.memory_space<vmem>>)
      %dma_start3A_21 = arith.constant 0 : i32
      %dma_start3A_22 = arith.constant 0 : i32
      %dma_start3A_23 = tpu.memref_slice %arg2[%dma_start3A_21, %dma_start3A_22] : memref<10000x128xf32, #tpu.memory_space<hbm>> -> memref<10000x128xf32, #tpu.memory_space<hbm>>
      tpu.enqueue_indirect_dma source(%dma_start3A_23 : memref<10000x128xf32, #tpu.memory_space<hbm>>) target(%arg10 : memref<200x128xf32, #tpu.memory_space<vmem>>) offsets(%arg8 : memref<200xi32, #tpu.memory_space<vmem>>) semaphore(%arg11 : memref<!tpu.dma_semaphore, #tpu.memory_space<semaphore_mem>>)
      %dma_wait3A_24 = arith.constant 0 : i32
      %dma_wait3A_25 = arith.constant 0 : i32
      %dma_wait3A_26 = tpu.memref_slice %arg2[%dma_wait3A_24, %dma_wait3A_25] : memref<10000x128xf32, #tpu.memory_space<hbm>> -> memref<10000x128xf32, #tpu.memory_space<hbm>>
      tpu.wait_indirect_dma semaphore(%arg11 : memref<!tpu.dma_semaphore, #tpu.memory_space<semaphore_mem>>) src(%dma_wait3A_26 : memref<10000x128xf32, #tpu.memory_space<hbm>>) dst(%arg10 : memref<200x128xf32, #tpu.memory_space<vmem>>)
      "tpu.region"() ({
        %run_scoped3A = tpu.sem_alloc : memref<!tpu.dma_semaphore, #tpu.memory_space<semaphore_mem>>
        %dma_start3A_28 = arith.constant 0 : i32
        %dma_start3A_29 = arith.constant 0 : i32
        %dma_start3A_30 = tpu.memref_slice %arg5[%add3A_16, %dma_start3A_28, %dma_start3A_29] : memref<1600x200x128xf32, #tpu.memory_space<hbm>> -> memref<1x200x128xf32, #tpu.memory_space<hbm>>
        %dma_start3A_31 = tpu.memref_squeeze %dma_start3A_30 : memref<1x200x128xf32, #tpu.memory_space<hbm>> -> memref<200x128xf32, #tpu.memory_space<hbm>>
        %dma_start3A_32 = arith.constant 0 : i32
        %dma_start3A_33 = arith.constant 0 : i32
        %dma_start3A_34 = tpu.memref_slice %arg5[%add3A_16, %dma_start3A_32, %dma_start3A_33] : memref<1600x200x128xf32, #tpu.memory_space<hbm>> -> memref<1x200x128xf32, #tpu.memory_space<hbm>>
        %dma_start3A_35 = tpu.memref_squeeze %dma_start3A_34 : memref<1x200x128xf32, #tpu.memory_space<hbm>> -> memref<200x128xf32, #tpu.memory_space<hbm>>
        tpu.enqueue_dma source(%arg9 : memref<200x128xf32, #tpu.memory_space<vmem>>) target(%dma_start3A_35 : memref<200x128xf32, #tpu.memory_space<hbm>>) target_semaphore(%run_scoped3A : memref<!tpu.dma_semaphore, #tpu.memory_space<semaphore_mem>>)
        %dma_wait3A_36 = arith.constant 0 : i32
        %dma_wait3A_37 = arith.constant 0 : i32
        %dma_wait3A_38 = tpu.memref_slice %arg5[%add3A_16, %dma_wait3A_36, %dma_wait3A_37] : memref<1600x200x128xf32, #tpu.memory_space<hbm>> -> memref<1x200x128xf32, #tpu.memory_space<hbm>>
        %dma_wait3A_39 = tpu.memref_squeeze %dma_wait3A_38 : memref<1x200x128xf32, #tpu.memory_space<hbm>> -> memref<200x128xf32, #tpu.memory_space<hbm>>
        %dma_wait3A_40 = arith.constant 0 : i32
        %dma_wait3A_41 = arith.constant 0 : i32
        %dma_wait3A_42 = tpu.memref_slice %arg5[%add3A_16, %dma_wait3A_40, %dma_wait3A_41] : memref<1600x200x128xf32, #tpu.memory_space<hbm>> -> memref<1x200x128xf32, #tpu.memory_space<hbm>>
        %dma_wait3A_43 = tpu.memref_squeeze %dma_wait3A_42 : memref<1x200x128xf32, #tpu.memory_space<hbm>> -> memref<200x128xf32, #tpu.memory_space<hbm>>
        tpu.wait_dma2 semaphore(%run_scoped3A : memref<!tpu.dma_semaphore, #tpu.memory_space<semaphore_mem>>) src(%arg9 : memref<200x128xf32, #tpu.memory_space<vmem>>) dst(%dma_wait3A_43 : memref<200x128xf32, #tpu.memory_space<hbm>>)
        tpu.yield
      }) : () -> ()
      "tpu.region"() ({
        %run_scoped3A = tpu.sem_alloc : memref<!tpu.dma_semaphore, #tpu.memory_space<semaphore_mem>>
        %dma_start3A_28 = arith.constant 0 : i32
        %dma_start3A_29 = arith.constant 0 : i32
        %dma_start3A_30 = tpu.memref_slice %arg6[%add3A_16, %dma_start3A_28, %dma_start3A_29] : memref<1600x200x128xf32, #tpu.memory_space<hbm>> -> memref<1x200x128xf32, #tpu.memory_space<hbm>>
        %dma_start3A_31 = tpu.memref_squeeze %dma_start3A_30 : memref<1x200x128xf32, #tpu.memory_space<hbm>> -> memref<200x128xf32, #tpu.memory_space<hbm>>
        %dma_start3A_32 = arith.constant 0 : i32
        %dma_start3A_33 = arith.constant 0 : i32
        %dma_start3A_34 = tpu.memref_slice %arg6[%add3A_16, %dma_start3A_32, %dma_start3A_33] : memref<1600x200x128xf32, #tpu.memory_space<hbm>> -> memref<1x200x128xf32, #tpu.memory_space<hbm>>
        %dma_start3A_35 = tpu.memref_squeeze %dma_start3A_34 : memref<1x200x128xf32, #tpu.memory_space<hbm>> -> memref<200x128xf32, #tpu.memory_space<hbm>>
        tpu.enqueue_dma source(%arg10 : memref<200x128xf32, #tpu.memory_space<vmem>>) target(%dma_start3A_35 : memref<200x128xf32, #tpu.memory_space<hbm>>) target_semaphore(%run_scoped3A : memref<!tpu.dma_semaphore, #tpu.memory_space<semaphore_mem>>)
        %dma_wait3A_36 = arith.constant 0 : i32
        %dma_wait3A_37 = arith.constant 0 : i32
        %dma_wait3A_38 = tpu.memref_slice %arg6[%add3A_16, %dma_wait3A_36, %dma_wait3A_37] : memref<1600x200x128xf32, #tpu.memory_space<hbm>> -> memref<1x200x128xf32, #tpu.memory_space<hbm>>
        %dma_wait3A_39 = tpu.memref_squeeze %dma_wait3A_38 : memref<1x200x128xf32, #tpu.memory_space<hbm>> -> memref<200x128xf32, #tpu.memory_space<hbm>>
        %dma_wait3A_40 = arith.constant 0 : i32
        %dma_wait3A_41 = arith.constant 0 : i32
        %dma_wait3A_42 = tpu.memref_slice %arg6[%add3A_16, %dma_wait3A_40, %dma_wait3A_41] : memref<1600x200x128xf32, #tpu.memory_space<hbm>> -> memref<1x200x128xf32, #tpu.memory_space<hbm>>
        %dma_wait3A_43 = tpu.memref_squeeze %dma_wait3A_42 : memref<1x200x128xf32, #tpu.memory_space<hbm>> -> memref<200x128xf32, #tpu.memory_space<hbm>>
        tpu.wait_dma2 semaphore(%run_scoped3A : memref<!tpu.dma_semaphore, #tpu.memory_space<semaphore_mem>>) src(%arg10 : memref<200x128xf32, #tpu.memory_space<vmem>>) dst(%dma_wait3A_43 : memref<200x128xf32, #tpu.memory_space<hbm>>)
        tpu.yield
      }) : () -> ()
      %scan3A_27 = arith.constant 0 : i32
      scf.yield %scan3A_27 : i32
    }
    %scan3A_8 = arith.constant 50 : i32
    return
  }
}

module attributes {stable_mosaic.version = 14 : i64} {
  func.func @_edge_kernel(%arg0: i32, %arg1: memref<625xi32, #tpu.memory_space<smem>>, %arg2: memref<625xi32, #tpu.memory_space<smem>>, %arg3: memref<512x128xf32, #tpu.memory_space<vmem>>, %arg4: memref<512x128xf32, #tpu.memory_space<vmem>>, %arg5: memref<512x2xf32, #tpu.memory_space<vmem>>, %arg6: memref<128x128xf32, #tpu.memory_space<vmem>>, %arg7: memref<128x128xf32, #tpu.memory_space<vmem>>, %arg8: memref<16x128xf32, #tpu.memory_space<vmem>>, %arg9: memref<1x128xf32, #tpu.memory_space<vmem>>, %arg10: memref<128x128xf32, #tpu.memory_space<vmem>>, %arg11: memref<1x128xf32, #tpu.memory_space<vmem>>, %arg12: memref<128x256xf32, #tpu.memory_space<vmem>>, %arg13: memref<64x256xf32, #tpu.memory_space<vmem>>, %arg14: memref<1x256xf32, #tpu.memory_space<vmem>>, %arg15: memref<256x256xf32, #tpu.memory_space<vmem>>, %arg16: memref<1x256xf32, #tpu.memory_space<vmem>>, %arg17: memref<256x8xf32, #tpu.memory_space<vmem>>, %arg18: memref<1x8xf32, #tpu.memory_space<vmem>>, %arg19: memref<1x1xf32, #tpu.memory_space<vmem>>, %arg20: memref<8x128xf32, #tpu.memory_space<vmem>>) attributes {dimension_semantics = [#tpu.dimension_semantics<arbitrary>], iteration_bounds = array<i64: 625>, scalar_prefetch = 0 : i64, scratch_operands = 1 : i64, tpu.core_type = #tpu.core_type<tc>, window_params = [{transform_indices = @transform_0, window_bounds = array<i64: 625>}, {transform_indices = @transform_1, window_bounds = array<i64: 625>}, {transform_indices = @transform_2, window_bounds = array<i64: 512, 128>}, {transform_indices = @transform_3, window_bounds = array<i64: 512, 128>}, {transform_indices = @transform_4, window_bounds = array<i64: 512, 2>}, {pipeline_mode = #tpu.pipeline_mode<synchronous>, transform_indices = @transform_5, window_bounds = array<i64: 128, 128>}, {pipeline_mode = #tpu.pipeline_mode<synchronous>, transform_indices = @transform_6, window_bounds = array<i64: 128, 128>}, {pipeline_mode = #tpu.pipeline_mode<synchronous>, transform_indices = @transform_7, window_bounds = array<i64: 16, 128>}, {pipeline_mode = #tpu.pipeline_mode<synchronous>, transform_indices = @transform_8, window_bounds = array<i64: 1, 128>}, {pipeline_mode = #tpu.pipeline_mode<synchronous>, transform_indices = @transform_9, window_bounds = array<i64: 128, 128>}, {pipeline_mode = #tpu.pipeline_mode<synchronous>, transform_indices = @transform_10, window_bounds = array<i64: 1, 128>}, {pipeline_mode = #tpu.pipeline_mode<synchronous>, transform_indices = @transform_11, window_bounds = array<i64: 128, 256>}, {pipeline_mode = #tpu.pipeline_mode<synchronous>, transform_indices = @transform_12, window_bounds = array<i64: 64, 256>}, {pipeline_mode = #tpu.pipeline_mode<synchronous>, transform_indices = @transform_13, window_bounds = array<i64: 1, 256>}, {pipeline_mode = #tpu.pipeline_mode<synchronous>, transform_indices = @transform_14, window_bounds = array<i64: 256, 256>}, {pipeline_mode = #tpu.pipeline_mode<synchronous>, transform_indices = @transform_15, window_bounds = array<i64: 1, 256>}, {pipeline_mode = #tpu.pipeline_mode<synchronous>, transform_indices = @transform_16, window_bounds = array<i64: 256, 8>}, {pipeline_mode = #tpu.pipeline_mode<synchronous>, transform_indices = @transform_17, window_bounds = array<i64: 1, 8>}, {pipeline_mode = #tpu.pipeline_mode<synchronous>, transform_indices = @transform_18, window_bounds = array<i64: 1, 1>}]} {
    %eq3A = arith.constant 0 : i32
    %eq3A_0 = arith.cmpi eq, %arg0, %eq3A : i32
    %convert_element_type3A = arith.extui %eq3A_0 : i1 to i32
    %cond3A = arith.constant 0 : i32
    %cond3A_1 = arith.cmpi ne, %convert_element_type3A, %cond3A : i32
    scf.if %cond3A_1 {
      %broadcast_in_dim3A_315 = arith.constant 0.000000e+00 : f32
      %broadcast_in_dim3A_316 = vector.broadcast %broadcast_in_dim3A_315 : f32 to vector<1x1xf32>
      %swap3A_317 = arith.constant 0 : index
      %swap3A_318 = arith.constant 0 : index
      %swap3A_319 = vector.load %arg19[%swap3A_317, %swap3A_318] : memref<1x1xf32, #tpu.memory_space<vmem>>, vector<1x1xf32>
      tpu.vector_store %arg19[%swap3A_317, %swap3A_318], %broadcast_in_dim3A_316 {strides = array<i32>} : memref<1x1xf32, #tpu.memory_space<vmem>>, vector<1x1xf32>,
      %broadcast_in_dim3A_320 = arith.constant 0.000000e+00 : f32
      %broadcast_in_dim3A_321 = vector.broadcast %broadcast_in_dim3A_320 : f32 to vector<8x128xf32>
      %swap3A_322 = arith.constant 0 : index
      %swap3A_323 = arith.constant 0 : index
      %swap3A_324 = vector.load %arg20[%swap3A_322, %swap3A_323] : memref<8x128xf32, #tpu.memory_space<vmem>>, vector<8x128xf32>
      tpu.vector_store %arg20[%swap3A_322, %swap3A_323], %broadcast_in_dim3A_321 {strides = array<i32>} : memref<8x128xf32, #tpu.memory_space<vmem>>, vector<8x128xf32>,
    } else {
    }
    %get3A = arith.constant 0 : index
    %get3A_2 = arith.constant 0 : index
    %get3A_3 = vector.load %arg3[%get3A, %get3A_2] : memref<512x128xf32, #tpu.memory_space<vmem>>, vector<512x128xf32>
    %get3A_4 = arith.constant 0 : index
    %get3A_5 = arith.constant 0 : index
    %get3A_6 = vector.load %arg4[%get3A_4, %get3A_5] : memref<512x128xf32, #tpu.memory_space<vmem>>, vector<512x128xf32>
    %get3A_7 = arith.constant 0 : index
    %get3A_8 = arith.constant 0 : index
    %get3A_9 = vector.load %arg5[%get3A_7, %get3A_8] : memref<512x2xf32, #tpu.memory_space<vmem>>, vector<512x2xf32>
    %sub3A = arith.subf %get3A_3, %get3A_6 : vector<512x128xf32>
    %slice3A = vector.extract_strided_slice %sub3A {offsets = [0, 0], sizes = [512, 3], strides = [1, 1]} : vector<512x128xf32> to vector<512x3xf32>
    %slice3A_10 = vector.extract_strided_slice %sub3A {offsets = [0, 3], sizes = [512, 3], strides = [1, 1]} : vector<512x128xf32> to vector<512x3xf32>
    %slice3A_11 = vector.extract_strided_slice %get3A_3 {offsets = [0, 6], sizes = [512, 1], strides = [1, 1]} : vector<512x128xf32> to vector<512x1xf32>
    %slice3A_12 = vector.extract_strided_slice %sub3A {offsets = [0, 7], sizes = [512, 1], strides = [1, 1]} : vector<512x128xf32> to vector<512x1xf32>
    %ne3A = arith.constant 0.000000e+00 : f32
    %ne3A_13 = vector.broadcast %ne3A : f32 to vector<512x1xf32>
    %ne3A_14 = arith.cmpf one, %slice3A_12, %ne3A_13 : vector<512x1xf32>
    %convert_element_type3A_15 = arith.extui %ne3A_14 : vector<512x1xi1> to vector<512x1xi32>
    %convert_element_type3A_16 = arith.sitofp %convert_element_type3A_15 : vector<512x1xi32> to vector<512x1xf32>
    %slice3A_17 = vector.extract_strided_slice %get3A_6 {offsets = [0, 9], sizes = [512, 1], strides = [1, 1]} : vector<512x128xf32> to vector<512x1xf32>
    %slice3A_18 = vector.extract_strided_slice %get3A_3 {offsets = [0, 10], sizes = [512, 1], strides = [1, 1]} : vector<512x128xf32> to vector<512x1xf32>
    %slice3A_19 = vector.extract_strided_slice %get3A_6 {offsets = [0, 11], sizes = [512, 1], strides = [1, 1]} : vector<512x128xf32> to vector<512x1xf32>
    %slice3A_20 = vector.extract_strided_slice %get3A_9 {offsets = [0, 0], sizes = [512, 1], strides = [1, 1]} : vector<512x2xf32> to vector<512x1xf32>
    %slice3A_21 = vector.extract_strided_slice %get3A_9 {offsets = [0, 1], sizes = [512, 1], strides = [1, 1]} : vector<512x2xf32> to vector<512x1xf32>
    %mul3A = arith.mulf %slice3A, %slice3A : vector<512x3xf32>
    %reduce_sum3A = arith.constant dense<0.000000e+00> : vector<512xf32>
    %reduce_sum3A_22 = vector.multi_reduction <add>, %mul3A, %reduce_sum3A [1] : vector<512x3xf32> to vector<512xf32>
    %broadcast_in_dim3A = vector.shape_cast %reduce_sum3A_22 : vector<512xf32> to vector<512x1xf32>
    %sqrt3A = math.sqrt %broadcast_in_dim3A : vector<512x1xf32>
    %iota3A = tpu.iota {dimensions = array<i32: 1>} : vector<512x16xi32>
    %convert_element_type3A_23 = arith.sitofp %iota3A : vector<512x16xi32> to vector<512x16xf32>
    %mul3A_24 = arith.constant 0.333333343 : f32
    %mul3A_25 = vector.broadcast %mul3A_24 : f32 to vector<512x16xf32>
    %mul3A_26 = arith.mulf %convert_element_type3A_23, %mul3A_25 : vector<512x16xf32>
    %sub3A_27 = vector.broadcast %sqrt3A : vector<512x1xf32> to vector<512x16xf32>
    %sub3A_28 = arith.subf %sub3A_27, %mul3A_26 : vector<512x16xf32>
    %integer_pow3A = arith.mulf %sub3A_28, %sub3A_28 : vector<512x16xf32>
    %mul3A_29 = arith.constant -1.000000e+01 : f32
    %mul3A_30 = vector.broadcast %mul3A_29 : f32 to vector<512x16xf32>
    %mul3A_31 = arith.mulf %mul3A_30, %integer_pow3A : vector<512x16xf32>
    %exp3A = math.exp %mul3A_31 : vector<512x16xf32>
    %iota3A_32 = tpu.iota {dimensions = array<i32: 1>} : vector<512x128xi32>
    %convert_element_type3A_33 = arith.sitofp %iota3A_32 : vector<512x128xi32> to vector<512x128xf32>
    %eq3A_34 = vector.broadcast %slice3A_17 : vector<512x1xf32> to vector<512x128xf32>
    %eq3A_35 = arith.cmpf oeq, %eq3A_34, %convert_element_type3A_33 : vector<512x128xf32>
    %convert_element_type3A_36 = arith.extui %eq3A_35 : vector<512x128xi1> to vector<512x128xi32>
    %convert_element_type3A_37 = arith.sitofp %convert_element_type3A_36 : vector<512x128xi32> to vector<512x128xf32>
    %eq3A_38 = vector.broadcast %slice3A_18 : vector<512x1xf32> to vector<512x128xf32>
    %eq3A_39 = arith.cmpf oeq, %eq3A_38, %convert_element_type3A_33 : vector<512x128xf32>
    %convert_element_type3A_40 = arith.extui %eq3A_39 : vector<512x128xi1> to vector<512x128xi32>
    %convert_element_type3A_41 = arith.sitofp %convert_element_type3A_40 : vector<512x128xi32> to vector<512x128xf32>
    %iota3A_42 = tpu.iota {dimensions = array<i32: 1>} : vector<512x64xi32>
    %convert_element_type3A_43 = arith.sitofp %iota3A_42 : vector<512x64xi32> to vector<512x64xf32>
    %eq3A_44 = vector.broadcast %slice3A_19 : vector<512x1xf32> to vector<512x64xf32>
    %eq3A_45 = arith.cmpf oeq, %eq3A_44, %convert_element_type3A_43 : vector<512x64xf32>
    %convert_element_type3A_46 = arith.extui %eq3A_45 : vector<512x64xi1> to vector<512x64xi32>
    %convert_element_type3A_47 = arith.sitofp %convert_element_type3A_46 : vector<512x64xi32> to vector<512x64xf32>
    %get3A_48 = arith.constant 0 : index
    %get3A_49 = arith.constant 0 : index
    %get3A_50 = vector.load %arg6[%get3A_48, %get3A_49] : memref<128x128xf32, #tpu.memory_space<vmem>>, vector<128x128xf32>
    %dot_general3A = arith.constant dense<0.000000e+00> : vector<512x128xf32>
    %dot_general3A_51 = tpu.matmul %convert_element_type3A_37, %get3A_50, %dot_general3A {dimension_numbers = #tpu.dot_dimension_numbers<[1], [0], [0], [1], [0, 0, 1, 1], [], []>, transpose_lhs_hint = false} : vector<512x128xf32>, vector<128x128xf32>, vector<512x128xf32> -> vector<512x128xf32>
    %get3A_52 = arith.constant 0 : index
    %get3A_53 = arith.constant 0 : index
    %get3A_54 = vector.load %arg7[%get3A_52, %get3A_53] : memref<128x128xf32, #tpu.memory_space<vmem>>, vector<128x128xf32>
    %dot_general3A_55 = arith.constant dense<0.000000e+00> : vector<512x128xf32>
    %dot_general3A_56 = tpu.matmul %convert_element_type3A_41, %get3A_54, %dot_general3A_55 {dimension_numbers = #tpu.dot_dimension_numbers<[1], [0], [0], [1], [0, 0, 1, 1], [], []>, transpose_lhs_hint = false} : vector<512x128xf32>, vector<128x128xf32>, vector<512x128xf32> -> vector<512x128xf32>
    %add3A = arith.addf %dot_general3A_51, %dot_general3A_56 : vector<512x128xf32>
    %get3A_57 = arith.constant 0 : index
    %get3A_58 = arith.constant 0 : index
    %get3A_59 = vector.load %arg8[%get3A_57, %get3A_58] : memref<16x128xf32, #tpu.memory_space<vmem>>, vector<16x128xf32>
    %dot_general3A_60 = arith.constant dense<0.000000e+00> : vector<512x128xf32>
    %dot_general3A_61 = tpu.matmul %exp3A, %get3A_59, %dot_general3A_60 {dimension_numbers = #tpu.dot_dimension_numbers<[1], [0], [0], [1], [0, 0, 1, 1], [], []>, transpose_lhs_hint = false} : vector<512x16xf32>, vector<16x128xf32>, vector<512x128xf32> -> vector<512x128xf32>
    %add3A_62 = arith.addf %add3A, %dot_general3A_61 : vector<512x128xf32>
    %get3A_63 = arith.constant 0 : index
    %get3A_64 = arith.constant 0 : index
    %get3A_65 = vector.load %arg9[%get3A_63, %get3A_64] : memref<1x128xf32, #tpu.memory_space<vmem>>, vector<1x128xf32>
    %add3A_66 = vector.broadcast %get3A_65 : vector<1x128xf32> to vector<512x128xf32>
    %add3A_67 = arith.addf %add3A_62, %add3A_66 : vector<512x128xf32>
    %max3A = arith.constant 0.000000e+00 : f32
    %max3A_68 = vector.broadcast %max3A : f32 to vector<512x128xf32>
    %max3A_69 = arith.maximumf %add3A_67, %max3A_68 : vector<512x128xf32>
    %get3A_70 = arith.constant 0 : index
    %get3A_71 = arith.constant 0 : index
    %get3A_72 = vector.load %arg10[%get3A_70, %get3A_71] : memref<128x128xf32, #tpu.memory_space<vmem>>, vector<128x128xf32>
    %dot_general3A_73 = arith.constant dense<0.000000e+00> : vector<512x128xf32>
    %dot_general3A_74 = tpu.matmul %max3A_69, %get3A_72, %dot_general3A_73 {dimension_numbers = #tpu.dot_dimension_numbers<[1], [0], [0], [1], [0, 0, 1, 1], [], []>, transpose_lhs_hint = false} : vector<512x128xf32>, vector<128x128xf32>, vector<512x128xf32> -> vector<512x128xf32>
    %get3A_75 = arith.constant 0 : index
    %get3A_76 = arith.constant 0 : index
    %get3A_77 = vector.load %arg11[%get3A_75, %get3A_76] : memref<1x128xf32, #tpu.memory_space<vmem>>, vector<1x128xf32>
    %add3A_78 = vector.broadcast %get3A_77 : vector<1x128xf32> to vector<512x128xf32>
    %add3A_79 = arith.addf %dot_general3A_74, %add3A_78 : vector<512x128xf32>
    %get3A_80 = arith.constant 0 : index
    %get3A_81 = arith.constant 0 : index
    %get3A_82 = vector.load %arg12[%get3A_80, %get3A_81] : memref<128x256xf32, #tpu.memory_space<vmem>>, vector<128x256xf32>
    %dot_general3A_83 = arith.constant dense<0.000000e+00> : vector<512x256xf32>
    %dot_general3A_84 = tpu.matmul %add3A_79, %get3A_82, %dot_general3A_83 {dimension_numbers = #tpu.dot_dimension_numbers<[1], [0], [0], [1], [0, 0, 1, 1], [], []>, transpose_lhs_hint = false} : vector<512x128xf32>, vector<128x256xf32>, vector<512x256xf32> -> vector<512x256xf32>
    %get3A_85 = arith.constant 0 : index
    %get3A_86 = arith.constant 0 : index
    %get3A_87 = vector.load %arg13[%get3A_85, %get3A_86] : memref<64x256xf32, #tpu.memory_space<vmem>>, vector<64x256xf32>
    %dot_general3A_88 = arith.constant dense<0.000000e+00> : vector<512x256xf32>
    %dot_general3A_89 = tpu.matmul %convert_element_type3A_47, %get3A_87, %dot_general3A_88 {dimension_numbers = #tpu.dot_dimension_numbers<[1], [0], [0], [1], [0, 0, 1, 1], [], []>, transpose_lhs_hint = false} : vector<512x64xf32>, vector<64x256xf32>, vector<512x256xf32> -> vector<512x256xf32>
    %add3A_90 = arith.addf %dot_general3A_84, %dot_general3A_89 : vector<512x256xf32>
    %get3A_91 = arith.constant 0 : index
    %get3A_92 = arith.constant 0 : index
    %get3A_93 = vector.load %arg14[%get3A_91, %get3A_92] : memref<1x256xf32, #tpu.memory_space<vmem>>, vector<1x256xf32>
    %add3A_94 = vector.broadcast %get3A_93 : vector<1x256xf32> to vector<512x256xf32>
    %add3A_95 = arith.addf %add3A_90, %add3A_94 : vector<512x256xf32>
    %max3A_96 = arith.constant 0.000000e+00 : f32
    %max3A_97 = vector.broadcast %max3A_96 : f32 to vector<512x256xf32>
    %max3A_98 = arith.maximumf %add3A_95, %max3A_97 : vector<512x256xf32>
    %get3A_99 = arith.constant 0 : index
    %get3A_100 = arith.constant 0 : index
    %get3A_101 = vector.load %arg15[%get3A_99, %get3A_100] : memref<256x256xf32, #tpu.memory_space<vmem>>, vector<256x256xf32>
    %dot_general3A_102 = arith.constant dense<0.000000e+00> : vector<512x256xf32>
    %dot_general3A_103 = tpu.matmul %max3A_98, %get3A_101, %dot_general3A_102 {dimension_numbers = #tpu.dot_dimension_numbers<[1], [0], [0], [1], [0, 0, 1, 1], [], []>, transpose_lhs_hint = false} : vector<512x256xf32>, vector<256x256xf32>, vector<512x256xf32> -> vector<512x256xf32>
    %get3A_104 = arith.constant 0 : index
    %get3A_105 = arith.constant 0 : index
    %get3A_106 = vector.load %arg16[%get3A_104, %get3A_105] : memref<1x256xf32, #tpu.memory_space<vmem>>, vector<1x256xf32>
    %add3A_107 = vector.broadcast %get3A_106 : vector<1x256xf32> to vector<512x256xf32>
    %add3A_108 = arith.addf %dot_general3A_103, %add3A_107 : vector<512x256xf32>
    %max3A_109 = arith.constant 0.000000e+00 : f32
    %max3A_110 = vector.broadcast %max3A_109 : f32 to vector<512x256xf32>
    %max3A_111 = arith.maximumf %add3A_108, %max3A_110 : vector<512x256xf32>
    %get3A_112 = arith.constant 0 : index
    %get3A_113 = arith.constant 0 : index
    %get3A_114 = vector.load %arg17[%get3A_112, %get3A_113] : memref<256x8xf32, #tpu.memory_space<vmem>>, vector<256x8xf32>
    %dot_general3A_115 = arith.constant dense<0.000000e+00> : vector<512x8xf32>
    %dot_general3A_116 = tpu.matmul %max3A_111, %get3A_114, %dot_general3A_115 {dimension_numbers = #tpu.dot_dimension_numbers<[1], [0], [0], [1], [0, 0, 1, 1], [], []>, transpose_lhs_hint = false} : vector<512x256xf32>, vector<256x8xf32>, vector<512x8xf32> -> vector<512x8xf32>
    %get3A_117 = arith.constant 0 : index
    %get3A_118 = arith.constant 0 : index
    %get3A_119 = vector.load %arg18[%get3A_117, %get3A_118] : memref<1x8xf32, #tpu.memory_space<vmem>>, vector<1x8xf32>
    %add3A_120 = vector.broadcast %get3A_119 : vector<1x8xf32> to vector<512x8xf32>
    %add3A_121 = arith.addf %dot_general3A_116, %add3A_120 : vector<512x8xf32>
    %slice3A_122 = vector.extract_strided_slice %add3A_121 {offsets = [0, 0], sizes = [512, 1], strides = [1, 1]} : vector<512x8xf32> to vector<512x1xf32>
    %add3A_123 = arith.constant 9.99999993E-9 : f32
    %add3A_124 = vector.broadcast %add3A_123 : f32 to vector<512x1xf32>
    %add3A_125 = arith.addf %sqrt3A, %add3A_124 : vector<512x1xf32>
    %div3A = arith.constant 1.000000e+00 : f32
    %div3A_126 = vector.broadcast %div3A : f32 to vector<512x1xf32>
    %div3A_127 = arith.divf %div3A_126, %add3A_125 : vector<512x1xf32>
    %mul3A_128 = vector.broadcast %slice3A_122 : vector<512x1xf32> to vector<512x3xf32>
    %mul3A_129 = arith.mulf %mul3A_128, %slice3A : vector<512x3xf32>
    %mul3A_130 = vector.broadcast %div3A_127 : vector<512x1xf32> to vector<512x3xf32>
    %mul3A_131 = arith.mulf %mul3A_129, %mul3A_130 : vector<512x3xf32>
    %mul3A_132 = arith.mulf %slice3A_10, %slice3A_10 : vector<512x3xf32>
    %reduce_sum3A_133 = arith.constant dense<0.000000e+00> : vector<512xf32>
    %reduce_sum3A_134 = vector.multi_reduction <add>, %mul3A_132, %reduce_sum3A_133 [1] : vector<512x3xf32> to vector<512xf32>
    %broadcast_in_dim3A_135 = vector.shape_cast %reduce_sum3A_134 : vector<512xf32> to vector<512x1xf32>
    %sqrt3A_136 = math.sqrt %broadcast_in_dim3A_135 : vector<512x1xf32>
    %sub3A_137 = arith.subf %sqrt3A_136, %sqrt3A : vector<512x1xf32>
    %mul3A_138 = vector.broadcast %sub3A_137 : vector<512x1xf32> to vector<512x3xf32>
    %mul3A_139 = arith.mulf %mul3A_138, %slice3A : vector<512x3xf32>
    %mul3A_140 = vector.broadcast %div3A_127 : vector<512x1xf32> to vector<512x3xf32>
    %mul3A_141 = arith.mulf %mul3A_139, %mul3A_140 : vector<512x3xf32>
    %mul3A_142 = vector.broadcast %convert_element_type3A_16 : vector<512x1xf32> to vector<512x3xf32>
    %mul3A_143 = arith.mulf %mul3A_142, %mul3A_131 : vector<512x3xf32>
    %mul3A_144 = vector.broadcast %convert_element_type3A_16 : vector<512x1xf32> to vector<512x3xf32>
    %mul3A_145 = arith.mulf %mul3A_144, %mul3A_141 : vector<512x3xf32>
    %mul3A_146 = arith.mulf %convert_element_type3A_16, %slice3A_11 : vector<512x1xf32>
    %broadcast_in_dim3A_147 = arith.constant 0.000000e+00 : f32
    %broadcast_in_dim3A_148 = vector.broadcast %broadcast_in_dim3A_147 : f32 to vector<512x7xf32>
    %concatenate3A = tpu.concatenate %mul3A_143, %mul3A_145, %mul3A_146, %convert_element_type3A_16, %slice3A_20, %broadcast_in_dim3A_148 in 1 : vector<512x3xf32>, vector<512x3xf32>, vector<512x1xf32>, vector<512x1xf32>, vector<512x1xf32>, vector<512x7xf32> -> vector<512x16xf32>
    %iota3A_149 = tpu.iota {dimensions = array<i32: 1>} : vector<512x512xi32>
    %convert_element_type3A_150 = arith.sitofp %iota3A_149 : vector<512x512xi32> to vector<512x512xf32>
    %eq3A_151 = vector.broadcast %slice3A_21 : vector<512x1xf32> to vector<512x512xf32>
    %eq3A_152 = arith.cmpf oeq, %eq3A_151, %convert_element_type3A_150 : vector<512x512xf32>
    %convert_element_type3A_153 = arith.extui %eq3A_152 : vector<512x512xi1> to vector<512x512xi32>
    %convert_element_type3A_154 = arith.sitofp %convert_element_type3A_153 : vector<512x512xi32> to vector<512x512xf32>
    %dot_general3A_155 = arith.constant dense<0.000000e+00> : vector<512x16xf32>
    %dot_general3A_156 = tpu.matmul %convert_element_type3A_154, %concatenate3A, %dot_general3A_155 {dimension_numbers = #tpu.dot_dimension_numbers<[0], [0], [1], [1], [0, 1, 1, 1], [], []>, transpose_lhs_hint = false} : vector<512x512xf32>, vector<512x16xf32>, vector<512x16xf32> -> vector<512x16xf32>
    %get3A_157 = arith.index_cast %arg0 : i32 to index
    %get3A_158 = memref.load %arg1[%get3A_157] : memref<625xi32, #tpu.memory_space<smem>>
    %get3A_159 = arith.index_cast %arg0 : i32 to index
    %get3A_160 = memref.load %arg2[%get3A_159] : memref<625xi32, #tpu.memory_space<smem>>
    %iota3A_161 = tpu.iota {dimensions = array<i32: 0>} : vector<512x1xi32>
    %eq3A_162 = arith.constant 0 : i32
    %eq3A_163 = arith.cmpi eq, %get3A_158, %eq3A_162 : i32
    %jit3A = arith.constant 1.000000e+00 : f32
    %jit3A_164 = arith.constant 0.000000e+00 : f32
    %select_n3A = arith.select %eq3A_163, %jit3A, %jit3A_164 : f32
    %get3A_165 = arith.constant 0 : index
    %get3A_166 = arith.constant 0 : index
    %get3A_167 = vector.load %arg20[%get3A_165, %get3A_166] : memref<8x128xf32, #tpu.memory_space<vmem>>, vector<1x16xf32>
    %eq3A_168 = arith.constant 0 : i32
    %eq3A_169 = vector.broadcast %eq3A_168 : i32 to vector<512x1xi32>
    %eq3A_170 = arith.cmpi eq, %iota3A_161, %eq3A_169 : vector<512x1xi32>
    %convert_element_type3A_171 = arith.extui %eq3A_170 : vector<512x1xi1> to vector<512x1xi32>
    %convert_element_type3A_172 = arith.sitofp %convert_element_type3A_171 : vector<512x1xi32> to vector<512x1xf32>
    %mul3A_173 = vector.broadcast %get3A_167 : vector<1x16xf32> to vector<512x16xf32>
    %mul3A_174 = vector.broadcast %convert_element_type3A_172 : vector<512x1xf32> to vector<512x16xf32>
    %mul3A_175 = arith.mulf %mul3A_173, %mul3A_174 : vector<512x16xf32>
    %mul3A_176 = vector.broadcast %select_n3A : f32 to vector<512x16xf32>
    %mul3A_177 = arith.mulf %mul3A_175, %mul3A_176 : vector<512x16xf32>
    %add3A_178 = arith.addf %dot_general3A_156, %mul3A_177 : vector<512x16xf32>
    %lt3A = vector.broadcast %get3A_160 : i32 to vector<512x1xi32>
    %lt3A_179 = arith.cmpi slt, %iota3A_161, %lt3A : vector<512x1xi32>
    %convert_element_type3A_180 = arith.extui %lt3A_179 : vector<512x1xi1> to vector<512x1xi32>
    %convert_element_type3A_181 = arith.sitofp %convert_element_type3A_180 : vector<512x1xi32> to vector<512x1xf32>
    %slice3A_182 = vector.extract_strided_slice %add3A_178 {offsets = [0, 7], sizes = [512, 1], strides = [1, 1]} : vector<512x16xf32> to vector<512x1xf32>
    %gt3A = arith.constant 0.000000e+00 : f32
    %gt3A_183 = vector.broadcast %gt3A : f32 to vector<512x1xf32>
    %gt3A_184 = arith.cmpf ogt, %slice3A_182, %gt3A_183 : vector<512x1xf32>
    %jit3A_185 = arith.constant 1.000000e+00 : f32
    %broadcast_in_dim3A_186 = vector.broadcast %jit3A_185 : f32 to vector<512x1xf32>
    %select_n3A_187 = arith.select %gt3A_184, %slice3A_182, %broadcast_in_dim3A_186 : vector<512x1xi1>, vector<512x1xf32>
    %slice3A_188 = vector.extract_strided_slice %add3A_178 {offsets = [0, 0], sizes = [512, 3], strides = [1, 1]} : vector<512x16xf32> to vector<512x3xf32>
    %div3A_189 = vector.broadcast %select_n3A_187 : vector<512x1xf32> to vector<512x3xf32>
    %div3A_190 = arith.divf %slice3A_188, %div3A_189 : vector<512x3xf32>
    %slice3A_191 = vector.extract_strided_slice %add3A_178 {offsets = [0, 3], sizes = [512, 3], strides = [1, 1]} : vector<512x16xf32> to vector<512x3xf32>
    %div3A_192 = vector.broadcast %select_n3A_187 : vector<512x1xf32> to vector<512x3xf32>
    %div3A_193 = arith.divf %slice3A_191, %div3A_192 : vector<512x3xf32>
    %slice3A_194 = vector.extract_strided_slice %add3A_178 {offsets = [0, 6], sizes = [512, 1], strides = [1, 1]} : vector<512x16xf32> to vector<512x1xf32>
    %div3A_195 = arith.divf %slice3A_194, %select_n3A_187 : vector<512x1xf32>
    %add3A_196 = arith.constant 9.99999993E-9 : f32
    %add3A_197 = vector.broadcast %add3A_196 : f32 to vector<512x1xf32>
    %add3A_198 = arith.addf %div3A_195, %add3A_197 : vector<512x1xf32>
    %div3A_199 = vector.broadcast %add3A_198 : vector<512x1xf32> to vector<512x3xf32>
    %div3A_200 = arith.divf %div3A_193, %div3A_199 : vector<512x3xf32>
    %sub3A_201 = arith.subf %div3A_190, %div3A_200 : vector<512x3xf32>
    %mul3A_202 = arith.mulf %sub3A_201, %sub3A_201 : vector<512x3xf32>
    %slice3A_203 = vector.extract_strided_slice %add3A_178 {offsets = [0, 8], sizes = [512, 1], strides = [1, 1]} : vector<512x16xf32> to vector<512x1xf32>
    %mul3A_204 = vector.broadcast %slice3A_203 : vector<512x1xf32> to vector<512x3xf32>
    %mul3A_205 = arith.mulf %mul3A_202, %mul3A_204 : vector<512x3xf32>
    %mul3A_206 = vector.broadcast %convert_element_type3A_181 : vector<512x1xf32> to vector<512x3xf32>
    %mul3A_207 = arith.mulf %mul3A_205, %mul3A_206 : vector<512x3xf32>
    %reduce_sum3A_208 = vector.shape_cast %mul3A_207 : vector<512x3xf32> to vector<1x512x3xf32>
    %reduce_sum3A_209 = arith.constant dense<0.000000e+00> : vector<1xf32>
    %reduce_sum3A_210 = vector.multi_reduction <add>, %reduce_sum3A_208, %reduce_sum3A_209 [1, 2] : vector<1x512x3xf32> to vector<1xf32>
    %reduce_sum3A_211 = vector.shape_cast %reduce_sum3A_210 : vector<1xf32> to vector<1x1x1xf32>
    %reduce_sum3A_212 = vector.extract %reduce_sum3A_211[0, 0, 0] : f32 from vector<1x1x1xf32>
    %broadcast_in_dim3A_213 = vector.broadcast %reduce_sum3A_212 : f32 to vector<1x1xf32>
    %broadcast_in_dim3A_214 = arith.constant 1.000000e+00 : f32
    %broadcast_in_dim3A_215 = vector.broadcast %broadcast_in_dim3A_214 : f32 to vector<1x1xf32>
    %slice3A_216 = vector.extract_strided_slice %get3A_167 {offsets = [0, 7], sizes = [1, 1], strides = [1, 1]} : vector<1x16xf32> to vector<1x1xf32>
    %gt3A_217 = arith.constant 0.000000e+00 : f32
    %gt3A_218 = vector.broadcast %gt3A_217 : f32 to vector<1x1xf32>
    %gt3A_219 = arith.cmpf ogt, %slice3A_216, %gt3A_218 : vector<1x1xf32>
    %jit3A_220 = arith.constant 1.000000e+00 : f32
    %broadcast_in_dim3A_221 = vector.broadcast %jit3A_220 : f32 to vector<1x1xf32>
    %select_n3A_222 = arith.select %gt3A_219, %slice3A_216, %broadcast_in_dim3A_221 : vector<1x1xi1>, vector<1x1xf32>
    %slice3A_223 = vector.extract_strided_slice %get3A_167 {offsets = [0, 0], sizes = [1, 3], strides = [1, 1]} : vector<1x16xf32> to vector<1x3xf32>
    %div3A_224 = vector.broadcast %select_n3A_222 : vector<1x1xf32> to vector<1x3xf32>
    %div3A_225 = arith.divf %slice3A_223, %div3A_224 : vector<1x3xf32>
    %slice3A_226 = vector.extract_strided_slice %get3A_167 {offsets = [0, 3], sizes = [1, 3], strides = [1, 1]} : vector<1x16xf32> to vector<1x3xf32>
    %div3A_227 = vector.broadcast %select_n3A_222 : vector<1x1xf32> to vector<1x3xf32>
    %div3A_228 = arith.divf %slice3A_226, %div3A_227 : vector<1x3xf32>
    %slice3A_229 = vector.extract_strided_slice %get3A_167 {offsets = [0, 6], sizes = [1, 1], strides = [1, 1]} : vector<1x16xf32> to vector<1x1xf32>
    %div3A_230 = arith.divf %slice3A_229, %select_n3A_222 : vector<1x1xf32>
    %add3A_231 = arith.constant 9.99999993E-9 : f32
    %add3A_232 = vector.broadcast %add3A_231 : f32 to vector<1x1xf32>
    %add3A_233 = arith.addf %div3A_230, %add3A_232 : vector<1x1xf32>
    %div3A_234 = vector.broadcast %add3A_233 : vector<1x1xf32> to vector<1x3xf32>
    %div3A_235 = arith.divf %div3A_228, %div3A_234 : vector<1x3xf32>
    %sub3A_236 = arith.subf %div3A_225, %div3A_235 : vector<1x3xf32>
    %mul3A_237 = arith.mulf %sub3A_236, %sub3A_236 : vector<1x3xf32>
    %slice3A_238 = vector.extract_strided_slice %get3A_167 {offsets = [0, 8], sizes = [1, 1], strides = [1, 1]} : vector<1x16xf32> to vector<1x1xf32>
    %mul3A_239 = vector.broadcast %slice3A_238 : vector<1x1xf32> to vector<1x3xf32>
    %mul3A_240 = arith.mulf %mul3A_237, %mul3A_239 : vector<1x3xf32>
    %mul3A_241 = vector.broadcast %broadcast_in_dim3A_215 : vector<1x1xf32> to vector<1x3xf32>
    %mul3A_242 = arith.mulf %mul3A_240, %mul3A_241 : vector<1x3xf32>
    %reduce_sum3A_243 = vector.shape_cast %mul3A_242 : vector<1x3xf32> to vector<1x1x3xf32>
    %reduce_sum3A_244 = arith.constant dense<0.000000e+00> : vector<1xf32>
    %reduce_sum3A_245 = vector.multi_reduction <add>, %reduce_sum3A_243, %reduce_sum3A_244 [1, 2] : vector<1x1x3xf32> to vector<1xf32>
    %reduce_sum3A_246 = vector.shape_cast %reduce_sum3A_245 : vector<1xf32> to vector<1x1x1xf32>
    %reduce_sum3A_247 = vector.extract %reduce_sum3A_246[0, 0, 0] : f32 from vector<1x1x1xf32>
    %broadcast_in_dim3A_248 = vector.broadcast %reduce_sum3A_247 : f32 to vector<1x1xf32>
    %sub3A_249 = arith.constant 1.000000e+00 : f32
    %sub3A_250 = arith.subf %sub3A_249, %select_n3A : f32
    %mul3A_251 = vector.broadcast %sub3A_250 : f32 to vector<1x1xf32>
    %mul3A_252 = arith.mulf %broadcast_in_dim3A_248, %mul3A_251 : vector<1x1xf32>
    %add3A_253 = arith.addf %broadcast_in_dim3A_213, %mul3A_252 : vector<1x1xf32>
    %eq3A_254 = vector.broadcast %get3A_160 : i32 to vector<512x1xi32>
    %eq3A_255 = arith.cmpi eq, %iota3A_161, %eq3A_254 : vector<512x1xi32>
    %convert_element_type3A_256 = arith.extui %eq3A_255 : vector<512x1xi1> to vector<512x1xi32>
    %convert_element_type3A_257 = arith.sitofp %convert_element_type3A_256 : vector<512x1xi32> to vector<512x1xf32>
    %mul3A_258 = vector.broadcast %convert_element_type3A_257 : vector<512x1xf32> to vector<512x16xf32>
    %mul3A_259 = arith.mulf %add3A_178, %mul3A_258 : vector<512x16xf32>
    %reduce_sum3A_260 = arith.constant dense<0.000000e+00> : vector<16xf32>
    %reduce_sum3A_261 = vector.multi_reduction <add>, %mul3A_259, %reduce_sum3A_260 [0] : vector<512x16xf32> to vector<16xf32>
    %broadcast_in_dim3A_262 = vector.shape_cast %reduce_sum3A_261 : vector<16xf32> to vector<1x16xf32>
    %eq3A_263 = arith.constant 624 : i32
    %eq3A_264 = arith.cmpi eq, %arg0, %eq3A_263 : i32
    %jit3A_265 = arith.constant 1.000000e+00 : f32
    %jit3A_266 = arith.constant 0.000000e+00 : f32
    %select_n3A_267 = arith.select %eq3A_264, %jit3A_265, %jit3A_266 : f32
    %broadcast_in_dim3A_268 = arith.constant 1.000000e+00 : f32
    %broadcast_in_dim3A_269 = vector.broadcast %broadcast_in_dim3A_268 : f32 to vector<1x1xf32>
    %slice3A_270 = vector.extract_strided_slice %broadcast_in_dim3A_262 {offsets = [0, 7], sizes = [1, 1], strides = [1, 1]} : vector<1x16xf32> to vector<1x1xf32>
    %gt3A_271 = arith.constant 0.000000e+00 : f32
    %gt3A_272 = vector.broadcast %gt3A_271 : f32 to vector<1x1xf32>
    %gt3A_273 = arith.cmpf ogt, %slice3A_270, %gt3A_272 : vector<1x1xf32>
    %jit3A_274 = arith.constant 1.000000e+00 : f32
    %broadcast_in_dim3A_275 = vector.broadcast %jit3A_274 : f32 to vector<1x1xf32>
    %select_n3A_276 = arith.select %gt3A_273, %slice3A_270, %broadcast_in_dim3A_275 : vector<1x1xi1>, vector<1x1xf32>
    %slice3A_277 = vector.extract_strided_slice %broadcast_in_dim3A_262 {offsets = [0, 0], sizes = [1, 3], strides = [1, 1]} : vector<1x16xf32> to vector<1x3xf32>
    %div3A_278 = vector.broadcast %select_n3A_276 : vector<1x1xf32> to vector<1x3xf32>
    %div3A_279 = arith.divf %slice3A_277, %div3A_278 : vector<1x3xf32>
    %slice3A_280 = vector.extract_strided_slice %broadcast_in_dim3A_262 {offsets = [0, 3], sizes = [1, 3], strides = [1, 1]} : vector<1x16xf32> to vector<1x3xf32>
    %div3A_281 = vector.broadcast %select_n3A_276 : vector<1x1xf32> to vector<1x3xf32>
    %div3A_282 = arith.divf %slice3A_280, %div3A_281 : vector<1x3xf32>
    %slice3A_283 = vector.extract_strided_slice %broadcast_in_dim3A_262 {offsets = [0, 6], sizes = [1, 1], strides = [1, 1]} : vector<1x16xf32> to vector<1x1xf32>
    %div3A_284 = arith.divf %slice3A_283, %select_n3A_276 : vector<1x1xf32>
    %add3A_285 = arith.constant 9.99999993E-9 : f32
    %add3A_286 = vector.broadcast %add3A_285 : f32 to vector<1x1xf32>
    %add3A_287 = arith.addf %div3A_284, %add3A_286 : vector<1x1xf32>
    %div3A_288 = vector.broadcast %add3A_287 : vector<1x1xf32> to vector<1x3xf32>
    %div3A_289 = arith.divf %div3A_282, %div3A_288 : vector<1x3xf32>
    %sub3A_290 = arith.subf %div3A_279, %div3A_289 : vector<1x3xf32>
    %mul3A_291 = arith.mulf %sub3A_290, %sub3A_290 : vector<1x3xf32>
    %slice3A_292 = vector.extract_strided_slice %broadcast_in_dim3A_262 {offsets = [0, 8], sizes = [1, 1], strides = [1, 1]} : vector<1x16xf32> to vector<1x1xf32>
    %mul3A_293 = vector.broadcast %slice3A_292 : vector<1x1xf32> to vector<1x3xf32>
    %mul3A_294 = arith.mulf %mul3A_291, %mul3A_293 : vector<1x3xf32>
    %mul3A_295 = vector.broadcast %broadcast_in_dim3A_269 : vector<1x1xf32> to vector<1x3xf32>
    %mul3A_296 = arith.mulf %mul3A_294, %mul3A_295 : vector<1x3xf32>
    %reduce_sum3A_297 = vector.shape_cast %mul3A_296 : vector<1x3xf32> to vector<1x1x3xf32>
    %reduce_sum3A_298 = arith.constant dense<0.000000e+00> : vector<1xf32>
    %reduce_sum3A_299 = vector.multi_reduction <add>, %reduce_sum3A_297, %reduce_sum3A_298 [1, 2] : vector<1x1x3xf32> to vector<1xf32>
    %reduce_sum3A_300 = vector.shape_cast %reduce_sum3A_299 : vector<1xf32> to vector<1x1x1xf32>
    %reduce_sum3A_301 = vector.extract %reduce_sum3A_300[0, 0, 0] : f32 from vector<1x1x1xf32>
    %broadcast_in_dim3A_302 = vector.broadcast %reduce_sum3A_301 : f32 to vector<1x1xf32>
    %mul3A_303 = vector.broadcast %select_n3A_267 : f32 to vector<1x1xf32>
    %mul3A_304 = arith.mulf %broadcast_in_dim3A_302, %mul3A_303 : vector<1x1xf32>
    %add3A_305 = arith.addf %add3A_253, %mul3A_304 : vector<1x1xf32>
    %get3A_306 = arith.constant 0 : index
    %get3A_307 = arith.constant 0 : index
    %get3A_308 = vector.load %arg19[%get3A_306, %get3A_307] : memref<1x1xf32, #tpu.memory_space<vmem>>, vector<1x1xf32>
    %add3A_309 = arith.addf %get3A_308, %add3A_305 : vector<1x1xf32>
    %swap3A = arith.constant 0 : index
    %swap3A_310 = arith.constant 0 : index
    %swap3A_311 = vector.load %arg19[%swap3A, %swap3A_310] : memref<1x1xf32, #tpu.memory_space<vmem>>, vector<1x1xf32>
    tpu.vector_store %arg19[%swap3A, %swap3A_310], %add3A_309 {strides = array<i32>} : memref<1x1xf32, #tpu.memory_space<vmem>>, vector<1x1xf32>,
    %swap3A_312 = arith.constant 0 : index
    %swap3A_313 = arith.constant 0 : index
    %swap3A_314 = vector.load %arg20[%swap3A_312, %swap3A_313] : memref<8x128xf32, #tpu.memory_space<vmem>>, vector<1x16xf32>
    tpu.vector_store %arg20[%swap3A_312, %swap3A_313], %broadcast_in_dim3A_262 {strides = array<i32>} : memref<8x128xf32, #tpu.memory_space<vmem>>, vector<1x16xf32>,
    return
  }
  func.func @transform_0(%arg0: i32) -> i32 {
    %c0_i32 = arith.constant 0 : i32
    %c0_i32_0 = arith.constant 0 : i32
    return %c0_i32 : i32
  }
  func.func @transform_1(%arg0: i32) -> i32 {
    %c0_i32 = arith.constant 0 : i32
    %c0_i32_0 = arith.constant 0 : i32
    return %c0_i32 : i32
  }
  func.func @transform_2(%arg0: i32) -> (i32, i32) {
    %c0_i32 = arith.constant 0 : i32
    %c0_i32_0 = arith.constant 0 : i32
    return %arg0, %c0_i32 : i32, i32
  }
  func.func @transform_3(%arg0: i32) -> (i32, i32) {
    %c0_i32 = arith.constant 0 : i32
    %c0_i32_0 = arith.constant 0 : i32
    return %arg0, %c0_i32 : i32, i32
  }
  func.func @transform_4(%arg0: i32) -> (i32, i32) {
    %c0_i32 = arith.constant 0 : i32
    %c0_i32_0 = arith.constant 0 : i32
    return %arg0, %c0_i32 : i32, i32
  }
  func.func @transform_5(%arg0: i32) -> (i32, i32) {
    %c0_i32 = arith.constant 0 : i32
    %c0_i32_0 = arith.constant 0 : i32
    %c0_i32_1 = arith.constant 0 : i32
    return %c0_i32, %c0_i32_0 : i32, i32
  }
  func.func @transform_6(%arg0: i32) -> (i32, i32) {
    %c0_i32 = arith.constant 0 : i32
    %c0_i32_0 = arith.constant 0 : i32
    %c0_i32_1 = arith.constant 0 : i32
    return %c0_i32, %c0_i32_0 : i32, i32
  }
  func.func @transform_7(%arg0: i32) -> (i32, i32) {
    %c0_i32 = arith.constant 0 : i32
    %c0_i32_0 = arith.constant 0 : i32
    %c0_i32_1 = arith.constant 0 : i32
    return %c0_i32, %c0_i32_0 : i32, i32
  }
  func.func @transform_8(%arg0: i32) -> (i32, i32) {
    %c0_i32 = arith.constant 0 : i32
    %c0_i32_0 = arith.constant 0 : i32
    %c0_i32_1 = arith.constant 0 : i32
    return %c0_i32, %c0_i32_0 : i32, i32
  }
  func.func @transform_9(%arg0: i32) -> (i32, i32) {
    %c0_i32 = arith.constant 0 : i32
    %c0_i32_0 = arith.constant 0 : i32
    %c0_i32_1 = arith.constant 0 : i32
    return %c0_i32, %c0_i32_0 : i32, i32
  }
  func.func @transform_10(%arg0: i32) -> (i32, i32) {
    %c0_i32 = arith.constant 0 : i32
    %c0_i32_0 = arith.constant 0 : i32
    %c0_i32_1 = arith.constant 0 : i32
    return %c0_i32, %c0_i32_0 : i32, i32
  }
  func.func @transform_11(%arg0: i32) -> (i32, i32) {
    %c0_i32 = arith.constant 0 : i32
    %c0_i32_0 = arith.constant 0 : i32
    %c0_i32_1 = arith.constant 0 : i32
    return %c0_i32, %c0_i32_0 : i32, i32
  }
  func.func @transform_12(%arg0: i32) -> (i32, i32) {
    %c0_i32 = arith.constant 0 : i32
    %c0_i32_0 = arith.constant 0 : i32
    %c0_i32_1 = arith.constant 0 : i32
    return %c0_i32, %c0_i32_0 : i32, i32
  }
  func.func @transform_13(%arg0: i32) -> (i32, i32) {
    %c0_i32 = arith.constant 0 : i32
    %c0_i32_0 = arith.constant 0 : i32
    %c0_i32_1 = arith.constant 0 : i32
    return %c0_i32, %c0_i32_0 : i32, i32
  }
  func.func @transform_14(%arg0: i32) -> (i32, i32) {
    %c0_i32 = arith.constant 0 : i32
    %c0_i32_0 = arith.constant 0 : i32
    %c0_i32_1 = arith.constant 0 : i32
    return %c0_i32, %c0_i32_0 : i32, i32
  }
  func.func @transform_15(%arg0: i32) -> (i32, i32) {
    %c0_i32 = arith.constant 0 : i32
    %c0_i32_0 = arith.constant 0 : i32
    %c0_i32_1 = arith.constant 0 : i32
    return %c0_i32, %c0_i32_0 : i32, i32
  }
  func.func @transform_16(%arg0: i32) -> (i32, i32) {
    %c0_i32 = arith.constant 0 : i32
    %c0_i32_0 = arith.constant 0 : i32
    %c0_i32_1 = arith.constant 0 : i32
    return %c0_i32, %c0_i32_0 : i32, i32
  }
  func.func @transform_17(%arg0: i32) -> (i32, i32) {
    %c0_i32 = arith.constant 0 : i32
    %c0_i32_0 = arith.constant 0 : i32
    %c0_i32_1 = arith.constant 0 : i32
    return %c0_i32, %c0_i32_0 : i32, i32
  }
  func.func @transform_18(%arg0: i32) -> (i32, i32) {
    %c0_i32 = arith.constant 0 : i32
    %c0_i32_0 = arith.constant 0 : i32
    %c0_i32_1 = arith.constant 0 : i32
    return %c0_i32, %c0_i32_0 : i32, i32
  }
}

</mosaic_0001>

<sc_bundles>
// kernel: gather_offload_async_start.1
scs
__scs_entry_jumppad:
0x0: {  	(pc) =	sbr.rel $0x88, $3  }
0x1: {  	(tag) =	ssettag $0x0;
	lr =	simm.s32 $0x1  }
0x2: {  	[smem:$0x3F8D] =	sst lr;
	_ =	strace $0xD0000000  }
0x3: {  	_ = 	snop  }
0x4: {  	_ = 	snop  }
0x5: {  	_ = 	snop  }
0x6: {  	_ = 	snop  }
0x7: {  	_ = 	snop  }
__scs_overlays_trampoline_lowered:
0x8: {  	[smem:$0x3F9C] =	sst s0  }
0x9: {  	[smem:$0x3F9D] =	sst s1  }
0xa: {  	[smem:$0x3F9E] =	sst s2  }
0xb: {  	[smem:$0x3F9F] =	sst s3  }
0xc: {  	[smem:$0x3FA0] =	sst s4  }
0xd: {  	[smem:$0x3FA1] =	sst s5  }
0xe: {  	[smem:$0x3FA2] =	sst s6  }
0xf: {  	[smem:$0x3FA3] =	sst s7  }
0x10: {  	[smem:$0x3FA4] =	sst s8  }
0x11: {  	[smem:$0x3FA5] =	sst s9;
	s0 =	simm.s32 @!p0 $0x0  }
0x12: {  	s1 =	sld [smem:$0x3F8B];
	s0 =	simm.s32 @p0 $0x1  }
0x13: {  	[smem:$0x3FA6] =	sst s0;
	s0 =	simm.s32 @!p1 $0x0  }
0x14: {  	s2 =	sld [smem:$0x3F8A];
	s0 =	simm.s32 @p1 $0x1  }
0x15: {  	[smem:$0x3FA7] =	sst s0;
	s0 =	simm.s32 @!p2 $0x0  }
0x16: {  	s3 =	sld [smem:$0x3FDB];
	s0 =	simm.s32 @p2 $0x1  }
0x17: {  	s4 =	simm.s32 $0x1BF5;
	[smem:$0x3FA9] =	sst s0  }
0x18: {  	s0 =	sld [smem:$0x3F8C];
	_ =	swait.ge [sflag:s4], $0x0  }
0x19: {  	s7 =	sld [smem:$0x3F8D]  }
0x1a: {  	s8 =	sadd.s32 $0xFFFFE003, lr  }
0x1b: {  	s9 =	sadd.s32 $0xFFFFFEF7, lr;
	s5 =	simm.s32 $0xFFFFFFFF;
	p2 =	slt.u32 s8, $0xFFFFF086  }
0x1c: {  	p1 =	slt.u32 s9, $0xF7A;
	s5 =	simm.s32 @!p2 $0x0  }
0x1d: {  	s5 =	simm.s32 @p1 $0x1;
	p0 =	seq.s32 s7, s2  }
0x1e: {  	s7 =	smul.u32 @!p0 $0xF7A, s2;
	p2 =	seq.s32 @!p0 s5, $0x0  }
0x1f: {  	s9 =	smul.u32 $0xF7A, s1;
	s8 =	simm.s32 @!p0 $0x1BF5;
	p2 =	por !p2, p0  }
0x20: {  	[sflag:s8] =	ssyncset.s32 @!p0 $0xFFFFF086;
	s6 =	sadd.s32 @!p0 s3, s7;
	s7 =	simm.s32 @!p0 $0x108  }
0x21: {  	s3 =	sadd.s32 s3, s9;
	s6 =	sadd.s32 @!p0 $0x88, s6;
	s7 =	simm.s32 @p2 $0x1082  }
0x22: {  	[simem:s7], [sflag:s8] =	dma.local @!p0 [hbm:s6], $0xF7A  }
0x23: {  	s9 =	sor.u32 $0xD0000000, s2;
	s6 =	simm.s32 $0x108;
	_ =	swait.ge @!p0 [sflag:s8], $0x0  }
0x24: {  	s3 =	sadd.s32 $0x88, s3;
	s6 =	simm.s32 @!p1 $0x1082;
	[sflag:s4] =	ssyncset.s32 $0xFFFFF086  }
0x25: {  	[simem:s6], [sflag:s4] =	dma.local [hbm:s3], $0xF7A  }
0x26: {  	[smem:$0x3F8D] =	sst s1;
	(tag) =	ssettag s2;
	_ =	strace s9  }
0x27: {  	s1 =	sld [smem:$0x3F9D]  }
0x28: {  	s2 =	sld [smem:$0x3F9E]  }
0x29: {  	s4 =	sld [smem:$0x3FA0]  }
0x2a: {  	p0 =	seq.s32 s5, $0x0;
	s5 =	sld [smem:$0x3FA1]  }
0x2b: {  	s6 =	sld [smem:$0x3FA2]  }
0x2c: {  	s7 =	sld [smem:$0x3FA3]  }
0x2d: {  	s3 =	simm.s32 $0x108;
	s8 =	sld [smem:$0x3FA4]  }
0x2e: {  	s3 =	simm.s32 @!p0 $0x1082;
	s9 =	sld [smem:$0x3FA5]  }
0x2f: {  	lr =	sadd.s32 s0, s3;
	s0 =	sld [smem:$0x3F9C]  }
0x30: {  	s3 =	sld [smem:$0x3F9F]  }
0x31: {  	[smem:$0x3FA8] =	sst s10  }
0x32: {  	s10 =	sld [smem:$0x3FA6];
	_ =	sdelay $0x3  }
0x33: {  	p0 =	seq.s32 s10, $0x1;
	s10 =	sld [smem:$0x3FA8];
	_ =	sdelay $0x3  }
0x34: {  	[smem:$0x3FA8] =	sst s10  }
0x35: {  	s10 =	sld [smem:$0x3FA7];
	_ =	sdelay $0x3  }
0x36: {  	p1 =	seq.s32 s10, $0x1;
	s10 =	sld [smem:$0x3FA8];
	_ =	sdelay $0x3  }
0x37: {  	[smem:$0x3FA8] =	sst s10  }
0x38: {  	s10 =	sld [smem:$0x3FA9]  }
0x39: {  	_ = 	snop;
	(pc) =	sbr.ind lr, $3  }
0x3a: {  	_ = 	snop  }
0x3b: {  	_ = 	snop  }
0x3c: {  	p2 =	seq.s32 s10, $0x1;
	s10 =	sld [smem:$0x3FA8]  }
0x3d: {  	_ =	shalt  }
0x3e: {  	_ =	shalt  }
0x3f: {  	_ =	shalt  }
0x40: {  	_ =	shalt  }
0x41: {  	_ =	shalt  }
0x42: {  	_ =	shalt  }
0x43: {  	_ =	shalt  }
0x44: {  	_ =	shalt  }
0x45: {  	_ =	shalt  }
0x46: {  	_ =	shalt  }
0x47: {  	_ =	shalt  }
0x48: {  	_ =	shalt  }
0x49: {  	_ =	shalt  }
0x4a: {  	_ =	shalt  }
0x4b: {  	_ =	shalt  }
0x4c: {  	_ =	shalt  }
0x4d: {  	_ =	shalt  }
0x4e: {  	_ =	shalt  }
0x4f: {  	_ =	shalt  }
0x50: {  	_ =	shalt  }
0x51: {  	_ =	shalt  }
0x52: {  	_ =	shalt  }
0x53: {  	_ =	shalt  }
0x54: {  	_ =	shalt  }
0x55: {  	_ =	shalt  }
0x56: {  	_ =	shalt  }
0x57: {  	_ =	shalt  }
0x58: {  	_ =	shalt  }
0x59: {  	_ =	shalt  }
0x5a: {  	_ =	shalt  }
0x5b: {  	_ =	shalt  }
0x5c: {  	_ =	shalt  }
0x5d: {  	_ =	shalt  }
0x5e: {  	_ =	shalt  }
0x5f: {  	_ =	shalt  }
0x60: {  	_ =	shalt  }
0x61: {  	_ =	shalt  }
0x62: {  	_ =	shalt  }
0x63: {  	_ =	shalt  }
0x64: {  	_ =	shalt  }
0x65: {  	_ =	shalt  }
0x66: {  	_ =	shalt  }
0x67: {  	_ =	shalt  }
0x68: {  	_ =	shalt  }
0x69: {  	_ =	shalt  }
0x6a: {  	_ =	shalt  }
0x6b: {  	_ =	shalt  }
0x6c: {  	_ =	shalt  }
0x6d: {  	_ =	shalt  }
0x6e: {  	_ =	shalt  }
0x6f: {  	_ =	shalt  }
0x70: {  	_ =	shalt  }
0x71: {  	_ =	shalt  }
0x72: {  	_ =	shalt  }
0x73: {  	_ =	shalt  }
0x74: {  	_ =	shalt  }
0x75: {  	_ =	shalt  }
0x76: {  	_ =	shalt  }
0x77: {  	_ =	shalt  }
0x78: {  	_ =	shalt  }
0x79: {  	_ =	shalt  }
0x7a: {  	_ =	shalt  }
0x7b: {  	_ =	shalt  }
0x7c: {  	_ =	shalt  }
0x7d: {  	_ =	shalt  }
0x7e: {  	_ =	shalt  }
0x7f: {  	_ =	shalt  }
0x80: {  	_ =	shalt  }
0x81: {  	_ =	shalt  }
0x82: {  	_ =	shalt  }
0x83: {  	_ =	shalt  }
0x84: {  	_ =	shalt  }
0x85: {  	_ =	shalt  }
0x86: {  	_ =	shalt  }
0x87: {  	_ =	shalt  }
.Lfunc_end0:
.L_simem_size_0:
called_computation.5_lowered:
.L_overlay_start_0:
0x88: {  	s2 =	sld [smem:$0x3FD9]  }
0x89: {  	s3 =	sld [smem:$0x3FFE];
	_ =	sdelay $0x1  }
0x8a: {  	s1 =	srdreg.scid  }
0x8b: {  	s0 =	sand.u32 $0x1, s1  }
0x8c: {  	s16 =	sshll.u32 s0, $0xA;
	s2 =	sadd.s32 s3, s2  }
0x8d: {  	s2 =	sadd.s32 s2, s16  }
0x8e: {  	[smem:$0x3FB4] =	sst s2  }
0x8f: {  	_ = 	snop  }
0x90: {  	(tm) =	ssettm $0x1  }
0x91: {  	s17 =	sld [smem:$0x3FFB];
	_ =	sdelay $0x3  }
0x92: {  	_ =	strace s17  }
0x93: {  	s2 =	sld [smem:$0x3FFC];
	_ =	sdelay $0x3  }
0x94: {  	_ =	strace s2  }
0x95: {  	s2 =	sld [smem:$0x3FFD];
	_ =	sdelay $0x3  }
0x96: {  	_ =	strace s2  }
0x97: {  	_ =	strace $0x8FFFFFFF  }
0x98: {  	s18 =	sld [smem:$0x3FDB];
	_ =	sdelay $0x1  }
0x99: {  	s19 =	simm.s32 $_scs_section_size  }
0x9a: {  	s4 =	simm.s32 $_size__tile_overlayer_lowered;
	s5 =	simm.s32 $_tile_overlayer_lowered  }
0x9b: {  	s22 =	simm.s32 $0x1BFF;
	s21 =	sshll.u32 s5, $0x1;
	s2 =	sadd.s32 s19, s18  }
0x9c: {  	s6 =	simm.s32 $0x0;
	s20 =	sshll.u32 s4, $0x1;
	s4 =	sadd.s32 s21, s2  }
0x9d: {  	[timem:s6], [sflag:s22] =	dma.local [hbm:s4], s20  }
0x9e: {  	_ =	swait.ge [sflag:s22], s20  }
0x9f: {  	s3 =	ssub.s32 $0x0, s20;
	[sflag:s22] =	ssyncset.done $0x0  }
0xa0: {  	[sflag:s22] =	ssyncadd.s32 s3;
	_ =	sdelay $0x1  }
0xa1: {  	s23 =	simm.s32 $0x1B8B  }
0xa2: {  	_ =	swait.ge [sflag:s23], $0x1  }
0xa3: {  	[sflag:s23] =	ssyncset.done $0x0  }
0xa4: {  	s25 =	simm.s32 $0x1B8E;
	s24 =	sld [smem:$0x3FFE];
	[sflag:s23] =	ssyncadd.s32 $0xFFFFFFFF  }
0xa5: {  	s26 =	simm.s32 $execute0_lowered;
	[smem:$0x3FD2] =	sst s25  }
0xa6: {  	s4 =	sshll.u32 s26, $0x1;
	_ =	strace $0x80000046;
	[dreg:$0x1] =	wrdreg $0xFFFFFFFF  }
0xa7: {  	s28 =	simm.s32 $_size_execute0_lowered;
	s2 =	sadd.s32 s2, s4;
	[dreg:$0x0] =	wrdreg $0x0  }
0xa8: {  	s4 =	sshll.u32 s28, $0x1;
	[dreg:$0x2] =	wrdreg s2  }
0xa9: {  	[dreg:$0x3] =	wrdreg s4  }
0xaa: {  	[dreg:$0x4] =	wrdreg $0xC0  }
0xab: {  	_ =	task [dreg:s6], $0x5FFFF  }
0xac: {  	[dreg:$0x1] =	wrdreg $0xFFFFFFFF  }
0xad: {  	[dreg:$0x0] =	wrdreg $0x60  }
0xae: {  	[dreg:$0x2] =	wrdreg s24  }
0xaf: {  	[dreg:$0x3] =	wrdreg $0xF  }
0xb0: {  	_ =	task.clear_ibuf [dreg:s6], $0x4FFFF;
	_ =	strace $0x90000046  }
0xb1: {  	s29 =	simm.s32 $0xF;
	_ =	strace $0x80000048  }
0xb2: {  	_ =	swait.ge [sflag:s29], $0x1  }
0xb3: {  	[sflag:s29] =	ssyncadd.s32 $0xFFFFFFFF  }
0xb4: {  	_ =	strace $0x90000048  }
0xb5: {  	_ =	sfence  }
0xb6: {  	s30 =	sld [smem:$0x0];
	_ =	sdelay $0x2  }
0xb7: {  	s31 =	sshll.u32 s1, $0xD;
	s1 =	sshrl.u32 s1, $0x2  }
0xb8: {  	s3 =	sand.u32 $0x4000, s31;
	s1 =	sadd.s32 s1, s30  }
0xb9: {  	s0 =	sor.u32 s3, s0;
	s1 =	sshll.u32 s1, $0x11  }
0xba: {  	s0 =	sor.u32 s1, s0  }
0xbb: {  	s0 =	sadd.s32 $0x8F2B, s0  }
0xbc: {  	[sflag:s0] =	ssyncadd.remote.s32 $0x1  }
0xbd: {  	_ =	sfence.sel $0xFFFF  }
0xbe: {  	[dreg:$0x0] =	wrdreg $0xFFFFFFFF;
	(pc) =	sbr.abs _section_cstart, $3  }
0xbf: {  	[dreg:$0x1] =	wrdreg $0xFFFFFFFF  }
0xc0: {  	_ =	task.clear_ibuf [dreg:s6], $0x2FFFF;
	_ =	strace $0x9FFFFFFF  }
0xc1: {  	(tm) =	ssettm $0x7FFFFFFF  }
tec
execute0_lowered:
.L_overlay_start_1:
0x0: {  	(tag) =	ssettag $0x1  }
0x1: {  	s8 =	rddreg [dreg:$0x0]  }
0x2: {  	s0 =	rddreg [dreg:$0x1];
	_ =	strace $0x80000047;
	s1 =	stileid.u32  }
0x3: {  	s3 =	srdreg.scid;
	s4 =	simm.s32 $0x1;
	s7 =	simm.s32 $0x1  }
0x4: {  	s9 =	simm.s32 $0x1;
	s10 =	simm.s32 $0x3;
	s13 =	simm.s32 $0x0  }
0x5: {  	s12 =	simm.s32 $0x0;
	s5 =	sand.u32 $0x1, s3;
	s6 =	sshll.u32 s1, $0x1  }
0x6: {  	s2 =	sadd.s32 $0x12400, s8;
	s3 =	sadd.s32 $0x46600, s8;
	s5 =	sor.u32 s6, s5  }
.Ltmp0:
0x7: {  	[sflag:s4] =	ssyncpa.u1 $0x0;
	p0 =	slt.u32 s5, $0x9;
	(pc) =	sbr.rel .LBB2_1-.Ltmp0, $4  }
0x8: {  	s6 =	simm.s32 $0x2;
	s7 =	simm.s32 @!p0 $0x0;
	p0 =	sne.s32 s5, $0x8  }
0x9: {  	[sflag:s6] =	ssyncpa.u1 $0x0;
	s5 =	smul.u32 $0x1F40, s5;
	s9 =	simm.s32 @!p0 $0x0  }
0xa: {  	s8 =	sadd.s32 $0xC6000, s8;
	[sflag:s10] =	ssyncpa.u1 $0x0;
	s7 =	sadd.s32 s9, s7  }
0xb: {  	vm0 =	vmmov $0xffff;
	s10 =	simm.s32 $0x0;
	s11 =	smov.u32 s5;
	s9 =	sadd.s32 $0x1, s7  }
.LBB2_4:
0xc: {  	v2 =	vnsel vm1, $0x0, v2  }
0xd: {  	vm1 =	vgt.s32 v0, $0x0;
	v2 =	vmin.u32 v2, $0x4E1FF  }
0xe: {  	v0 =	vnsel vm1, $0x0, v0  }
0xf: {  	v0 =	vmin.u32 v0, $0x4E1FF  }
0x10: {  	[tilespmem:s18], [sflag:$0x1] =	stream.indirect_vreg.gather [hbm4b:s2+s10], $0x1, v1, vm0, $0x4038;
	[tilespmem:$0x7D00] =	vst v63  }
0x11: {  	(ifvalue) =	ssetifvalue $0x7FFFFFFF  }
0x12: {  	[tilespmem:s15], [sflag:$0x1] =	stream.indirect_vreg.gather [hbm4b:s2+s10], $0x1, v2, vm0, $0x4038;
	[tilespmem:$0x7D00] =	vst v63  }
0x13: {  	s29 =	sadd.s32 $0x10, s15;
	(ifvalue) =	ssetifvalue $0x7FFFFFFF  }
0x14: {  	[tilespmem:s29], [sflag:$0x1] =	stream.indirect_vreg.gather [hbm4b:s2+s10], $0x1, v0, vm0, $0x4038;
	[tilespmem:$0x7D00] =	vst v63  }
0x15: {  	_ =	swait.ge [sflag:s4], $0x1F40  }
0x16: {  	s30 =	sshrl.u32 s13, $0x3;
	[sflag:s4] =	ssyncset.done $0x0  }
0x17: {  	s31 =	sand.u32 $0x7, s13;
	s15 =	sadd.s32 s8, s30;
	[sflag:s4] =	ssyncadd.s32 $0xFFFFE0C0  }
0x18: {  	[hbm4b:s15+s31] =	stream.linear.scatter [tilespmem:s14], [sflag:$0x3], $0x1F40, $0x38;
	[tilespmem:$0x7D00] =	vst v63  }
.LBB2_5:
0x19: {  	s15 =	sadd.s32 $0x3E800, s11  }
0x1a: {  	p1 =	sgt.s32 s15, $0x4E1FF  }
0x1b: {  	s15 =	smov.u32 @p1 s5;
	p1 =	sne.s32 s12, s9  }
.Ltmp1:
0x1c: {  	p0 =	slt.u32 s12, $0x2;
	(pc) =	sbr.rel @!p1 .LBB2_6-.Ltmp1, $4  }
0x1d: {  	s14 =	simm.s32 @!p0 $0x3  }
0x1e: {  	_ =	swait.ge @!p0 [sflag:s14], $0x1F40  }
0x1f: {  	s16 =	sadd.s32 $0x1, s12;
	s13 =	smov.u32 s11;
	[sflag:s14] =	ssyncset.done @!p0 $0x0  }
0x20: {  	s12 =	smov.u32 s16;
	s11 =	smov.u32 s15;
	[sflag:s14] =	ssyncadd.s32 @!p0 $0xFFFFE0C0  }
.LBB2_1:
0x21: {  	p0 =	sge.u32 s12, s7  }
0x22: {  	s14 =	sxor.u32 @!p0 $0x1, s12  }
0x23: {  	s14 =	smul.u32 @!p0 $0x7D00, s14  }
0x24: {  	s31 =	sadd.s32 $0xFFFFFFFF, s12;
	s15 =	sshrl.u32 @!p0 s11, $0x3  }
0x25: {  	s16 =	sand.u32 @!p0 $0x7, s11;
	s15 =	sadd.s32 @!p0 s3, s15;
	s14 =	sshra.s32 @!p0 s14, $0x2  }
0x26: {  	[tilespmem:s14], [sflag:$0x2] =	stream.linear.gather @!p0 [hbm4b:s15+s16], $0x1F40, $0x38;
	[tilespmem:$0x7D00] =	vst v63  }
0x27: {  	p0 =	sge.u32 s31, s7  }
.Ltmp2:
0x28: {  	_ = 	snop;
	(pc) =	sbr.rel @p0 .LBB2_5-.Ltmp2, $1  }
0x29: {  	_ =	sdelay $0x3  }
0x2a: {  	s14 =	sand.u32 $0x1, s12  }
0x2b: {  	_ =	swait.ge [sflag:s6], $0x1F40;
	p0 =	seq.s32 s14, $0x1;
	s14 =	simm.s32 $0x1F40  }
0x2c: {  	[sflag:s6] =	ssyncset.done $0x0;
	s14 =	simm.s32 @!p0 $0x0  }
0x2d: {  	[sflag:s6] =	ssyncadd.s32 $0xFFFFE0C0;
	(ifvalue) =	ssetifvalue $0x7FFFFFFF;
	v0 =	vld.msk [tilespmem:s14+$0x0 ss:$0x1], $0xffff;
	_ =	sdelay $0x4  }
0x2e: {  	s15 =	sadd.s32 $0x10, s14;
	vm1 =	vgt.s32 v0, $0x0  }
0x2f: {  	v2 =	vld.msk [tilespmem:s15+$0x0 ss:$0x1], $0xffff;
	v1 =	vnsel vm1, $0x0, v0  }
0x30: {  	v1 =	vmin.u32 v1, $0x4E1FF;
	_ =	sdelay $0x2  }
0x31: {  	s17 =	simm.s32 $0x20;
	s14 =	sadd.s32 $0x3E80, s14;
	s16 =	sadd.s32 $0x10, s15  }
0x32: {  	s15 =	sadd.s32 $0x10, s14;
	s18 =	smov.u32 s14;
	v0 =	vld.msk [tilespmem:s16+$0x0 ss:$0x1], $0xffff;
	vm1 =	vgt.s32 v2, $0x0;
	(ifvalue) =	ssetifvalue $0x7FFFFFFF  }
.LBB2_3:
0x33: {  	[tilespmem:s18], [sflag:$0x1] =	stream.indirect_vreg.gather [hbm4b:s2+s10], $0x1, v1, vm0, $0x4038;
	[tilespmem:$0x7D00] =	vst v63  }
0x34: {  	s17 =	sadd.s32 $0x10, s17  }
0x35: {  	v2 =	vnsel vm1, $0x0, v2;
	p0 =	slt.u32 s17, $0x1F30  }
.Ltmp3:
0x36: {  	s18 =	smov.u32 s15;
	v1 =	vmin.u32 v2, $0x4E1FF;
	(pc) =	sbr.rel @p0 .LBB2_3-.Ltmp3, $3  }
0x37: {  	_ =	sdelay $0x1  }
0x38: {  	s16 =	sadd.s32 $0x10, s16  }
0x39: {  	vm1 =	vgt.s32 v0, $0x0;
	s15 =	sadd.s32 $0x10, s15;
	v2 =	vmov v0;
	(ifvalue) =	ssetifvalue $0x7FFFFFFF;
	v0 =	vld.msk [tilespmem:s16+$0x0 ss:$0x1], $0xffff  }
.Ltmp4:
0x3a: {  	_ = 	snop;
	(pc) =	sbr.rel .LBB2_4-.Ltmp4, $1  }
0x3b: {  	_ =	sdelay $0x3  }
.LBB2_6:
0x3c: {  	_ =	sfence.sel $0x180000  }
0x3d: {  	s2 =	simm.s32 $0x2;
	[bflag:$0x0] =	sbarrier.arrive $0xFFFF  }
0x3e: {  	s30 =	simm.s32 $0x3;
	[sflag:s2] =	ssyncpa.u1 $0x1  }
0x3f: {  	s31 =	simm.s32 $0x1;
	[sflag:s30] =	ssyncpa.u1 $0x1  }
0x40: {  	[sflag:s31] =	ssyncpa.u1 $0x1  }
0x41: {  	p0 =	sne.s32 s1, $0x0;
	_ =	strace $0x90000047  }
0x42: {  	s0 =	sadd.s32 @!p0 $0x100000, s0;
	[bflag:$0x2] =	sbarrier.arrive $0xFFFF  }
0x43: {  	[sflag:s0] =	ssyncadd.tile.s32 @!p0 $0x1;
	_ =	shalt  }
.Lfunc_end2:
_tile_overlayer_lowered:
.L_overlay_start_2:
0x44: {  	(tag) =	ssettag $0x2  }
0x45: {  	s0 =	rddreg [dreg:$0x0];
	s2 =	stileid.u32  }
0x46: {  	s1 =	rddreg [dreg:$0x1];
	p0 =	sne.s32 s2, $0x0  }
0x47: {  	s3 =	rddreg [dreg:$0x2];
	[bflag:$0x3] =	sbarrier.arrive $0xFFFF;
	s2 =	simm.s32 @!p0 $0x1C01  }
0x48: {  	[timem:s3], [sflag:s2] =	dma.local @!p0 [hbm:s0], s1  }
0x49: {  	s0 =	simm.s32 @!p0 $0x1  }
0x4a: {  	_ =	swait.ge @!p0 [sflag:s0], s1  }
0x4b: {  	s1 =	ssub.s32 @!p0 $0x0, s1;
	[sflag:s0] =	ssyncset.done @!p0 $0x0  }
0x4c: {  	[sflag:s0] =	ssyncadd.s32 @!p0 s1  }
0x4d: {  	[bflag:$0x3] =	sbarrier.arrive $0xFFFF  }
0x4e: {  	_ =	shalt  }

// kernel: gather_offload_async_start
scs
__scs_entry_jumppad:
0x0: {  	(pc) =	sbr.rel $0x88, $3  }
0x1: {  	(tag) =	ssettag $0x0;
	lr =	simm.s32 $0x1  }
0x2: {  	[smem:$0x3F8D] =	sst lr;
	_ =	strace $0xD0000000  }
0x3: {  	_ = 	snop  }
0x4: {  	_ = 	snop  }
0x5: {  	_ = 	snop  }
0x6: {  	_ = 	snop  }
0x7: {  	_ = 	snop  }
__scs_overlays_trampoline_lowered:
0x8: {  	[smem:$0x3F9C] =	sst s0  }
0x9: {  	[smem:$0x3F9D] =	sst s1  }
0xa: {  	[smem:$0x3F9E] =	sst s2  }
0xb: {  	[smem:$0x3F9F] =	sst s3  }
0xc: {  	[smem:$0x3FA0] =	sst s4  }
0xd: {  	[smem:$0x3FA1] =	sst s5  }
0xe: {  	[smem:$0x3FA2] =	sst s6  }
0xf: {  	[smem:$0x3FA3] =	sst s7  }
0x10: {  	[smem:$0x3FA4] =	sst s8  }
0x11: {  	[smem:$0x3FA5] =	sst s9;
	s0 =	simm.s32 @!p0 $0x0  }
0x12: {  	s1 =	sld [smem:$0x3F8B];
	s0 =	simm.s32 @p0 $0x1  }
0x13: {  	[smem:$0x3FA6] =	sst s0;
	s0 =	simm.s32 @!p1 $0x0  }
0x14: {  	s2 =	sld [smem:$0x3F8A];
	s0 =	simm.s32 @p1 $0x1  }
0x15: {  	[smem:$0x3FA7] =	sst s0;
	s0 =	simm.s32 @!p2 $0x0  }
0x16: {  	s3 =	sld [smem:$0x3FDB];
	s0 =	simm.s32 @p2 $0x1  }
0x17: {  	s4 =	simm.s32 $0x1BF5;
	[smem:$0x3FA9] =	sst s0  }
0x18: {  	s0 =	sld [smem:$0x3F8C];
	_ =	swait.ge [sflag:s4], $0x0  }
0x19: {  	s7 =	sld [smem:$0x3F8D]  }
0x1a: {  	s8 =	sadd.s32 $0xFFFFE003, lr  }
0x1b: {  	s9 =	sadd.s32 $0xFFFFFEF7, lr;
	s5 =	simm.s32 $0xFFFFFFFF;
	p2 =	slt.u32 s8, $0xFFFFF086  }
0x1c: {  	p1 =	slt.u32 s9, $0xF7A;
	s5 =	simm.s32 @!p2 $0x0  }
0x1d: {  	s5 =	simm.s32 @p1 $0x1;
	p0 =	seq.s32 s7, s2  }
0x1e: {  	s7 =	smul.u32 @!p0 $0xF7A, s2;
	p2 =	seq.s32 @!p0 s5, $0x0  }
0x1f: {  	s9 =	smul.u32 $0xF7A, s1;
	s8 =	simm.s32 @!p0 $0x1BF5;
	p2 =	por !p2, p0  }
0x20: {  	[sflag:s8] =	ssyncset.s32 @!p0 $0xFFFFF086;
	s6 =	sadd.s32 @!p0 s3, s7;
	s7 =	simm.s32 @!p0 $0x108  }
0x21: {  	s3 =	sadd.s32 s3, s9;
	s6 =	sadd.s32 @!p0 $0x88, s6;
	s7 =	simm.s32 @p2 $0x1082  }
0x22: {  	[simem:s7], [sflag:s8] =	dma.local @!p0 [hbm:s6], $0xF7A  }
0x23: {  	s9 =	sor.u32 $0xD0000000, s2;
	s6 =	simm.s32 $0x108;
	_ =	swait.ge @!p0 [sflag:s8], $0x0  }
0x24: {  	s3 =	sadd.s32 $0x88, s3;
	s6 =	simm.s32 @!p1 $0x1082;
	[sflag:s4] =	ssyncset.s32 $0xFFFFF086  }
0x25: {  	[simem:s6], [sflag:s4] =	dma.local [hbm:s3], $0xF7A  }
0x26: {  	[smem:$0x3F8D] =	sst s1;
	(tag) =	ssettag s2;
	_ =	strace s9  }
0x27: {  	s1 =	sld [smem:$0x3F9D]  }
0x28: {  	s2 =	sld [smem:$0x3F9E]  }
0x29: {  	s4 =	sld [smem:$0x3FA0]  }
0x2a: {  	p0 =	seq.s32 s5, $0x0;
	s5 =	sld [smem:$0x3FA1]  }
0x2b: {  	s6 =	sld [smem:$0x3FA2]  }
0x2c: {  	s7 =	sld [smem:$0x3FA3]  }
0x2d: {  	s3 =	simm.s32 $0x108;
	s8 =	sld [smem:$0x3FA4]  }
0x2e: {  	s3 =	simm.s32 @!p0 $0x1082;
	s9 =	sld [smem:$0x3FA5]  }
0x2f: {  	lr =	sadd.s32 s0, s3;
	s0 =	sld [smem:$0x3F9C]  }
0x30: {  	s3 =	sld [smem:$0x3F9F]  }
0x31: {  	[smem:$0x3FA8] =	sst s10  }
0x32: {  	s10 =	sld [smem:$0x3FA6];
	_ =	sdelay $0x3  }
0x33: {  	p0 =	seq.s32 s10, $0x1;
	s10 =	sld [smem:$0x3FA8];
	_ =	sdelay $0x3  }
0x34: {  	[smem:$0x3FA8] =	sst s10  }
0x35: {  	s10 =	sld [smem:$0x3FA7];
	_ =	sdelay $0x3  }
0x36: {  	p1 =	seq.s32 s10, $0x1;
	s10 =	sld [smem:$0x3FA8];
	_ =	sdelay $0x3  }
0x37: {  	[smem:$0x3FA8] =	sst s10  }
0x38: {  	s10 =	sld [smem:$0x3FA9]  }
0x39: {  	_ = 	snop;
	(pc) =	sbr.ind lr, $3  }
0x3a: {  	_ = 	snop  }
0x3b: {  	_ = 	snop  }
0x3c: {  	p2 =	seq.s32 s10, $0x1;
	s10 =	sld [smem:$0x3FA8]  }
0x3d: {  	_ =	shalt  }
0x3e: {  	_ =	shalt  }
0x3f: {  	_ =	shalt  }
0x40: {  	_ =	shalt  }
0x41: {  	_ =	shalt  }
0x42: {  	_ =	shalt  }
0x43: {  	_ =	shalt  }
0x44: {  	_ =	shalt  }
0x45: {  	_ =	shalt  }
0x46: {  	_ =	shalt  }
0x47: {  	_ =	shalt  }
0x48: {  	_ =	shalt  }
0x49: {  	_ =	shalt  }
0x4a: {  	_ =	shalt  }
0x4b: {  	_ =	shalt  }
0x4c: {  	_ =	shalt  }
0x4d: {  	_ =	shalt  }
0x4e: {  	_ =	shalt  }
0x4f: {  	_ =	shalt  }
0x50: {  	_ =	shalt  }
0x51: {  	_ =	shalt  }
0x52: {  	_ =	shalt  }
0x53: {  	_ =	shalt  }
0x54: {  	_ =	shalt  }
0x55: {  	_ =	shalt  }
0x56: {  	_ =	shalt  }
0x57: {  	_ =	shalt  }
0x58: {  	_ =	shalt  }
0x59: {  	_ =	shalt  }
0x5a: {  	_ =	shalt  }
0x5b: {  	_ =	shalt  }
0x5c: {  	_ =	shalt  }
0x5d: {  	_ =	shalt  }
0x5e: {  	_ =	shalt  }
0x5f: {  	_ =	shalt  }
0x60: {  	_ =	shalt  }
0x61: {  	_ =	shalt  }
0x62: {  	_ =	shalt  }
0x63: {  	_ =	shalt  }
0x64: {  	_ =	shalt  }
0x65: {  	_ =	shalt  }
0x66: {  	_ =	shalt  }
0x67: {  	_ =	shalt  }
0x68: {  	_ =	shalt  }
0x69: {  	_ =	shalt  }
0x6a: {  	_ =	shalt  }
0x6b: {  	_ =	shalt  }
0x6c: {  	_ =	shalt  }
0x6d: {  	_ =	shalt  }
0x6e: {  	_ =	shalt  }
0x6f: {  	_ =	shalt  }
0x70: {  	_ =	shalt  }
0x71: {  	_ =	shalt  }
0x72: {  	_ =	shalt  }
0x73: {  	_ =	shalt  }
0x74: {  	_ =	shalt  }
0x75: {  	_ =	shalt  }
0x76: {  	_ =	shalt  }
0x77: {  	_ =	shalt  }
0x78: {  	_ =	shalt  }
0x79: {  	_ =	shalt  }
0x7a: {  	_ =	shalt  }
0x7b: {  	_ =	shalt  }
0x7c: {  	_ =	shalt  }
0x7d: {  	_ =	shalt  }
0x7e: {  	_ =	shalt  }
0x7f: {  	_ =	shalt  }
0x80: {  	_ =	shalt  }
0x81: {  	_ =	shalt  }
0x82: {  	_ =	shalt  }
0x83: {  	_ =	shalt  }
0x84: {  	_ =	shalt  }
0x85: {  	_ =	shalt  }
0x86: {  	_ =	shalt  }
0x87: {  	_ =	shalt  }
.Lfunc_end0:
.L_simem_size_0:
called_computation.4_lowered:
.L_overlay_start_0:
0x88: {  	s2 =	sld [smem:$0x3FD9]  }
0x89: {  	s3 =	sld [smem:$0x3FFE];
	_ =	sdelay $0x1  }
0x8a: {  	s1 =	srdreg.scid  }
0x8b: {  	s0 =	sand.u32 $0x1, s1  }
0x8c: {  	s17 =	sshll.u32 s0, $0xA;
	s2 =	sadd.s32 s3, s2  }
0x8d: {  	s2 =	sadd.s32 s2, s17  }
0x8e: {  	[smem:$0x3FB4] =	sst s2  }
0x8f: {  	_ = 	snop  }
0x90: {  	(tm) =	ssettm $0x1  }
0x91: {  	s18 =	sld [smem:$0x3FFB];
	_ =	sdelay $0x3  }
0x92: {  	_ =	strace s18  }
0x93: {  	s2 =	sld [smem:$0x3FFC];
	_ =	sdelay $0x3  }
0x94: {  	_ =	strace s2  }
0x95: {  	s2 =	sld [smem:$0x3FFD];
	_ =	sdelay $0x3  }
0x96: {  	_ =	strace s2  }
0x97: {  	_ =	strace $0x8FFFFFFF  }
0x98: {  	s19 =	sld [smem:$0x3FDB];
	_ =	sdelay $0x1  }
0x99: {  	s20 =	simm.s32 $_scs_section_size  }
0x9a: {  	s4 =	simm.s32 $_size__tile_overlayer_lowered;
	s5 =	simm.s32 $_tile_overlayer_lowered  }
0x9b: {  	s6 =	simm.s32 $0x1BFF;
	s21 =	sshll.u32 s5, $0x1;
	s3 =	sadd.s32 s20, s19  }
0x9c: {  	s22 =	simm.s32 $0x0;
	s4 =	sshll.u32 s4, $0x1;
	s5 =	sadd.s32 s21, s3  }
0x9d: {  	[timem:s22], [sflag:s6] =	dma.local [hbm:s5], s4  }
0x9e: {  	_ =	swait.ge [sflag:s6], s4  }
0x9f: {  	s4 =	ssub.s32 $0x0, s4;
	[sflag:s6] =	ssyncset.done $0x0  }
0xa0: {  	[sflag:s6] =	ssyncadd.s32 s4;
	_ =	sdelay $0x1  }
0xa1: {  	s23 =	simm.s32 $0x1B8B  }
0xa2: {  	_ =	swait.ge [sflag:s23], $0x1  }
0xa3: {  	[sflag:s23] =	ssyncset.done $0x0  }
0xa4: {  	[sflag:s23] =	ssyncadd.s32 $0xFFFFFFFF  }
0xa5: {  	s4 =	sld [smem:$0x0]  }
0xa6: {  	s5 =	sand.u32 $0xFFFFFFFE, s1  }
0xa7: {  	p0 =	sne.s32 s1, s5  }
0xa8: {  	s5 =	sshll.u32 @p0 s5, $0xE  }
0xa9: {  	s5 =	sadd.s32 @p0 $0x11B8D, s5;
	s6 =	sshll.u32 @p0 s4, $0x11  }
0xaa: {  	s5 =	sor.u32 @p0 s6, s5  }
0xab: {  	[sflag:s5] =	ssyncadd.remote.s32 @p0 $0x1;
	_ =	sdelay $0x1  }
0xac: {  	s5 =	simm.s32 @p0 $0x1B8D  }
0xad: {  	_ =	swait.eq @p0 [sflag:s5], $0x1  }
0xae: {  	[sflag:s5] =	ssyncadd.s32 @p0 $0xFFFFFFFF  }
0xaf: {  	s6 =	sshll.u32 @!p0 s1, $0xE  }
0xb0: {  	s6 =	sor.u32 @!p0 $0x4000, s6;
	s5 =	simm.s32 @!p0 $0x1B8D  }
0xb1: {  	s4 =	sshll.u32 @!p0 s4, $0x11;
	s6 =	sadd.s32 @!p0 $0x11B8D, s6;
	_ =	swait.eq @!p0 [sflag:s5], $0x1  }
0xb2: {  	s4 =	sor.u32 @!p0 s4, s6;
	[sflag:s5] =	ssyncadd.s32 @!p0 $0xFFFFFFFF  }
0xb3: {  	s25 =	simm.s32 $0x1B8E;
	s24 =	sld [smem:$0x3FFE];
	[sflag:s4] =	ssyncadd.remote.s32 @!p0 $0x1  }
0xb4: {  	s26 =	simm.s32 $execute0_lowered;
	[smem:$0x3FD2] =	sst s25  }
0xb5: {  	s5 =	sshll.u32 s26, $0x1;
	_ =	strace $0x80000049;
	[dreg:$0x1] =	wrdreg $0xFFFFFFFF  }
0xb6: {  	s28 =	simm.s32 $_size_execute0_lowered;
	s3 =	sadd.s32 s3, s5;
	[dreg:$0x0] =	wrdreg $0x0  }
0xb7: {  	s5 =	sshll.u32 s28, $0x1;
	[dreg:$0x2] =	wrdreg s3  }
0xb8: {  	[dreg:$0x3] =	wrdreg s5  }
0xb9: {  	[dreg:$0x4] =	wrdreg $0xC0  }
0xba: {  	_ =	task [dreg:s22], $0x5FFFF  }
0xbb: {  	[dreg:$0x1] =	wrdreg $0xFFFFFFFF  }
0xbc: {  	[dreg:$0x0] =	wrdreg $0x60  }
0xbd: {  	[dreg:$0x2] =	wrdreg s24  }
0xbe: {  	[dreg:$0x3] =	wrdreg $0xE  }
0xbf: {  	_ =	task.clear_ibuf [dreg:s22], $0x4FFFF;
	_ =	strace $0x90000049  }
0xc0: {  	s29 =	simm.s32 $0xE;
	_ =	strace $0x8000004B  }
0xc1: {  	_ =	swait.ge [sflag:s29], $0x1  }
0xc2: {  	[sflag:s29] =	ssyncadd.s32 $0xFFFFFFFF  }
0xc3: {  	_ =	strace $0x9000004B  }
0xc4: {  	_ =	sfence  }
0xc5: {  	s30 =	sld [smem:$0x0];
	_ =	sdelay $0x2  }
0xc6: {  	s31 =	sshll.u32 s1, $0xD;
	s1 =	sshrl.u32 s1, $0x2  }
0xc7: {  	s4 =	sand.u32 $0x4000, s31;
	s1 =	sadd.s32 s1, s30  }
0xc8: {  	s0 =	sor.u32 s4, s0;
	s1 =	sshll.u32 s1, $0x11  }
0xc9: {  	s0 =	sor.u32 s1, s0  }
0xca: {  	s0 =	sadd.s32 $0x8F2B, s0  }
0xcb: {  	[sflag:s0] =	ssyncadd.remote.s32 $0x1  }
0xcc: {  	_ =	sfence.sel $0xFFFF  }
0xcd: {  	[dreg:$0x0] =	wrdreg $0xFFFFFFFF;
	(pc) =	sbr.abs _section_cstart, $3  }
0xce: {  	[dreg:$0x1] =	wrdreg $0xFFFFFFFF  }
0xcf: {  	_ =	task.clear_ibuf [dreg:s22], $0x2FFFF;
	_ =	strace $0x9FFFFFFF  }
0xd0: {  	(tm) =	ssettm $0x7FFFFFFF  }
0xd1: {  	_ =	shalt  }
tec
execute0_lowered:
.L_overlay_start_1:
0x0: {  	(tag) =	ssettag $0x1  }
0x1: {  	s8 =	rddreg [dreg:$0x0]  }
0x2: {  	s0 =	rddreg [dreg:$0x1];
	_ =	strace $0x8000004A;
	s1 =	stileid.u32  }
0x3: {  	s3 =	srdreg.scid;
	s4 =	simm.s32 $0x1;
	s7 =	simm.s32 $0x1  }
0x4: {  	s9 =	simm.s32 $0x1;
	s10 =	simm.s32 $0x3;
	s13 =	simm.s32 $0x0  }
0x5: {  	s12 =	simm.s32 $0x0;
	s5 =	sand.u32 $0x1, s3;
	s6 =	sshll.u32 s1, $0x1  }
0x6: {  	s2 =	sadd.s32 $0x8600, s8;
	s3 =	sadd.s32 $0x46600, s8;
	s5 =	sor.u32 s6, s5  }
.Ltmp0:
0x7: {  	[sflag:s4] =	ssyncpa.u1 $0x0;
	p0 =	slt.u32 s5, $0x9;
	(pc) =	sbr.rel .LBB2_1-.Ltmp0, $4  }
0x8: {  	s6 =	simm.s32 $0x2;
	s7 =	simm.s32 @!p0 $0x0;
	p0 =	sne.s32 s5, $0x8  }
0x9: {  	[sflag:s6] =	ssyncpa.u1 $0x0;
	s5 =	smul.u32 $0x1F40, s5;
	s9 =	simm.s32 @!p0 $0x0  }
0xa: {  	s8 =	sadd.s32 $0x9EE00, s8;
	[sflag:s10] =	ssyncpa.u1 $0x0;
	s7 =	sadd.s32 s9, s7  }
0xb: {  	vm0 =	vmmov $0xffff;
	s10 =	simm.s32 $0x0;
	s11 =	smov.u32 s5;
	s9 =	sadd.s32 $0x1, s7  }
.LBB2_4:
0xc: {  	v2 =	vnsel vm1, $0x0, v2  }
0xd: {  	vm1 =	vgt.s32 v0, $0x0;
	v2 =	vmin.u32 v2, $0x4E1FF  }
0xe: {  	v0 =	vnsel vm1, $0x0, v0  }
0xf: {  	v0 =	vmin.u32 v0, $0x4E1FF  }
0x10: {  	[tilespmem:s18], [sflag:$0x1] =	stream.indirect_vreg.gather [hbm4b:s2+s10], $0x1, v1, vm0, $0x4038;
	[tilespmem:$0x7D00] =	vst v63  }
0x11: {  	(ifvalue) =	ssetifvalue $0x7FFFFFFF  }
0x12: {  	[tilespmem:s15], [sflag:$0x1] =	stream.indirect_vreg.gather [hbm4b:s2+s10], $0x1, v2, vm0, $0x4038;
	[tilespmem:$0x7D00] =	vst v63  }
0x13: {  	s29 =	sadd.s32 $0x10, s15;
	(ifvalue) =	ssetifvalue $0x7FFFFFFF  }
0x14: {  	[tilespmem:s29], [sflag:$0x1] =	stream.indirect_vreg.gather [hbm4b:s2+s10], $0x1, v0, vm0, $0x4038;
	[tilespmem:$0x7D00] =	vst v63  }
0x15: {  	_ =	swait.ge [sflag:s4], $0x1F40  }
0x16: {  	s30 =	sshrl.u32 s13, $0x3;
	[sflag:s4] =	ssyncset.done $0x0  }
0x17: {  	s31 =	sand.u32 $0x7, s13;
	s15 =	sadd.s32 s8, s30;
	[sflag:s4] =	ssyncadd.s32 $0xFFFFE0C0  }
0x18: {  	[hbm4b:s15+s31] =	stream.linear.scatter [tilespmem:s14], [sflag:$0x3], $0x1F40, $0x38;
	[tilespmem:$0x7D00] =	vst v63  }
.LBB2_5:
0x19: {  	s15 =	sadd.s32 $0x3E800, s11  }
0x1a: {  	p1 =	sgt.s32 s15, $0x4E1FF  }
0x1b: {  	s15 =	smov.u32 @p1 s5;
	p1 =	sne.s32 s12, s9  }
.Ltmp1:
0x1c: {  	p0 =	slt.u32 s12, $0x2;
	(pc) =	sbr.rel @!p1 .LBB2_6-.Ltmp1, $4  }
0x1d: {  	s14 =	simm.s32 @!p0 $0x3  }
0x1e: {  	_ =	swait.ge @!p0 [sflag:s14], $0x1F40  }
0x1f: {  	s16 =	sadd.s32 $0x1, s12;
	s13 =	smov.u32 s11;
	[sflag:s14] =	ssyncset.done @!p0 $0x0  }
0x20: {  	s12 =	smov.u32 s16;
	s11 =	smov.u32 s15;
	[sflag:s14] =	ssyncadd.s32 @!p0 $0xFFFFE0C0  }
.LBB2_1:
0x21: {  	p0 =	sge.u32 s12, s7  }
0x22: {  	s14 =	sxor.u32 @!p0 $0x1, s12  }
0x23: {  	s14 =	smul.u32 @!p0 $0x7D00, s14  }
0x24: {  	s31 =	sadd.s32 $0xFFFFFFFF, s12;
	s15 =	sshrl.u32 @!p0 s11, $0x3  }
0x25: {  	s16 =	sand.u32 @!p0 $0x7, s11;
	s15 =	sadd.s32 @!p0 s3, s15;
	s14 =	sshra.s32 @!p0 s14, $0x2  }
0x26: {  	[tilespmem:s14], [sflag:$0x2] =	stream.linear.gather @!p0 [hbm4b:s15+s16], $0x1F40, $0x38;
	[tilespmem:$0x7D00] =	vst v63  }
0x27: {  	p0 =	sge.u32 s31, s7  }
.Ltmp2:
0x28: {  	_ = 	snop;
	(pc) =	sbr.rel @p0 .LBB2_5-.Ltmp2, $1  }
0x29: {  	_ =	sdelay $0x3  }
0x2a: {  	s14 =	sand.u32 $0x1, s12  }
0x2b: {  	_ =	swait.ge [sflag:s6], $0x1F40;
	p0 =	seq.s32 s14, $0x1;
	s14 =	simm.s32 $0x1F40  }
0x2c: {  	[sflag:s6] =	ssyncset.done $0x0;
	s14 =	simm.s32 @!p0 $0x0  }
0x2d: {  	[sflag:s6] =	ssyncadd.s32 $0xFFFFE0C0;
	(ifvalue) =	ssetifvalue $0x7FFFFFFF;
	v0 =	vld.msk [tilespmem:s14+$0x0 ss:$0x1], $0xffff;
	_ =	sdelay $0x4  }
0x2e: {  	s15 =	sadd.s32 $0x10, s14;
	vm1 =	vgt.s32 v0, $0x0  }
0x2f: {  	v2 =	vld.msk [tilespmem:s15+$0x0 ss:$0x1], $0xffff;
	v1 =	vnsel vm1, $0x0, v0  }
0x30: {  	v1 =	vmin.u32 v1, $0x4E1FF;
	_ =	sdelay $0x2  }
0x31: {  	s17 =	simm.s32 $0x20;
	s14 =	sadd.s32 $0x3E80, s14;
	s16 =	sadd.s32 $0x10, s15  }
0x32: {  	s15 =	sadd.s32 $0x10, s14;
	s18 =	smov.u32 s14;
	v0 =	vld.msk [tilespmem:s16+$0x0 ss:$0x1], $0xffff;
	vm1 =	vgt.s32 v2, $0x0;
	(ifvalue) =	ssetifvalue $0x7FFFFFFF  }
.LBB2_3:
0x33: {  	[tilespmem:s18], [sflag:$0x1] =	stream.indirect_vreg.gather [hbm4b:s2+s10], $0x1, v1, vm0, $0x4038;
	[tilespmem:$0x7D00] =	vst v63  }
0x34: {  	s17 =	sadd.s32 $0x10, s17  }
0x35: {  	v2 =	vnsel vm1, $0x0, v2;
	p0 =	slt.u32 s17, $0x1F30  }
.Ltmp3:
0x36: {  	s18 =	smov.u32 s15;
	v1 =	vmin.u32 v2, $0x4E1FF;
	(pc) =	sbr.rel @p0 .LBB2_3-.Ltmp3, $3  }
0x37: {  	_ =	sdelay $0x1  }
0x38: {  	s16 =	sadd.s32 $0x10, s16  }
0x39: {  	vm1 =	vgt.s32 v0, $0x0;
	s15 =	sadd.s32 $0x10, s15;
	v2 =	vmov v0;
	(ifvalue) =	ssetifvalue $0x7FFFFFFF;
	v0 =	vld.msk [tilespmem:s16+$0x0 ss:$0x1], $0xffff  }
.Ltmp4:
0x3a: {  	_ = 	snop;
	(pc) =	sbr.rel .LBB2_4-.Ltmp4, $1  }
0x3b: {  	_ =	sdelay $0x3  }
.LBB2_6:
0x3c: {  	_ =	sfence.sel $0x180000  }
0x3d: {  	s2 =	simm.s32 $0x2;
	[bflag:$0x0] =	sbarrier.arrive $0xFFFF  }
0x3e: {  	s30 =	simm.s32 $0x3;
	[sflag:s2] =	ssyncpa.u1 $0x1  }
0x3f: {  	s31 =	simm.s32 $0x1;
	[sflag:s30] =	ssyncpa.u1 $0x1  }
0x40: {  	[sflag:s31] =	ssyncpa.u1 $0x1  }
0x41: {  	p0 =	sne.s32 s1, $0x0;
	_ =	strace $0x9000004A  }
0x42: {  	s0 =	sadd.s32 @!p0 $0x100000, s0;
	[bflag:$0x2] =	sbarrier.arrive $0xFFFF  }
0x43: {  	[sflag:s0] =	ssyncadd.tile.s32 @!p0 $0x1;
	_ =	shalt  }
.Lfunc_end2:
_tile_overlayer_lowered:
.L_overlay_start_2:
0x44: {  	(tag) =	ssettag $0x2  }
0x45: {  	s0 =	rddreg [dreg:$0x0];
	s2 =	stileid.u32  }
0x46: {  	s1 =	rddreg [dreg:$0x1];
	p0 =	sne.s32 s2, $0x0  }
0x47: {  	s3 =	rddreg [dreg:$0x2];
	[bflag:$0x3] =	sbarrier.arrive $0xFFFF;
	s2 =	simm.s32 @!p0 $0x1C01  }
0x48: {  	[timem:s3], [sflag:s2] =	dma.local @!p0 [hbm:s0], s1  }
0x49: {  	s0 =	simm.s32 @!p0 $0x1  }
0x4a: {  	_ =	swait.ge @!p0 [sflag:s0], s1  }
0x4b: {  	s1 =	ssub.s32 @!p0 $0x0, s1;
	[sflag:s0] =	ssyncset.done @!p0 $0x0  }
0x4c: {  	[sflag:s0] =	ssyncadd.s32 @!p0 s1  }
0x4d: {  	[bflag:$0x3] =	sbarrier.arrive $0xFFFF  }
0x4e: {  	_ =	shalt  }

// kernel: kernel.4.cloned.1.call-start
scs
__scs_entry_jumppad:
0x0: {  	(pc) =	sbr.rel $0x88, $3  }
0x1: {  	(tag) =	ssettag $0x0;
	lr =	simm.s32 $0x1  }
0x2: {  	[smem:$0x3F8D] =	sst lr;
	_ =	strace $0xD0000000  }
0x3: {  	_ = 	snop  }
0x4: {  	_ = 	snop  }
0x5: {  	_ = 	snop  }
0x6: {  	_ = 	snop  }
0x7: {  	_ = 	snop  }
__scs_overlays_trampoline_lowered:
0x8: {  	[smem:$0x3F9C] =	sst s0  }
0x9: {  	[smem:$0x3F9D] =	sst s1  }
0xa: {  	[smem:$0x3F9E] =	sst s2  }
0xb: {  	[smem:$0x3F9F] =	sst s3  }
0xc: {  	[smem:$0x3FA0] =	sst s4  }
0xd: {  	[smem:$0x3FA1] =	sst s5  }
0xe: {  	[smem:$0x3FA2] =	sst s6  }
0xf: {  	[smem:$0x3FA3] =	sst s7  }
0x10: {  	[smem:$0x3FA4] =	sst s8  }
0x11: {  	[smem:$0x3FA5] =	sst s9;
	s0 =	simm.s32 @!p0 $0x0  }
0x12: {  	s1 =	sld [smem:$0x3F8B];
	s0 =	simm.s32 @p0 $0x1  }
0x13: {  	[smem:$0x3FA6] =	sst s0;
	s0 =	simm.s32 @!p1 $0x0  }
0x14: {  	s2 =	sld [smem:$0x3F8A];
	s0 =	simm.s32 @p1 $0x1  }
0x15: {  	[smem:$0x3FA7] =	sst s0;
	s0 =	simm.s32 @!p2 $0x0  }
0x16: {  	s3 =	sld [smem:$0x3FDB];
	s0 =	simm.s32 @p2 $0x1  }
0x17: {  	s4 =	simm.s32 $0x1BF5;
	[smem:$0x3FA9] =	sst s0  }
0x18: {  	s0 =	sld [smem:$0x3F8C];
	_ =	swait.ge [sflag:s4], $0x0  }
0x19: {  	s7 =	sld [smem:$0x3F8D]  }
0x1a: {  	s8 =	sadd.s32 $0xFFFFE003, lr  }
0x1b: {  	s9 =	sadd.s32 $0xFFFFFEF7, lr;
	s5 =	simm.s32 $0xFFFFFFFF;
	p2 =	slt.u32 s8, $0xFFFFF086  }
0x1c: {  	p1 =	slt.u32 s9, $0xF7A;
	s5 =	simm.s32 @!p2 $0x0  }
0x1d: {  	s5 =	simm.s32 @p1 $0x1;
	p0 =	seq.s32 s7, s2  }
0x1e: {  	s7 =	smul.u32 @!p0 $0xF7A, s2;
	p2 =	seq.s32 @!p0 s5, $0x0  }
0x1f: {  	s9 =	smul.u32 $0xF7A, s1;
	s8 =	simm.s32 @!p0 $0x1BF5;
	p2 =	por !p2, p0  }
0x20: {  	[sflag:s8] =	ssyncset.s32 @!p0 $0xFFFFF086;
	s6 =	sadd.s32 @!p0 s3, s7;
	s7 =	simm.s32 @!p0 $0x108  }
0x21: {  	s3 =	sadd.s32 s3, s9;
	s6 =	sadd.s32 @!p0 $0x88, s6;
	s7 =	simm.s32 @p2 $0x1082  }
0x22: {  	[simem:s7], [sflag:s8] =	dma.local @!p0 [hbm:s6], $0xF7A  }
0x23: {  	s9 =	sor.u32 $0xD0000000, s2;
	s6 =	simm.s32 $0x108;
	_ =	swait.ge @!p0 [sflag:s8], $0x0  }
0x24: {  	s3 =	sadd.s32 $0x88, s3;
	s6 =	simm.s32 @!p1 $0x1082;
	[sflag:s4] =	ssyncset.s32 $0xFFFFF086  }
0x25: {  	[simem:s6], [sflag:s4] =	dma.local [hbm:s3], $0xF7A  }
0x26: {  	[smem:$0x3F8D] =	sst s1;
	(tag) =	ssettag s2;
	_ =	strace s9  }
0x27: {  	s1 =	sld [smem:$0x3F9D]  }
0x28: {  	s2 =	sld [smem:$0x3F9E]  }
0x29: {  	s4 =	sld [smem:$0x3FA0]  }
0x2a: {  	p0 =	seq.s32 s5, $0x0;
	s5 =	sld [smem:$0x3FA1]  }
0x2b: {  	s6 =	sld [smem:$0x3FA2]  }
0x2c: {  	s7 =	sld [smem:$0x3FA3]  }
0x2d: {  	s3 =	simm.s32 $0x108;
	s8 =	sld [smem:$0x3FA4]  }
0x2e: {  	s3 =	simm.s32 @!p0 $0x1082;
	s9 =	sld [smem:$0x3FA5]  }
0x2f: {  	lr =	sadd.s32 s0, s3;
	s0 =	sld [smem:$0x3F9C]  }
0x30: {  	s3 =	sld [smem:$0x3F9F]  }
0x31: {  	[smem:$0x3FA8] =	sst s10  }
0x32: {  	s10 =	sld [smem:$0x3FA6];
	_ =	sdelay $0x3  }
0x33: {  	p0 =	seq.s32 s10, $0x1;
	s10 =	sld [smem:$0x3FA8];
	_ =	sdelay $0x3  }
0x34: {  	[smem:$0x3FA8] =	sst s10  }
0x35: {  	s10 =	sld [smem:$0x3FA7];
	_ =	sdelay $0x3  }
0x36: {  	p1 =	seq.s32 s10, $0x1;
	s10 =	sld [smem:$0x3FA8];
	_ =	sdelay $0x3  }
0x37: {  	[smem:$0x3FA8] =	sst s10  }
0x38: {  	s10 =	sld [smem:$0x3FA9]  }
0x39: {  	_ = 	snop;
	(pc) =	sbr.ind lr, $3  }
0x3a: {  	_ = 	snop  }
0x3b: {  	_ = 	snop  }
0x3c: {  	p2 =	seq.s32 s10, $0x1;
	s10 =	sld [smem:$0x3FA8]  }
0x3d: {  	_ =	shalt  }
0x3e: {  	_ =	shalt  }
0x3f: {  	_ =	shalt  }
0x40: {  	_ =	shalt  }
0x41: {  	_ =	shalt  }
0x42: {  	_ =	shalt  }
0x43: {  	_ =	shalt  }
0x44: {  	_ =	shalt  }
0x45: {  	_ =	shalt  }
0x46: {  	_ =	shalt  }
0x47: {  	_ =	shalt  }
0x48: {  	_ =	shalt  }
0x49: {  	_ =	shalt  }
0x4a: {  	_ =	shalt  }
0x4b: {  	_ =	shalt  }
0x4c: {  	_ =	shalt  }
0x4d: {  	_ =	shalt  }
0x4e: {  	_ =	shalt  }
0x4f: {  	_ =	shalt  }
0x50: {  	_ =	shalt  }
0x51: {  	_ =	shalt  }
0x52: {  	_ =	shalt  }
0x53: {  	_ =	shalt  }
0x54: {  	_ =	shalt  }
0x55: {  	_ =	shalt  }
0x56: {  	_ =	shalt  }
0x57: {  	_ =	shalt  }
0x58: {  	_ =	shalt  }
0x59: {  	_ =	shalt  }
0x5a: {  	_ =	shalt  }
0x5b: {  	_ =	shalt  }
0x5c: {  	_ =	shalt  }
0x5d: {  	_ =	shalt  }
0x5e: {  	_ =	shalt  }
0x5f: {  	_ =	shalt  }
0x60: {  	_ =	shalt  }
0x61: {  	_ =	shalt  }
0x62: {  	_ =	shalt  }
0x63: {  	_ =	shalt  }
0x64: {  	_ =	shalt  }
0x65: {  	_ =	shalt  }
0x66: {  	_ =	shalt  }
0x67: {  	_ =	shalt  }
0x68: {  	_ =	shalt  }
0x69: {  	_ =	shalt  }
0x6a: {  	_ =	shalt  }
0x6b: {  	_ =	shalt  }
0x6c: {  	_ =	shalt  }
0x6d: {  	_ =	shalt  }
0x6e: {  	_ =	shalt  }
0x6f: {  	_ =	shalt  }
0x70: {  	_ =	shalt  }
0x71: {  	_ =	shalt  }
0x72: {  	_ =	shalt  }
0x73: {  	_ =	shalt  }
0x74: {  	_ =	shalt  }
0x75: {  	_ =	shalt  }
0x76: {  	_ =	shalt  }
0x77: {  	_ =	shalt  }
0x78: {  	_ =	shalt  }
0x79: {  	_ =	shalt  }
0x7a: {  	_ =	shalt  }
0x7b: {  	_ =	shalt  }
0x7c: {  	_ =	shalt  }
0x7d: {  	_ =	shalt  }
0x7e: {  	_ =	shalt  }
0x7f: {  	_ =	shalt  }
0x80: {  	_ =	shalt  }
0x81: {  	_ =	shalt  }
0x82: {  	_ =	shalt  }
0x83: {  	_ =	shalt  }
0x84: {  	_ =	shalt  }
0x85: {  	_ =	shalt  }
0x86: {  	_ =	shalt  }
0x87: {  	_ =	shalt  }
.Lfunc_end0:
.L_simem_size_0:
called_computation.6_lowered:
.L_overlay_start_0:
0x88: {  	s2 =	sld [smem:$0x3FD9]  }
0x89: {  	s3 =	sld [smem:$0x3FFE];
	_ =	sdelay $0x1  }
0x8a: {  	s1 =	srdreg.scid  }
0x8b: {  	s0 =	sand.u32 $0x1, s1  }
0x8c: {  	s17 =	sshll.u32 s0, $0xA;
	s2 =	sadd.s32 s3, s2  }
0x8d: {  	s2 =	sadd.s32 s2, s17  }
0x8e: {  	[smem:$0x3FB4] =	sst s2  }
0x8f: {  	_ = 	snop  }
0x90: {  	(tm) =	ssettm $0x1  }
0x91: {  	s18 =	sld [smem:$0x3FFB];
	_ =	sdelay $0x3  }
0x92: {  	_ =	strace s18  }
0x93: {  	s2 =	sld [smem:$0x3FFC];
	_ =	sdelay $0x3  }
0x94: {  	_ =	strace s2  }
0x95: {  	s2 =	sld [smem:$0x3FFD];
	_ =	sdelay $0x3  }
0x96: {  	_ =	strace s2  }
0x97: {  	_ =	strace $0x8FFFFFFF  }
0x98: {  	s19 =	sld [smem:$0x3FDB];
	_ =	sdelay $0x1  }
0x99: {  	s20 =	simm.s32 $_scs_section_size  }
0x9a: {  	s4 =	simm.s32 $_size__tile_overlayer_lowered;
	s5 =	simm.s32 $_tile_overlayer_lowered  }
0x9b: {  	s6 =	simm.s32 $0x1BFF;
	s21 =	sshll.u32 s5, $0x1;
	s3 =	sadd.s32 s20, s19  }
0x9c: {  	s22 =	simm.s32 $0x0;
	s4 =	sshll.u32 s4, $0x1;
	s5 =	sadd.s32 s21, s3  }
0x9d: {  	[timem:s22], [sflag:s6] =	dma.local [hbm:s5], s4  }
0x9e: {  	_ =	swait.ge [sflag:s6], s4  }
0x9f: {  	s4 =	ssub.s32 $0x0, s4;
	[sflag:s6] =	ssyncset.done $0x0  }
0xa0: {  	[sflag:s6] =	ssyncadd.s32 s4;
	_ =	sdelay $0x1  }
0xa1: {  	s23 =	simm.s32 $0x1B8B  }
0xa2: {  	_ =	swait.ge [sflag:s23], $0x1  }
0xa3: {  	[sflag:s23] =	ssyncset.done $0x0  }
0xa4: {  	[sflag:s23] =	ssyncadd.s32 $0xFFFFFFFF  }
0xa5: {  	s4 =	sld [smem:$0x0]  }
0xa6: {  	s5 =	sand.u32 $0xFFFFFFFE, s1  }
0xa7: {  	p0 =	sne.s32 s1, s5  }
0xa8: {  	s5 =	sshll.u32 @p0 s5, $0xE  }
0xa9: {  	s5 =	sadd.s32 @p0 $0x11B8D, s5;
	s6 =	sshll.u32 @p0 s4, $0x11  }
0xaa: {  	s5 =	sor.u32 @p0 s6, s5  }
0xab: {  	[sflag:s5] =	ssyncadd.remote.s32 @p0 $0x1;
	_ =	sdelay $0x1  }
0xac: {  	s5 =	simm.s32 @p0 $0x1B8D  }
0xad: {  	_ =	swait.eq @p0 [sflag:s5], $0x1  }
0xae: {  	[sflag:s5] =	ssyncadd.s32 @p0 $0xFFFFFFFF  }
0xaf: {  	s6 =	sshll.u32 @!p0 s1, $0xE  }
0xb0: {  	s6 =	sor.u32 @!p0 $0x4000, s6;
	s5 =	simm.s32 @!p0 $0x1B8D  }
0xb1: {  	s4 =	sshll.u32 @!p0 s4, $0x11;
	s6 =	sadd.s32 @!p0 $0x11B8D, s6;
	_ =	swait.eq @!p0 [sflag:s5], $0x1  }
0xb2: {  	s4 =	sor.u32 @!p0 s4, s6;
	[sflag:s5] =	ssyncadd.s32 @!p0 $0xFFFFFFFF  }
0xb3: {  	s25 =	simm.s32 $0x1B8E;
	s24 =	sld [smem:$0x3FFE];
	[sflag:s4] =	ssyncadd.remote.s32 @!p0 $0x1  }
0xb4: {  	s26 =	simm.s32 $execute0_lowered;
	[smem:$0x3FD2] =	sst s25  }
0xb5: {  	s5 =	sshll.u32 s26, $0x1;
	_ =	strace $0x8000005E;
	[dreg:$0x1] =	wrdreg $0xFFFFFFFF  }
0xb6: {  	s28 =	simm.s32 $_size_execute0_lowered;
	s3 =	sadd.s32 s3, s5;
	[dreg:$0x0] =	wrdreg $0x0  }
0xb7: {  	s5 =	sshll.u32 s28, $0x1;
	[dreg:$0x2] =	wrdreg s3  }
0xb8: {  	[dreg:$0x3] =	wrdreg s5  }
0xb9: {  	[dreg:$0x4] =	wrdreg $0xC0  }
0xba: {  	_ =	task [dreg:s22], $0x5FFFF  }
0xbb: {  	[dreg:$0x1] =	wrdreg $0xFFFFFFFF  }
0xbc: {  	[dreg:$0x0] =	wrdreg $0x60  }
0xbd: {  	[dreg:$0x2] =	wrdreg s24  }
0xbe: {  	[dreg:$0x3] =	wrdreg $0xA  }
0xbf: {  	_ =	task.clear_ibuf [dreg:s22], $0x4FFFF;
	_ =	strace $0x9000005E  }
0xc0: {  	s29 =	simm.s32 $0xA;
	_ =	strace $0x80000060  }
0xc1: {  	_ =	swait.ge [sflag:s29], $0x1  }
0xc2: {  	[sflag:s29] =	ssyncadd.s32 $0xFFFFFFFF  }
0xc3: {  	_ =	strace $0x90000060  }
0xc4: {  	_ =	sfence  }
0xc5: {  	s30 =	sld [smem:$0x0];
	_ =	sdelay $0x2  }
0xc6: {  	s31 =	sshll.u32 s1, $0xD;
	s1 =	sshrl.u32 s1, $0x2  }
0xc7: {  	s4 =	sand.u32 $0x4000, s31;
	s1 =	sadd.s32 s1, s30  }
0xc8: {  	s0 =	sor.u32 s4, s0;
	s1 =	sshll.u32 s1, $0x11  }
0xc9: {  	s0 =	sor.u32 s1, s0  }
0xca: {  	s0 =	sadd.s32 $0x8F2B, s0  }
0xcb: {  	[sflag:s0] =	ssyncadd.remote.s32 $0x1  }
0xcc: {  	_ =	sfence.sel $0xFFFF  }
0xcd: {  	[dreg:$0x0] =	wrdreg $0xFFFFFFFF;
	(pc) =	sbr.abs _section_cstart, $3  }
0xce: {  	[dreg:$0x1] =	wrdreg $0xFFFFFFFF  }
0xcf: {  	_ =	task.clear_ibuf [dreg:s22], $0x2FFFF;
	_ =	strace $0x9FFFFFFF  }
0xd0: {  	(tm) =	ssettm $0x7FFFFFFF  }
0xd1: {  	_ =	shalt  }
tec
execute0_lowered:
.L_overlay_start_1:
0x0: {  	(tag) =	ssettag $0x1  }
0x1: {  	s4 =	rddreg [dreg:$0x0]  }
0x2: {  	s0 =	rddreg [dreg:$0x1];
	s3 =	srdreg.scid  }
0x3: {  	s1 =	stileid.u32;
	s2 =	simm.s32 $0x0;
	s11 =	simm.s32 $0xC8  }
0x4: {  	s12 =	simm.s32 $0x200;
	s13 =	simm.s32 $0x1;
	s6 =	smul.u32 $0x4E20, s1  }
0x5: {  	s14 =	simm.s32 $0x6600;
	s5 =	sand.u32 $0x1, s3;
	s8 =	smul.u32 $0x4E200, s1  }
0x6: {  	s15 =	simm.s32 $0x0;
	[smem:$0x7FF] =	sst s2;
	s7 =	smul.u32 $0x2710, s5  }
0x7: {  	s3 =	sadd.s32 $0xCFE00, s4;
	s29 =	ssub.s32 $0x2, s5;
	s5 =	smul.u32 $0x27100, s5  }
0x8: {  	_ =	strace $0x8000005F;
	s8 =	sadd.s32 s8, s4;
	s9 =	sshrl.u32 s29, $0x1  }
0x9: {  	s6 =	sadd.s32 s7, s6;
	s30 =	ssub.s32 s29, s9;
	s31 =	sadd.s32 s5, s8  }
0xa: {  	s9 =	simm.s32 $0x2;
	s6 =	sshrl.u32 s6, $0x3;
	s5 =	sadd.s32 $0xF7000, s31  }
0xb: {  	s10 =	sadd.s32 s6, s4;
	s4 =	smax.u32 s30, $0x1;
	s6 =	sadd.s32 $0x5D9000, s31  }
0xc: {  	s7 =	sadd.s32 $0x12400, s10;
	s8 =	sadd.s32 $0x8600, s10;
	s10 =	simm.s32 $0x100  }
.LBB2_1:
0xd: {  	s16 =	sadd.s32 $0x0, s8  }
0xe: {  	[tilespmem:s2], [sflag:$0x2] =	stream.linear.gather [hbm4b:s16+s2], $0xC8, $0x38;
	[tilespmem:$0xCA00] =	vst v63  }
0xf: {  	_ =	swait.ge [sflag:s9], $0xC8  }
0x10: {  	[sflag:s9] =	ssyncset.done $0x0  }
0x11: {  	s31 =	sadd.s32 $0x0, s7;
	[sflag:s9] =	ssyncadd.s32 $0xFFFFFF38  }
0x12: {  	[tilespmem:s10], [sflag:$0x2] =	stream.linear.gather [hbm4b:s31+s2], $0xC8, $0x38;
	[tilespmem:$0xCA00] =	vst v63  }
0x13: {  	_ =	swait.ge [sflag:s9], $0xC8  }
0x14: {  	[sflag:s9] =	ssyncset.done $0x0  }
0x15: {  	[sflag:s9] =	ssyncadd.s32 $0xFFFFFF38  }
0x16: {  	[tilespmem:s12], [sflag:$0x1] =	stream.indirect.gather [hbm4b:s3+s11], $0x80, s2, s11, $0xb8;
	[tilespmem:$0xCA00] =	vst v63  }
0x17: {  	_ =	swait.ge [sflag:s13], $0x6400  }
0x18: {  	[sflag:s13] =	ssyncset.done $0x0  }
0x19: {  	[sflag:s13] =	ssyncadd.s32 $0xFFFF9C00  }
0x1a: {  	[tilespmem:s14], [sflag:$0x1] =	stream.indirect.gather [hbm4b:s3+s11], $0x80, s10, s11, $0xb8;
	[tilespmem:$0xCA00] =	vst v63  }
0x1b: {  	_ =	swait.ge [sflag:s13], $0x6400  }
0x1c: {  	[sflag:s13] =	ssyncset.done $0x0  }
0x1d: {  	[sflag:s13] =	ssyncadd.s32 $0xFFFF9C00  }
0x1e: {  	[hbm4b:s5+s2] =	stream.linear.scatter [tilespmem:s12], [sflag:$0x2], $0x6400, $0x38;
	[tilespmem:$0xCA00] =	vst v63  }
0x1f: {  	_ =	swait.ge [sflag:s9], $0x6400  }
0x20: {  	[sflag:s9] =	ssyncset.done $0x0  }
0x21: {  	[sflag:s9] =	ssyncadd.s32 $0xFFFF9C00  }
0x22: {  	[hbm4b:s6+s2] =	stream.linear.scatter [tilespmem:s14], [sflag:$0x2], $0x6400, $0x38;
	[tilespmem:$0xCA00] =	vst v63  }
0x23: {  	s18 =	simm.s32 $0x19;
	s19 =	simm.s32 $0x32;
	_ =	swait.ge [sflag:s9], $0x6400  }
0x24: {  	s17 =	sadd.s32 $0xC80, s5;
	s16 =	sadd.s32 $0xC80, s6;
	[sflag:s9] =	ssyncset.done $0x0  }
.LBB2_2:
0x25: {  	s20 =	sadd.s32 s18, s8  }
0x26: {  	[sflag:s9] =	ssyncadd.s32 $0xFFFF9C00;
	s21 =	smov.u32 s19;
	s22 =	sadd.s32 $0x19, s19  }
0x27: {  	[tilespmem:s2], [sflag:$0x2] =	stream.linear.gather [hbm4b:s20+s2], $0xC8, $0x38;
	[tilespmem:$0xCA00] =	vst v63  }
0x28: {  	p0 =	sne.s32 s19, $0x4C9;
	_ =	swait.ge [sflag:s9], $0xC8  }
0x29: {  	[sflag:s9] =	ssyncset.done $0x0  }
0x2a: {  	s19 =	sadd.s32 s18, s7;
	s18 =	smov.u32 s21;
	[sflag:s9] =	ssyncadd.s32 $0xFFFFFF38  }
0x2b: {  	[tilespmem:s10], [sflag:$0x2] =	stream.linear.gather [hbm4b:s19+s2], $0xC8, $0x38;
	[tilespmem:$0xCA00] =	vst v63  }
0x2c: {  	_ =	swait.ge [sflag:s9], $0xC8  }
0x2d: {  	[sflag:s9] =	ssyncset.done $0x0  }
0x2e: {  	[sflag:s9] =	ssyncadd.s32 $0xFFFFFF38  }
0x2f: {  	[tilespmem:s12], [sflag:$0x1] =	stream.indirect.gather [hbm4b:s3+s11], $0x80, s2, s11, $0xb8;
	[tilespmem:$0xCA00] =	vst v63  }
0x30: {  	_ =	swait.ge [sflag:s13], $0x6400  }
0x31: {  	[sflag:s13] =	ssyncset.done $0x0  }
0x32: {  	[sflag:s13] =	ssyncadd.s32 $0xFFFF9C00  }
0x33: {  	[tilespmem:s14], [sflag:$0x1] =	stream.indirect.gather [hbm4b:s3+s11], $0x80, s10, s11, $0xb8;
	[tilespmem:$0xCA00] =	vst v63  }
0x34: {  	_ =	swait.ge [sflag:s13], $0x6400  }
0x35: {  	[sflag:s13] =	ssyncset.done $0x0  }
0x36: {  	[sflag:s13] =	ssyncadd.s32 $0xFFFF9C00  }
0x37: {  	[hbm4b:s17+s2] =	stream.linear.scatter [tilespmem:s12], [sflag:$0x2], $0x6400, $0x38;
	[tilespmem:$0xCA00] =	vst v63  }
0x38: {  	_ =	swait.ge [sflag:s9], $0x6400  }
.Ltmp0:
0x39: {  	[sflag:s9] =	ssyncset.done $0x0;
	(pc) =	sbr.rel @p0 .LBB2_2-.Ltmp0, $4  }
0x3a: {  	[sflag:s9] =	ssyncadd.s32 $0xFFFF9C00  }
0x3b: {  	[hbm4b:s16+s2] =	stream.linear.scatter [tilespmem:s14], [sflag:$0x2], $0x6400, $0x38;
	[tilespmem:$0xCA00] =	vst v63  }
0x3c: {  	s19 =	smov.u32 s22;
	_ =	swait.ge [sflag:s9], $0x6400  }
0x3d: {  	s17 =	sadd.s32 $0xC80, s17;
	s16 =	sadd.s32 $0xC80, s16;
	[sflag:s9] =	ssyncset.done $0x0  }
0x3e: {  	s19 =	sadd.s32 s18, s8;
	[sflag:s9] =	ssyncadd.s32 $0xFFFF9C00  }
0x3f: {  	[tilespmem:s2], [sflag:$0x2] =	stream.linear.gather [hbm4b:s19+s2], $0xC8, $0x38;
	[tilespmem:$0xCA00] =	vst v63  }
0x40: {  	_ =	swait.ge [sflag:s9], $0xC8  }
0x41: {  	[sflag:s9] =	ssyncset.done $0x0  }
0x42: {  	s31 =	sadd.s32 s18, s7;
	[sflag:s9] =	ssyncadd.s32 $0xFFFFFF38  }
0x43: {  	[tilespmem:s10], [sflag:$0x2] =	stream.linear.gather [hbm4b:s31+s2], $0xC8, $0x38;
	[tilespmem:$0xCA00] =	vst v63  }
0x44: {  	_ =	swait.ge [sflag:s9], $0xC8  }
0x45: {  	[sflag:s9] =	ssyncset.done $0x0  }
0x46: {  	[sflag:s9] =	ssyncadd.s32 $0xFFFFFF38  }
0x47: {  	[tilespmem:s12], [sflag:$0x1] =	stream.indirect.gather [hbm4b:s3+s11], $0x80, s2, s11, $0xb8;
	[tilespmem:$0xCA00] =	vst v63  }
0x48: {  	_ =	swait.ge [sflag:s13], $0x6400  }
0x49: {  	[sflag:s13] =	ssyncset.done $0x0  }
0x4a: {  	[sflag:s13] =	ssyncadd.s32 $0xFFFF9C00  }
0x4b: {  	[tilespmem:s14], [sflag:$0x1] =	stream.indirect.gather [hbm4b:s3+s11], $0x80, s10, s11, $0xb8;
	[tilespmem:$0xCA00] =	vst v63  }
0x4c: {  	_ =	swait.ge [sflag:s13], $0x6400  }
0x4d: {  	[sflag:s13] =	ssyncset.done $0x0  }
0x4e: {  	[sflag:s13] =	ssyncadd.s32 $0xFFFF9C00  }
0x4f: {  	[hbm4b:s17+s2] =	stream.linear.scatter [tilespmem:s12], [sflag:$0x2], $0x6400, $0x38;
	[tilespmem:$0xCA00] =	vst v63  }
0x50: {  	s15 =	sadd.s32 $0x1, s15;
	_ =	swait.ge [sflag:s9], $0x6400  }
0x51: {  	p0 =	sne.s32 s15, s4;
	[sflag:s9] =	ssyncset.done $0x0  }
.Ltmp1:
0x52: {  	[sflag:s9] =	ssyncadd.s32 $0xFFFF9C00;
	(pc) =	sbr.rel @p0 .LBB2_1-.Ltmp1, $4  }
0x53: {  	[hbm4b:s16+s2] =	stream.linear.scatter [tilespmem:s14], [sflag:$0x2], $0x6400, $0x38;
	[tilespmem:$0xCA00] =	vst v63  }
0x54: {  	_ =	swait.ge [sflag:s9], $0x6400  }
0x55: {  	[sflag:s9] =	ssyncset.done $0x0  }
0x56: {  	[sflag:s9] =	ssyncadd.s32 $0xFFFF9C00  }
0x57: {  	_ =	sfence.sel $0x180000  }
0x58: {  	[bflag:$0x0] =	sbarrier.arrive $0xFFFF  }
0x59: {  	p0 =	sne.s32 s1, $0x0;
	_ =	strace $0x9000005F  }
0x5a: {  	s0 =	sadd.s32 @!p0 $0x100000, s0;
	[bflag:$0x2] =	sbarrier.arrive $0xFFFF  }
0x5b: {  	[sflag:s0] =	ssyncadd.tile.s32 @!p0 $0x1;
	_ =	shalt  }
.Lfunc_end2:
_tile_overlayer_lowered:
.L_overlay_start_2:
0x5c: {  	(tag) =	ssettag $0x2  }
0x5d: {  	s0 =	rddreg [dreg:$0x0];
	s2 =	stileid.u32  }
0x5e: {  	s1 =	rddreg [dreg:$0x1];
	p0 =	sne.s32 s2, $0x0  }
0x5f: {  	s3 =	rddreg [dreg:$0x2];
	[bflag:$0x3] =	sbarrier.arrive $0xFFFF;
	s2 =	simm.s32 @!p0 $0x1C02  }
0x60: {  	[timem:s3], [sflag:s2] =	dma.local @!p0 [hbm:s0], s1  }
0x61: {  	s0 =	simm.s32 @!p0 $0x2  }
0x62: {  	_ =	swait.ge @!p0 [sflag:s0], s1  }
0x63: {  	s1 =	ssub.s32 @!p0 $0x0, s1;
	[sflag:s0] =	ssyncset.done @!p0 $0x0  }
0x64: {  	[sflag:s0] =	ssyncadd.s32 @!p0 s1  }
0x65: {  	[bflag:$0x3] =	sbarrier.arrive $0xFFFF  }
0x66: {  	_ =	shalt  }

// kernel: scatter_offload_async_start.1
scs
__scs_entry_jumppad:
0x0: {  	(pc) =	sbr.rel $0x88, $3  }
0x1: {  	(tag) =	ssettag $0x0;
	lr =	simm.s32 $0x1  }
0x2: {  	[smem:$0x3F8D] =	sst lr;
	_ =	strace $0xD0000000  }
0x3: {  	_ = 	snop  }
0x4: {  	_ = 	snop  }
0x5: {  	_ = 	snop  }
0x6: {  	_ = 	snop  }
0x7: {  	_ = 	snop  }
__scs_overlays_trampoline_lowered:
0x8: {  	[smem:$0x3F9C] =	sst s0  }
0x9: {  	[smem:$0x3F9D] =	sst s1  }
0xa: {  	[smem:$0x3F9E] =	sst s2  }
0xb: {  	[smem:$0x3F9F] =	sst s3  }
0xc: {  	[smem:$0x3FA0] =	sst s4  }
0xd: {  	[smem:$0x3FA1] =	sst s5  }
0xe: {  	[smem:$0x3FA2] =	sst s6  }
0xf: {  	[smem:$0x3FA3] =	sst s7  }
0x10: {  	[smem:$0x3FA4] =	sst s8  }
0x11: {  	[smem:$0x3FA5] =	sst s9;
	s0 =	simm.s32 @!p0 $0x0  }
0x12: {  	s1 =	sld [smem:$0x3F8B];
	s0 =	simm.s32 @p0 $0x1  }
0x13: {  	[smem:$0x3FA6] =	sst s0;
	s0 =	simm.s32 @!p1 $0x0  }
0x14: {  	s2 =	sld [smem:$0x3F8A];
	s0 =	simm.s32 @p1 $0x1  }
0x15: {  	[smem:$0x3FA7] =	sst s0;
	s0 =	simm.s32 @!p2 $0x0  }
0x16: {  	s3 =	sld [smem:$0x3FDB];
	s0 =	simm.s32 @p2 $0x1  }
0x17: {  	s4 =	simm.s32 $0x1BF5;
	[smem:$0x3FA9] =	sst s0  }
0x18: {  	s0 =	sld [smem:$0x3F8C];
	_ =	swait.ge [sflag:s4], $0x0  }
0x19: {  	s7 =	sld [smem:$0x3F8D]  }
0x1a: {  	s8 =	sadd.s32 $0xFFFFE003, lr  }
0x1b: {  	s9 =	sadd.s32 $0xFFFFFEF7, lr;
	s5 =	simm.s32 $0xFFFFFFFF;
	p2 =	slt.u32 s8, $0xFFFFF086  }
0x1c: {  	p1 =	slt.u32 s9, $0xF7A;
	s5 =	simm.s32 @!p2 $0x0  }
0x1d: {  	s5 =	simm.s32 @p1 $0x1;
	p0 =	seq.s32 s7, s2  }
0x1e: {  	s7 =	smul.u32 @!p0 $0xF7A, s2;
	p2 =	seq.s32 @!p0 s5, $0x0  }
0x1f: {  	s9 =	smul.u32 $0xF7A, s1;
	s8 =	simm.s32 @!p0 $0x1BF5;
	p2 =	por !p2, p0  }
0x20: {  	[sflag:s8] =	ssyncset.s32 @!p0 $0xFFFFF086;
	s6 =	sadd.s32 @!p0 s3, s7;
	s7 =	simm.s32 @!p0 $0x108  }
0x21: {  	s3 =	sadd.s32 s3, s9;
	s6 =	sadd.s32 @!p0 $0x88, s6;
	s7 =	simm.s32 @p2 $0x1082  }
0x22: {  	[simem:s7], [sflag:s8] =	dma.local @!p0 [hbm:s6], $0xF7A  }
0x23: {  	s9 =	sor.u32 $0xD0000000, s2;
	s6 =	simm.s32 $0x108;
	_ =	swait.ge @!p0 [sflag:s8], $0x0  }
0x24: {  	s3 =	sadd.s32 $0x88, s3;
	s6 =	simm.s32 @!p1 $0x1082;
	[sflag:s4] =	ssyncset.s32 $0xFFFFF086  }
0x25: {  	[simem:s6], [sflag:s4] =	dma.local [hbm:s3], $0xF7A  }
0x26: {  	[smem:$0x3F8D] =	sst s1;
	(tag) =	ssettag s2;
	_ =	strace s9  }
0x27: {  	s1 =	sld [smem:$0x3F9D]  }
0x28: {  	s2 =	sld [smem:$0x3F9E]  }
0x29: {  	s4 =	sld [smem:$0x3FA0]  }
0x2a: {  	p0 =	seq.s32 s5, $0x0;
	s5 =	sld [smem:$0x3FA1]  }
0x2b: {  	s6 =	sld [smem:$0x3FA2]  }
0x2c: {  	s7 =	sld [smem:$0x3FA3]  }
0x2d: {  	s3 =	simm.s32 $0x108;
	s8 =	sld [smem:$0x3FA4]  }
0x2e: {  	s3 =	simm.s32 @!p0 $0x1082;
	s9 =	sld [smem:$0x3FA5]  }
0x2f: {  	lr =	sadd.s32 s0, s3;
	s0 =	sld [smem:$0x3F9C]  }
0x30: {  	s3 =	sld [smem:$0x3F9F]  }
0x31: {  	[smem:$0x3FA8] =	sst s10  }
0x32: {  	s10 =	sld [smem:$0x3FA6];
	_ =	sdelay $0x3  }
0x33: {  	p0 =	seq.s32 s10, $0x1;
	s10 =	sld [smem:$0x3FA8];
	_ =	sdelay $0x3  }
0x34: {  	[smem:$0x3FA8] =	sst s10  }
0x35: {  	s10 =	sld [smem:$0x3FA7];
	_ =	sdelay $0x3  }
0x36: {  	p1 =	seq.s32 s10, $0x1;
	s10 =	sld [smem:$0x3FA8];
	_ =	sdelay $0x3  }
0x37: {  	[smem:$0x3FA8] =	sst s10  }
0x38: {  	s10 =	sld [smem:$0x3FA9]  }
0x39: {  	_ = 	snop;
	(pc) =	sbr.ind lr, $3  }
0x3a: {  	_ = 	snop  }
0x3b: {  	_ = 	snop  }
0x3c: {  	p2 =	seq.s32 s10, $0x1;
	s10 =	sld [smem:$0x3FA8]  }
0x3d: {  	_ =	shalt  }
0x3e: {  	_ =	shalt  }
0x3f: {  	_ =	shalt  }
0x40: {  	_ =	shalt  }
0x41: {  	_ =	shalt  }
0x42: {  	_ =	shalt  }
0x43: {  	_ =	shalt  }
0x44: {  	_ =	shalt  }
0x45: {  	_ =	shalt  }
0x46: {  	_ =	shalt  }
0x47: {  	_ =	shalt  }
0x48: {  	_ =	shalt  }
0x49: {  	_ =	shalt  }
0x4a: {  	_ =	shalt  }
0x4b: {  	_ =	shalt  }
0x4c: {  	_ =	shalt  }
0x4d: {  	_ =	shalt  }
0x4e: {  	_ =	shalt  }
0x4f: {  	_ =	shalt  }
0x50: {  	_ =	shalt  }
0x51: {  	_ =	shalt  }
0x52: {  	_ =	shalt  }
0x53: {  	_ =	shalt  }
0x54: {  	_ =	shalt  }
0x55: {  	_ =	shalt  }
0x56: {  	_ =	shalt  }
0x57: {  	_ =	shalt  }
0x58: {  	_ =	shalt  }
0x59: {  	_ =	shalt  }
0x5a: {  	_ =	shalt  }
0x5b: {  	_ =	shalt  }
0x5c: {  	_ =	shalt  }
0x5d: {  	_ =	shalt  }
0x5e: {  	_ =	shalt  }
0x5f: {  	_ =	shalt  }
0x60: {  	_ =	shalt  }
0x61: {  	_ =	shalt  }
0x62: {  	_ =	shalt  }
0x63: {  	_ =	shalt  }
0x64: {  	_ =	shalt  }
0x65: {  	_ =	shalt  }
0x66: {  	_ =	shalt  }
0x67: {  	_ =	shalt  }
0x68: {  	_ =	shalt  }
0x69: {  	_ =	shalt  }
0x6a: {  	_ =	shalt  }
0x6b: {  	_ =	shalt  }
0x6c: {  	_ =	shalt  }
0x6d: {  	_ =	shalt  }
0x6e: {  	_ =	shalt  }
0x6f: {  	_ =	shalt  }
0x70: {  	_ =	shalt  }
0x71: {  	_ =	shalt  }
0x72: {  	_ =	shalt  }
0x73: {  	_ =	shalt  }
0x74: {  	_ =	shalt  }
0x75: {  	_ =	shalt  }
0x76: {  	_ =	shalt  }
0x77: {  	_ =	shalt  }
0x78: {  	_ =	shalt  }
0x79: {  	_ =	shalt  }
0x7a: {  	_ =	shalt  }
0x7b: {  	_ =	shalt  }
0x7c: {  	_ =	shalt  }
0x7d: {  	_ =	shalt  }
0x7e: {  	_ =	shalt  }
0x7f: {  	_ =	shalt  }
0x80: {  	_ =	shalt  }
0x81: {  	_ =	shalt  }
0x82: {  	_ =	shalt  }
0x83: {  	_ =	shalt  }
0x84: {  	_ =	shalt  }
0x85: {  	_ =	shalt  }
0x86: {  	_ =	shalt  }
0x87: {  	_ =	shalt  }
.Lfunc_end0:
.L_simem_size_0:
called_computation.1_lowered:
.L_overlay_start_0:
0x88: {  	s0 =	sld [smem:$0x3FD9]  }
0x89: {  	s1 =	sld [smem:$0x3FFE];
	_ =	sdelay $0x3  }
0x8a: {  	s0 =	sadd.s32 s1, s0  }
0x8b: {  	[smem:$0x3FB4] =	sst s0  }
0x8c: {  	_ = 	snop  }
0x8d: {  	(tm) =	ssettm $0x1  }
0x8e: {  	s14 =	sld [smem:$0x3FFB];
	_ =	sdelay $0x3  }
0x8f: {  	_ =	strace s14  }
0x90: {  	s0 =	sld [smem:$0x3FFC];
	_ =	sdelay $0x3  }
0x91: {  	_ =	strace s0  }
0x92: {  	s0 =	sld [smem:$0x3FFD];
	_ =	sdelay $0x3  }
0x93: {  	_ =	strace s0  }
0x94: {  	_ =	strace $0x8FFFFFFF  }
0x95: {  	s15 =	sld [smem:$0x3FDB];
	_ =	sdelay $0x1  }
0x96: {  	s16 =	simm.s32 $_scs_section_size  }
0x97: {  	s2 =	simm.s32 $_size__tile_overlayer_lowered;
	s3 =	simm.s32 $_tile_overlayer_lowered  }
0x98: {  	s4 =	simm.s32 $0x1BFF;
	s17 =	sshll.u32 s3, $0x1;
	s1 =	sadd.s32 s16, s15  }
0x99: {  	s18 =	simm.s32 $0x0;
	s2 =	sshll.u32 s2, $0x1;
	s3 =	sadd.s32 s17, s1  }
0x9a: {  	[timem:s18], [sflag:s4] =	dma.local [hbm:s3], s2  }
0x9b: {  	_ =	swait.ge [sflag:s4], s2  }
0x9c: {  	s2 =	ssub.s32 $0x0, s2;
	[sflag:s4] =	ssyncset.done $0x0  }
0x9d: {  	[sflag:s4] =	ssyncadd.s32 s2;
	_ =	sdelay $0x1  }
0x9e: {  	s19 =	simm.s32 $0x1B8B  }
0x9f: {  	_ =	swait.ge [sflag:s19], $0x1  }
0xa0: {  	[sflag:s19] =	ssyncset.done $0x0  }
0xa1: {  	s21 =	simm.s32 $0x1B8E;
	s20 =	sld [smem:$0x3FFE];
	[sflag:s19] =	ssyncadd.s32 $0xFFFFFFFF  }
0xa2: {  	s22 =	simm.s32 $execute0_lowered;
	[smem:$0x3FD2] =	sst s21  }
0xa3: {  	s3 =	sshll.u32 s22, $0x1;
	_ =	strace $0x80000055;
	[dreg:$0x1] =	wrdreg $0xFFFFFFFF  }
0xa4: {  	s23 =	simm.s32 $_size_execute0_lowered;
	s3 =	sadd.s32 s1, s3;
	[dreg:$0x0] =	wrdreg $0x0  }
0xa5: {  	s4 =	sshll.u32 s23, $0x1;
	[dreg:$0x2] =	wrdreg s3  }
0xa6: {  	[dreg:$0x3] =	wrdreg s4  }
0xa7: {  	[dreg:$0x4] =	wrdreg $0xC0  }
0xa8: {  	s24 =	simm.s32 $execute1_lowered;
	_ =	task [dreg:s18], $0x5FFFF  }
0xa9: {  	s3 =	sshll.u32 s24, $0x1;
	[dreg:$0x1] =	wrdreg $0xFFFFFFFF  }
0xaa: {  	s1 =	sadd.s32 s1, s3;
	[dreg:$0x0] =	wrdreg $0x60  }
0xab: {  	[dreg:$0x2] =	wrdreg s1  }
0xac: {  	[dreg:$0x3] =	wrdreg s20  }
0xad: {  	[dreg:$0x4] =	wrdreg $0xA  }
0xae: {  	_ =	task.clear_ibuf [dreg:s18], $0x5FFFF;
	_ =	strace $0x90000055  }
0xaf: {  	s25 =	simm.s32 $0xA;
	_ =	strace $0x80000057  }
0xb0: {  	_ =	swait.ge [sflag:s25], $0x1  }
0xb1: {  	[sflag:s25] =	ssyncadd.s32 $0xFFFFFFFF  }
0xb2: {  	_ =	strace $0x90000057  }
0xb3: {  	_ =	strace $0x80000058;
	[dreg:$0x1] =	wrdreg $0xFFFFFFFF  }
0xb4: {  	[dreg:$0x0] =	wrdreg $0x2030  }
0xb5: {  	[dreg:$0x2] =	wrdreg s20  }
0xb6: {  	[dreg:$0x3] =	wrdreg $0xB  }
0xb7: {  	_ =	task.clear_ibuf [dreg:s18], $0x4FFFF;
	_ =	strace $0x90000058  }
0xb8: {  	s26 =	simm.s32 $0xB;
	_ =	strace $0x8000005A  }
0xb9: {  	_ =	swait.ge [sflag:s26], $0x1  }
0xba: {  	[sflag:s26] =	ssyncadd.s32 $0xFFFFFFFF  }
0xbb: {  	_ =	strace $0x9000005A  }
0xbc: {  	_ =	sfence  }
0xbd: {  	s28 =	sld [smem:$0x0];
	_ =	sdelay $0x1  }
0xbe: {  	s29 =	srdreg.scid  }
0xbf: {  	s30 =	sshll.u32 s29, $0xD;
	s31 =	sshrl.u32 s29, $0x2  }
0xc0: {  	s2 =	sand.u32 $0x1, s29;
	s3 =	sand.u32 $0x4000, s30;
	s1 =	sadd.s32 s31, s28  }
0xc1: {  	s2 =	sor.u32 s3, s2;
	s1 =	sshll.u32 s1, $0x11  }
0xc2: {  	s1 =	sor.u32 s1, s2  }
0xc3: {  	s1 =	sadd.s32 $0x8F2B, s1  }
0xc4: {  	[sflag:s1] =	ssyncadd.remote.s32 $0x1  }
0xc5: {  	_ =	sfence.sel $0xFFFF  }
0xc6: {  	[dreg:$0x0] =	wrdreg $0xFFFFFFFF;
	(pc) =	sbr.abs _section_cstart, $3  }
0xc7: {  	[dreg:$0x1] =	wrdreg $0xFFFFFFFF  }
0xc8: {  	_ =	task.clear_ibuf [dreg:s18], $0x2FFFF;
	_ =	strace $0x9FFFFFFF  }
0xc9: {  	(tm) =	ssettm $0x7FFFFFFF  }
tec
execute0_lowered:
.L_overlay_start_1:
0x0: {  	(tag) =	ssettag $0x1  }
0x1: {  	s2 =	rddreg [dreg:$0x0]  }
0x2: {  	s3 =	rddreg [dreg:$0x1]  }
0x3: {  	s0 =	rddreg [dreg:$0x2]  }
0x4: {  	s4 =	stileid.u32;
	[bflag:$0x3] =	sbarrier.arrive $0xFFFF;
	s1 =	simm.s32 $_size_execute1_lowered  }
0x5: {  	s8 =	simm.s32 $0x2;
	s11 =	simm.s32 $0x0;
	s9 =	simm.s32 $0x80  }
0x6: {  	p0 =	sne.s32 s4, $0x0;
	s1 =	sshll.u32 s1, $0x1;
	s30 =	sshll.u32 s4, $0x9  }
0x7: {  	s5 =	simm.s32 @!p0 $0x1C3F;
	s6 =	simm.s32 @!p0 $0x4060;
	s31 =	sand.u32 $0x200, s30  }
0x8: {  	[timem:s6], [sflag:s5] =	dma.local @!p0 [hbm:s2], s1  }
0x9: {  	s10 =	simm.s32 $0x0;
	s2 =	sshll.u32 s4, $0x5;
	s7 =	sadd.s32 s31, s3  }
0xa: {  	s3 =	sadd.s32 $0x800, s3;
	s4 =	simm.s32 $0x1;
	s5 =	ssub.s32 $0x40, s2  }
.Ltmp0:
0xb: {  	_ =	strace $0x80000056;
	p1 =	sgt.s32 s5, $0x0;
	(pc) =	sbr.rel .LBB2_1-.Ltmp0, $4  }
0xc: {  	s6 =	simm.s32 $0x3;
	[sflag:s4] =	ssyncpa.u1 $0x0;
	s5 =	simm.s32 @!p1 $0x0  }
0xd: {  	s7 =	sadd.s32 $0x2C00, s7;
	[sflag:s8] =	ssyncpa.u1 $0x0;
	s5 =	sand.u32 $0x1E0, s5  }
0xe: {  	s8 =	simm.s32 $0x20;
	p1 =	sne.s32 s5, $0x0;
	s5 =	simm.s32 $0x1  }
0xf: {  	s5 =	simm.s32 @!p1 $0x0;
	s6 =	simm.s32 @!p1 $0x2;
	p1 =	por $0x0, $0x0  }
.LBB2_4:
0x10: {  	_ =	sdelay $0x2  }
0x11: {  	s11 =	sshll.u32 s11, $0x4  }
0x12: {  	[tilespmem:v1+s12+$0x0 ss:$0x1] =	vst.idx.msk $0xffff, v2;
	s11 =	sand.u32 $0x200, s11  }
0x13: {  	[tilespmem:v1+s12+$0xFFFFFFF0 ss:$0x1] =	vst.idx.msk $0xffff, v3;
	s11 =	sadd.s32 s3, s11  }
0x14: {  	[hbm4b:s11+s8] =	stream.strided.scatter [tilespmem:s13], [sflag:$0x2], $0x400, s9, s8, $0x38;
	[tilespmem:$0x1000] =	vst v63  }
.LBB2_5:
0x15: {  	p2 =	slt.u32 s10, $0x2;
	s10 =	sadd.s32 $0x1, s10  }
0x16: {  	p3 =	sne.s32 s10, s6  }
.Ltmp1:
0x17: {  	_ = 	snop;
	(pc) =	sbr.rel @!p3 .LBB2_6-.Ltmp1, $4  }
0x18: {  	s11 =	simm.s32 @!p2 $0x2  }
0x19: {  	_ =	swait.ge @!p2 [sflag:s11], $0x400  }
0x1a: {  	[sflag:s11] =	ssyncset.done @!p2 $0x0  }
0x1b: {  	p1 =	por !p1, !p1;
	[sflag:s11] =	ssyncadd.s32 @!p2 $0xFFFFFC00;
	s11 =	smov.u32 s2  }
.LBB2_1:
0x1c: {  	p2 =	sge.u32 s10, s5;
	s31 =	sadd.s32 $0xFFFFFFFF, s10  }
0x1d: {  	s12 =	simm.s32 @!p2 $0x20;
	s13 =	simm.s32 @!p2 $0x80;
	s14 =	simm.s32 @!p2 $0x400  }
0x1e: {  	[tilespmem:s14], [sflag:$0x1] =	stream.strided.gather @!p2 [hbm4b:s7+s12], $0x400, s13, s12, $0x38;
	[tilespmem:$0x1000] =	vst v63  }
0x1f: {  	p2 =	sge.u32 s31, s5  }
.Ltmp2:
0x20: {  	_ = 	snop;
	(pc) =	sbr.rel @p2 .LBB2_5-.Ltmp2, $1  }
0x21: {  	_ =	sdelay $0x3  }
0x22: {  	s12 =	simm.s32 $0x1  }
0x23: {  	s12 =	simm.s32 @!p1 $0x0  }
0x24: {  	s13 =	sshll.u32 s12, $0xA  }
0x25: {  	s12 =	sor.u32 $0x10, s13  }
0x26: {  	v0 =	vmov s12;
	_ =	sdelay $0x1  }
0x27: {  	_ =	swait.ge [sflag:s4], $0x400  }
0x28: {  	[sflag:s4] =	ssyncset.done $0x0  }
0x29: {  	s14 =	sshll.u32 s10, $0xA;
	[sflag:s4] =	ssyncadd.s32 $0xFFFFFC00;
	s12 =	simm.s32 $0x0  }
0x2a: {  	s31 =	sand.u32 $0x400, s14;
	s15 =	sor.u32 $0x810, s13;
	v2 =	vld.idx.msk [tilespmem:v0+s12+$0x0 ss:$0x1], $0xffff  }
0x2b: {  	s14 =	simm.s32 $0x80;
	s13 =	sor.u32 $0x800, s31;
	v1 =	vmov s15;
	v3 =	vld.idx.msk [tilespmem:v0+s12+$0xFFFFFFF0 ss:$0x1], $0xffff  }
.LBB2_3:
0x2c: {  	p2 =	sne.s32 s14, $0xF80  }
.Ltmp3:
0x2d: {  	_ = 	snop;
	(pc) =	sbr.rel @p2 .LBB2_3-.Ltmp3, $4  }
0x2e: {  	_ = 	snop  }
0x2f: {  	s15 =	sshra.s32 s14, $0x2;
	s14 =	sadd.s32 $0x80, s14  }
0x30: {  	[tilespmem:v1+s12+$0x0 ss:$0x1] =	vst.idx.msk $0xffff, v2;
	v2 =	vld.idx.msk [tilespmem:v0+s15+$0x0 ss:$0x1], $0xffff  }
0x31: {  	[tilespmem:v1+s12+$0xFFFFFFF0 ss:$0x1] =	vst.idx.msk $0xffff, v3;
	v3 =	vld.idx.msk [tilespmem:v0+s15+$0xFFFFFFF0 ss:$0x1], $0xffff;
	s12 =	smov.u32 s15  }
.Ltmp4:
0x32: {  	_ = 	snop;
	(pc) =	sbr.rel .LBB2_4-.Ltmp4, $1  }
0x33: {  	_ =	sdelay $0x3  }
.LBB2_6:
0x34: {  	_ =	sfence.sel $0x180000  }
0x35: {  	s2 =	simm.s32 $0x1;
	[bflag:$0x0] =	sbarrier.arrive $0xFFFF  }
0x36: {  	s31 =	simm.s32 $0x2;
	[sflag:s2] =	ssyncpa.u1 $0x1  }
0x37: {  	[sflag:s31] =	ssyncpa.u1 $0x1  }
0x38: {  	_ =	strace $0x90000056  }
0x39: {  	s0 =	sadd.s32 @!p0 $0x100000, s0;
	[bflag:$0x2] =	sbarrier.arrive $0xFFFF  }
0x3a: {  	[sflag:s0] =	ssyncadd.tile.s32 @!p0 $0x1;
	s0 =	simm.s32 @!p0 $0x3F  }
0x3b: {  	_ =	swait.ge @!p0 [sflag:s0], s1  }
0x3c: {  	s1 =	ssub.s32 @!p0 $0x0, s1;
	[sflag:s0] =	ssyncset.done @!p0 $0x0  }
0x3d: {  	[sflag:s0] =	ssyncadd.s32 @!p0 s1  }
0x3e: {  	[bflag:$0x3] =	sbarrier.arrive $0xFFFF  }
0x3f: {  	_ =	shalt  }
.Lfunc_end2:
execute1_lowered:
.L_overlay_start_2:
0x40: {  	(tag) =	ssettag $0x2  }
0x41: {  	s8 =	rddreg [dreg:$0x0];
	_ =	strace $0x80000059;
	s11 =	simm.s32 $0x1  }
0x42: {  	v0 =	vimm.s32 $0x0;
	[sflag:s11] =	ssyncpa.u1 $0x0  }
0x43: {  	[tilespmem:$0x28] =	vst v0  }
0x44: {  	[tilespmem:$0x38] =	vst v0  }
0x45: {  	[tilespmem:$0x48] =	vst v0  }
0x46: {  	[tilespmem:$0x58] =	vst v0  }
0x47: {  	[tilespmem:$0x68] =	vst v0  }
0x48: {  	[tilespmem:$0x78] =	vst v0  }
0x49: {  	[tilespmem:$0x88] =	vst v0  }
0x4a: {  	[tilespmem:$0x98] =	vst v0  }
0x4b: {  	[tilespmem:$0xA8] =	vst v0  }
0x4c: {  	[tilespmem:$0xB8] =	vst v0  }
0x4d: {  	[tilespmem:$0xC8] =	vst v0  }
0x4e: {  	[tilespmem:$0xD8] =	vst v0  }
0x4f: {  	[tilespmem:$0xE8] =	vst v0  }
0x50: {  	[tilespmem:$0xF8] =	vst v0  }
0x51: {  	[tilespmem:$0x108] =	vst v0  }
0x52: {  	[tilespmem:$0x118] =	vst v0  }
0x53: {  	[tilespmem:$0x128] =	vst v0  }
0x54: {  	[tilespmem:$0x138] =	vst v0  }
0x55: {  	[tilespmem:$0x148] =	vst v0  }
0x56: {  	[tilespmem:$0x158] =	vst v0  }
0x57: {  	[tilespmem:$0x168] =	vst v0  }
0x58: {  	[tilespmem:$0x178] =	vst v0  }
0x59: {  	[tilespmem:$0x188] =	vst v0  }
0x5a: {  	[tilespmem:$0x198] =	vst v0  }
0x5b: {  	[tilespmem:$0x1A8] =	vst v0  }
0x5c: {  	[tilespmem:$0x1B8] =	vst v0  }
0x5d: {  	[tilespmem:$0x1C8] =	vst v0  }
0x5e: {  	[tilespmem:$0x1D8] =	vst v0  }
0x5f: {  	[tilespmem:$0x1E8] =	vst v0  }
0x60: {  	[tilespmem:$0x1F8] =	vst v0  }
0x61: {  	[tilespmem:$0x208] =	vst v0  }
0x62: {  	[tilespmem:$0x218] =	vst v0  }
0x63: {  	[tilespmem:$0x228] =	vst v0  }
0x64: {  	[tilespmem:$0x238] =	vst v0  }
0x65: {  	[tilespmem:$0x248] =	vst v0  }
0x66: {  	[tilespmem:$0x258] =	vst v0  }
0x67: {  	[tilespmem:$0x268] =	vst v0  }
0x68: {  	[tilespmem:$0x278] =	vst v0  }
0x69: {  	[tilespmem:$0x288] =	vst v0  }
0x6a: {  	[tilespmem:$0x298] =	vst v0  }
0x6b: {  	[tilespmem:$0x2A8] =	vst v0  }
0x6c: {  	[tilespmem:$0x2B8] =	vst v0  }
0x6d: {  	[tilespmem:$0x2C8] =	vst v0  }
0x6e: {  	[tilespmem:$0x2D8] =	vst v0  }
0x6f: {  	[tilespmem:$0x2E8] =	vst v0  }
0x70: {  	[tilespmem:$0x2F8] =	vst v0  }
0x71: {  	[tilespmem:$0x308] =	vst v0  }
0x72: {  	[tilespmem:$0x318] =	vst v0  }
0x73: {  	[tilespmem:$0x328] =	vst v0  }
0x74: {  	[tilespmem:$0x338] =	vst v0  }
0x75: {  	[tilespmem:$0x348] =	vst v0  }
0x76: {  	[tilespmem:$0x358] =	vst v0  }
0x77: {  	[tilespmem:$0x368] =	vst v0  }
0x78: {  	[tilespmem:$0x378] =	vst v0  }
0x79: {  	[tilespmem:$0x388] =	vst v0  }
0x7a: {  	[tilespmem:$0x398] =	vst v0  }
0x7b: {  	[tilespmem:$0x3A8] =	vst v0  }
0x7c: {  	[tilespmem:$0x3B8] =	vst v0  }
0x7d: {  	[tilespmem:$0x3C8] =	vst v0  }
0x7e: {  	[tilespmem:$0x3D8] =	vst v0  }
0x7f: {  	[tilespmem:$0x3E8] =	vst v0  }
0x80: {  	[tilespmem:$0x3F8] =	vst v0  }
0x81: {  	[tilespmem:$0x408] =	vst v0  }
0x82: {  	[tilespmem:$0x418] =	vst v0  }
0x83: {  	[tilespmem:$0x428] =	vst v0  }
0x84: {  	[tilespmem:$0x438] =	vst v0  }
0x85: {  	[tilespmem:$0x448] =	vst v0  }
0x86: {  	[tilespmem:$0x458] =	vst v0  }
0x87: {  	[tilespmem:$0x468] =	vst v0  }
0x88: {  	[tilespmem:$0x478] =	vst v0  }
0x89: {  	[tilespmem:$0x488] =	vst v0  }
0x8a: {  	[tilespmem:$0x498] =	vst v0  }
0x8b: {  	[tilespmem:$0x4A8] =	vst v0  }
0x8c: {  	[tilespmem:$0x4B8] =	vst v0  }
0x8d: {  	[tilespmem:$0x4C8] =	vst v0  }
0x8e: {  	[tilespmem:$0x4D8] =	vst v0  }
0x8f: {  	[tilespmem:$0x4E8] =	vst v0  }
0x90: {  	[tilespmem:$0x4F8] =	vst v0  }
0x91: {  	[tilespmem:$0x508] =	vst v0  }
0x92: {  	[tilespmem:$0x518] =	vst v0  }
0x93: {  	[tilespmem:$0x528] =	vst v0  }
0x94: {  	[tilespmem:$0x538] =	vst v0  }
0x95: {  	[tilespmem:$0x548] =	vst v0  }
0x96: {  	[tilespmem:$0x558] =	vst v0  }
0x97: {  	[tilespmem:$0x568] =	vst v0  }
0x98: {  	[tilespmem:$0x578] =	vst v0  }
0x99: {  	[tilespmem:$0x588] =	vst v0  }
0x9a: {  	[tilespmem:$0x598] =	vst v0  }
0x9b: {  	[tilespmem:$0x5A8] =	vst v0  }
0x9c: {  	[tilespmem:$0x5B8] =	vst v0  }
0x9d: {  	[tilespmem:$0x5C8] =	vst v0  }
0x9e: {  	[tilespmem:$0x5D8] =	vst v0  }
0x9f: {  	[tilespmem:$0x5E8] =	vst v0  }
0xa0: {  	[tilespmem:$0x5F8] =	vst v0  }
0xa1: {  	[tilespmem:$0x608] =	vst v0  }
0xa2: {  	[tilespmem:$0x618] =	vst v0  }
0xa3: {  	[tilespmem:$0x628] =	vst v0  }
0xa4: {  	[tilespmem:$0x638] =	vst v0  }
0xa5: {  	[tilespmem:$0x648] =	vst v0  }
0xa6: {  	[tilespmem:$0x658] =	vst v0  }
0xa7: {  	[tilespmem:$0x668] =	vst v0  }
0xa8: {  	[tilespmem:$0x678] =	vst v0  }
0xa9: {  	[tilespmem:$0x688] =	vst v0  }
0xaa: {  	[tilespmem:$0x698] =	vst v0  }
0xab: {  	[tilespmem:$0x6A8] =	vst v0  }
0xac: {  	[tilespmem:$0x6B8] =	vst v0  }
0xad: {  	[tilespmem:$0x6C8] =	vst v0  }
0xae: {  	[tilespmem:$0x6D8] =	vst v0  }
0xaf: {  	[tilespmem:$0x6E8] =	vst v0  }
0xb0: {  	[tilespmem:$0x6F8] =	vst v0  }
0xb1: {  	[tilespmem:$0x708] =	vst v0  }
0xb2: {  	[tilespmem:$0x718] =	vst v0  }
0xb3: {  	[tilespmem:$0x728] =	vst v0  }
0xb4: {  	[tilespmem:$0x738] =	vst v0  }
0xb5: {  	[tilespmem:$0x748] =	vst v0  }
0xb6: {  	[tilespmem:$0x758] =	vst v0  }
0xb7: {  	[tilespmem:$0x768] =	vst v0  }
0xb8: {  	[tilespmem:$0x778] =	vst v0  }
0xb9: {  	[tilespmem:$0x788] =	vst v0  }
0xba: {  	[tilespmem:$0x798] =	vst v0  }
0xbb: {  	[tilespmem:$0x7A8] =	vst v0  }
0xbc: {  	[tilespmem:$0x7B8] =	vst v0  }
0xbd: {  	[tilespmem:$0x7C8] =	vst v0  }
0xbe: {  	[tilespmem:$0x7D8] =	vst v0  }
0xbf: {  	[tilespmem:$0x7E8] =	vst v0  }
0xc0: {  	[tilespmem:$0x7F8] =	vst v0  }
0xc1: {  	[tilespmem:$0x808] =	vst v0  }
0xc2: {  	[tilespmem:$0x818] =	vst v0  }
0xc3: {  	[tilespmem:$0x828] =	vst v0  }
0xc4: {  	[tilespmem:$0x838] =	vst v0  }
0xc5: {  	[tilespmem:$0x848] =	vst v0  }
0xc6: {  	[tilespmem:$0x858] =	vst v0  }
0xc7: {  	[tilespmem:$0x868] =	vst v0  }
0xc8: {  	[tilespmem:$0x878] =	vst v0  }
0xc9: {  	[tilespmem:$0x888] =	vst v0  }
0xca: {  	[tilespmem:$0x898] =	vst v0  }
0xcb: {  	[tilespmem:$0x8A8] =	vst v0  }
0xcc: {  	[tilespmem:$0x8B8] =	vst v0  }
0xcd: {  	[tilespmem:$0x8C8] =	vst v0  }
0xce: {  	[tilespmem:$0x8D8] =	vst v0  }
0xcf: {  	[tilespmem:$0x8E8] =	vst v0  }
0xd0: {  	[tilespmem:$0x8F8] =	vst v0  }
0xd1: {  	[tilespmem:$0x908] =	vst v0  }
0xd2: {  	[tilespmem:$0x918] =	vst v0  }
0xd3: {  	[tilespmem:$0x928] =	vst v0  }
0xd4: {  	[tilespmem:$0x938] =	vst v0  }
0xd5: {  	[tilespmem:$0x948] =	vst v0  }
0xd6: {  	[tilespmem:$0x958] =	vst v0  }
0xd7: {  	[tilespmem:$0x968] =	vst v0  }
0xd8: {  	[tilespmem:$0x978] =	vst v0  }
0xd9: {  	[tilespmem:$0x988] =	vst v0  }
0xda: {  	[tilespmem:$0x998] =	vst v0  }
0xdb: {  	[tilespmem:$0x9A8] =	vst v0  }
0xdc: {  	[tilespmem:$0x9B8] =	vst v0  }
0xdd: {  	[tilespmem:$0x9C8] =	vst v0  }
0xde: {  	[tilespmem:$0x9D8] =	vst v0  }
0xdf: {  	[tilespmem:$0x9E8] =	vst v0  }
0xe0: {  	[tilespmem:$0x9F8] =	vst v0  }
0xe1: {  	[tilespmem:$0xA08] =	vst v0  }
0xe2: {  	[tilespmem:$0xA18] =	vst v0  }
0xe3: {  	[tilespmem:$0xA28] =	vst v0  }
0xe4: {  	[tilespmem:$0xA38] =	vst v0  }
0xe5: {  	[tilespmem:$0xA48] =	vst v0  }
0xe6: {  	[tilespmem:$0xA58] =	vst v0  }
0xe7: {  	[tilespmem:$0xA68] =	vst v0  }
0xe8: {  	[tilespmem:$0xA78] =	vst v0  }
0xe9: {  	[tilespmem:$0xA88] =	vst v0  }
0xea: {  	[tilespmem:$0xA98] =	vst v0  }
0xeb: {  	[tilespmem:$0xAA8] =	vst v0  }
0xec: {  	[tilespmem:$0xAB8] =	vst v0  }
0xed: {  	[tilespmem:$0xAC8] =	vst v0  }
0xee: {  	[tilespmem:$0xAD8] =	vst v0  }
0xef: {  	[tilespmem:$0xAE8] =	vst v0  }
0xf0: {  	[tilespmem:$0xAF8] =	vst v0  }
0xf1: {  	[tilespmem:$0xB08] =	vst v0  }
0xf2: {  	[tilespmem:$0xB18] =	vst v0  }
0xf3: {  	[tilespmem:$0xB28] =	vst v0  }
0xf4: {  	[tilespmem:$0xB38] =	vst v0  }
0xf5: {  	[tilespmem:$0xB48] =	vst v0  }
0xf6: {  	[tilespmem:$0xB58] =	vst v0  }
0xf7: {  	[tilespmem:$0xB68] =	vst v0  }
0xf8: {  	[tilespmem:$0xB78] =	vst v0  }
0xf9: {  	[tilespmem:$0xB88] =	vst v0  }
0xfa: {  	[tilespmem:$0xB98] =	vst v0  }
0xfb: {  	[tilespmem:$0xBA8] =	vst v0  }
0xfc: {  	[tilespmem:$0xBB8] =	vst v0  }
0xfd: {  	[tilespmem:$0xBC8] =	vst v0  }
0xfe: {  	[tilespmem:$0xBD8] =	vst v0  }
0xff: {  	[tilespmem:$0xBE8] =	vst v0  }
0x100: {  	[tilespmem:$0xBF8] =	vst v0  }
0x101: {  	[tilespmem:$0xC08] =	vst v0  }
0x102: {  	[tilespmem:$0xC18] =	vst v0  }
0x103: {  	[tilespmem:$0xC28] =	vst v0  }
0x104: {  	[tilespmem:$0xC38] =	vst v0  }
0x105: {  	[tilespmem:$0xC48] =	vst v0  }
0x106: {  	[tilespmem:$0xC58] =	vst v0  }
0x107: {  	[tilespmem:$0xC68] =	vst v0  }
0x108: {  	[tilespmem:$0xC78] =	vst v0  }
0x109: {  	[tilespmem:$0xC88] =	vst v0  }
0x10a: {  	[tilespmem:$0xC98] =	vst v0  }
0x10b: {  	[tilespmem:$0xCA8] =	vst v0  }
0x10c: {  	[tilespmem:$0xCB8] =	vst v0  }
0x10d: {  	[tilespmem:$0xCC8] =	vst v0  }
0x10e: {  	[tilespmem:$0xCD8] =	vst v0  }
0x10f: {  	[tilespmem:$0xCE8] =	vst v0  }
0x110: {  	[tilespmem:$0xCF8] =	vst v0  }
0x111: {  	[tilespmem:$0xD08] =	vst v0  }
0x112: {  	[tilespmem:$0xD18] =	vst v0  }
0x113: {  	[tilespmem:$0xD28] =	vst v0  }
0x114: {  	[tilespmem:$0xD38] =	vst v0  }
0x115: {  	[tilespmem:$0xD48] =	vst v0  }
0x116: {  	[tilespmem:$0xD58] =	vst v0  }
0x117: {  	[tilespmem:$0xD68] =	vst v0  }
0x118: {  	[tilespmem:$0xD78] =	vst v0  }
0x119: {  	[tilespmem:$0xD88] =	vst v0  }
0x11a: {  	[tilespmem:$0xD98] =	vst v0  }
0x11b: {  	[tilespmem:$0xDA8] =	vst v0  }
0x11c: {  	[tilespmem:$0xDB8] =	vst v0  }
0x11d: {  	[tilespmem:$0xDC8] =	vst v0  }
0x11e: {  	[tilespmem:$0xDD8] =	vst v0  }
0x11f: {  	[tilespmem:$0xDE8] =	vst v0  }
0x120: {  	[tilespmem:$0xDF8] =	vst v0  }
0x121: {  	[tilespmem:$0xE08] =	vst v0  }
0x122: {  	[tilespmem:$0xE18] =	vst v0  }
0x123: {  	[tilespmem:$0xE28] =	vst v0  }
0x124: {  	[tilespmem:$0xE38] =	vst v0  }
0x125: {  	[tilespmem:$0xE48] =	vst v0  }
0x126: {  	[tilespmem:$0xE58] =	vst v0  }
0x127: {  	[tilespmem:$0xE68] =	vst v0  }
0x128: {  	[tilespmem:$0xE78] =	vst v0  }
0x129: {  	[tilespmem:$0xE88] =	vst v0  }
0x12a: {  	[tilespmem:$0xE98] =	vst v0  }
0x12b: {  	[tilespmem:$0xEA8] =	vst v0  }
0x12c: {  	[tilespmem:$0xEB8] =	vst v0  }
0x12d: {  	[tilespmem:$0xEC8] =	vst v0  }
0x12e: {  	[tilespmem:$0xED8] =	vst v0  }
0x12f: {  	[tilespmem:$0xEE8] =	vst v0  }
0x130: {  	[tilespmem:$0xEF8] =	vst v0  }
0x131: {  	[tilespmem:$0xF08] =	vst v0  }
0x132: {  	[tilespmem:$0xF18] =	vst v0  }
0x133: {  	[tilespmem:$0xF28] =	vst v0  }
0x134: {  	[tilespmem:$0xF38] =	vst v0  }
0x135: {  	[tilespmem:$0xF48] =	vst v0  }
0x136: {  	[tilespmem:$0xF58] =	vst v0  }
0x137: {  	[tilespmem:$0xF68] =	vst v0  }
0x138: {  	[tilespmem:$0xF78] =	vst v0  }
0x139: {  	[tilespmem:$0xF88] =	vst v0  }
0x13a: {  	[tilespmem:$0xF98] =	vst v0  }
0x13b: {  	[tilespmem:$0xFA8] =	vst v0  }
0x13c: {  	[tilespmem:$0xFB8] =	vst v0  }
0x13d: {  	[tilespmem:$0xFC8] =	vst v0  }
0x13e: {  	[tilespmem:$0xFD8] =	vst v0  }
0x13f: {  	[tilespmem:$0xFE8] =	vst v0  }
0x140: {  	[tilespmem:$0xFF8] =	vst v0  }
0x141: {  	[tilespmem:$0x1018] =	vst v0  }
0x142: {  	[tilespmem:$0x10D8] =	vst v0  }
0x143: {  	[tilespmem:$0x1B28] =	vst v0  }
0x144: {  	[tilespmem:$0x1B18] =	vst v0  }
0x145: {  	[tilespmem:$0x1B08] =	vst v0  }
0x146: {  	[tilespmem:$0x1AF8] =	vst v0  }
0x147: {  	[tilespmem:$0x1AE8] =	vst v0  }
0x148: {  	[tilespmem:$0x1AD8] =	vst v0  }
0x149: {  	[tilespmem:$0x1AC8] =	vst v0  }
0x14a: {  	[tilespmem:$0x1AB8] =	vst v0  }
0x14b: {  	[tilespmem:$0x1AA8] =	vst v0  }
0x14c: {  	[tilespmem:$0x1A98] =	vst v0  }
0x14d: {  	[tilespmem:$0x1A88] =	vst v0  }
0x14e: {  	[tilespmem:$0x1A78] =	vst v0  }
0x14f: {  	[tilespmem:$0x1A68] =	vst v0  }
0x150: {  	[tilespmem:$0x1A58] =	vst v0  }
0x151: {  	[tilespmem:$0x1A48] =	vst v0  }
0x152: {  	[tilespmem:$0x1A38] =	vst v0  }
0x153: {  	[tilespmem:$0x1A28] =	vst v0  }
0x154: {  	[tilespmem:$0x1A18] =	vst v0  }
0x155: {  	[tilespmem:$0x1A08] =	vst v0  }
0x156: {  	[tilespmem:$0x19F8] =	vst v0  }
0x157: {  	[tilespmem:$0x19E8] =	vst v0  }
0x158: {  	[tilespmem:$0x19D8] =	vst v0  }
0x159: {  	[tilespmem:$0x19C8] =	vst v0  }
0x15a: {  	[tilespmem:$0x19B8] =	vst v0  }
0x15b: {  	[tilespmem:$0x19A8] =	vst v0  }
0x15c: {  	[tilespmem:$0x1998] =	vst v0  }
0x15d: {  	[tilespmem:$0x1988] =	vst v0  }
0x15e: {  	[tilespmem:$0x1978] =	vst v0  }
0x15f: {  	[tilespmem:$0x1968] =	vst v0  }
0x160: {  	[tilespmem:$0x1958] =	vst v0  }
0x161: {  	[tilespmem:$0x1948] =	vst v0  }
0x162: {  	[tilespmem:$0x1938] =	vst v0  }
0x163: {  	[tilespmem:$0x1928] =	vst v0  }
0x164: {  	[tilespmem:$0x1918] =	vst v0  }
0x165: {  	[tilespmem:$0x1908] =	vst v0  }
0x166: {  	[tilespmem:$0x18F8] =	vst v0  }
0x167: {  	[tilespmem:$0x18E8] =	vst v0  }
0x168: {  	[tilespmem:$0x18D8] =	vst v0  }
0x169: {  	[tilespmem:$0x18C8] =	vst v0  }
0x16a: {  	[tilespmem:$0x18B8] =	vst v0  }
0x16b: {  	[tilespmem:$0x18A8] =	vst v0  }
0x16c: {  	[tilespmem:$0x1898] =	vst v0  }
0x16d: {  	[tilespmem:$0x1888] =	vst v0  }
0x16e: {  	[tilespmem:$0x1878] =	vst v0  }
0x16f: {  	[tilespmem:$0x1868] =	vst v0  }
0x170: {  	[tilespmem:$0x1858] =	vst v0  }
0x171: {  	[tilespmem:$0x1848] =	vst v0  }
0x172: {  	[tilespmem:$0x1838] =	vst v0  }
0x173: {  	[tilespmem:$0x1828] =	vst v0  }
0x174: {  	[tilespmem:$0x1818] =	vst v0  }
0x175: {  	[tilespmem:$0x1808] =	vst v0  }
0x176: {  	[tilespmem:$0x17F8] =	vst v0  }
0x177: {  	[tilespmem:$0x17E8] =	vst v0  }
0x178: {  	[tilespmem:$0x17D8] =	vst v0  }
0x179: {  	[tilespmem:$0x17C8] =	vst v0  }
0x17a: {  	[tilespmem:$0x17B8] =	vst v0  }
0x17b: {  	[tilespmem:$0x17A8] =	vst v0  }
0x17c: {  	[tilespmem:$0x1798] =	vst v0  }
0x17d: {  	[tilespmem:$0x1788] =	vst v0  }
0x17e: {  	[tilespmem:$0x1778] =	vst v0  }
0x17f: {  	[tilespmem:$0x1768] =	vst v0  }
0x180: {  	[tilespmem:$0x1758] =	vst v0  }
0x181: {  	[tilespmem:$0x1748] =	vst v0  }
0x182: {  	[tilespmem:$0x1738] =	vst v0  }
0x183: {  	[tilespmem:$0x1728] =	vst v0  }
0x184: {  	[tilespmem:$0x1718] =	vst v0  }
0x185: {  	[tilespmem:$0x1708] =	vst v0  }
0x186: {  	[tilespmem:$0x16F8] =	vst v0  }
0x187: {  	[tilespmem:$0x16E8] =	vst v0  }
0x188: {  	[tilespmem:$0x16D8] =	vst v0  }
0x189: {  	[tilespmem:$0x16C8] =	vst v0  }
0x18a: {  	[tilespmem:$0x16B8] =	vst v0  }
0x18b: {  	[tilespmem:$0x16A8] =	vst v0  }
0x18c: {  	[tilespmem:$0x1698] =	vst v0  }
0x18d: {  	[tilespmem:$0x1688] =	vst v0  }
0x18e: {  	[tilespmem:$0x1678] =	vst v0  }
0x18f: {  	[tilespmem:$0x1668] =	vst v0  }
0x190: {  	[tilespmem:$0x1658] =	vst v0  }
0x191: {  	[tilespmem:$0x1648] =	vst v0  }
0x192: {  	[tilespmem:$0x1638] =	vst v0  }
0x193: {  	[tilespmem:$0x1628] =	vst v0  }
0x194: {  	[tilespmem:$0x1618] =	vst v0  }
0x195: {  	[tilespmem:$0x1608] =	vst v0  }
0x196: {  	[tilespmem:$0x15F8] =	vst v0  }
0x197: {  	[tilespmem:$0x15E8] =	vst v0  }
0x198: {  	[tilespmem:$0x15D8] =	vst v0  }
0x199: {  	[tilespmem:$0x15C8] =	vst v0  }
0x19a: {  	[tilespmem:$0x15B8] =	vst v0  }
0x19b: {  	[tilespmem:$0x15A8] =	vst v0  }
0x19c: {  	[tilespmem:$0x1598] =	vst v0  }
0x19d: {  	[tilespmem:$0x1588] =	vst v0  }
0x19e: {  	[tilespmem:$0x1578] =	vst v0  }
0x19f: {  	[tilespmem:$0x1568] =	vst v0  }
0x1a0: {  	[tilespmem:$0x1558] =	vst v0  }
0x1a1: {  	[tilespmem:$0x1548] =	vst v0  }
0x1a2: {  	[tilespmem:$0x1538] =	vst v0  }
0x1a3: {  	[tilespmem:$0x1528] =	vst v0  }
0x1a4: {  	[tilespmem:$0x1518] =	vst v0  }
0x1a5: {  	[tilespmem:$0x1508] =	vst v0  }
0x1a6: {  	[tilespmem:$0x14F8] =	vst v0  }
0x1a7: {  	[tilespmem:$0x14E8] =	vst v0  }
0x1a8: {  	[tilespmem:$0x14D8] =	vst v0  }
0x1a9: {  	[tilespmem:$0x14C8] =	vst v0  }
0x1aa: {  	[tilespmem:$0x14B8] =	vst v0  }
0x1ab: {  	[tilespmem:$0x14A8] =	vst v0  }
0x1ac: {  	[tilespmem:$0x1498] =	vst v0  }
0x1ad: {  	[tilespmem:$0x1488] =	vst v0  }
0x1ae: {  	[tilespmem:$0x1478] =	vst v0  }
0x1af: {  	[tilespmem:$0x1468] =	vst v0  }
0x1b0: {  	[tilespmem:$0x1458] =	vst v0  }
0x1b1: {  	[tilespmem:$0x1448] =	vst v0  }
0x1b2: {  	[tilespmem:$0x1438] =	vst v0  }
0x1b3: {  	[tilespmem:$0x1428] =	vst v0  }
0x1b4: {  	[tilespmem:$0x1418] =	vst v0  }
0x1b5: {  	[tilespmem:$0x1408] =	vst v0  }
0x1b6: {  	[tilespmem:$0x13F8] =	vst v0  }
0x1b7: {  	[tilespmem:$0x13E8] =	vst v0  }
0x1b8: {  	[tilespmem:$0x13D8] =	vst v0  }
0x1b9: {  	[tilespmem:$0x13C8] =	vst v0  }
0x1ba: {  	[tilespmem:$0x13B8] =	vst v0  }
0x1bb: {  	[tilespmem:$0x13A8] =	vst v0  }
0x1bc: {  	[tilespmem:$0x1398] =	vst v0  }
0x1bd: {  	[tilespmem:$0x1388] =	vst v0  }
0x1be: {  	[tilespmem:$0x1378] =	vst v0  }
0x1bf: {  	[tilespmem:$0x1368] =	vst v0  }
0x1c0: {  	[tilespmem:$0x1358] =	vst v0  }
0x1c1: {  	[tilespmem:$0x1348] =	vst v0  }
0x1c2: {  	[tilespmem:$0x1338] =	vst v0  }
0x1c3: {  	[tilespmem:$0x1328] =	vst v0  }
0x1c4: {  	[tilespmem:$0x1318] =	vst v0  }
0x1c5: {  	[tilespmem:$0x1308] =	vst v0  }
0x1c6: {  	[tilespmem:$0x12F8] =	vst v0  }
0x1c7: {  	[tilespmem:$0x12E8] =	vst v0  }
0x1c8: {  	[tilespmem:$0x12D8] =	vst v0  }
0x1c9: {  	[tilespmem:$0x12C8] =	vst v0  }
0x1ca: {  	[tilespmem:$0x12B8] =	vst v0  }
0x1cb: {  	[tilespmem:$0x12A8] =	vst v0  }
0x1cc: {  	[tilespmem:$0x1298] =	vst v0  }
0x1cd: {  	[tilespmem:$0x1288] =	vst v0  }
0x1ce: {  	[tilespmem:$0x1278] =	vst v0  }
0x1cf: {  	[tilespmem:$0x1268] =	vst v0  }
0x1d0: {  	[tilespmem:$0x1258] =	vst v0  }
0x1d1: {  	[tilespmem:$0x1248] =	vst v0  }
0x1d2: {  	[tilespmem:$0x1238] =	vst v0  }
0x1d3: {  	[tilespmem:$0x1228] =	vst v0  }
0x1d4: {  	[tilespmem:$0x1218] =	vst v0  }
0x1d5: {  	[tilespmem:$0x1208] =	vst v0  }
0x1d6: {  	[tilespmem:$0x11F8] =	vst v0  }
0x1d7: {  	[tilespmem:$0x11E8] =	vst v0  }
0x1d8: {  	[tilespmem:$0x11D8] =	vst v0  }
0x1d9: {  	[tilespmem:$0x11C8] =	vst v0  }
0x1da: {  	[tilespmem:$0x11B8] =	vst v0  }
0x1db: {  	[tilespmem:$0x11A8] =	vst v0  }
0x1dc: {  	[tilespmem:$0x1198] =	vst v0  }
0x1dd: {  	[tilespmem:$0x1188] =	vst v0  }
0x1de: {  	[tilespmem:$0x1178] =	vst v0  }
0x1df: {  	[tilespmem:$0x1168] =	vst v0  }
0x1e0: {  	[tilespmem:$0x1158] =	vst v0  }
0x1e1: {  	[tilespmem:$0x1148] =	vst v0  }
0x1e2: {  	[tilespmem:$0x1138] =	vst v0  }
0x1e3: {  	[tilespmem:$0x1128] =	vst v0  }
0x1e4: {  	s2 =	stileid.u32;
	[tilespmem:$0x1118] =	vst v0  }
0x1e5: {  	s0 =	smin.u32 s2, $0x8;
	[tilespmem:$0x1108] =	vst v0  }
0x1e6: {  	[tilespmem:$0x10F8] =	vst v0;
	s0 =	sadd.s32 s2, s0  }
0x1e7: {  	s1 =	simm.s32 $0x360;
	p0 =	slt.u32 s2, $0x8;
	[tilespmem:$0x10E8] =	vst v0;
	s3 =	smul.u32 $0x1B0, s0  }
0x1e8: {  	s1 =	simm.s32 @!p0 $0x1B0;
	[tilespmem:$0x10C8] =	vst v0  }
0x1e9: {  	[tilespmem:$0x1038] =	vst v0;
	s0 =	sadd.s32 s1, s3  }
0x1ea: {  	[tilespmem:$0x10B8] =	vst v0;
	s4 =	smin.u32 s0, $0x2710  }
0x1eb: {  	[tilespmem:$0x10A8] =	vst v0;
	s0 =	ssub.s32 s4, s3  }
0x1ec: {  	[tilespmem:$0x1098] =	vst v0;
	p0 =	sgt.s32 s0, $0x0  }
0x1ed: {  	[tilespmem:$0x1088] =	vst v0;
	s0 =	simm.s32 @!p0 $0x0  }
0x1ee: {  	s5 =	simm.s32 $0x2;
	s29 =	simm.s32 $0x7;
	[tilespmem:$0x1078] =	vst v0;
	s28 =	sand.u32 $0xFFF0, s0  }
0x1ef: {  	s13 =	simm.s32 $0x8;
	s30 =	simm.s32 $0x9;
	[tilespmem:$0x1068] =	vst v0;
	s1 =	sshrl.u32 s28, $0x4  }
0x1f0: {  	p4 =	por $0x0, $0x0;
	s14 =	simm.s32 $0xA;
	[tilespmem:$0x1058] =	vst v0;
	s6 =	smul.u32 $0x12F7, s1  }
0x1f1: {  	s18 =	simm.s32 $0x0;
	s15 =	simm.s32 $0x0;
	s17 =	simm.s32 $0x0;
	[tilespmem:$0x1048] =	vst v0  }
0x1f2: {  	s7 =	sadd.s32 $0x50A00, s8;
	s31 =	sshll.u32 s2, $0x5;
	[tilespmem:$0x1028] =	vst v0;
	s12 =	sshrl.u32 s6, $0x11  }
0x1f3: {  	[tilespmem:$0x1008] =	vst v0;
	[sflag:s5] =	ssyncpa.u1 $0x0;
	v0 =	vimm.s32 $0xFFFFFFFF;
	s5 =	sadd.s32 $0x1A00, s8;
	s10 =	smul.u32 $0x1B0, s12  }
.Ltmp5:
0x1f4: {  	[dreg:$0x2] =	wrdreg s31;
	[tilespmem:$0x3648] =	vst v0;
	[sflag:s29] =	ssyncpa.u1 $0x0;
	(pc) =	sbr.rel .LBB3_1-.Ltmp5, $4  }
0x1f5: {  	[sflag:s13] =	ssyncpa.u1 $0x0;
	s13 =	simm.s32 $0x0;
	p0 =	sne.s32 s0, s10  }
0x1f6: {  	[sflag:s30] =	ssyncpa.u1 $0x0;
	s16 =	smov.u32 s3;
	s11 =	simm.s32 @!p0 $0x0  }
0x1f7: {  	[dreg:$0x3] =	wrdreg s3;
	s1 =	sadd.s32 $0x800, s8;
	s11 =	sadd.s32 s12, s11  }
0x1f8: {  	v0 =	vlaneseq.u32;
	s6 =	sadd.s32 $0x1400, s8;
	p0 =	por $0x1, $0x1;
	s8 =	sadd.s32 $0x1, s11  }
.LBB3_18:
0x1f9: {  	s0 =	simm.s32 $0x2  }
0x1fa: {  	_ =	swait.ge [sflag:s0], $0x0  }
0x1fb: {  	[sflag:s0] =	ssyncset.done $0x0;
	s0 =	simm.s32 $0x0  }
.LBB3_19:
0x1fc: {  	_ =	swait.ge [sflag:s14], s0  }
0x1fd: {  	s31 =	ssub.s32 $0x0, s0;
	v1 =	vmov s20;
	vm0 =	veq.s32 v0, $0x0;
	[sflag:s14] =	ssyncset.done $0x0  }
0x1fe: {  	vm15 =	veq.s32 v0, $0x2;
	v1 =	vsel vm0, s25, v1;
	[sflag:s14] =	ssyncadd.s32 s31  }
0x1ff: {  	v1 =	vsel vm15, s18, v1;
	[sflag:s14] =	ssyncpa.u1 $0x1  }
0x200: {  	[tilespmem:$0x3648] =	vst v1  }
.LBB3_20:
0x201: {  	s0 =	sadd.s32 $0x1B0, s16  }
0x202: {  	s2 =	smov.u32 s3;
	p1 =	slt.s32 s0, s4  }
0x203: {  	s2 =	smov.u32 @p1 s0;
	p1 =	sne.s32 s17, s8  }
.Ltmp6:
0x204: {  	_ = 	snop;
	(pc) =	sbr.rel @!p1 .LBB3_21-.Ltmp6, $4  }
0x205: {  	_ = 	snop  }
0x206: {  	s18 =	smov.u32 s15  }
0x207: {  	s31 =	sadd.s32 $0x1, s17;
	s15 =	smov.u32 s16;
	p0 =	por !p0, !p0  }
0x208: {  	p4 =	por !p4, !p4;
	s17 =	smov.u32 s31;
	s16 =	smov.u32 s2  }
.LBB3_1:
0x209: {  	p2 =	sge.u32 s17, s11  }
0x20a: {  	s0 =	smulhi.u32 @!p2 $0xAAAAAAAB, s17  }
0x20b: {  	s19 =	smov.u32 s16;
	p3 =	sgt.s32 @!p2 s16, $0x2560  }
0x20c: {  	s20 =	sshra.s32 @!p2 s16, $0x1F;
	p3 =	por !p3, p2;
	s0 =	sshrl.u32 @!p2 s0, $0x1  }
0x20d: {  	s20 =	sand.u32 @!p2 s20, s16;
	s19 =	simm.s32 @p3 $0x2560;
	s0 =	smul.u32 @!p2 $0x3, s0  }
0x20e: {  	s19 =	ssub.s32 @!p2 s19, s20  }
0x20f: {  	s19 =	sadd.s32 @!p2 $0xFFFFDAA0, s19;
	s0 =	ssub.s32 @!p2 s17, s0  }
0x210: {  	s20 =	sshll.u32 @!p2 s19, $0x2;
	p3 =	sgt.s32 @!p2 s19, $0x1AF;
	s0 =	smul.u32 @!p2 $0x6C0, s0  }
0x211: {  	s21 =	sand.u32 @!p2 $0x7, s16;
	s19 =	ssub.s32 @!p2 $0x6C0, s20;
	p3 =	por !p3, p2  }
0x212: {  	s20 =	sshrl.u32 @!p2 s16, $0x3;
	s19 =	sshrl.u32 @!p2 s19, $0x2;
	s0 =	sshrl.u32 @!p2 s0, $0x2  }
0x213: {  	s20 =	sadd.s32 @!p2 s5, s20;
	s19 =	simm.s32 @!p3 $0x0;
	s0 =	sadd.s32 @!p2 $0x3878, s0  }
0x214: {  	[tilespmem:s0], [sflag:$0x8] =	stream.linear.gather @!p2 [hbm4b:s20+s21], s19, $0x38;
	[tilespmem:$0x1F0E8] =	vst v63  }
0x215: {  	s20 =	sadd.s32 $0xFFFFFFFF, s17  }
0x216: {  	p2 =	sge.u32 s20, s11  }
0x217: {  	p3 =	sgt.s32 @!p2 s15, $0x2560  }
0x218: {  	s0 =	smov.u32 s15;
	s19 =	sshra.s32 @!p2 s15, $0x1F;
	p3 =	por !p3, p2  }
0x219: {  	s19 =	sand.u32 @!p2 s19, s15;
	s0 =	simm.s32 @p3 $0x2560  }
0x21a: {  	s0 =	ssub.s32 @!p2 s0, s19  }
0x21b: {  	s0 =	sadd.s32 @!p2 $0xFFFFDAA0, s0  }
0x21c: {  	s19 =	sshll.u32 @!p2 s0, $0x2  }
0x21d: {  	p3 =	sgt.s32 @!p2 s0, $0x1AF;
	s0 =	ssub.s32 @!p2 $0x6C0, s19  }
0x21e: {  	p3 =	por !p3, p2;
	s0 =	sshrl.u32 @!p2 s0, $0x2  }
0x21f: {  	s21 =	simm.s32 @!p2 $0x8;
	s19 =	sand.u32 @!p2 $0x1, s20;
	s0 =	simm.s32 @!p3 $0x0  }
0x220: {  	s19 =	smul.u32 @!p2 $0x6C0, s19;
	_ =	swait.ge @!p2 [sflag:s21], s0  }
0x221: {  	s22 =	ssub.s32 @!p2 $0x0, s0;
	[sflag:s21] =	ssyncset.done @!p2 $0x0  }
0x222: {  	s19 =	sshrl.u32 @!p2 s19, $0x2;
	[sflag:s21] =	ssyncadd.s32 @!p2 s22;
	s21 =	sshrl.u32 @!p2 s15, $0x3  }
0x223: {  	s19 =	sadd.s32 @!p2 $0x3D88, s19;
	s22 =	sand.u32 @!p2 $0x7, s15;
	s21 =	sadd.s32 @!p2 s6, s21  }
0x224: {  	[tilespmem:s19], [sflag:$0x9] =	stream.linear.gather @!p2 [hbm4b:s21+s22], s0, $0x38;
	[tilespmem:$0x1F0E8] =	vst v63  }
0x225: {  	s19 =	ssub.s32 @!p2 $0x2710, s15  }
0x226: {  	p3 =	slt.s32 @!p2 s19, $0x1  }
0x227: {  	p3 =	por p2, p3  }
.Ltmp7:
0x228: {  	_ = 	snop;
	(pc) =	sbr.rel @p3 .LBB3_7-.Ltmp7, $1  }
0x229: {  	_ =	sdelay $0x3  }
0x22a: {  	s0 =	smulhi.u32 $0xAAAAAAAB, s20;
	_ =	sdelay $0x1  }
0x22b: {  	s0 =	sshrl.u32 s0, $0x1  }
0x22c: {  	s0 =	smul.u32 $0x3, s0;
	_ =	sdelay $0x1  }
0x22d: {  	s0 =	ssub.s32 s20, s0  }
0x22e: {  	s21 =	simm.s32 $0x1;
	s0 =	smul.u32 $0x6C0, s0  }
.Ltmp8:
0x22f: {  	s21 =	simm.s32 @!p0 $0x0;
	(pc) =	sbr.rel .LBB3_4-.Ltmp8, $4  }
0x230: {  	s31 =	smul.u32 $0x36000, s21  }
0x231: {  	p3 =	slt.s32 @!p2 s19, $0x1B0;
	s0 =	sshrl.u32 s0, $0x2  }
0x232: {  	p2 =	por !p3, p2;
	s20 =	sshrl.u32 s31, $0x2;
	s0 =	sadd.s32 $0x3878, s0  }
0x233: {  	s19 =	simm.s32 @p2 $0x1B0;
	s21 =	simm.s32 $0x0;
	s20 =	sadd.s32 $0x40E8, s20;
	v1 =	vmov s0  }
.LBB3_3:
0x234: {  	p2 =	sge.s32 s21, s19  }
.Ltmp9:
0x235: {  	_ = 	snop;
	(pc) =	sbr.rel @p2 .LBB3_7-.Ltmp9, $2  }
0x236: {  	_ =	sdelay $0x2  }
0x237: {  	s20 =	sadd.s32 $0x800, s20  }
.LBB3_4:
0x238: {  	p2 =	sle.s32 s19, s21  }
.Ltmp10:
0x239: {  	_ = 	snop;
	(pc) =	sbr.rel @p2 .LBB3_3-.Ltmp10, $2  }
0x23a: {  	_ =	sdelay $0x2  }
0x23b: {  	s22 =	smov.u32 s21;
	s21 =	sadd.s32 $0x10, s21  }
0x23c: {  	s0 =	ssub.s32 s19, s22  }
0x23d: {  	p2 =	slt.s32 s0, $0x10  }
0x23e: {  	s0 =	simm.s32 @!p2 $0x10  }
0x23f: {  	v2 =	vmov s0  }
0x240: {  	vm0 =	vgt.s32 v2, v0;
	_ =	sdelay $0x5  }
0x241: {  	v2 =	vld.idx.msk [tilespmem:v1+s22+$0x0 ss:$0x1], vm0;
	_ =	sdelay $0x2  }
0x242: {  	s23 =	smov.u32 s19;
	p2 =	slt.s32 s21, s19  }
0x243: {  	s24 =	smov.u32 s20;
	s25 =	simm.s32 $0x0;
	s23 =	smov.u32 @p2 s21  }
.LBB3_6:
0x244: {  	(v2sf) =	vpush v2, s25;
	_ =	sdelay $0xc  }
0x245: {  	s25 =	sadd.s32 $0x1, s25  }
0x246: {  	s31 =	sadd.s32 s25, s22  }
0x247: {  	p2 =	slt.s32 s31, s23;
	s0 =	spop (v2sf)  }
.Ltmp11:
0x248: {  	s0 =	sshll.u32 s0, $0x4;
	(pc) =	sbr.rel @p2 .LBB3_6-.Ltmp11, $4  }
0x249: {  	s0 =	sand.u32 $0x1FFFFFF0, s0  }
0x24a: {  	s0 =	sadd.s32 s7, s0  }
0x24b: {  	[tilespmem:s24], [sflag:$0x7] =	stream.linear.gather [hbm4b:s0+s13], $0x3, $0x38;
	[tilespmem:$0x1F0E8] =	vst v63  }
0x24c: {  	s24 =	sadd.s32 $0x80, s24  }
.Ltmp12:
0x24d: {  	_ = 	snop;
	(pc) =	sbr.rel .LBB3_3-.Ltmp12, $1  }
0x24e: {  	_ =	sdelay $0x3  }
.LBB3_7:
0x24f: {  	p2 =	slt.u32 s17, $0x2  }
.Ltmp13:
0x250: {  	_ = 	snop;
	(pc) =	sbr.rel @p2 .LBB3_20-.Ltmp13, $1  }
0x251: {  	_ =	sdelay $0x3  }
0x252: {  	s0 =	ssub.s32 $0x2710, s18;
	p2 =	sgt.s32 s18, $0x2560;
	s19 =	smov.u32 s18  }
0x253: {  	s20 =	sshra.s32 s18, $0x1F;
	p3 =	slt.s32 s0, $0x1B0;
	s21 =	smov.u32 s0  }
0x254: {  	s19 =	simm.s32 @!p2 $0x2560;
	s20 =	sand.u32 s20, s18;
	s21 =	simm.s32 @!p3 $0x1B0  }
0x255: {  	s19 =	ssub.s32 s19, s20;
	s25 =	smul.u32 $0xC, s21  }
0x256: {  	s19 =	sadd.s32 $0xFFFFDAA0, s19  }
0x257: {  	s2 =	simm.s32 $0x7;
	s26 =	sshll.u32 s19, $0x2;
	s20 =	sshrl.u32 s25, $0x2  }
0x258: {  	p2 =	sgt.s32 s19, $0x1AF;
	s28 =	ssub.s32 $0x6C0, s26;
	_ =	swait.ge [sflag:s2], s20  }
0x259: {  	s20 =	ssub.s32 $0x0, s20;
	s19 =	sshrl.u32 s28, $0x2;
	[sflag:s2] =	ssyncset.done $0x0  }
0x25a: {  	s29 =	simm.s32 $0x9;
	s19 =	simm.s32 @p2 $0x0;
	[sflag:s2] =	ssyncadd.s32 s20  }
0x25b: {  	_ =	swait.ge [sflag:s29], s19  }
0x25c: {  	s19 =	ssub.s32 $0x0, s19;
	[sflag:s29] =	ssyncset.done $0x0  }
0x25d: {  	[sflag:s29] =	ssyncadd.s32 s19  }
0x25e: {  	v1 =	vld [tilespmem:$0x3648];
	_ =	sdelay $0x4  }
0x25f: {  	(v2sf) =	vpush v1, $0x0  }
0x260: {  	(v2sf) =	vpush v1, $0x1  }
0x261: {  	(v2sf) =	vpush v1, $0x2;
	_ =	sdelay $0x3  }
0x262: {  	s19 =	sadd.s32 $0x1B0, s18  }
0x263: {  	p2 =	slt.s32 s4, s19  }
0x264: {  	s19 =	smov.u32 @p2 s4;
	p2 =	sgt.s32 s0, $0x0  }
0x265: {  	s23 =	ssub.s32 s19, s18;
	s0 =	simm.s32 @!p2 $0x0  }
0x266: {  	p2 =	slt.s32 s0, s23  }
0x267: {  	s23 =	smov.u32 @p2 s0  }
0x268: {  	s21 =	simm.s32 $0x1;
	p2 =	slt.s32 s23, $0x1  }
.Ltmp14:
0x269: {  	s21 =	simm.s32 @!p4 $0x0;
	(pc) =	sbr.rel @p2 .LBB3_12-.Ltmp14, $4  }
0x26a: {  	s30 =	smul.u32 $0x6C0, s21  }
0x26b: {  	s22 =	spop (v2sf)  }
0x26c: {  	s31 =	sshrl.u32 s30, $0x2;
	s24 =	spop (v2sf)  }
0x26d: {  	s19 =	sadd.s32 $0x3D88, s31;
	s18 =	spop (v2sf)  }
0x26e: {  	s0 =	smin.u32 s23, $0x10  }
0x26f: {  	v1 =	vmov s0  }
0x270: {  	p3 =	sgt.s32 s23, $0x10;
	vm1 =	vgt.u32 v1, v0  }
.Ltmp15:
0x271: {  	_ = 	snop;
	(pc) =	sbr.rel @!p3 .LBB3_11-.Ltmp15, $2  }
0x272: {  	_ =	sdelay $0x2  }
0x273: {  	s25 =	simm.s32 $0x10;
	s26 =	sadd.s32 $0xFFFFFFF0, s23;
	s20 =	smov.u32 s19;
	vm0 =	vmmov vm1  }
.LBB3_10:
0x274: {  	s0 =	smin.u32 s26, $0x10;
	s25 =	sadd.s32 $0x10, s25;
	v1 =	vld.msk [tilespmem:s20+$0x0 ss:$0x1], vm1  }
0x275: {  	v2 =	vmov s0;
	p3 =	slt.s32 s25, s23  }
0x276: {  	vm1 =	vgt.u32 v2, v0  }
.Ltmp16:
0x277: {  	(pc) =	sbr.rel @p3 .LBB3_10-.Ltmp16, $3  }
0x278: {  	_ =	sdelay $0x1  }
0x279: {  	v1 =	vshll.u32 v1, $0x4  }
0x27a: {  	s26 =	sadd.s32 $0xFFFFFFF0, s26;
	[tilespmem:s20+$0x0] =	vst.msk vm0, v1;
	s20 =	sadd.s32 $0x10, s20;
	vm0 =	vmmov vm1  }
.LBB3_11:
0x27b: {  	_ =	sdelay $0x4  }
0x27c: {  	v1 =	vld.msk [tilespmem:s20+$0x0 ss:$0x1], vm1;
	_ =	sdelay $0x4  }
0x27d: {  	v1 =	vshll.u32 v1, $0x4  }
0x27e: {  	[tilespmem:s20+$0x0] =	vst.msk vm0, v1  }
.LBB3_12:
0x27f: {  	s0 =	sand.u32 $0x1, s17  }
0x280: {  	s0 =	smul.u32 $0x1B0, s0  }
0x281: {  	p3 =	sne.s32 s24, $0xFFFFFFFF  }
0x282: {  	v1 =	vld.msk @!p3 [tilespmem:s0+$0x3D88], $0x1;
	_ =	sdelay $0x4  }
0x283: {  	(v2sf) =	vpush @!p3 v1, $0x0;
	_ =	sdelay $0xc  }
.Ltmp17:
0x284: {  	_ = 	snop;
	(pc) =	sbr.rel @p2 .LBB3_18-.Ltmp17, $4  }
0x285: {  	_ = 	snop  }
0x286: {  	s25 =	spop @!p3 (v2sf)  }
0x287: {  	s18 =	simm.s32 @!p3 $0x0;
	s20 =	smov.u32 s25  }
0x288: {  	[sflag:s14] =	ssyncpa.u1 $0x0;
	s25 =	smov.u32 @p3 s22;
	s20 =	smov.u32 @p3 s24  }
0x289: {  	v1 =	vld.msk [tilespmem:s19+$0x0], $0x1;
	_ =	sdelay $0x4  }
0x28a: {  	(v2sf) =	vpush v1, $0x0;
	_ =	sdelay $0xe  }
0x28b: {  	s0 =	simm.s32 @!p4 $0x0;
	s26 =	smul.u32 $0x36000, s21;
	s28 =	spop (v2sf)  }
0x28c: {  	s24 =	sadd.s32 $0xFFFFFFFF, s23;
	s0 =	simm.s32 @p4 $0x1;
	p2 =	seq.s32 s25, s28  }
0x28d: {  	[smem:$0x7FD] =	sst s0;
	s0 =	sshrl.u32 s26, $0x2;
	p3 =	sgt.s32 @!p2 s25, $0x0  }
0x28e: {  	s21 =	sadd.s32 $0x40E8, s0;
	s0 =	smov.u32 s25;
	p3 =	por !p3, p2  }
0x28f: {  	s0 =	simm.s32 @p3 $0x0;
	p3 =	sne.s32 s24, $0x0  }
.Ltmp18:
0x290: {  	_ = 	snop;
	(pc) =	sbr.rel @!p3 .LBB3_15-.Ltmp18, $4  }
0x291: {  	s3 =	smov.u32 s8;
	s12 =	smov.u32 s5;
	s8 =	smov.u32 s6  }
0x292: {  	s22 =	simm.s32 $0x0;
	s29 =	simm.s32 @!p2 $0x1;
	s0 =	smin.u32 @!p2 s0, $0x3FF  }
0x293: {  	s30 =	simm.s32 @!p2 $0x1B38;
	s29 =	smov.u32 @p2 s22;
	s26 =	sand.u32 @!p2 $0x3F8, s0  }
0x294: {  	s31 =	sand.u32 @!p2 $0x7, s0;
	s0 =	sadd.s32 @!p2 s1, s26;
	s26 =	sadd.s32 $0x1, s19  }
.LBB3_14:
0x295: {  	s2 =	smov.u32 s29  }
0x296: {  	[tilespmem:s30], [sflag:$0x2] =	stream.linear.gather @!p2 [hbm4b:s0+s31], $0x3, $0x38;
	[tilespmem:$0x1F0E8] =	vst v63  }
0x297: {  	s24 =	sadd.s32 $0xFFFFFFFF, s24;
	s0 =	smov.u32 s28;
	v1 =	vld.msk [tilespmem:s26+$0x0], $0x1  }
0x298: {  	p3 =	sne.s32 s24, $0x0;
	_ =	sdelay $0x3  }
0x299: {  	(v2sf) =	vpush v1, $0x0;
	_ =	sdelay $0xe  }
0x29a: {  	s28 =	spop (v2sf)  }
0x29b: {  	p2 =	seq.s32 s0, s28  }
0x29c: {  	p4 =	sgt.s32 @!p2 s0, $0x0;
	s30 =	sshll.u32 @!p2 s29, $0x6;
	s29 =	sadd.s32 @!p2 $0x1, s29  }
.Ltmp19:
0x29d: {  	p4 =	por !p4, p2;
	s30 =	sshra.s32 @!p2 s30, $0x2;
	(pc) =	sbr.rel @p3 .LBB3_14-.Ltmp19, $4  }
0x29e: {  	s29 =	smov.u32 @p2 s2;
	s0 =	simm.s32 @p4 $0x0;
	s30 =	sadd.s32 @!p2 $0x1B38, s30  }
0x29f: {  	s0 =	smin.u32 @!p2 s0, $0x3FF  }
0x2a0: {  	s2 =	sand.u32 @!p2 $0x3F8, s0;
	s31 =	sand.u32 @!p2 $0x7, s0  }
0x2a1: {  	s26 =	sadd.s32 $0x1, s26;
	s0 =	sadd.s32 @!p2 s1, s2  }
.LBB3_15:
0x2a2: {  	s2 =	smul.u32 $0xC, s29  }
0x2a3: {  	[tilespmem:s30], [sflag:$0x2] =	stream.linear.gather @!p2 [hbm4b:s0+s31], $0x3, $0x38;
	[tilespmem:$0x1F0E8] =	vst v63  }
0x2a4: {  	s31 =	simm.s32 $0x2;
	s30 =	sshrl.u32 s2, $0x2  }
0x2a5: {  	_ =	swait.ge [sflag:s31], s30  }
0x2a6: {  	s0 =	ssub.s32 $0x0, s30;
	[sflag:s31] =	ssyncset.done $0x0  }
0x2a7: {  	[sflag:s31] =	ssyncadd.s32 s0  }
0x2a8: {  	v1 =	vld.msk [tilespmem:s19+$0x0], $0x1;
	_ =	sdelay $0x4  }
0x2a9: {  	(v2sf) =	vpush v1, $0x0;
	_ =	sdelay $0xe  }
0x2aa: {  	s24 =	spop (v2sf)  }
0x2ab: {  	p2 =	sne.s32 s25, s24  }
0x2ac: {  	p4 =	sne.s32 @p2 s25, s20  }
0x2ad: {  	p3 =	por !p4, !p2  }
0x2ae: {  	s0 =	simm.s32 @!p3 $0x0  }
0x2af: {  	v1 =	vld.msk @!p3 [tilespmem:s0+$0x1B38], $0x7  }
0x2b0: {  	p5 =	sgt.u32 @!p3 s25, $0x3FF  }
0x2b1: {  	s2 =	sshll.u32 @!p3 s18, $0x6;
	p6 =	por @p2 p5, !p4  }
0x2b2: {  	s2 =	sshra.s32 @!p3 s2, $0x2;
	p1 =	por p6, !p2;
	p6 =	por p4, !p2  }
0x2b3: {  	s26 =	sadd.s32 @!p3 $0x28, s2;
	s28 =	sand.u32 @!p1 $0x3F8, s25;
	s29 =	sshll.u32 @!p6 s18, $0x6  }
0x2b4: {  	s25 =	sand.u32 @!p1 $0x7, s25;
	[tilespmem:s2+$0x28] =	vst.add.f32.msk @!p3 $0x7, v1;
	s2 =	sadd.s32 @!p1 s1, s28;
	s28 =	sshra.s32 @!p6 s29, $0x2  }
0x2b5: {  	[hbm4b:s2+s25] =	stream.linear.scatter @!p1 [tilespmem:s26], [sflag:$0xA], $0x3, $0x38;
	[tilespmem:$0x1F0E8] =	vst v63  }
0x2b6: {  	s0 =	rddreg [dreg:$0x2];
	s2 =	sadd.s32 @!p6 $0x28, s28;
	s25 =	simm.s32 @!p6 $0x1  }
0x2b7: {  	[spmem:s0] =	stream.linear.scatter @!p6 [tilespmem:s2], [sflag:$0x1], $0x3, $0x38;
	[tilespmem:$0x1F0E8] =	vst v63  }
0x2b8: {  	s0 =	sadd.s32 @p2 $0x1, s18;
	_ =	swait.ge @!p6 [sflag:s25], $0x3  }
0x2b9: {  	s2 =	sshrl.u32 @p2 s0, $0x4;
	[sflag:s25] =	ssyncset.done @!p6 $0x0  }
0x2ba: {  	s2 =	smulhi.u32 @p2 $0x97B425F, s2;
	[sflag:s25] =	ssyncadd.s32 @!p6 $0xFFFFFFFD  }
0x2bb: {  	s23 =	sadd.s32 $0xFFFFFFFF, s23;
	v1 =	vld.msk @p2 [tilespmem:s21+$0x0], $0x7  }
0x2bc: {  	p1 =	por @p2 !p5, !p4;
	p4 =	sne.s32 s23, $0x0;
	s2 =	smul.u32 @p2 $0x1B0, s2  }
.Ltmp20:
0x2bd: {  	p1 =	por !p1, !p2;
	s25 =	simm.s32 @!p3 $0x0;
	(pc) =	sbr.rel @!p4 .LBB3_17-.Ltmp20, $4  }
0x2be: {  	s26 =	sshll.u32 @!p2 s18, $0x6;
	s25 =	simm.s32 @!p1 $0xC;
	s0 =	ssub.s32 @p2 s0, s2  }
0x2bf: {  	s26 =	sshra.s32 @!p2 s26, $0x2;
	s28 =	sadd.s32 @!p3 $0x0, s25;
	s29 =	sshll.u32 @p2 s0, $0x4  }
0x2c0: {  	s25 =	simm.s32 $0x0;
	s2 =	simm.s32 @p2 $0x1;
	s28 =	smov.u32 @p3 s22;
	[tilespmem:s29+$0x28] =	vst.msk @p2 $0x7, v1  }
0x2c1: {  	s18 =	smov.u32 @p2 s0;
	s25 =	smov.u32 @p2 s28;
	s22 =	smov.u32 @p2 s2;
	v1 =	vld.msk @!p2 [tilespmem:s21+$0x0], $0x7  }
.LBB3_16:
0x2c2: {  	_ =	sdelay $0x3  }
0x2c3: {  	s19 =	sadd.s32 $0x1, s19;
	[tilespmem:s26+$0x28] =	vst.add.f32.msk @!p2 $0x7, v1  }
0x2c4: {  	v1 =	vld.msk [tilespmem:s19+$0x0], $0x1;
	_ =	sdelay $0x4  }
0x2c5: {  	(v2sf) =	vpush v1, $0x0;
	_ =	sdelay $0xe  }
0x2c6: {  	s0 =	smov.u32 s24;
	s24 =	spop (v2sf)  }
0x2c7: {  	p2 =	sne.s32 s0, s24  }
0x2c8: {  	p5 =	sne.s32 @p2 s0, s20  }
0x2c9: {  	p4 =	por !p5, !p2  }
0x2ca: {  	s30 =	sshll.u32 @!p4 s22, $0x6  }
0x2cb: {  	s30 =	sshra.s32 @!p4 s30, $0x2  }
0x2cc: {  	p1 =	sgt.u32 @!p4 s0, $0x3FF;
	v1 =	vld.msk @!p4 [tilespmem:s30+$0x1B38], $0x7  }
0x2cd: {  	s31 =	sshll.u32 @!p4 s18, $0x6;
	p6 =	por @p2 p1, !p5;
	p1 =	por @p2 !p1, !p5  }
0x2ce: {  	s5 =	simm.s32 @!p4 $0x0;
	s31 =	sshra.s32 @!p4 s31, $0x2;
	p1 =	por !p1, !p2  }
0x2cf: {  	p5 =	por p5, !p2;
	s5 =	simm.s32 @!p1 $0xC;
	p1 =	por p6, !p2  }
0x2d0: {  	s30 =	sadd.s32 @!p4 $0x28, s31;
	s6 =	sshll.u32 @!p5 s18, $0x6;
	s10 =	sand.u32 @!p1 $0x3F8, s0  }
0x2d1: {  	s6 =	sshra.s32 @!p5 s6, $0x2;
	s0 =	sand.u32 @!p1 $0x7, s0;
	s10 =	sadd.s32 @!p1 s1, s10;
	[tilespmem:s31+$0x28] =	vst.add.f32.msk @!p4 $0x7, v1  }
0x2d2: {  	[hbm4b:s10+s0] =	stream.linear.scatter @!p1 [tilespmem:s30], [sflag:$0xA], $0x3, $0x38;
	[tilespmem:$0x1F0E8] =	vst v63  }
0x2d3: {  	s2 =	rddreg [dreg:$0x2];
	s0 =	sadd.s32 @!p5 $0x28, s6;
	s6 =	simm.s32 @!p5 $0x1  }
0x2d4: {  	[spmem:s2] =	stream.linear.scatter @!p5 [tilespmem:s0], [sflag:$0x1], $0x3, $0x38;
	[tilespmem:$0x1F0E8] =	vst v63  }
0x2d5: {  	s28 =	sadd.s32 @p2 $0x1, s18;
	_ =	swait.ge @!p5 [sflag:s6], $0x3  }
0x2d6: {  	s29 =	sshrl.u32 @p2 s28, $0x4;
	[sflag:s6] =	ssyncset.done @!p5 $0x0  }
0x2d7: {  	s21 =	sadd.s32 $0x80, s21;
	s29 =	smulhi.u32 @p2 $0x97B425F, s29;
	[sflag:s6] =	ssyncadd.s32 @!p5 $0xFFFFFFFD  }
0x2d8: {  	s23 =	sadd.s32 $0xFFFFFFFF, s23;
	v1 =	vld.msk @p2 [tilespmem:s21+$0x0], $0x7  }
0x2d9: {  	p3 =	sne.s32 s23, $0x0;
	s29 =	smul.u32 @p2 $0x1B0, s29  }
.Ltmp21:
0x2da: {  	_ = 	snop;
	(pc) =	sbr.rel @p3 .LBB3_16-.Ltmp21, $4  }
0x2db: {  	s28 =	ssub.s32 @p2 s28, s29  }
0x2dc: {  	s26 =	sshll.u32 @!p2 s18, $0x6;
	s5 =	sadd.s32 @!p4 s5, s25;
	s10 =	sshll.u32 @p2 s28, $0x4  }
0x2dd: {  	s9 =	sadd.s32 @p2 $0x1, s22;
	s26 =	sshra.s32 @!p2 s26, $0x2;
	s5 =	smov.u32 @p4 s25;
	[tilespmem:s10+$0x28] =	vst.msk @p2 $0x7, v1  }
0x2de: {  	s22 =	smov.u32 @p2 s9;
	s18 =	smov.u32 @p2 s28;
	s25 =	smov.u32 @p2 s5;
	v1 =	vld.msk @!p2 [tilespmem:s21+$0x0], $0x7  }
.LBB3_17:
.Ltmp22:
0x2df: {  	_ = 	snop;
	(pc) =	sbr.rel .LBB3_19-.Ltmp22, $4  }
0x2e0: {  	s2 =	sld [smem:$0x7FD]  }
0x2e1: {  	s0 =	sshrl.u32 s25, $0x2  }
0x2e2: {  	s25 =	smov.u32 s24;
	s6 =	smov.u32 s8;
	s5 =	smov.u32 s12  }
0x2e3: {  	s8 =	smov.u32 s3;
	s3 =	rddreg [dreg:$0x3];
	p4 =	seq.s32 s2, $0x1;
	[tilespmem:s26+$0x28] =	vst.add.f32.msk @!p2 $0x7, v1  }
.LBB3_21:
0x2e4: {  	_ =	sfence.sel $0x180000  }
0x2e5: {  	s0 =	simm.s32 $0x7;
	[bflag:$0x0] =	sbarrier.arrive $0xFFFF  }
0x2e6: {  	s25 =	simm.s32 $0x8;
	[sflag:s0] =	ssyncpa.u1 $0x1  }
0x2e7: {  	s26 =	simm.s32 $0x9;
	[sflag:s25] =	ssyncpa.u1 $0x1  }
0x2e8: {  	s28 =	simm.s32 $0x2;
	[sflag:s26] =	ssyncpa.u1 $0x1  }
0x2e9: {  	[sflag:s28] =	ssyncpa.u1 $0x1  }
0x2ea: {  	v0 =	vld [tilespmem:$0x3648];
	_ =	sdelay $0x4  }
0x2eb: {  	(v2sf) =	vpush v0, $0x0  }
0x2ec: {  	(v2sf) =	vpush v0, $0x1;
	_ =	sdelay $0x1  }
0x2ed: {  	(v2sf) =	vpush v0, $0x2;
	_ =	sdelay $0xb  }
0x2ee: {  	s0 =	spop (v2sf)  }
0x2ef: {  	s2 =	spop (v2sf)  }
0x2f0: {  	s3 =	smov.u32 s0;
	p0 =	sne.s32 s0, s2  }
0x2f1: {  	s4 =	spop (v2sf);
	s3 =	simm.s32 @!p0 $0xFFFFFFFF  }
0x2f2: {  	v2 =	vimm.s32 $0x1;
	v3 =	vlaneseq.u32;
	p0 =	seq.s32 s4, $0xFFFFFFFF;
	v1 =	vmov s3  }
0x2f3: {  	s7 =	stileid.u32;
	v0 =	vperm.xlane v0, v2;
	p1 =	sne.s32 @!p0 s0, s2;
	v1 =	vperm.xlane v1, v3  }
0x2f4: {  	vm0 =	vcmask $0x3F04;
	s6 =	simm.s32 $0x3648;
	s0 =	simm.s32 @!p0 $0x1;
	p1 =	por !p1, p0  }
0x2f5: {  	s3 =	sshll.u32 s7, $0x1;
	s2 =	sshll.u32 @!p0 s4, $0x6;
	s0 =	simm.s32 @p1 $0x0;
	v0 =	vsel vm0, v1, v0  }
0x2f6: {  	s5 =	sor.u32 $0x200, s3;
	s2 =	sshra.s32 @!p0 s2, $0x2;
	s0 =	sor.u32 @!p0 s0, s3;
	[tilespmem:$0x3648] =	vst v0  }
0x2f7: {  	[spmem:s5] =	stream.linear.scatter [tilespmem:s6], [sflag:$0x1], $0x2, $0x38;
	[tilespmem:$0x1F0E8] =	vst v63  }
0x2f8: {  	s2 =	sadd.s32 @!p0 $0x28, s2;
	s0 =	sshll.u32 @!p0 s0, $0x4  }
0x2f9: {  	[spmem:s0] =	stream.linear.scatter @!p0 [tilespmem:s2], [sflag:$0x1], $0x10, $0x38;
	[tilespmem:$0x1F0E8] =	vst v63  }
0x2fa: {  	s0 =	simm.s32 @!p0 $0x12  }
0x2fb: {  	s3 =	simm.s32 $0x1;
	s0 =	simm.s32 @p0 $0x2  }
0x2fc: {  	_ =	swait.ge [sflag:s3], s0  }
0x2fd: {  	s0 =	ssub.s32 $0x0, s0;
	[sflag:s3] =	ssyncset.done $0x0  }
0x2fe: {  	[sflag:s3] =	ssyncadd.s32 s0  }
0x2ff: {  	_ =	sfence.stream.spmem  }
0x300: {  	s29 =	simm.s32 $0x3;
	[bflag:$0x0] =	sbarrier.arrive $0xFFFF  }
0x301: {  	s30 =	simm.s32 $0x4;
	[sflag:s29] =	ssyncpa.u1 $0x1  }
0x302: {  	s31 =	simm.s32 $0x3C;
	[sflag:s30] =	ssyncpa.u1 $0x1  }
0x303: {  	p0 =	sne.s32 s7, $0x0;
	[sflag:s31] =	ssyncpa.u1 $0x1  }
0x304: {  	_ =	sfence @p0  }
0x305: {  	[sflag:s3] =	ssyncpa.u1 @p0 $0x1  }
0x306: {  	_ =	strace @p0 $0x90000059  }
0x307: {  	[bflag:$0x2] =	sbarrier.arrive @p0 $0xFFFF  }
0x308: {  	_ =	shalt @p0  }
.LBB3_22:
0x309: {  	_ =	sfence.stream.spmem;
	s0 =	simm.s32 $0x5  }
0x30a: {  	s2 =	simm.s32 $0x200;
	s3 =	simm.s32 $0x3658;
	[sflag:s0] =	ssyncpa.u1 $0x0  }
0x30b: {  	[tilespmem:s3], [sflag:$0x5] =	stream.linear.gather [spmem:s2], $0x20, $0x38;
	[tilespmem:$0x1F0E8] =	vst v63  }
0x30c: {  	s30 =	simm.s32 $0x3678;
	s2 =	simm.s32 $0x0  }
0x30d: {  	[tilespmem:s30], [sflag:$0x5] =	stream.linear.gather [spmem:s2], $0x200, $0x38;
	[tilespmem:$0x1F0E8] =	vst v63  }
.Ltmp23:
0x30e: {  	_ = 	snop;
	(pc) =	sbr.rel .LBB3_23-.Ltmp23, $4  }
0x30f: {  	_ =	swait.ge [sflag:s0], $0x220  }
0x310: {  	[sflag:s0] =	ssyncset.done $0x0  }
0x311: {  	s31 =	simm.s32 $0x6;
	[sflag:s0] =	ssyncadd.s32 $0xFFFFFDE0  }
0x312: {  	s3 =	simm.s32 $0x0;
	[sflag:s31] =	ssyncpa.u1 $0x0  }
.LBB3_28:
0x313: {  	p0 =	slt.u32 s4, $0x400  }
0x314: {  	s0 =	sand.u32 @p0 $0x3F8, s4  }
0x315: {  	s4 =	sand.u32 @p0 $0x7, s4;
	s5 =	simm.s32 @p0 $0x3638;
	s0 =	sadd.s32 @p0 s1, s0  }
0x316: {  	[tilespmem:s5], [sflag:$0x6] =	stream.linear.gather @p0 [hbm4b:s0+s4], $0x3, $0x38;
	[tilespmem:$0x1F0E8] =	vst v63  }
0x317: {  	s0 =	simm.s32 @p0 $0x6  }
0x318: {  	_ =	swait.ge @p0 [sflag:s0], $0x3  }
0x319: {  	[sflag:s0] =	ssyncset.done @p0 $0x0  }
0x31a: {  	[sflag:s0] =	ssyncadd.s32 @p0 $0xFFFFFFFD  }
0x31b: {  	v1 =	vld @p0 [tilespmem:$0x3638];
	_ =	sdelay $0x2  }
0x31c: {  	s0 =	sshll.u32 @p0 s3, $0x6  }
0x31d: {  	s5 =	sshll.u32 @!p0 s3, $0x6;
	s4 =	sshrl.u32 @p0 s0, $0x2  }
0x31e: {  	s5 =	smov.u32 @p0 s0;
	[tilespmem:s4+$0x3678] =	vst.add.f32.msk @p0 $0xffff, v1  }
0x31f: {  	s0 =	sshrl.u32 s5, $0x2;
	[tilespmem:s2+$0x3658] =	vst.msk $0x1, v0  }
0x320: {  	v0 =	vld [tilespmem:s0+$0x3678];
	_ =	sdelay $0x2  }
0x321: {  	s31 =	sshll.u32 s2, $0x6  }
0x322: {  	s0 =	sshra.s32 s31, $0x2  }
0x323: {  	s2 =	sadd.s32 $0x1, s2;
	[tilespmem:s0+$0x3678] =	vst v0  }
.LBB3_30:
0x324: {  	s3 =	sadd.s32 $0x1, s3  }
0x325: {  	p0 =	sne.s32 s3, $0x20  }
.Ltmp24:
0x326: {  	_ = 	snop;
	(pc) =	sbr.rel @!p0 .LBB3_31-.Ltmp24, $1  }
0x327: {  	_ =	sdelay $0x3  }
.LBB3_23:
0x328: {  	v0 =	vld.msk [tilespmem:s3+$0x3658], $0x1;
	_ =	sdelay $0x4  }
0x329: {  	(v2sf) =	vpush v0, $0x0;
	_ =	sdelay $0xe  }
0x32a: {  	s4 =	spop (v2sf)  }
0x32b: {  	p0 =	seq.s32 s4, $0xFFFFFFFF  }
.Ltmp25:
0x32c: {  	_ = 	snop;
	(pc) =	sbr.rel @p0 .LBB3_30-.Ltmp25, $1  }
0x32d: {  	_ =	sdelay $0x3  }
0x32e: {  	p0 =	slt.s32 s2, $0x1  }
.Ltmp26:
0x32f: {  	_ = 	snop;
	(pc) =	sbr.rel @p0 .LBB3_28-.Ltmp26, $1  }
0x330: {  	_ =	sdelay $0x3  }
0x331: {  	s5 =	simm.s32 $0x3658;
	p0 =	por $0x0, $0x0  }
0x332: {  	v1 =	vld.msk @!p0 [tilespmem:s5+$0x0], $0x1;
	_ =	sdelay $0x4  }
0x333: {  	(v2sf) =	vpush @!p0 v1, $0x0;
	_ =	sdelay $0xd  }
0x334: {  	p2 =	sne.s32 s2, $0x1  }
.Ltmp27:
0x335: {  	s0 =	spop @!p0 (v2sf);
	(pc) =	sbr.rel @!p2 .LBB3_27-.Ltmp27, $4  }
0x336: {  	p1 =	seq.s32 @!p0 s4, s0  }
0x337: {  	s6 =	simm.s32 $0x0;
	p1 =	por !p1, p0  }
0x338: {  	s0 =	simm.s32 $0xFFFFFFFF;
	s6 =	simm.s32 @p1 $0xFFFFFFFF  }
0x339: {  	s7 =	simm.s32 $0x1;
	s6 =	smov.u32 @p0 s0  }
.LBB3_26:
0x33a: {  	s0 =	smov.u32 s6;
	p0 =	sne.s32 s6, $0xFFFFFFFF  }
0x33b: {  	s5 =	sadd.s32 $0x1, s5;
	s6 =	smov.u32 s7;
	s7 =	sadd.s32 $0x1, s7  }
0x33c: {  	p1 =	sne.s32 s2, s7;
	v1 =	vld.msk @!p0 [tilespmem:s5+$0x0], $0x1;
	_ =	sdelay $0x4  }
0x33d: {  	(v2sf) =	vpush @!p0 v1, $0x0;
	_ =	sdelay $0xe  }
.Ltmp28:
0x33e: {  	s8 =	spop @!p0 (v2sf);
	(pc) =	sbr.rel @p1 .LBB3_26-.Ltmp28, $4  }
0x33f: {  	p2 =	seq.s32 @!p0 s4, s8  }
0x340: {  	p2 =	por !p2, p0  }
0x341: {  	s6 =	simm.s32 @p2 $0xFFFFFFFF  }
0x342: {  	s6 =	smov.u32 @p0 s0  }
.LBB3_27:
0x343: {  	p0 =	sne.s32 s6, $0xFFFFFFFF  }
.Ltmp29:
0x344: {  	_ = 	snop;
	(pc) =	sbr.rel @!p0 .LBB3_28-.Ltmp29, $1  }
0x345: {  	_ =	sdelay $0x3  }
0x346: {  	s0 =	sshll.u32 s3, $0x4  }
0x347: {  	s0 =	sand.u32 $0x3FFFFFF0, s0  }
0x348: {  	v0 =	vld [tilespmem:s0+$0x3678]  }
.Ltmp30:
0x349: {  	_ = 	snop;
	(pc) =	sbr.rel .LBB3_30-.Ltmp30, $4  }
0x34a: {  	_ = 	snop  }
0x34b: {  	s31 =	sshll.u32 s6, $0x6  }
0x34c: {  	s0 =	sshra.s32 s31, $0x2  }
0x34d: {  	[tilespmem:s0+$0x3678] =	vst.add.f32.msk $0xffff, v0  }
.LBB3_31:
0x34e: {  	p0 =	slt.s32 s2, $0x1  }
.Ltmp31:
0x34f: {  	_ = 	snop;
	(pc) =	sbr.rel @p0 .LBB3_35-.Ltmp31, $3  }
0x350: {  	_ =	sdelay $0x1  }
0x351: {  	s0 =	simm.s32 $0x6  }
0x352: {  	s3 =	simm.s32 $0x0;
	[sflag:s0] =	ssyncpa.u1 $0x1  }
0x353: {  	s0 =	simm.s32 $0x3658  }
0x354: {  	v0 =	vld.msk [tilespmem:s0+$0x0], $0x1;
	_ =	sdelay $0x4  }
0x355: {  	(v2sf) =	vpush v0, $0x0;
	_ =	sdelay $0xd  }
0x356: {  	s2 =	sadd.s32 $0xFFFFFFFF, s2  }
0x357: {  	p1 =	sne.s32 s2, $0x0;
	s0 =	spop (v2sf)  }
.Ltmp32:
0x358: {  	p0 =	sgt.u32 s0, $0x3FF;
	(pc) =	sbr.rel @!p1 .LBB3_34-.Ltmp32, $4  }
0x359: {  	s4 =	simm.s32 $0x3678;
	s5 =	sand.u32 @!p0 $0x3F8, s0  }
0x35a: {  	s6 =	simm.s32 $0x0;
	s0 =	sand.u32 @!p0 $0x7, s0;
	s5 =	sadd.s32 @!p0 s1, s5  }
0x35b: {  	[hbm4b:s5+s0] =	stream.linear.scatter @!p0 [tilespmem:s4], [sflag:$0x5], $0x3, $0x38;
	[tilespmem:$0x1F0E8] =	vst v63  }
0x35c: {  	s6 =	simm.s32 @!p0 $0xC;
	s5 =	simm.s32 $0x3659  }
.LBB3_33:
0x35d: {  	v0 =	vld.msk [tilespmem:s5+$0x0], $0x1;
	s2 =	sadd.s32 $0xFFFFFFFF, s2;
	s3 =	sadd.s32 s3, s6  }
0x35e: {  	p0 =	sne.s32 s2, $0x0;
	_ =	sdelay $0x3  }
0x35f: {  	(v2sf) =	vpush v0, $0x0;
	_ =	sdelay $0xe  }
.Ltmp33:
0x360: {  	s0 =	spop (v2sf);
	(pc) =	sbr.rel @p0 .LBB3_33-.Ltmp33, $4  }
0x361: {  	s6 =	simm.s32 $0x0;
	p1 =	sgt.u32 s0, $0x3FF  }
0x362: {  	s4 =	sadd.s32 $0x10, s4;
	s6 =	simm.s32 @!p1 $0xC;
	s7 =	sand.u32 @!p1 $0x3F8, s0  }
0x363: {  	s5 =	sadd.s32 $0x1, s5;
	s0 =	sand.u32 @!p1 $0x7, s0;
	s7 =	sadd.s32 @!p1 s1, s7  }
0x364: {  	[hbm4b:s7+s0] =	stream.linear.scatter @!p1 [tilespmem:s4], [sflag:$0x5], $0x3, $0x38;
	[tilespmem:$0x1F0E8] =	vst v63  }
.LBB3_34:
0x365: {  	s0 =	sadd.s32 s3, s6  }
0x366: {  	s3 =	sshrl.u32 s0, $0x2  }
.LBB3_35:
0x367: {  	s0 =	simm.s32 $0x5  }
0x368: {  	_ =	swait.ge [sflag:s0], s3  }
0x369: {  	s1 =	ssub.s32 $0x0, s3;
	[sflag:s0] =	ssyncset.done $0x0  }
0x36a: {  	[sflag:s0] =	ssyncadd.s32 s1  }
0x36b: {  	[sflag:s0] =	ssyncpa.u1 $0x1  }
0x36c: {  	s30 =	simm.s32 $0x1;
	_ =	sfence  }
0x36d: {  	[sflag:s30] =	ssyncpa.u1 $0x1  }
0x36e: {  	_ =	strace $0x90000059  }
0x36f: {  	[bflag:$0x2] =	sbarrier.arrive $0xFFFF  }
0x370: {  	s31 =	rddreg [dreg:$0x1]  }
0x371: {  	s0 =	sadd.s32 $0x100000, s31  }
0x372: {  	[sflag:s0] =	ssyncadd.tile.s32 $0x1;
	_ =	shalt  }
.Lfunc_end3:
_tile_overlayer_lowered:
.L_overlay_start_3:
0x373: {  	(tag) =	ssettag $0x3  }
0x374: {  	s0 =	rddreg [dreg:$0x0];
	s2 =	stileid.u32  }
0x375: {  	s1 =	rddreg [dreg:$0x1];
	p0 =	sne.s32 s2, $0x0  }
0x376: {  	s3 =	rddreg [dreg:$0x2];
	[bflag:$0x3] =	sbarrier.arrive $0xFFFF;
	s2 =	simm.s32 @!p0 $0x1C01  }
0x377: {  	[timem:s3], [sflag:s2] =	dma.local @!p0 [hbm:s0], s1  }
0x378: {  	s0 =	simm.s32 @!p0 $0x1  }
0x379: {  	_ =	swait.ge @!p0 [sflag:s0], s1  }
0x37a: {  	s1 =	ssub.s32 @!p0 $0x0, s1;
	[sflag:s0] =	ssyncset.done @!p0 $0x0  }
0x37b: {  	[sflag:s0] =	ssyncadd.s32 @!p0 s1  }
0x37c: {  	[bflag:$0x3] =	sbarrier.arrive $0xFFFF  }
0x37d: {  	_ =	shalt  }

// kernel: scatter_offload_async_start.2
scs
__scs_entry_jumppad:
0x0: {  	(pc) =	sbr.rel $0x88, $3  }
0x1: {  	(tag) =	ssettag $0x0;
	lr =	simm.s32 $0x1  }
0x2: {  	[smem:$0x3F8D] =	sst lr;
	_ =	strace $0xD0000000  }
0x3: {  	_ = 	snop  }
0x4: {  	_ = 	snop  }
0x5: {  	_ = 	snop  }
0x6: {  	_ = 	snop  }
0x7: {  	_ = 	snop  }
__scs_overlays_trampoline_lowered:
0x8: {  	[smem:$0x3F9C] =	sst s0  }
0x9: {  	[smem:$0x3F9D] =	sst s1  }
0xa: {  	[smem:$0x3F9E] =	sst s2  }
0xb: {  	[smem:$0x3F9F] =	sst s3  }
0xc: {  	[smem:$0x3FA0] =	sst s4  }
0xd: {  	[smem:$0x3FA1] =	sst s5  }
0xe: {  	[smem:$0x3FA2] =	sst s6  }
0xf: {  	[smem:$0x3FA3] =	sst s7  }
0x10: {  	[smem:$0x3FA4] =	sst s8  }
0x11: {  	[smem:$0x3FA5] =	sst s9;
	s0 =	simm.s32 @!p0 $0x0  }
0x12: {  	s1 =	sld [smem:$0x3F8B];
	s0 =	simm.s32 @p0 $0x1  }
0x13: {  	[smem:$0x3FA6] =	sst s0;
	s0 =	simm.s32 @!p1 $0x0  }
0x14: {  	s2 =	sld [smem:$0x3F8A];
	s0 =	simm.s32 @p1 $0x1  }
0x15: {  	[smem:$0x3FA7] =	sst s0;
	s0 =	simm.s32 @!p2 $0x0  }
0x16: {  	s3 =	sld [smem:$0x3FDB];
	s0 =	simm.s32 @p2 $0x1  }
0x17: {  	s4 =	simm.s32 $0x1BF5;
	[smem:$0x3FA9] =	sst s0  }
0x18: {  	s0 =	sld [smem:$0x3F8C];
	_ =	swait.ge [sflag:s4], $0x0  }
0x19: {  	s7 =	sld [smem:$0x3F8D]  }
0x1a: {  	s8 =	sadd.s32 $0xFFFFE003, lr  }
0x1b: {  	s9 =	sadd.s32 $0xFFFFFEF7, lr;
	s5 =	simm.s32 $0xFFFFFFFF;
	p2 =	slt.u32 s8, $0xFFFFF086  }
0x1c: {  	p1 =	slt.u32 s9, $0xF7A;
	s5 =	simm.s32 @!p2 $0x0  }
0x1d: {  	s5 =	simm.s32 @p1 $0x1;
	p0 =	seq.s32 s7, s2  }
0x1e: {  	s7 =	smul.u32 @!p0 $0xF7A, s2;
	p2 =	seq.s32 @!p0 s5, $0x0  }
0x1f: {  	s9 =	smul.u32 $0xF7A, s1;
	s8 =	simm.s32 @!p0 $0x1BF5;
	p2 =	por !p2, p0  }
0x20: {  	[sflag:s8] =	ssyncset.s32 @!p0 $0xFFFFF086;
	s6 =	sadd.s32 @!p0 s3, s7;
	s7 =	simm.s32 @!p0 $0x108  }
0x21: {  	s3 =	sadd.s32 s3, s9;
	s6 =	sadd.s32 @!p0 $0x88, s6;
	s7 =	simm.s32 @p2 $0x1082  }
0x22: {  	[simem:s7], [sflag:s8] =	dma.local @!p0 [hbm:s6], $0xF7A  }
0x23: {  	s9 =	sor.u32 $0xD0000000, s2;
	s6 =	simm.s32 $0x108;
	_ =	swait.ge @!p0 [sflag:s8], $0x0  }
0x24: {  	s3 =	sadd.s32 $0x88, s3;
	s6 =	simm.s32 @!p1 $0x1082;
	[sflag:s4] =	ssyncset.s32 $0xFFFFF086  }
0x25: {  	[simem:s6], [sflag:s4] =	dma.local [hbm:s3], $0xF7A  }
0x26: {  	[smem:$0x3F8D] =	sst s1;
	(tag) =	ssettag s2;
	_ =	strace s9  }
0x27: {  	s1 =	sld [smem:$0x3F9D]  }
0x28: {  	s2 =	sld [smem:$0x3F9E]  }
0x29: {  	s4 =	sld [smem:$0x3FA0]  }
0x2a: {  	p0 =	seq.s32 s5, $0x0;
	s5 =	sld [smem:$0x3FA1]  }
0x2b: {  	s6 =	sld [smem:$0x3FA2]  }
0x2c: {  	s7 =	sld [smem:$0x3FA3]  }
0x2d: {  	s3 =	simm.s32 $0x108;
	s8 =	sld [smem:$0x3FA4]  }
0x2e: {  	s3 =	simm.s32 @!p0 $0x1082;
	s9 =	sld [smem:$0x3FA5]  }
0x2f: {  	lr =	sadd.s32 s0, s3;
	s0 =	sld [smem:$0x3F9C]  }
0x30: {  	s3 =	sld [smem:$0x3F9F]  }
0x31: {  	[smem:$0x3FA8] =	sst s10  }
0x32: {  	s10 =	sld [smem:$0x3FA6];
	_ =	sdelay $0x3  }
0x33: {  	p0 =	seq.s32 s10, $0x1;
	s10 =	sld [smem:$0x3FA8];
	_ =	sdelay $0x3  }
0x34: {  	[smem:$0x3FA8] =	sst s10  }
0x35: {  	s10 =	sld [smem:$0x3FA7];
	_ =	sdelay $0x3  }
0x36: {  	p1 =	seq.s32 s10, $0x1;
	s10 =	sld [smem:$0x3FA8];
	_ =	sdelay $0x3  }
0x37: {  	[smem:$0x3FA8] =	sst s10  }
0x38: {  	s10 =	sld [smem:$0x3FA9]  }
0x39: {  	_ = 	snop;
	(pc) =	sbr.ind lr, $3  }
0x3a: {  	_ = 	snop  }
0x3b: {  	_ = 	snop  }
0x3c: {  	p2 =	seq.s32 s10, $0x1;
	s10 =	sld [smem:$0x3FA8]  }
0x3d: {  	_ =	shalt  }
0x3e: {  	_ =	shalt  }
0x3f: {  	_ =	shalt  }
0x40: {  	_ =	shalt  }
0x41: {  	_ =	shalt  }
0x42: {  	_ =	shalt  }
0x43: {  	_ =	shalt  }
0x44: {  	_ =	shalt  }
0x45: {  	_ =	shalt  }
0x46: {  	_ =	shalt  }
0x47: {  	_ =	shalt  }
0x48: {  	_ =	shalt  }
0x49: {  	_ =	shalt  }
0x4a: {  	_ =	shalt  }
0x4b: {  	_ =	shalt  }
0x4c: {  	_ =	shalt  }
0x4d: {  	_ =	shalt  }
0x4e: {  	_ =	shalt  }
0x4f: {  	_ =	shalt  }
0x50: {  	_ =	shalt  }
0x51: {  	_ =	shalt  }
0x52: {  	_ =	shalt  }
0x53: {  	_ =	shalt  }
0x54: {  	_ =	shalt  }
0x55: {  	_ =	shalt  }
0x56: {  	_ =	shalt  }
0x57: {  	_ =	shalt  }
0x58: {  	_ =	shalt  }
0x59: {  	_ =	shalt  }
0x5a: {  	_ =	shalt  }
0x5b: {  	_ =	shalt  }
0x5c: {  	_ =	shalt  }
0x5d: {  	_ =	shalt  }
0x5e: {  	_ =	shalt  }
0x5f: {  	_ =	shalt  }
0x60: {  	_ =	shalt  }
0x61: {  	_ =	shalt  }
0x62: {  	_ =	shalt  }
0x63: {  	_ =	shalt  }
0x64: {  	_ =	shalt  }
0x65: {  	_ =	shalt  }
0x66: {  	_ =	shalt  }
0x67: {  	_ =	shalt  }
0x68: {  	_ =	shalt  }
0x69: {  	_ =	shalt  }
0x6a: {  	_ =	shalt  }
0x6b: {  	_ =	shalt  }
0x6c: {  	_ =	shalt  }
0x6d: {  	_ =	shalt  }
0x6e: {  	_ =	shalt  }
0x6f: {  	_ =	shalt  }
0x70: {  	_ =	shalt  }
0x71: {  	_ =	shalt  }
0x72: {  	_ =	shalt  }
0x73: {  	_ =	shalt  }
0x74: {  	_ =	shalt  }
0x75: {  	_ =	shalt  }
0x76: {  	_ =	shalt  }
0x77: {  	_ =	shalt  }
0x78: {  	_ =	shalt  }
0x79: {  	_ =	shalt  }
0x7a: {  	_ =	shalt  }
0x7b: {  	_ =	shalt  }
0x7c: {  	_ =	shalt  }
0x7d: {  	_ =	shalt  }
0x7e: {  	_ =	shalt  }
0x7f: {  	_ =	shalt  }
0x80: {  	_ =	shalt  }
0x81: {  	_ =	shalt  }
0x82: {  	_ =	shalt  }
0x83: {  	_ =	shalt  }
0x84: {  	_ =	shalt  }
0x85: {  	_ =	shalt  }
0x86: {  	_ =	shalt  }
0x87: {  	_ =	shalt  }
.Lfunc_end0:
.L_simem_size_0:
called_computation.2_lowered:
.L_overlay_start_0:
0x88: {  	s0 =	sld [smem:$0x3FD9]  }
0x89: {  	s1 =	sld [smem:$0x3FFE];
	_ =	sdelay $0x3  }
0x8a: {  	s0 =	sadd.s32 s1, s0  }
0x8b: {  	[smem:$0x3FB4] =	sst s0  }
0x8c: {  	_ = 	snop  }
0x8d: {  	(tm) =	ssettm $0x1  }
0x8e: {  	s14 =	sld [smem:$0x3FFB];
	_ =	sdelay $0x3  }
0x8f: {  	_ =	strace s14  }
0x90: {  	s0 =	sld [smem:$0x3FFC];
	_ =	sdelay $0x3  }
0x91: {  	_ =	strace s0  }
0x92: {  	s0 =	sld [smem:$0x3FFD];
	_ =	sdelay $0x3  }
0x93: {  	_ =	strace s0  }
0x94: {  	_ =	strace $0x8FFFFFFF  }
0x95: {  	s15 =	sld [smem:$0x3FDB];
	_ =	sdelay $0x1  }
0x96: {  	s16 =	simm.s32 $_scs_section_size  }
0x97: {  	s2 =	simm.s32 $_size__tile_overlayer_lowered;
	s3 =	simm.s32 $_tile_overlayer_lowered  }
0x98: {  	s4 =	simm.s32 $0x1BFF;
	s17 =	sshll.u32 s3, $0x1;
	s1 =	sadd.s32 s16, s15  }
0x99: {  	s18 =	simm.s32 $0x0;
	s2 =	sshll.u32 s2, $0x1;
	s3 =	sadd.s32 s17, s1  }
0x9a: {  	[timem:s18], [sflag:s4] =	dma.local [hbm:s3], s2  }
0x9b: {  	_ =	swait.ge [sflag:s4], s2  }
0x9c: {  	s2 =	ssub.s32 $0x0, s2;
	[sflag:s4] =	ssyncset.done $0x0  }
0x9d: {  	[sflag:s4] =	ssyncadd.s32 s2;
	_ =	sdelay $0x1  }
0x9e: {  	s19 =	simm.s32 $0x1B8B  }
0x9f: {  	_ =	swait.ge [sflag:s19], $0x1  }
0xa0: {  	[sflag:s19] =	ssyncset.done $0x0  }
0xa1: {  	s21 =	simm.s32 $0x1B8E;
	s20 =	sld [smem:$0x3FFE];
	[sflag:s19] =	ssyncadd.s32 $0xFFFFFFFF  }
0xa2: {  	s22 =	simm.s32 $execute0_lowered;
	[smem:$0x3FD2] =	sst s21  }
0xa3: {  	s3 =	sshll.u32 s22, $0x1;
	_ =	strace $0x8000004F;
	[dreg:$0x1] =	wrdreg $0xFFFFFFFF  }
0xa4: {  	s23 =	simm.s32 $_size_execute0_lowered;
	s3 =	sadd.s32 s1, s3;
	[dreg:$0x0] =	wrdreg $0x0  }
0xa5: {  	s4 =	sshll.u32 s23, $0x1;
	[dreg:$0x2] =	wrdreg s3  }
0xa6: {  	[dreg:$0x3] =	wrdreg s4  }
0xa7: {  	[dreg:$0x4] =	wrdreg $0xC0  }
0xa8: {  	s24 =	simm.s32 $execute1_lowered;
	_ =	task [dreg:s18], $0x5FFFF  }
0xa9: {  	s3 =	sshll.u32 s24, $0x1;
	[dreg:$0x1] =	wrdreg $0xFFFFFFFF  }
0xaa: {  	s1 =	sadd.s32 s1, s3;
	[dreg:$0x0] =	wrdreg $0x60  }
0xab: {  	[dreg:$0x2] =	wrdreg s1  }
0xac: {  	[dreg:$0x3] =	wrdreg s20  }
0xad: {  	[dreg:$0x4] =	wrdreg $0xC  }
0xae: {  	_ =	task.clear_ibuf [dreg:s18], $0x5FFFF;
	_ =	strace $0x9000004F  }
0xaf: {  	s25 =	simm.s32 $0xC;
	_ =	strace $0x80000051  }
0xb0: {  	_ =	swait.ge [sflag:s25], $0x1  }
0xb1: {  	[sflag:s25] =	ssyncadd.s32 $0xFFFFFFFF  }
0xb2: {  	_ =	strace $0x90000051  }
0xb3: {  	_ =	strace $0x80000052;
	[dreg:$0x1] =	wrdreg $0xFFFFFFFF  }
0xb4: {  	[dreg:$0x0] =	wrdreg $0x2030  }
0xb5: {  	[dreg:$0x2] =	wrdreg s20  }
0xb6: {  	[dreg:$0x3] =	wrdreg $0xD  }
0xb7: {  	_ =	task.clear_ibuf [dreg:s18], $0x4FFFF;
	_ =	strace $0x90000052  }
0xb8: {  	s26 =	simm.s32 $0xD;
	_ =	strace $0x80000054  }
0xb9: {  	_ =	swait.ge [sflag:s26], $0x1  }
0xba: {  	[sflag:s26] =	ssyncadd.s32 $0xFFFFFFFF  }
0xbb: {  	_ =	strace $0x90000054  }
0xbc: {  	_ =	sfence  }
0xbd: {  	s28 =	sld [smem:$0x0];
	_ =	sdelay $0x1  }
0xbe: {  	s29 =	srdreg.scid  }
0xbf: {  	s30 =	sshll.u32 s29, $0xD;
	s31 =	sshrl.u32 s29, $0x2  }
0xc0: {  	s2 =	sand.u32 $0x1, s29;
	s3 =	sand.u32 $0x4000, s30;
	s1 =	sadd.s32 s31, s28  }
0xc1: {  	s2 =	sor.u32 s3, s2;
	s1 =	sshll.u32 s1, $0x11  }
0xc2: {  	s1 =	sor.u32 s1, s2  }
0xc3: {  	s1 =	sadd.s32 $0x8F2B, s1  }
0xc4: {  	[sflag:s1] =	ssyncadd.remote.s32 $0x1  }
0xc5: {  	_ =	sfence.sel $0xFFFF  }
0xc6: {  	[dreg:$0x0] =	wrdreg $0xFFFFFFFF;
	(pc) =	sbr.abs _section_cstart, $3  }
0xc7: {  	[dreg:$0x1] =	wrdreg $0xFFFFFFFF  }
0xc8: {  	_ =	task.clear_ibuf [dreg:s18], $0x2FFFF;
	_ =	strace $0x9FFFFFFF  }
0xc9: {  	(tm) =	ssettm $0x7FFFFFFF  }
tec
execute0_lowered:
.L_overlay_start_1:
0x0: {  	(tag) =	ssettag $0x1  }
0x1: {  	s2 =	rddreg [dreg:$0x0]  }
0x2: {  	s3 =	rddreg [dreg:$0x1]  }
0x3: {  	s0 =	rddreg [dreg:$0x2]  }
0x4: {  	s4 =	stileid.u32;
	[bflag:$0x3] =	sbarrier.arrive $0xFFFF;
	s1 =	simm.s32 $_size_execute1_lowered  }
0x5: {  	s8 =	simm.s32 $0x2;
	s11 =	simm.s32 $0x0;
	s9 =	simm.s32 $0x80  }
0x6: {  	p0 =	sne.s32 s4, $0x0;
	s1 =	sshll.u32 s1, $0x1;
	s30 =	sshll.u32 s4, $0x9  }
0x7: {  	s5 =	simm.s32 @!p0 $0x1C3F;
	s6 =	simm.s32 @!p0 $0x4060;
	s31 =	sand.u32 $0x200, s30  }
0x8: {  	[timem:s6], [sflag:s5] =	dma.local @!p0 [hbm:s2], s1  }
0x9: {  	s10 =	simm.s32 $0x0;
	s2 =	sshll.u32 s4, $0x5;
	s7 =	sadd.s32 s31, s3  }
0xa: {  	s3 =	sadd.s32 $0x3000, s3;
	s4 =	simm.s32 $0x1;
	s5 =	ssub.s32 $0x40, s2  }
.Ltmp0:
0xb: {  	_ =	strace $0x80000050;
	p1 =	sgt.s32 s5, $0x0;
	(pc) =	sbr.rel .LBB2_1-.Ltmp0, $4  }
0xc: {  	s6 =	simm.s32 $0x3;
	[sflag:s4] =	ssyncpa.u1 $0x0;
	s5 =	simm.s32 @!p1 $0x0  }
0xd: {  	s7 =	sadd.s32 $0x2C00, s7;
	[sflag:s8] =	ssyncpa.u1 $0x0;
	s5 =	sand.u32 $0x1E0, s5  }
0xe: {  	s8 =	simm.s32 $0x20;
	p1 =	sne.s32 s5, $0x0;
	s5 =	simm.s32 $0x1  }
0xf: {  	s5 =	simm.s32 @!p1 $0x0;
	s6 =	simm.s32 @!p1 $0x2;
	p1 =	por $0x0, $0x0  }
.LBB2_4:
0x10: {  	_ =	sdelay $0x2  }
0x11: {  	s11 =	sshll.u32 s11, $0x4  }
0x12: {  	[tilespmem:v1+s12+$0x0 ss:$0x1] =	vst.idx.msk $0xffff, v2;
	s11 =	sand.u32 $0x200, s11  }
0x13: {  	[tilespmem:v1+s12+$0xFFFFFFF0 ss:$0x1] =	vst.idx.msk $0xffff, v3;
	s11 =	sadd.s32 s3, s11  }
0x14: {  	[hbm4b:s11+s8] =	stream.strided.scatter [tilespmem:s13], [sflag:$0x2], $0x400, s9, s8, $0x38;
	[tilespmem:$0x1000] =	vst v63  }
.LBB2_5:
0x15: {  	p2 =	slt.u32 s10, $0x2;
	s10 =	sadd.s32 $0x1, s10  }
0x16: {  	p3 =	sne.s32 s10, s6  }
.Ltmp1:
0x17: {  	_ = 	snop;
	(pc) =	sbr.rel @!p3 .LBB2_6-.Ltmp1, $4  }
0x18: {  	s11 =	simm.s32 @!p2 $0x2  }
0x19: {  	_ =	swait.ge @!p2 [sflag:s11], $0x400  }
0x1a: {  	[sflag:s11] =	ssyncset.done @!p2 $0x0  }
0x1b: {  	p1 =	por !p1, !p1;
	[sflag:s11] =	ssyncadd.s32 @!p2 $0xFFFFFC00;
	s11 =	smov.u32 s2  }
.LBB2_1:
0x1c: {  	p2 =	sge.u32 s10, s5;
	s31 =	sadd.s32 $0xFFFFFFFF, s10  }
0x1d: {  	s12 =	simm.s32 @!p2 $0x20;
	s13 =	simm.s32 @!p2 $0x80;
	s14 =	simm.s32 @!p2 $0x400  }
0x1e: {  	[tilespmem:s14], [sflag:$0x1] =	stream.strided.gather @!p2 [hbm4b:s7+s12], $0x400, s13, s12, $0x38;
	[tilespmem:$0x1000] =	vst v63  }
0x1f: {  	p2 =	sge.u32 s31, s5  }
.Ltmp2:
0x20: {  	_ = 	snop;
	(pc) =	sbr.rel @p2 .LBB2_5-.Ltmp2, $1  }
0x21: {  	_ =	sdelay $0x3  }
0x22: {  	s12 =	simm.s32 $0x1  }
0x23: {  	s12 =	simm.s32 @!p1 $0x0  }
0x24: {  	s13 =	sshll.u32 s12, $0xA  }
0x25: {  	s12 =	sor.u32 $0x10, s13  }
0x26: {  	v0 =	vmov s12;
	_ =	sdelay $0x1  }
0x27: {  	_ =	swait.ge [sflag:s4], $0x400  }
0x28: {  	[sflag:s4] =	ssyncset.done $0x0  }
0x29: {  	s14 =	sshll.u32 s10, $0xA;
	[sflag:s4] =	ssyncadd.s32 $0xFFFFFC00;
	s12 =	simm.s32 $0x0  }
0x2a: {  	s31 =	sand.u32 $0x400, s14;
	s15 =	sor.u32 $0x810, s13;
	v2 =	vld.idx.msk [tilespmem:v0+s12+$0x0 ss:$0x1], $0xffff  }
0x2b: {  	s14 =	simm.s32 $0x80;
	s13 =	sor.u32 $0x800, s31;
	v1 =	vmov s15;
	v3 =	vld.idx.msk [tilespmem:v0+s12+$0xFFFFFFF0 ss:$0x1], $0xffff  }
.LBB2_3:
0x2c: {  	p2 =	sne.s32 s14, $0xF80  }
.Ltmp3:
0x2d: {  	_ = 	snop;
	(pc) =	sbr.rel @p2 .LBB2_3-.Ltmp3, $4  }
0x2e: {  	_ = 	snop  }
0x2f: {  	s15 =	sshra.s32 s14, $0x2;
	s14 =	sadd.s32 $0x80, s14  }
0x30: {  	[tilespmem:v1+s12+$0x0 ss:$0x1] =	vst.idx.msk $0xffff, v2;
	v2 =	vld.idx.msk [tilespmem:v0+s15+$0x0 ss:$0x1], $0xffff  }
0x31: {  	[tilespmem:v1+s12+$0xFFFFFFF0 ss:$0x1] =	vst.idx.msk $0xffff, v3;
	v3 =	vld.idx.msk [tilespmem:v0+s15+$0xFFFFFFF0 ss:$0x1], $0xffff;
	s12 =	smov.u32 s15  }
.Ltmp4:
0x32: {  	_ = 	snop;
	(pc) =	sbr.rel .LBB2_4-.Ltmp4, $1  }
0x33: {  	_ =	sdelay $0x3  }
.LBB2_6:
0x34: {  	_ =	sfence.sel $0x180000  }
0x35: {  	s2 =	simm.s32 $0x1;
	[bflag:$0x0] =	sbarrier.arrive $0xFFFF  }
0x36: {  	s31 =	simm.s32 $0x2;
	[sflag:s2] =	ssyncpa.u1 $0x1  }
0x37: {  	[sflag:s31] =	ssyncpa.u1 $0x1  }
0x38: {  	_ =	strace $0x90000050  }
0x39: {  	s0 =	sadd.s32 @!p0 $0x100000, s0;
	[bflag:$0x2] =	sbarrier.arrive $0xFFFF  }
0x3a: {  	[sflag:s0] =	ssyncadd.tile.s32 @!p0 $0x1;
	s0 =	simm.s32 @!p0 $0x3F  }
0x3b: {  	_ =	swait.ge @!p0 [sflag:s0], s1  }
0x3c: {  	s1 =	ssub.s32 @!p0 $0x0, s1;
	[sflag:s0] =	ssyncset.done @!p0 $0x0  }
0x3d: {  	[sflag:s0] =	ssyncadd.s32 @!p0 s1  }
0x3e: {  	[bflag:$0x3] =	sbarrier.arrive $0xFFFF  }
0x3f: {  	_ =	shalt  }
.Lfunc_end2:
execute1_lowered:
.L_overlay_start_2:
0x40: {  	(tag) =	ssettag $0x2  }
0x41: {  	s8 =	rddreg [dreg:$0x0];
	_ =	strace $0x80000053;
	s11 =	simm.s32 $0x1  }
0x42: {  	v0 =	vimm.s32 $0x0;
	[sflag:s11] =	ssyncpa.u1 $0x0  }
0x43: {  	[tilespmem:$0x28] =	vst v0  }
0x44: {  	[tilespmem:$0x38] =	vst v0  }
0x45: {  	[tilespmem:$0x48] =	vst v0  }
0x46: {  	[tilespmem:$0x58] =	vst v0  }
0x47: {  	[tilespmem:$0x68] =	vst v0  }
0x48: {  	[tilespmem:$0x78] =	vst v0  }
0x49: {  	[tilespmem:$0x88] =	vst v0  }
0x4a: {  	[tilespmem:$0x98] =	vst v0  }
0x4b: {  	[tilespmem:$0xA8] =	vst v0  }
0x4c: {  	[tilespmem:$0xB8] =	vst v0  }
0x4d: {  	[tilespmem:$0xC8] =	vst v0  }
0x4e: {  	[tilespmem:$0xD8] =	vst v0  }
0x4f: {  	[tilespmem:$0xE8] =	vst v0  }
0x50: {  	[tilespmem:$0xF8] =	vst v0  }
0x51: {  	[tilespmem:$0x108] =	vst v0  }
0x52: {  	[tilespmem:$0x118] =	vst v0  }
0x53: {  	[tilespmem:$0x128] =	vst v0  }
0x54: {  	[tilespmem:$0x138] =	vst v0  }
0x55: {  	[tilespmem:$0x148] =	vst v0  }
0x56: {  	[tilespmem:$0x158] =	vst v0  }
0x57: {  	[tilespmem:$0x168] =	vst v0  }
0x58: {  	[tilespmem:$0x178] =	vst v0  }
0x59: {  	[tilespmem:$0x188] =	vst v0  }
0x5a: {  	[tilespmem:$0x198] =	vst v0  }
0x5b: {  	[tilespmem:$0x1A8] =	vst v0  }
0x5c: {  	[tilespmem:$0x1B8] =	vst v0  }
0x5d: {  	[tilespmem:$0x1C8] =	vst v0  }
0x5e: {  	[tilespmem:$0x1D8] =	vst v0  }
0x5f: {  	[tilespmem:$0x1E8] =	vst v0  }
0x60: {  	[tilespmem:$0x1F8] =	vst v0  }
0x61: {  	[tilespmem:$0x208] =	vst v0  }
0x62: {  	[tilespmem:$0x218] =	vst v0  }
0x63: {  	[tilespmem:$0x228] =	vst v0  }
0x64: {  	[tilespmem:$0x238] =	vst v0  }
0x65: {  	[tilespmem:$0x248] =	vst v0  }
0x66: {  	[tilespmem:$0x258] =	vst v0  }
0x67: {  	[tilespmem:$0x268] =	vst v0  }
0x68: {  	[tilespmem:$0x278] =	vst v0  }
0x69: {  	[tilespmem:$0x288] =	vst v0  }
0x6a: {  	[tilespmem:$0x298] =	vst v0  }
0x6b: {  	[tilespmem:$0x2A8] =	vst v0  }
0x6c: {  	[tilespmem:$0x2B8] =	vst v0  }
0x6d: {  	[tilespmem:$0x2C8] =	vst v0  }
0x6e: {  	[tilespmem:$0x2D8] =	vst v0  }
0x6f: {  	[tilespmem:$0x2E8] =	vst v0  }
0x70: {  	[tilespmem:$0x2F8] =	vst v0  }
0x71: {  	[tilespmem:$0x308] =	vst v0  }
0x72: {  	[tilespmem:$0x318] =	vst v0  }
0x73: {  	[tilespmem:$0x328] =	vst v0  }
0x74: {  	[tilespmem:$0x338] =	vst v0  }
0x75: {  	[tilespmem:$0x348] =	vst v0  }
0x76: {  	[tilespmem:$0x358] =	vst v0  }
0x77: {  	[tilespmem:$0x368] =	vst v0  }
0x78: {  	[tilespmem:$0x378] =	vst v0  }
0x79: {  	[tilespmem:$0x388] =	vst v0  }
0x7a: {  	[tilespmem:$0x398] =	vst v0  }
0x7b: {  	[tilespmem:$0x3A8] =	vst v0  }
0x7c: {  	[tilespmem:$0x3B8] =	vst v0  }
0x7d: {  	[tilespmem:$0x3C8] =	vst v0  }
0x7e: {  	[tilespmem:$0x3D8] =	vst v0  }
0x7f: {  	[tilespmem:$0x3E8] =	vst v0  }
0x80: {  	[tilespmem:$0x3F8] =	vst v0  }
0x81: {  	[tilespmem:$0x408] =	vst v0  }
0x82: {  	[tilespmem:$0x418] =	vst v0  }
0x83: {  	[tilespmem:$0x428] =	vst v0  }
0x84: {  	[tilespmem:$0x438] =	vst v0  }
0x85: {  	[tilespmem:$0x448] =	vst v0  }
0x86: {  	[tilespmem:$0x458] =	vst v0  }
0x87: {  	[tilespmem:$0x468] =	vst v0  }
0x88: {  	[tilespmem:$0x478] =	vst v0  }
0x89: {  	[tilespmem:$0x488] =	vst v0  }
0x8a: {  	[tilespmem:$0x498] =	vst v0  }
0x8b: {  	[tilespmem:$0x4A8] =	vst v0  }
0x8c: {  	[tilespmem:$0x4B8] =	vst v0  }
0x8d: {  	[tilespmem:$0x4C8] =	vst v0  }
0x8e: {  	[tilespmem:$0x4D8] =	vst v0  }
0x8f: {  	[tilespmem:$0x4E8] =	vst v0  }
0x90: {  	[tilespmem:$0x4F8] =	vst v0  }
0x91: {  	[tilespmem:$0x508] =	vst v0  }
0x92: {  	[tilespmem:$0x518] =	vst v0  }
0x93: {  	[tilespmem:$0x528] =	vst v0  }
0x94: {  	[tilespmem:$0x538] =	vst v0  }
0x95: {  	[tilespmem:$0x548] =	vst v0  }
0x96: {  	[tilespmem:$0x558] =	vst v0  }
0x97: {  	[tilespmem:$0x568] =	vst v0  }
0x98: {  	[tilespmem:$0x578] =	vst v0  }
0x99: {  	[tilespmem:$0x588] =	vst v0  }
0x9a: {  	[tilespmem:$0x598] =	vst v0  }
0x9b: {  	[tilespmem:$0x5A8] =	vst v0  }
0x9c: {  	[tilespmem:$0x5B8] =	vst v0  }
0x9d: {  	[tilespmem:$0x5C8] =	vst v0  }
0x9e: {  	[tilespmem:$0x5D8] =	vst v0  }
0x9f: {  	[tilespmem:$0x5E8] =	vst v0  }
0xa0: {  	[tilespmem:$0x5F8] =	vst v0  }
0xa1: {  	[tilespmem:$0x608] =	vst v0  }
0xa2: {  	[tilespmem:$0x618] =	vst v0  }
0xa3: {  	[tilespmem:$0x628] =	vst v0  }
0xa4: {  	[tilespmem:$0x638] =	vst v0  }
0xa5: {  	[tilespmem:$0x648] =	vst v0  }
0xa6: {  	[tilespmem:$0x658] =	vst v0  }
0xa7: {  	[tilespmem:$0x668] =	vst v0  }
0xa8: {  	[tilespmem:$0x678] =	vst v0  }
0xa9: {  	[tilespmem:$0x688] =	vst v0  }
0xaa: {  	[tilespmem:$0x698] =	vst v0  }
0xab: {  	[tilespmem:$0x6A8] =	vst v0  }
0xac: {  	[tilespmem:$0x6B8] =	vst v0  }
0xad: {  	[tilespmem:$0x6C8] =	vst v0  }
0xae: {  	[tilespmem:$0x6D8] =	vst v0  }
0xaf: {  	[tilespmem:$0x6E8] =	vst v0  }
0xb0: {  	[tilespmem:$0x6F8] =	vst v0  }
0xb1: {  	[tilespmem:$0x708] =	vst v0  }
0xb2: {  	[tilespmem:$0x718] =	vst v0  }
0xb3: {  	[tilespmem:$0x728] =	vst v0  }
0xb4: {  	[tilespmem:$0x738] =	vst v0  }
0xb5: {  	[tilespmem:$0x748] =	vst v0  }
0xb6: {  	[tilespmem:$0x758] =	vst v0  }
0xb7: {  	[tilespmem:$0x768] =	vst v0  }
0xb8: {  	[tilespmem:$0x778] =	vst v0  }
0xb9: {  	[tilespmem:$0x788] =	vst v0  }
0xba: {  	[tilespmem:$0x798] =	vst v0  }
0xbb: {  	[tilespmem:$0x7A8] =	vst v0  }
0xbc: {  	[tilespmem:$0x7B8] =	vst v0  }
0xbd: {  	[tilespmem:$0x7C8] =	vst v0  }
0xbe: {  	[tilespmem:$0x7D8] =	vst v0  }
0xbf: {  	[tilespmem:$0x7E8] =	vst v0  }
0xc0: {  	[tilespmem:$0x7F8] =	vst v0  }
0xc1: {  	[tilespmem:$0x808] =	vst v0  }
0xc2: {  	[tilespmem:$0x818] =	vst v0  }
0xc3: {  	[tilespmem:$0x828] =	vst v0  }
0xc4: {  	[tilespmem:$0x838] =	vst v0  }
0xc5: {  	[tilespmem:$0x848] =	vst v0  }
0xc6: {  	[tilespmem:$0x858] =	vst v0  }
0xc7: {  	[tilespmem:$0x868] =	vst v0  }
0xc8: {  	[tilespmem:$0x878] =	vst v0  }
0xc9: {  	[tilespmem:$0x888] =	vst v0  }
0xca: {  	[tilespmem:$0x898] =	vst v0  }
0xcb: {  	[tilespmem:$0x8A8] =	vst v0  }
0xcc: {  	[tilespmem:$0x8B8] =	vst v0  }
0xcd: {  	[tilespmem:$0x8C8] =	vst v0  }
0xce: {  	[tilespmem:$0x8D8] =	vst v0  }
0xcf: {  	[tilespmem:$0x8E8] =	vst v0  }
0xd0: {  	[tilespmem:$0x8F8] =	vst v0  }
0xd1: {  	[tilespmem:$0x908] =	vst v0  }
0xd2: {  	[tilespmem:$0x918] =	vst v0  }
0xd3: {  	[tilespmem:$0x928] =	vst v0  }
0xd4: {  	[tilespmem:$0x938] =	vst v0  }
0xd5: {  	[tilespmem:$0x948] =	vst v0  }
0xd6: {  	[tilespmem:$0x958] =	vst v0  }
0xd7: {  	[tilespmem:$0x968] =	vst v0  }
0xd8: {  	[tilespmem:$0x978] =	vst v0  }
0xd9: {  	[tilespmem:$0x988] =	vst v0  }
0xda: {  	[tilespmem:$0x998] =	vst v0  }
0xdb: {  	[tilespmem:$0x9A8] =	vst v0  }
0xdc: {  	[tilespmem:$0x9B8] =	vst v0  }
0xdd: {  	[tilespmem:$0x9C8] =	vst v0  }
0xde: {  	[tilespmem:$0x9D8] =	vst v0  }
0xdf: {  	[tilespmem:$0x9E8] =	vst v0  }
0xe0: {  	[tilespmem:$0x9F8] =	vst v0  }
0xe1: {  	[tilespmem:$0xA08] =	vst v0  }
0xe2: {  	[tilespmem:$0xA18] =	vst v0  }
0xe3: {  	[tilespmem:$0xA28] =	vst v0  }
0xe4: {  	[tilespmem:$0xA38] =	vst v0  }
0xe5: {  	[tilespmem:$0xA48] =	vst v0  }
0xe6: {  	[tilespmem:$0xA58] =	vst v0  }
0xe7: {  	[tilespmem:$0xA68] =	vst v0  }
0xe8: {  	[tilespmem:$0xA78] =	vst v0  }
0xe9: {  	[tilespmem:$0xA88] =	vst v0  }
0xea: {  	[tilespmem:$0xA98] =	vst v0  }
0xeb: {  	[tilespmem:$0xAA8] =	vst v0  }
0xec: {  	[tilespmem:$0xAB8] =	vst v0  }
0xed: {  	[tilespmem:$0xAC8] =	vst v0  }
0xee: {  	[tilespmem:$0xAD8] =	vst v0  }
0xef: {  	[tilespmem:$0xAE8] =	vst v0  }
0xf0: {  	[tilespmem:$0xAF8] =	vst v0  }
0xf1: {  	[tilespmem:$0xB08] =	vst v0  }
0xf2: {  	[tilespmem:$0xB18] =	vst v0  }
0xf3: {  	[tilespmem:$0xB28] =	vst v0  }
0xf4: {  	[tilespmem:$0xB38] =	vst v0  }
0xf5: {  	[tilespmem:$0xB48] =	vst v0  }
0xf6: {  	[tilespmem:$0xB58] =	vst v0  }
0xf7: {  	[tilespmem:$0xB68] =	vst v0  }
0xf8: {  	[tilespmem:$0xB78] =	vst v0  }
0xf9: {  	[tilespmem:$0xB88] =	vst v0  }
0xfa: {  	[tilespmem:$0xB98] =	vst v0  }
0xfb: {  	[tilespmem:$0xBA8] =	vst v0  }
0xfc: {  	[tilespmem:$0xBB8] =	vst v0  }
0xfd: {  	[tilespmem:$0xBC8] =	vst v0  }
0xfe: {  	[tilespmem:$0xBD8] =	vst v0  }
0xff: {  	[tilespmem:$0xBE8] =	vst v0  }
0x100: {  	[tilespmem:$0xBF8] =	vst v0  }
0x101: {  	[tilespmem:$0xC08] =	vst v0  }
0x102: {  	[tilespmem:$0xC18] =	vst v0  }
0x103: {  	[tilespmem:$0xC28] =	vst v0  }
0x104: {  	[tilespmem:$0xC38] =	vst v0  }
0x105: {  	[tilespmem:$0xC48] =	vst v0  }
0x106: {  	[tilespmem:$0xC58] =	vst v0  }
0x107: {  	[tilespmem:$0xC68] =	vst v0  }
0x108: {  	[tilespmem:$0xC78] =	vst v0  }
0x109: {  	[tilespmem:$0xC88] =	vst v0  }
0x10a: {  	[tilespmem:$0xC98] =	vst v0  }
0x10b: {  	[tilespmem:$0xCA8] =	vst v0  }
0x10c: {  	[tilespmem:$0xCB8] =	vst v0  }
0x10d: {  	[tilespmem:$0xCC8] =	vst v0  }
0x10e: {  	[tilespmem:$0xCD8] =	vst v0  }
0x10f: {  	[tilespmem:$0xCE8] =	vst v0  }
0x110: {  	[tilespmem:$0xCF8] =	vst v0  }
0x111: {  	[tilespmem:$0xD08] =	vst v0  }
0x112: {  	[tilespmem:$0xD18] =	vst v0  }
0x113: {  	[tilespmem:$0xD28] =	vst v0  }
0x114: {  	[tilespmem:$0xD38] =	vst v0  }
0x115: {  	[tilespmem:$0xD48] =	vst v0  }
0x116: {  	[tilespmem:$0xD58] =	vst v0  }
0x117: {  	[tilespmem:$0xD68] =	vst v0  }
0x118: {  	[tilespmem:$0xD78] =	vst v0  }
0x119: {  	[tilespmem:$0xD88] =	vst v0  }
0x11a: {  	[tilespmem:$0xD98] =	vst v0  }
0x11b: {  	[tilespmem:$0xDA8] =	vst v0  }
0x11c: {  	[tilespmem:$0xDB8] =	vst v0  }
0x11d: {  	[tilespmem:$0xDC8] =	vst v0  }
0x11e: {  	[tilespmem:$0xDD8] =	vst v0  }
0x11f: {  	[tilespmem:$0xDE8] =	vst v0  }
0x120: {  	[tilespmem:$0xDF8] =	vst v0  }
0x121: {  	[tilespmem:$0xE08] =	vst v0  }
0x122: {  	[tilespmem:$0xE18] =	vst v0  }
0x123: {  	[tilespmem:$0xE28] =	vst v0  }
0x124: {  	[tilespmem:$0xE38] =	vst v0  }
0x125: {  	[tilespmem:$0xE48] =	vst v0  }
0x126: {  	[tilespmem:$0xE58] =	vst v0  }
0x127: {  	[tilespmem:$0xE68] =	vst v0  }
0x128: {  	[tilespmem:$0xE78] =	vst v0  }
0x129: {  	[tilespmem:$0xE88] =	vst v0  }
0x12a: {  	[tilespmem:$0xE98] =	vst v0  }
0x12b: {  	[tilespmem:$0xEA8] =	vst v0  }
0x12c: {  	[tilespmem:$0xEB8] =	vst v0  }
0x12d: {  	[tilespmem:$0xEC8] =	vst v0  }
0x12e: {  	[tilespmem:$0xED8] =	vst v0  }
0x12f: {  	[tilespmem:$0xEE8] =	vst v0  }
0x130: {  	[tilespmem:$0xEF8] =	vst v0  }
0x131: {  	[tilespmem:$0xF08] =	vst v0  }
0x132: {  	[tilespmem:$0xF18] =	vst v0  }
0x133: {  	[tilespmem:$0xF28] =	vst v0  }
0x134: {  	[tilespmem:$0xF38] =	vst v0  }
0x135: {  	[tilespmem:$0xF48] =	vst v0  }
0x136: {  	[tilespmem:$0xF58] =	vst v0  }
0x137: {  	[tilespmem:$0xF68] =	vst v0  }
0x138: {  	[tilespmem:$0xF78] =	vst v0  }
0x139: {  	[tilespmem:$0xF88] =	vst v0  }
0x13a: {  	[tilespmem:$0xF98] =	vst v0  }
0x13b: {  	[tilespmem:$0xFA8] =	vst v0  }
0x13c: {  	[tilespmem:$0xFB8] =	vst v0  }
0x13d: {  	[tilespmem:$0xFC8] =	vst v0  }
0x13e: {  	[tilespmem:$0xFD8] =	vst v0  }
0x13f: {  	[tilespmem:$0xFE8] =	vst v0  }
0x140: {  	[tilespmem:$0xFF8] =	vst v0  }
0x141: {  	[tilespmem:$0x1018] =	vst v0  }
0x142: {  	[tilespmem:$0x10D8] =	vst v0  }
0x143: {  	[tilespmem:$0x1B28] =	vst v0  }
0x144: {  	[tilespmem:$0x1B18] =	vst v0  }
0x145: {  	[tilespmem:$0x1B08] =	vst v0  }
0x146: {  	[tilespmem:$0x1AF8] =	vst v0  }
0x147: {  	[tilespmem:$0x1AE8] =	vst v0  }
0x148: {  	[tilespmem:$0x1AD8] =	vst v0  }
0x149: {  	[tilespmem:$0x1AC8] =	vst v0  }
0x14a: {  	[tilespmem:$0x1AB8] =	vst v0  }
0x14b: {  	[tilespmem:$0x1AA8] =	vst v0  }
0x14c: {  	[tilespmem:$0x1A98] =	vst v0  }
0x14d: {  	[tilespmem:$0x1A88] =	vst v0  }
0x14e: {  	[tilespmem:$0x1A78] =	vst v0  }
0x14f: {  	[tilespmem:$0x1A68] =	vst v0  }
0x150: {  	[tilespmem:$0x1A58] =	vst v0  }
0x151: {  	[tilespmem:$0x1A48] =	vst v0  }
0x152: {  	[tilespmem:$0x1A38] =	vst v0  }
0x153: {  	[tilespmem:$0x1A28] =	vst v0  }
0x154: {  	[tilespmem:$0x1A18] =	vst v0  }
0x155: {  	[tilespmem:$0x1A08] =	vst v0  }
0x156: {  	[tilespmem:$0x19F8] =	vst v0  }
0x157: {  	[tilespmem:$0x19E8] =	vst v0  }
0x158: {  	[tilespmem:$0x19D8] =	vst v0  }
0x159: {  	[tilespmem:$0x19C8] =	vst v0  }
0x15a: {  	[tilespmem:$0x19B8] =	vst v0  }
0x15b: {  	[tilespmem:$0x19A8] =	vst v0  }
0x15c: {  	[tilespmem:$0x1998] =	vst v0  }
0x15d: {  	[tilespmem:$0x1988] =	vst v0  }
0x15e: {  	[tilespmem:$0x1978] =	vst v0  }
0x15f: {  	[tilespmem:$0x1968] =	vst v0  }
0x160: {  	[tilespmem:$0x1958] =	vst v0  }
0x161: {  	[tilespmem:$0x1948] =	vst v0  }
0x162: {  	[tilespmem:$0x1938] =	vst v0  }
0x163: {  	[tilespmem:$0x1928] =	vst v0  }
0x164: {  	[tilespmem:$0x1918] =	vst v0  }
0x165: {  	[tilespmem:$0x1908] =	vst v0  }
0x166: {  	[tilespmem:$0x18F8] =	vst v0  }
0x167: {  	[tilespmem:$0x18E8] =	vst v0  }
0x168: {  	[tilespmem:$0x18D8] =	vst v0  }
0x169: {  	[tilespmem:$0x18C8] =	vst v0  }
0x16a: {  	[tilespmem:$0x18B8] =	vst v0  }
0x16b: {  	[tilespmem:$0x18A8] =	vst v0  }
0x16c: {  	[tilespmem:$0x1898] =	vst v0  }
0x16d: {  	[tilespmem:$0x1888] =	vst v0  }
0x16e: {  	[tilespmem:$0x1878] =	vst v0  }
0x16f: {  	[tilespmem:$0x1868] =	vst v0  }
0x170: {  	[tilespmem:$0x1858] =	vst v0  }
0x171: {  	[tilespmem:$0x1848] =	vst v0  }
0x172: {  	[tilespmem:$0x1838] =	vst v0  }
0x173: {  	[tilespmem:$0x1828] =	vst v0  }
0x174: {  	[tilespmem:$0x1818] =	vst v0  }
0x175: {  	[tilespmem:$0x1808] =	vst v0  }
0x176: {  	[tilespmem:$0x17F8] =	vst v0  }
0x177: {  	[tilespmem:$0x17E8] =	vst v0  }
0x178: {  	[tilespmem:$0x17D8] =	vst v0  }
0x179: {  	[tilespmem:$0x17C8] =	vst v0  }
0x17a: {  	[tilespmem:$0x17B8] =	vst v0  }
0x17b: {  	[tilespmem:$0x17A8] =	vst v0  }
0x17c: {  	[tilespmem:$0x1798] =	vst v0  }
0x17d: {  	[tilespmem:$0x1788] =	vst v0  }
0x17e: {  	[tilespmem:$0x1778] =	vst v0  }
0x17f: {  	[tilespmem:$0x1768] =	vst v0  }
0x180: {  	[tilespmem:$0x1758] =	vst v0  }
0x181: {  	[tilespmem:$0x1748] =	vst v0  }
0x182: {  	[tilespmem:$0x1738] =	vst v0  }
0x183: {  	[tilespmem:$0x1728] =	vst v0  }
0x184: {  	[tilespmem:$0x1718] =	vst v0  }
0x185: {  	[tilespmem:$0x1708] =	vst v0  }
0x186: {  	[tilespmem:$0x16F8] =	vst v0  }
0x187: {  	[tilespmem:$0x16E8] =	vst v0  }
0x188: {  	[tilespmem:$0x16D8] =	vst v0  }
0x189: {  	[tilespmem:$0x16C8] =	vst v0  }
0x18a: {  	[tilespmem:$0x16B8] =	vst v0  }
0x18b: {  	[tilespmem:$0x16A8] =	vst v0  }
0x18c: {  	[tilespmem:$0x1698] =	vst v0  }
0x18d: {  	[tilespmem:$0x1688] =	vst v0  }
0x18e: {  	[tilespmem:$0x1678] =	vst v0  }
0x18f: {  	[tilespmem:$0x1668] =	vst v0  }
0x190: {  	[tilespmem:$0x1658] =	vst v0  }
0x191: {  	[tilespmem:$0x1648] =	vst v0  }
0x192: {  	[tilespmem:$0x1638] =	vst v0  }
0x193: {  	[tilespmem:$0x1628] =	vst v0  }
0x194: {  	[tilespmem:$0x1618] =	vst v0  }
0x195: {  	[tilespmem:$0x1608] =	vst v0  }
0x196: {  	[tilespmem:$0x15F8] =	vst v0  }
0x197: {  	[tilespmem:$0x15E8] =	vst v0  }
0x198: {  	[tilespmem:$0x15D8] =	vst v0  }
0x199: {  	[tilespmem:$0x15C8] =	vst v0  }
0x19a: {  	[tilespmem:$0x15B8] =	vst v0  }
0x19b: {  	[tilespmem:$0x15A8] =	vst v0  }
0x19c: {  	[tilespmem:$0x1598] =	vst v0  }
0x19d: {  	[tilespmem:$0x1588] =	vst v0  }
0x19e: {  	[tilespmem:$0x1578] =	vst v0  }
0x19f: {  	[tilespmem:$0x1568] =	vst v0  }
0x1a0: {  	[tilespmem:$0x1558] =	vst v0  }
0x1a1: {  	[tilespmem:$0x1548] =	vst v0  }
0x1a2: {  	[tilespmem:$0x1538] =	vst v0  }
0x1a3: {  	[tilespmem:$0x1528] =	vst v0  }
0x1a4: {  	[tilespmem:$0x1518] =	vst v0  }
0x1a5: {  	[tilespmem:$0x1508] =	vst v0  }
0x1a6: {  	[tilespmem:$0x14F8] =	vst v0  }
0x1a7: {  	[tilespmem:$0x14E8] =	vst v0  }
0x1a8: {  	[tilespmem:$0x14D8] =	vst v0  }
0x1a9: {  	[tilespmem:$0x14C8] =	vst v0  }
0x1aa: {  	[tilespmem:$0x14B8] =	vst v0  }
0x1ab: {  	[tilespmem:$0x14A8] =	vst v0  }
0x1ac: {  	[tilespmem:$0x1498] =	vst v0  }
0x1ad: {  	[tilespmem:$0x1488] =	vst v0  }
0x1ae: {  	[tilespmem:$0x1478] =	vst v0  }
0x1af: {  	[tilespmem:$0x1468] =	vst v0  }
0x1b0: {  	[tilespmem:$0x1458] =	vst v0  }
0x1b1: {  	[tilespmem:$0x1448] =	vst v0  }
0x1b2: {  	[tilespmem:$0x1438] =	vst v0  }
0x1b3: {  	[tilespmem:$0x1428] =	vst v0  }
0x1b4: {  	[tilespmem:$0x1418] =	vst v0  }
0x1b5: {  	[tilespmem:$0x1408] =	vst v0  }
0x1b6: {  	[tilespmem:$0x13F8] =	vst v0  }
0x1b7: {  	[tilespmem:$0x13E8] =	vst v0  }
0x1b8: {  	[tilespmem:$0x13D8] =	vst v0  }
0x1b9: {  	[tilespmem:$0x13C8] =	vst v0  }
0x1ba: {  	[tilespmem:$0x13B8] =	vst v0  }
0x1bb: {  	[tilespmem:$0x13A8] =	vst v0  }
0x1bc: {  	[tilespmem:$0x1398] =	vst v0  }
0x1bd: {  	[tilespmem:$0x1388] =	vst v0  }
0x1be: {  	[tilespmem:$0x1378] =	vst v0  }
0x1bf: {  	[tilespmem:$0x1368] =	vst v0  }
0x1c0: {  	[tilespmem:$0x1358] =	vst v0  }
0x1c1: {  	[tilespmem:$0x1348] =	vst v0  }
0x1c2: {  	[tilespmem:$0x1338] =	vst v0  }
0x1c3: {  	[tilespmem:$0x1328] =	vst v0  }
0x1c4: {  	[tilespmem:$0x1318] =	vst v0  }
0x1c5: {  	[tilespmem:$0x1308] =	vst v0  }
0x1c6: {  	[tilespmem:$0x12F8] =	vst v0  }
0x1c7: {  	[tilespmem:$0x12E8] =	vst v0  }
0x1c8: {  	[tilespmem:$0x12D8] =	vst v0  }
0x1c9: {  	[tilespmem:$0x12C8] =	vst v0  }
0x1ca: {  	[tilespmem:$0x12B8] =	vst v0  }
0x1cb: {  	[tilespmem:$0x12A8] =	vst v0  }
0x1cc: {  	[tilespmem:$0x1298] =	vst v0  }
0x1cd: {  	[tilespmem:$0x1288] =	vst v0  }
0x1ce: {  	[tilespmem:$0x1278] =	vst v0  }
0x1cf: {  	[tilespmem:$0x1268] =	vst v0  }
0x1d0: {  	[tilespmem:$0x1258] =	vst v0  }
0x1d1: {  	[tilespmem:$0x1248] =	vst v0  }
0x1d2: {  	[tilespmem:$0x1238] =	vst v0  }
0x1d3: {  	[tilespmem:$0x1228] =	vst v0  }
0x1d4: {  	[tilespmem:$0x1218] =	vst v0  }
0x1d5: {  	[tilespmem:$0x1208] =	vst v0  }
0x1d6: {  	[tilespmem:$0x11F8] =	vst v0  }
0x1d7: {  	[tilespmem:$0x11E8] =	vst v0  }
0x1d8: {  	[tilespmem:$0x11D8] =	vst v0  }
0x1d9: {  	[tilespmem:$0x11C8] =	vst v0  }
0x1da: {  	[tilespmem:$0x11B8] =	vst v0  }
0x1db: {  	[tilespmem:$0x11A8] =	vst v0  }
0x1dc: {  	[tilespmem:$0x1198] =	vst v0  }
0x1dd: {  	[tilespmem:$0x1188] =	vst v0  }
0x1de: {  	[tilespmem:$0x1178] =	vst v0  }
0x1df: {  	[tilespmem:$0x1168] =	vst v0  }
0x1e0: {  	[tilespmem:$0x1158] =	vst v0  }
0x1e1: {  	[tilespmem:$0x1148] =	vst v0  }
0x1e2: {  	[tilespmem:$0x1138] =	vst v0  }
0x1e3: {  	[tilespmem:$0x1128] =	vst v0  }
0x1e4: {  	s2 =	stileid.u32;
	[tilespmem:$0x1118] =	vst v0  }
0x1e5: {  	s0 =	smin.u32 s2, $0x8;
	[tilespmem:$0x1108] =	vst v0  }
0x1e6: {  	[tilespmem:$0x10F8] =	vst v0;
	s0 =	sadd.s32 s2, s0  }
0x1e7: {  	s1 =	simm.s32 $0x360;
	p0 =	slt.u32 s2, $0x8;
	[tilespmem:$0x10E8] =	vst v0;
	s3 =	smul.u32 $0x1B0, s0  }
0x1e8: {  	s1 =	simm.s32 @!p0 $0x1B0;
	[tilespmem:$0x10C8] =	vst v0  }
0x1e9: {  	[tilespmem:$0x1038] =	vst v0;
	s0 =	sadd.s32 s1, s3  }
0x1ea: {  	[tilespmem:$0x10B8] =	vst v0;
	s4 =	smin.u32 s0, $0x2710  }
0x1eb: {  	[tilespmem:$0x10A8] =	vst v0;
	s0 =	ssub.s32 s4, s3  }
0x1ec: {  	[tilespmem:$0x1098] =	vst v0;
	p0 =	sgt.s32 s0, $0x0  }
0x1ed: {  	[tilespmem:$0x1088] =	vst v0;
	s0 =	simm.s32 @!p0 $0x0  }
0x1ee: {  	s5 =	simm.s32 $0x2;
	s29 =	simm.s32 $0x7;
	[tilespmem:$0x1078] =	vst v0;
	s28 =	sand.u32 $0xFFF0, s0  }
0x1ef: {  	s13 =	simm.s32 $0x8;
	s30 =	simm.s32 $0x9;
	[tilespmem:$0x1068] =	vst v0;
	s1 =	sshrl.u32 s28, $0x4  }
0x1f0: {  	p4 =	por $0x0, $0x0;
	s14 =	simm.s32 $0xA;
	[tilespmem:$0x1058] =	vst v0;
	s6 =	smul.u32 $0x12F7, s1  }
0x1f1: {  	s18 =	simm.s32 $0x0;
	s15 =	simm.s32 $0x0;
	s17 =	simm.s32 $0x0;
	[tilespmem:$0x1048] =	vst v0  }
0x1f2: {  	s7 =	sadd.s32 $0x77C00, s8;
	s31 =	sshll.u32 s2, $0x5;
	[tilespmem:$0x1028] =	vst v0;
	s12 =	sshrl.u32 s6, $0x11  }
0x1f3: {  	[tilespmem:$0x1008] =	vst v0;
	[sflag:s5] =	ssyncpa.u1 $0x0;
	v0 =	vimm.s32 $0xFFFFFFFF;
	s5 =	sadd.s32 $0x1A00, s8;
	s10 =	smul.u32 $0x1B0, s12  }
.Ltmp5:
0x1f4: {  	[dreg:$0x2] =	wrdreg s31;
	[tilespmem:$0x3648] =	vst v0;
	[sflag:s29] =	ssyncpa.u1 $0x0;
	(pc) =	sbr.rel .LBB3_1-.Ltmp5, $4  }
0x1f5: {  	[sflag:s13] =	ssyncpa.u1 $0x0;
	s13 =	simm.s32 $0x0;
	p0 =	sne.s32 s0, s10  }
0x1f6: {  	[sflag:s30] =	ssyncpa.u1 $0x0;
	s16 =	smov.u32 s3;
	s11 =	simm.s32 @!p0 $0x0  }
0x1f7: {  	[dreg:$0x3] =	wrdreg s3;
	s1 =	sadd.s32 $0x3000, s8;
	s11 =	sadd.s32 s12, s11  }
0x1f8: {  	v0 =	vlaneseq.u32;
	s6 =	sadd.s32 $0x1400, s8;
	p0 =	por $0x1, $0x1;
	s8 =	sadd.s32 $0x1, s11  }
.LBB3_18:
0x1f9: {  	s0 =	simm.s32 $0x2  }
0x1fa: {  	_ =	swait.ge [sflag:s0], $0x0  }
0x1fb: {  	[sflag:s0] =	ssyncset.done $0x0;
	s0 =	simm.s32 $0x0  }
.LBB3_19:
0x1fc: {  	_ =	swait.ge [sflag:s14], s0  }
0x1fd: {  	s31 =	ssub.s32 $0x0, s0;
	v1 =	vmov s20;
	vm0 =	veq.s32 v0, $0x0;
	[sflag:s14] =	ssyncset.done $0x0  }
0x1fe: {  	vm15 =	veq.s32 v0, $0x2;
	v1 =	vsel vm0, s25, v1;
	[sflag:s14] =	ssyncadd.s32 s31  }
0x1ff: {  	v1 =	vsel vm15, s18, v1;
	[sflag:s14] =	ssyncpa.u1 $0x1  }
0x200: {  	[tilespmem:$0x3648] =	vst v1  }
.LBB3_20:
0x201: {  	s0 =	sadd.s32 $0x1B0, s16  }
0x202: {  	s2 =	smov.u32 s3;
	p1 =	slt.s32 s0, s4  }
0x203: {  	s2 =	smov.u32 @p1 s0;
	p1 =	sne.s32 s17, s8  }
.Ltmp6:
0x204: {  	_ = 	snop;
	(pc) =	sbr.rel @!p1 .LBB3_21-.Ltmp6, $4  }
0x205: {  	_ = 	snop  }
0x206: {  	s18 =	smov.u32 s15  }
0x207: {  	s31 =	sadd.s32 $0x1, s17;
	s15 =	smov.u32 s16;
	p0 =	por !p0, !p0  }
0x208: {  	p4 =	por !p4, !p4;
	s17 =	smov.u32 s31;
	s16 =	smov.u32 s2  }
.LBB3_1:
0x209: {  	p2 =	sge.u32 s17, s11  }
0x20a: {  	s0 =	smulhi.u32 @!p2 $0xAAAAAAAB, s17  }
0x20b: {  	s19 =	smov.u32 s16;
	p3 =	sgt.s32 @!p2 s16, $0x2560  }
0x20c: {  	s20 =	sshra.s32 @!p2 s16, $0x1F;
	p3 =	por !p3, p2;
	s0 =	sshrl.u32 @!p2 s0, $0x1  }
0x20d: {  	s20 =	sand.u32 @!p2 s20, s16;
	s19 =	simm.s32 @p3 $0x2560;
	s0 =	smul.u32 @!p2 $0x3, s0  }
0x20e: {  	s19 =	ssub.s32 @!p2 s19, s20  }
0x20f: {  	s19 =	sadd.s32 @!p2 $0xFFFFDAA0, s19;
	s0 =	ssub.s32 @!p2 s17, s0  }
0x210: {  	s20 =	sshll.u32 @!p2 s19, $0x2;
	p3 =	sgt.s32 @!p2 s19, $0x1AF;
	s0 =	smul.u32 @!p2 $0x6C0, s0  }
0x211: {  	s21 =	sand.u32 @!p2 $0x7, s16;
	s19 =	ssub.s32 @!p2 $0x6C0, s20;
	p3 =	por !p3, p2  }
0x212: {  	s20 =	sshrl.u32 @!p2 s16, $0x3;
	s19 =	sshrl.u32 @!p2 s19, $0x2;
	s0 =	sshrl.u32 @!p2 s0, $0x2  }
0x213: {  	s20 =	sadd.s32 @!p2 s5, s20;
	s19 =	simm.s32 @!p3 $0x0;
	s0 =	sadd.s32 @!p2 $0x3878, s0  }
0x214: {  	[tilespmem:s0], [sflag:$0x8] =	stream.linear.gather @!p2 [hbm4b:s20+s21], s19, $0x38;
	[tilespmem:$0x1F0E8] =	vst v63  }
0x215: {  	s20 =	sadd.s32 $0xFFFFFFFF, s17  }
0x216: {  	p2 =	sge.u32 s20, s11  }
0x217: {  	p3 =	sgt.s32 @!p2 s15, $0x2560  }
0x218: {  	s0 =	smov.u32 s15;
	s19 =	sshra.s32 @!p2 s15, $0x1F;
	p3 =	por !p3, p2  }
0x219: {  	s19 =	sand.u32 @!p2 s19, s15;
	s0 =	simm.s32 @p3 $0x2560  }
0x21a: {  	s0 =	ssub.s32 @!p2 s0, s19  }
0x21b: {  	s0 =	sadd.s32 @!p2 $0xFFFFDAA0, s0  }
0x21c: {  	s19 =	sshll.u32 @!p2 s0, $0x2  }
0x21d: {  	p3 =	sgt.s32 @!p2 s0, $0x1AF;
	s0 =	ssub.s32 @!p2 $0x6C0, s19  }
0x21e: {  	p3 =	por !p3, p2;
	s0 =	sshrl.u32 @!p2 s0, $0x2  }
0x21f: {  	s21 =	simm.s32 @!p2 $0x8;
	s19 =	sand.u32 @!p2 $0x1, s20;
	s0 =	simm.s32 @!p3 $0x0  }
0x220: {  	s19 =	smul.u32 @!p2 $0x6C0, s19;
	_ =	swait.ge @!p2 [sflag:s21], s0  }
0x221: {  	s22 =	ssub.s32 @!p2 $0x0, s0;
	[sflag:s21] =	ssyncset.done @!p2 $0x0  }
0x222: {  	s19 =	sshrl.u32 @!p2 s19, $0x2;
	[sflag:s21] =	ssyncadd.s32 @!p2 s22;
	s21 =	sshrl.u32 @!p2 s15, $0x3  }
0x223: {  	s19 =	sadd.s32 @!p2 $0x3D88, s19;
	s22 =	sand.u32 @!p2 $0x7, s15;
	s21 =	sadd.s32 @!p2 s6, s21  }
0x224: {  	[tilespmem:s19], [sflag:$0x9] =	stream.linear.gather @!p2 [hbm4b:s21+s22], s0, $0x38;
	[tilespmem:$0x1F0E8] =	vst v63  }
0x225: {  	s19 =	ssub.s32 @!p2 $0x2710, s15  }
0x226: {  	p3 =	slt.s32 @!p2 s19, $0x1  }
0x227: {  	p3 =	por p2, p3  }
.Ltmp7:
0x228: {  	_ = 	snop;
	(pc) =	sbr.rel @p3 .LBB3_7-.Ltmp7, $1  }
0x229: {  	_ =	sdelay $0x3  }
0x22a: {  	s0 =	smulhi.u32 $0xAAAAAAAB, s20;
	_ =	sdelay $0x1  }
0x22b: {  	s0 =	sshrl.u32 s0, $0x1  }
0x22c: {  	s0 =	smul.u32 $0x3, s0;
	_ =	sdelay $0x1  }
0x22d: {  	s0 =	ssub.s32 s20, s0  }
0x22e: {  	s21 =	simm.s32 $0x1;
	s0 =	smul.u32 $0x6C0, s0  }
.Ltmp8:
0x22f: {  	s21 =	simm.s32 @!p0 $0x0;
	(pc) =	sbr.rel .LBB3_4-.Ltmp8, $4  }
0x230: {  	s31 =	smul.u32 $0x36000, s21  }
0x231: {  	p3 =	slt.s32 @!p2 s19, $0x1B0;
	s0 =	sshrl.u32 s0, $0x2  }
0x232: {  	p2 =	por !p3, p2;
	s20 =	sshrl.u32 s31, $0x2;
	s0 =	sadd.s32 $0x3878, s0  }
0x233: {  	s19 =	simm.s32 @p2 $0x1B0;
	s21 =	simm.s32 $0x0;
	s20 =	sadd.s32 $0x40E8, s20;
	v1 =	vmov s0  }
.LBB3_3:
0x234: {  	p2 =	sge.s32 s21, s19  }
.Ltmp9:
0x235: {  	_ = 	snop;
	(pc) =	sbr.rel @p2 .LBB3_7-.Ltmp9, $2  }
0x236: {  	_ =	sdelay $0x2  }
0x237: {  	s20 =	sadd.s32 $0x800, s20  }
.LBB3_4:
0x238: {  	p2 =	sle.s32 s19, s21  }
.Ltmp10:
0x239: {  	_ = 	snop;
	(pc) =	sbr.rel @p2 .LBB3_3-.Ltmp10, $2  }
0x23a: {  	_ =	sdelay $0x2  }
0x23b: {  	s22 =	smov.u32 s21;
	s21 =	sadd.s32 $0x10, s21  }
0x23c: {  	s0 =	ssub.s32 s19, s22  }
0x23d: {  	p2 =	slt.s32 s0, $0x10  }
0x23e: {  	s0 =	simm.s32 @!p2 $0x10  }
0x23f: {  	v2 =	vmov s0  }
0x240: {  	vm0 =	vgt.s32 v2, v0;
	_ =	sdelay $0x5  }
0x241: {  	v2 =	vld.idx.msk [tilespmem:v1+s22+$0x0 ss:$0x1], vm0;
	_ =	sdelay $0x2  }
0x242: {  	s23 =	smov.u32 s19;
	p2 =	slt.s32 s21, s19  }
0x243: {  	s24 =	smov.u32 s20;
	s25 =	simm.s32 $0x0;
	s23 =	smov.u32 @p2 s21  }
.LBB3_6:
0x244: {  	(v2sf) =	vpush v2, s25;
	_ =	sdelay $0xc  }
0x245: {  	s25 =	sadd.s32 $0x1, s25  }
0x246: {  	s31 =	sadd.s32 s25, s22  }
0x247: {  	p2 =	slt.s32 s31, s23;
	s0 =	spop (v2sf)  }
.Ltmp11:
0x248: {  	s0 =	sshll.u32 s0, $0x4;
	(pc) =	sbr.rel @p2 .LBB3_6-.Ltmp11, $4  }
0x249: {  	s0 =	sand.u32 $0x1FFFFFF0, s0  }
0x24a: {  	s0 =	sadd.s32 s7, s0  }
0x24b: {  	[tilespmem:s24], [sflag:$0x7] =	stream.linear.gather [hbm4b:s0+s13], $0x3, $0x38;
	[tilespmem:$0x1F0E8] =	vst v63  }
0x24c: {  	s24 =	sadd.s32 $0x80, s24  }
.Ltmp12:
0x24d: {  	_ = 	snop;
	(pc) =	sbr.rel .LBB3_3-.Ltmp12, $1  }
0x24e: {  	_ =	sdelay $0x3  }
.LBB3_7:
0x24f: {  	p2 =	slt.u32 s17, $0x2  }
.Ltmp13:
0x250: {  	_ = 	snop;
	(pc) =	sbr.rel @p2 .LBB3_20-.Ltmp13, $1  }
0x251: {  	_ =	sdelay $0x3  }
0x252: {  	s0 =	ssub.s32 $0x2710, s18;
	p2 =	sgt.s32 s18, $0x2560;
	s19 =	smov.u32 s18  }
0x253: {  	s20 =	sshra.s32 s18, $0x1F;
	p3 =	slt.s32 s0, $0x1B0;
	s21 =	smov.u32 s0  }
0x254: {  	s19 =	simm.s32 @!p2 $0x2560;
	s20 =	sand.u32 s20, s18;
	s21 =	simm.s32 @!p3 $0x1B0  }
0x255: {  	s19 =	ssub.s32 s19, s20;
	s25 =	smul.u32 $0xC, s21  }
0x256: {  	s19 =	sadd.s32 $0xFFFFDAA0, s19  }
0x257: {  	s2 =	simm.s32 $0x7;
	s26 =	sshll.u32 s19, $0x2;
	s20 =	sshrl.u32 s25, $0x2  }
0x258: {  	p2 =	sgt.s32 s19, $0x1AF;
	s28 =	ssub.s32 $0x6C0, s26;
	_ =	swait.ge [sflag:s2], s20  }
0x259: {  	s20 =	ssub.s32 $0x0, s20;
	s19 =	sshrl.u32 s28, $0x2;
	[sflag:s2] =	ssyncset.done $0x0  }
0x25a: {  	s29 =	simm.s32 $0x9;
	s19 =	simm.s32 @p2 $0x0;
	[sflag:s2] =	ssyncadd.s32 s20  }
0x25b: {  	_ =	swait.ge [sflag:s29], s19  }
0x25c: {  	s19 =	ssub.s32 $0x0, s19;
	[sflag:s29] =	ssyncset.done $0x0  }
0x25d: {  	[sflag:s29] =	ssyncadd.s32 s19  }
0x25e: {  	v1 =	vld [tilespmem:$0x3648];
	_ =	sdelay $0x4  }
0x25f: {  	(v2sf) =	vpush v1, $0x0  }
0x260: {  	(v2sf) =	vpush v1, $0x1  }
0x261: {  	(v2sf) =	vpush v1, $0x2;
	_ =	sdelay $0x3  }
0x262: {  	s19 =	sadd.s32 $0x1B0, s18  }
0x263: {  	p2 =	slt.s32 s4, s19  }
0x264: {  	s19 =	smov.u32 @p2 s4;
	p2 =	sgt.s32 s0, $0x0  }
0x265: {  	s23 =	ssub.s32 s19, s18;
	s0 =	simm.s32 @!p2 $0x0  }
0x266: {  	p2 =	slt.s32 s0, s23  }
0x267: {  	s23 =	smov.u32 @p2 s0  }
0x268: {  	s21 =	simm.s32 $0x1;
	p2 =	slt.s32 s23, $0x1  }
.Ltmp14:
0x269: {  	s21 =	simm.s32 @!p4 $0x0;
	(pc) =	sbr.rel @p2 .LBB3_12-.Ltmp14, $4  }
0x26a: {  	s30 =	smul.u32 $0x6C0, s21  }
0x26b: {  	s22 =	spop (v2sf)  }
0x26c: {  	s31 =	sshrl.u32 s30, $0x2;
	s24 =	spop (v2sf)  }
0x26d: {  	s19 =	sadd.s32 $0x3D88, s31;
	s18 =	spop (v2sf)  }
0x26e: {  	s0 =	smin.u32 s23, $0x10  }
0x26f: {  	v1 =	vmov s0  }
0x270: {  	p3 =	sgt.s32 s23, $0x10;
	vm1 =	vgt.u32 v1, v0  }
.Ltmp15:
0x271: {  	_ = 	snop;
	(pc) =	sbr.rel @!p3 .LBB3_11-.Ltmp15, $2  }
0x272: {  	_ =	sdelay $0x2  }
0x273: {  	s25 =	simm.s32 $0x10;
	s26 =	sadd.s32 $0xFFFFFFF0, s23;
	s20 =	smov.u32 s19;
	vm0 =	vmmov vm1  }
.LBB3_10:
0x274: {  	s0 =	smin.u32 s26, $0x10;
	s25 =	sadd.s32 $0x10, s25;
	v1 =	vld.msk [tilespmem:s20+$0x0 ss:$0x1], vm1  }
0x275: {  	v2 =	vmov s0;
	p3 =	slt.s32 s25, s23  }
0x276: {  	vm1 =	vgt.u32 v2, v0  }
.Ltmp16:
0x277: {  	(pc) =	sbr.rel @p3 .LBB3_10-.Ltmp16, $3  }
0x278: {  	_ =	sdelay $0x1  }
0x279: {  	v1 =	vshll.u32 v1, $0x4  }
0x27a: {  	s26 =	sadd.s32 $0xFFFFFFF0, s26;
	[tilespmem:s20+$0x0] =	vst.msk vm0, v1;
	s20 =	sadd.s32 $0x10, s20;
	vm0 =	vmmov vm1  }
.LBB3_11:
0x27b: {  	_ =	sdelay $0x4  }
0x27c: {  	v1 =	vld.msk [tilespmem:s20+$0x0 ss:$0x1], vm1;
	_ =	sdelay $0x4  }
0x27d: {  	v1 =	vshll.u32 v1, $0x4  }
0x27e: {  	[tilespmem:s20+$0x0] =	vst.msk vm0, v1  }
.LBB3_12:
0x27f: {  	s0 =	sand.u32 $0x1, s17  }
0x280: {  	s0 =	smul.u32 $0x1B0, s0  }
0x281: {  	p3 =	sne.s32 s24, $0xFFFFFFFF  }
0x282: {  	v1 =	vld.msk @!p3 [tilespmem:s0+$0x3D88], $0x1;
	_ =	sdelay $0x4  }
0x283: {  	(v2sf) =	vpush @!p3 v1, $0x0;
	_ =	sdelay $0xc  }
.Ltmp17:
0x284: {  	_ = 	snop;
	(pc) =	sbr.rel @p2 .LBB3_18-.Ltmp17, $4  }
0x285: {  	_ = 	snop  }
0x286: {  	s25 =	spop @!p3 (v2sf)  }
0x287: {  	s18 =	simm.s32 @!p3 $0x0;
	s20 =	smov.u32 s25  }
0x288: {  	[sflag:s14] =	ssyncpa.u1 $0x0;
	s25 =	smov.u32 @p3 s22;
	s20 =	smov.u32 @p3 s24  }
0x289: {  	v1 =	vld.msk [tilespmem:s19+$0x0], $0x1;
	_ =	sdelay $0x4  }
0x28a: {  	(v2sf) =	vpush v1, $0x0;
	_ =	sdelay $0xe  }
0x28b: {  	s0 =	simm.s32 @!p4 $0x0;
	s26 =	smul.u32 $0x36000, s21;
	s28 =	spop (v2sf)  }
0x28c: {  	s24 =	sadd.s32 $0xFFFFFFFF, s23;
	s0 =	simm.s32 @p4 $0x1;
	p2 =	seq.s32 s25, s28  }
0x28d: {  	[smem:$0x7FD] =	sst s0;
	s0 =	sshrl.u32 s26, $0x2;
	p3 =	sgt.s32 @!p2 s25, $0x0  }
0x28e: {  	s21 =	sadd.s32 $0x40E8, s0;
	s0 =	smov.u32 s25;
	p3 =	por !p3, p2  }
0x28f: {  	s0 =	simm.s32 @p3 $0x0;
	p3 =	sne.s32 s24, $0x0  }
.Ltmp18:
0x290: {  	_ = 	snop;
	(pc) =	sbr.rel @!p3 .LBB3_15-.Ltmp18, $4  }
0x291: {  	s3 =	smov.u32 s8;
	s12 =	smov.u32 s5;
	s8 =	smov.u32 s6  }
0x292: {  	s22 =	simm.s32 $0x0;
	s29 =	simm.s32 @!p2 $0x1;
	s0 =	smin.u32 @!p2 s0, $0x3FF  }
0x293: {  	s30 =	simm.s32 @!p2 $0x1B38;
	s29 =	smov.u32 @p2 s22;
	s26 =	sand.u32 @!p2 $0x3F8, s0  }
0x294: {  	s31 =	sand.u32 @!p2 $0x7, s0;
	s0 =	sadd.s32 @!p2 s1, s26;
	s26 =	sadd.s32 $0x1, s19  }
.LBB3_14:
0x295: {  	s2 =	smov.u32 s29  }
0x296: {  	[tilespmem:s30], [sflag:$0x2] =	stream.linear.gather @!p2 [hbm4b:s0+s31], $0x3, $0x38;
	[tilespmem:$0x1F0E8] =	vst v63  }
0x297: {  	s24 =	sadd.s32 $0xFFFFFFFF, s24;
	s0 =	smov.u32 s28;
	v1 =	vld.msk [tilespmem:s26+$0x0], $0x1  }
0x298: {  	p3 =	sne.s32 s24, $0x0;
	_ =	sdelay $0x3  }
0x299: {  	(v2sf) =	vpush v1, $0x0;
	_ =	sdelay $0xe  }
0x29a: {  	s28 =	spop (v2sf)  }
0x29b: {  	p2 =	seq.s32 s0, s28  }
0x29c: {  	p4 =	sgt.s32 @!p2 s0, $0x0;
	s30 =	sshll.u32 @!p2 s29, $0x6;
	s29 =	sadd.s32 @!p2 $0x1, s29  }
.Ltmp19:
0x29d: {  	p4 =	por !p4, p2;
	s30 =	sshra.s32 @!p2 s30, $0x2;
	(pc) =	sbr.rel @p3 .LBB3_14-.Ltmp19, $4  }
0x29e: {  	s29 =	smov.u32 @p2 s2;
	s0 =	simm.s32 @p4 $0x0;
	s30 =	sadd.s32 @!p2 $0x1B38, s30  }
0x29f: {  	s0 =	smin.u32 @!p2 s0, $0x3FF  }
0x2a0: {  	s2 =	sand.u32 @!p2 $0x3F8, s0;
	s31 =	sand.u32 @!p2 $0x7, s0  }
0x2a1: {  	s26 =	sadd.s32 $0x1, s26;
	s0 =	sadd.s32 @!p2 s1, s2  }
.LBB3_15:
0x2a2: {  	s2 =	smul.u32 $0xC, s29  }
0x2a3: {  	[tilespmem:s30], [sflag:$0x2] =	stream.linear.gather @!p2 [hbm4b:s0+s31], $0x3, $0x38;
	[tilespmem:$0x1F0E8] =	vst v63  }
0x2a4: {  	s31 =	simm.s32 $0x2;
	s30 =	sshrl.u32 s2, $0x2  }
0x2a5: {  	_ =	swait.ge [sflag:s31], s30  }
0x2a6: {  	s0 =	ssub.s32 $0x0, s30;
	[sflag:s31] =	ssyncset.done $0x0  }
0x2a7: {  	[sflag:s31] =	ssyncadd.s32 s0  }
0x2a8: {  	v1 =	vld.msk [tilespmem:s19+$0x0], $0x1;
	_ =	sdelay $0x4  }
0x2a9: {  	(v2sf) =	vpush v1, $0x0;
	_ =	sdelay $0xe  }
0x2aa: {  	s24 =	spop (v2sf)  }
0x2ab: {  	p2 =	sne.s32 s25, s24  }
0x2ac: {  	p4 =	sne.s32 @p2 s25, s20  }
0x2ad: {  	p3 =	por !p4, !p2  }
0x2ae: {  	s0 =	simm.s32 @!p3 $0x0  }
0x2af: {  	v1 =	vld.msk @!p3 [tilespmem:s0+$0x1B38], $0x7  }
0x2b0: {  	p5 =	sgt.u32 @!p3 s25, $0x3FF  }
0x2b1: {  	s2 =	sshll.u32 @!p3 s18, $0x6;
	p6 =	por @p2 p5, !p4  }
0x2b2: {  	s2 =	sshra.s32 @!p3 s2, $0x2;
	p1 =	por p6, !p2;
	p6 =	por p4, !p2  }
0x2b3: {  	s26 =	sadd.s32 @!p3 $0x28, s2;
	s28 =	sand.u32 @!p1 $0x3F8, s25;
	s29 =	sshll.u32 @!p6 s18, $0x6  }
0x2b4: {  	s25 =	sand.u32 @!p1 $0x7, s25;
	[tilespmem:s2+$0x28] =	vst.add.f32.msk @!p3 $0x7, v1;
	s2 =	sadd.s32 @!p1 s1, s28;
	s28 =	sshra.s32 @!p6 s29, $0x2  }
0x2b5: {  	[hbm4b:s2+s25] =	stream.linear.scatter @!p1 [tilespmem:s26], [sflag:$0xA], $0x3, $0x38;
	[tilespmem:$0x1F0E8] =	vst v63  }
0x2b6: {  	s0 =	rddreg [dreg:$0x2];
	s2 =	sadd.s32 @!p6 $0x28, s28;
	s25 =	simm.s32 @!p6 $0x1  }
0x2b7: {  	[spmem:s0] =	stream.linear.scatter @!p6 [tilespmem:s2], [sflag:$0x1], $0x3, $0x38;
	[tilespmem:$0x1F0E8] =	vst v63  }
0x2b8: {  	s0 =	sadd.s32 @p2 $0x1, s18;
	_ =	swait.ge @!p6 [sflag:s25], $0x3  }
0x2b9: {  	s2 =	sshrl.u32 @p2 s0, $0x4;
	[sflag:s25] =	ssyncset.done @!p6 $0x0  }
0x2ba: {  	s2 =	smulhi.u32 @p2 $0x97B425F, s2;
	[sflag:s25] =	ssyncadd.s32 @!p6 $0xFFFFFFFD  }
0x2bb: {  	s23 =	sadd.s32 $0xFFFFFFFF, s23;
	v1 =	vld.msk @p2 [tilespmem:s21+$0x0], $0x7  }
0x2bc: {  	p1 =	por @p2 !p5, !p4;
	p4 =	sne.s32 s23, $0x0;
	s2 =	smul.u32 @p2 $0x1B0, s2  }
.Ltmp20:
0x2bd: {  	p1 =	por !p1, !p2;
	s25 =	simm.s32 @!p3 $0x0;
	(pc) =	sbr.rel @!p4 .LBB3_17-.Ltmp20, $4  }
0x2be: {  	s26 =	sshll.u32 @!p2 s18, $0x6;
	s25 =	simm.s32 @!p1 $0xC;
	s0 =	ssub.s32 @p2 s0, s2  }
0x2bf: {  	s26 =	sshra.s32 @!p2 s26, $0x2;
	s28 =	sadd.s32 @!p3 $0x0, s25;
	s29 =	sshll.u32 @p2 s0, $0x4  }
0x2c0: {  	s25 =	simm.s32 $0x0;
	s2 =	simm.s32 @p2 $0x1;
	s28 =	smov.u32 @p3 s22;
	[tilespmem:s29+$0x28] =	vst.msk @p2 $0x7, v1  }
0x2c1: {  	s18 =	smov.u32 @p2 s0;
	s25 =	smov.u32 @p2 s28;
	s22 =	smov.u32 @p2 s2;
	v1 =	vld.msk @!p2 [tilespmem:s21+$0x0], $0x7  }
.LBB3_16:
0x2c2: {  	_ =	sdelay $0x3  }
0x2c3: {  	s19 =	sadd.s32 $0x1, s19;
	[tilespmem:s26+$0x28] =	vst.add.f32.msk @!p2 $0x7, v1  }
0x2c4: {  	v1 =	vld.msk [tilespmem:s19+$0x0], $0x1;
	_ =	sdelay $0x4  }
0x2c5: {  	(v2sf) =	vpush v1, $0x0;
	_ =	sdelay $0xe  }
0x2c6: {  	s0 =	smov.u32 s24;
	s24 =	spop (v2sf)  }
0x2c7: {  	p2 =	sne.s32 s0, s24  }
0x2c8: {  	p5 =	sne.s32 @p2 s0, s20  }
0x2c9: {  	p4 =	por !p5, !p2  }
0x2ca: {  	s30 =	sshll.u32 @!p4 s22, $0x6  }
0x2cb: {  	s30 =	sshra.s32 @!p4 s30, $0x2  }
0x2cc: {  	p1 =	sgt.u32 @!p4 s0, $0x3FF;
	v1 =	vld.msk @!p4 [tilespmem:s30+$0x1B38], $0x7  }
0x2cd: {  	s31 =	sshll.u32 @!p4 s18, $0x6;
	p6 =	por @p2 p1, !p5;
	p1 =	por @p2 !p1, !p5  }
0x2ce: {  	s5 =	simm.s32 @!p4 $0x0;
	s31 =	sshra.s32 @!p4 s31, $0x2;
	p1 =	por !p1, !p2  }
0x2cf: {  	p5 =	por p5, !p2;
	s5 =	simm.s32 @!p1 $0xC;
	p1 =	por p6, !p2  }
0x2d0: {  	s30 =	sadd.s32 @!p4 $0x28, s31;
	s6 =	sshll.u32 @!p5 s18, $0x6;
	s10 =	sand.u32 @!p1 $0x3F8, s0  }
0x2d1: {  	s6 =	sshra.s32 @!p5 s6, $0x2;
	s0 =	sand.u32 @!p1 $0x7, s0;
	s10 =	sadd.s32 @!p1 s1, s10;
	[tilespmem:s31+$0x28] =	vst.add.f32.msk @!p4 $0x7, v1  }
0x2d2: {  	[hbm4b:s10+s0] =	stream.linear.scatter @!p1 [tilespmem:s30], [sflag:$0xA], $0x3, $0x38;
	[tilespmem:$0x1F0E8] =	vst v63  }
0x2d3: {  	s2 =	rddreg [dreg:$0x2];
	s0 =	sadd.s32 @!p5 $0x28, s6;
	s6 =	simm.s32 @!p5 $0x1  }
0x2d4: {  	[spmem:s2] =	stream.linear.scatter @!p5 [tilespmem:s0], [sflag:$0x1], $0x3, $0x38;
	[tilespmem:$0x1F0E8] =	vst v63  }
0x2d5: {  	s28 =	sadd.s32 @p2 $0x1, s18;
	_ =	swait.ge @!p5 [sflag:s6], $0x3  }
0x2d6: {  	s29 =	sshrl.u32 @p2 s28, $0x4;
	[sflag:s6] =	ssyncset.done @!p5 $0x0  }
0x2d7: {  	s21 =	sadd.s32 $0x80, s21;
	s29 =	smulhi.u32 @p2 $0x97B425F, s29;
	[sflag:s6] =	ssyncadd.s32 @!p5 $0xFFFFFFFD  }
0x2d8: {  	s23 =	sadd.s32 $0xFFFFFFFF, s23;
	v1 =	vld.msk @p2 [tilespmem:s21+$0x0], $0x7  }
0x2d9: {  	p3 =	sne.s32 s23, $0x0;
	s29 =	smul.u32 @p2 $0x1B0, s29  }
.Ltmp21:
0x2da: {  	_ = 	snop;
	(pc) =	sbr.rel @p3 .LBB3_16-.Ltmp21, $4  }
0x2db: {  	s28 =	ssub.s32 @p2 s28, s29  }
0x2dc: {  	s26 =	sshll.u32 @!p2 s18, $0x6;
	s5 =	sadd.s32 @!p4 s5, s25;
	s10 =	sshll.u32 @p2 s28, $0x4  }
0x2dd: {  	s9 =	sadd.s32 @p2 $0x1, s22;
	s26 =	sshra.s32 @!p2 s26, $0x2;
	s5 =	smov.u32 @p4 s25;
	[tilespmem:s10+$0x28] =	vst.msk @p2 $0x7, v1  }
0x2de: {  	s22 =	smov.u32 @p2 s9;
	s18 =	smov.u32 @p2 s28;
	s25 =	smov.u32 @p2 s5;
	v1 =	vld.msk @!p2 [tilespmem:s21+$0x0], $0x7  }
.LBB3_17:
.Ltmp22:
0x2df: {  	_ = 	snop;
	(pc) =	sbr.rel .LBB3_19-.Ltmp22, $4  }
0x2e0: {  	s2 =	sld [smem:$0x7FD]  }
0x2e1: {  	s0 =	sshrl.u32 s25, $0x2  }
0x2e2: {  	s25 =	smov.u32 s24;
	s6 =	smov.u32 s8;
	s5 =	smov.u32 s12  }
0x2e3: {  	s8 =	smov.u32 s3;
	s3 =	rddreg [dreg:$0x3];
	p4 =	seq.s32 s2, $0x1;
	[tilespmem:s26+$0x28] =	vst.add.f32.msk @!p2 $0x7, v1  }
.LBB3_21:
0x2e4: {  	_ =	sfence.sel $0x180000  }
0x2e5: {  	s0 =	simm.s32 $0x7;
	[bflag:$0x0] =	sbarrier.arrive $0xFFFF  }
0x2e6: {  	s25 =	simm.s32 $0x8;
	[sflag:s0] =	ssyncpa.u1 $0x1  }
0x2e7: {  	s26 =	simm.s32 $0x9;
	[sflag:s25] =	ssyncpa.u1 $0x1  }
0x2e8: {  	s28 =	simm.s32 $0x2;
	[sflag:s26] =	ssyncpa.u1 $0x1  }
0x2e9: {  	[sflag:s28] =	ssyncpa.u1 $0x1  }
0x2ea: {  	v0 =	vld [tilespmem:$0x3648];
	_ =	sdelay $0x4  }
0x2eb: {  	(v2sf) =	vpush v0, $0x0  }
0x2ec: {  	(v2sf) =	vpush v0, $0x1;
	_ =	sdelay $0x1  }
0x2ed: {  	(v2sf) =	vpush v0, $0x2;
	_ =	sdelay $0xb  }
0x2ee: {  	s0 =	spop (v2sf)  }
0x2ef: {  	s2 =	spop (v2sf)  }
0x2f0: {  	s3 =	smov.u32 s0;
	p0 =	sne.s32 s0, s2  }
0x2f1: {  	s4 =	spop (v2sf);
	s3 =	simm.s32 @!p0 $0xFFFFFFFF  }
0x2f2: {  	v2 =	vimm.s32 $0x1;
	v3 =	vlaneseq.u32;
	p0 =	seq.s32 s4, $0xFFFFFFFF;
	v1 =	vmov s3  }
0x2f3: {  	s7 =	stileid.u32;
	v0 =	vperm.xlane v0, v2;
	p1 =	sne.s32 @!p0 s0, s2;
	v1 =	vperm.xlane v1, v3  }
0x2f4: {  	vm0 =	vcmask $0x3F04;
	s6 =	simm.s32 $0x3648;
	s0 =	simm.s32 @!p0 $0x1;
	p1 =	por !p1, p0  }
0x2f5: {  	s3 =	sshll.u32 s7, $0x1;
	s2 =	sshll.u32 @!p0 s4, $0x6;
	s0 =	simm.s32 @p1 $0x0;
	v0 =	vsel vm0, v1, v0  }
0x2f6: {  	s5 =	sor.u32 $0x200, s3;
	s2 =	sshra.s32 @!p0 s2, $0x2;
	s0 =	sor.u32 @!p0 s0, s3;
	[tilespmem:$0x3648] =	vst v0  }
0x2f7: {  	[spmem:s5] =	stream.linear.scatter [tilespmem:s6], [sflag:$0x1], $0x2, $0x38;
	[tilespmem:$0x1F0E8] =	vst v63  }
0x2f8: {  	s2 =	sadd.s32 @!p0 $0x28, s2;
	s0 =	sshll.u32 @!p0 s0, $0x4  }
0x2f9: {  	[spmem:s0] =	stream.linear.scatter @!p0 [tilespmem:s2], [sflag:$0x1], $0x10, $0x38;
	[tilespmem:$0x1F0E8] =	vst v63  }
0x2fa: {  	s0 =	simm.s32 @!p0 $0x12  }
0x2fb: {  	s3 =	simm.s32 $0x1;
	s0 =	simm.s32 @p0 $0x2  }
0x2fc: {  	_ =	swait.ge [sflag:s3], s0  }
0x2fd: {  	s0 =	ssub.s32 $0x0, s0;
	[sflag:s3] =	ssyncset.done $0x0  }
0x2fe: {  	[sflag:s3] =	ssyncadd.s32 s0  }
0x2ff: {  	_ =	sfence.stream.spmem  }
0x300: {  	s29 =	simm.s32 $0x3;
	[bflag:$0x0] =	sbarrier.arrive $0xFFFF  }
0x301: {  	s30 =	simm.s32 $0x4;
	[sflag:s29] =	ssyncpa.u1 $0x1  }
0x302: {  	s31 =	simm.s32 $0x3C;
	[sflag:s30] =	ssyncpa.u1 $0x1  }
0x303: {  	p0 =	sne.s32 s7, $0x0;
	[sflag:s31] =	ssyncpa.u1 $0x1  }
0x304: {  	_ =	sfence @p0  }
0x305: {  	[sflag:s3] =	ssyncpa.u1 @p0 $0x1  }
0x306: {  	_ =	strace @p0 $0x90000053  }
0x307: {  	[bflag:$0x2] =	sbarrier.arrive @p0 $0xFFFF  }
0x308: {  	_ =	shalt @p0  }
.LBB3_22:
0x309: {  	_ =	sfence.stream.spmem;
	s0 =	simm.s32 $0x5  }
0x30a: {  	s2 =	simm.s32 $0x200;
	s3 =	simm.s32 $0x3658;
	[sflag:s0] =	ssyncpa.u1 $0x0  }
0x30b: {  	[tilespmem:s3], [sflag:$0x5] =	stream.linear.gather [spmem:s2], $0x20, $0x38;
	[tilespmem:$0x1F0E8] =	vst v63  }
0x30c: {  	s30 =	simm.s32 $0x3678;
	s2 =	simm.s32 $0x0  }
0x30d: {  	[tilespmem:s30], [sflag:$0x5] =	stream.linear.gather [spmem:s2], $0x200, $0x38;
	[tilespmem:$0x1F0E8] =	vst v63  }
.Ltmp23:
0x30e: {  	_ = 	snop;
	(pc) =	sbr.rel .LBB3_23-.Ltmp23, $4  }
0x30f: {  	_ =	swait.ge [sflag:s0], $0x220  }
0x310: {  	[sflag:s0] =	ssyncset.done $0x0  }
0x311: {  	s31 =	simm.s32 $0x6;
	[sflag:s0] =	ssyncadd.s32 $0xFFFFFDE0  }
0x312: {  	s3 =	simm.s32 $0x0;
	[sflag:s31] =	ssyncpa.u1 $0x0  }
.LBB3_28:
0x313: {  	p0 =	slt.u32 s4, $0x400  }
0x314: {  	s0 =	sand.u32 @p0 $0x3F8, s4  }
0x315: {  	s4 =	sand.u32 @p0 $0x7, s4;
	s5 =	simm.s32 @p0 $0x3638;
	s0 =	sadd.s32 @p0 s1, s0  }
0x316: {  	[tilespmem:s5], [sflag:$0x6] =	stream.linear.gather @p0 [hbm4b:s0+s4], $0x3, $0x38;
	[tilespmem:$0x1F0E8] =	vst v63  }
0x317: {  	s0 =	simm.s32 @p0 $0x6  }
0x318: {  	_ =	swait.ge @p0 [sflag:s0], $0x3  }
0x319: {  	[sflag:s0] =	ssyncset.done @p0 $0x0  }
0x31a: {  	[sflag:s0] =	ssyncadd.s32 @p0 $0xFFFFFFFD  }
0x31b: {  	v1 =	vld @p0 [tilespmem:$0x3638];
	_ =	sdelay $0x2  }
0x31c: {  	s0 =	sshll.u32 @p0 s3, $0x6  }
0x31d: {  	s5 =	sshll.u32 @!p0 s3, $0x6;
	s4 =	sshrl.u32 @p0 s0, $0x2  }
0x31e: {  	s5 =	smov.u32 @p0 s0;
	[tilespmem:s4+$0x3678] =	vst.add.f32.msk @p0 $0xffff, v1  }
0x31f: {  	s0 =	sshrl.u32 s5, $0x2;
	[tilespmem:s2+$0x3658] =	vst.msk $0x1, v0  }
0x320: {  	v0 =	vld [tilespmem:s0+$0x3678];
	_ =	sdelay $0x2  }
0x321: {  	s31 =	sshll.u32 s2, $0x6  }
0x322: {  	s0 =	sshra.s32 s31, $0x2  }
0x323: {  	s2 =	sadd.s32 $0x1, s2;
	[tilespmem:s0+$0x3678] =	vst v0  }
.LBB3_30:
0x324: {  	s3 =	sadd.s32 $0x1, s3  }
0x325: {  	p0 =	sne.s32 s3, $0x20  }
.Ltmp24:
0x326: {  	_ = 	snop;
	(pc) =	sbr.rel @!p0 .LBB3_31-.Ltmp24, $1  }
0x327: {  	_ =	sdelay $0x3  }
.LBB3_23:
0x328: {  	v0 =	vld.msk [tilespmem:s3+$0x3658], $0x1;
	_ =	sdelay $0x4  }
0x329: {  	(v2sf) =	vpush v0, $0x0;
	_ =	sdelay $0xe  }
0x32a: {  	s4 =	spop (v2sf)  }
0x32b: {  	p0 =	seq.s32 s4, $0xFFFFFFFF  }
.Ltmp25:
0x32c: {  	_ = 	snop;
	(pc) =	sbr.rel @p0 .LBB3_30-.Ltmp25, $1  }
0x32d: {  	_ =	sdelay $0x3  }
0x32e: {  	p0 =	slt.s32 s2, $0x1  }
.Ltmp26:
0x32f: {  	_ = 	snop;
	(pc) =	sbr.rel @p0 .LBB3_28-.Ltmp26, $1  }
0x330: {  	_ =	sdelay $0x3  }
0x331: {  	s5 =	simm.s32 $0x3658;
	p0 =	por $0x0, $0x0  }
0x332: {  	v1 =	vld.msk @!p0 [tilespmem:s5+$0x0], $0x1;
	_ =	sdelay $0x4  }
0x333: {  	(v2sf) =	vpush @!p0 v1, $0x0;
	_ =	sdelay $0xd  }
0x334: {  	p2 =	sne.s32 s2, $0x1  }
.Ltmp27:
0x335: {  	s0 =	spop @!p0 (v2sf);
	(pc) =	sbr.rel @!p2 .LBB3_27-.Ltmp27, $4  }
0x336: {  	p1 =	seq.s32 @!p0 s4, s0  }
0x337: {  	s6 =	simm.s32 $0x0;
	p1 =	por !p1, p0  }
0x338: {  	s0 =	simm.s32 $0xFFFFFFFF;
	s6 =	simm.s32 @p1 $0xFFFFFFFF  }
0x339: {  	s7 =	simm.s32 $0x1;
	s6 =	smov.u32 @p0 s0  }
.LBB3_26:
0x33a: {  	s0 =	smov.u32 s6;
	p0 =	sne.s32 s6, $0xFFFFFFFF  }
0x33b: {  	s5 =	sadd.s32 $0x1, s5;
	s6 =	smov.u32 s7;
	s7 =	sadd.s32 $0x1, s7  }
0x33c: {  	p1 =	sne.s32 s2, s7;
	v1 =	vld.msk @!p0 [tilespmem:s5+$0x0], $0x1;
	_ =	sdelay $0x4  }
0x33d: {  	(v2sf) =	vpush @!p0 v1, $0x0;
	_ =	sdelay $0xe  }
.Ltmp28:
0x33e: {  	s8 =	spop @!p0 (v2sf);
	(pc) =	sbr.rel @p1 .LBB3_26-.Ltmp28, $4  }
0x33f: {  	p2 =	seq.s32 @!p0 s4, s8  }
0x340: {  	p2 =	por !p2, p0  }
0x341: {  	s6 =	simm.s32 @p2 $0xFFFFFFFF  }
0x342: {  	s6 =	smov.u32 @p0 s0  }
.LBB3_27:
0x343: {  	p0 =	sne.s32 s6, $0xFFFFFFFF  }
.Ltmp29:
0x344: {  	_ = 	snop;
	(pc) =	sbr.rel @!p0 .LBB3_28-.Ltmp29, $1  }
0x345: {  	_ =	sdelay $0x3  }
0x346: {  	s0 =	sshll.u32 s3, $0x4  }
0x347: {  	s0 =	sand.u32 $0x3FFFFFF0, s0  }
0x348: {  	v0 =	vld [tilespmem:s0+$0x3678]  }
.Ltmp30:
0x349: {  	_ = 	snop;
	(pc) =	sbr.rel .LBB3_30-.Ltmp30, $4  }
0x34a: {  	_ = 	snop  }
0x34b: {  	s31 =	sshll.u32 s6, $0x6  }
0x34c: {  	s0 =	sshra.s32 s31, $0x2  }
0x34d: {  	[tilespmem:s0+$0x3678] =	vst.add.f32.msk $0xffff, v0  }
.LBB3_31:
0x34e: {  	p0 =	slt.s32 s2, $0x1  }
.Ltmp31:
0x34f: {  	_ = 	snop;
	(pc) =	sbr.rel @p0 .LBB3_35-.Ltmp31, $3  }
0x350: {  	_ =	sdelay $0x1  }
0x351: {  	s0 =	simm.s32 $0x6  }
0x352: {  	s3 =	simm.s32 $0x0;
	[sflag:s0] =	ssyncpa.u1 $0x1  }
0x353: {  	s0 =	simm.s32 $0x3658  }
0x354: {  	v0 =	vld.msk [tilespmem:s0+$0x0], $0x1;
	_ =	sdelay $0x4  }
0x355: {  	(v2sf) =	vpush v0, $0x0;
	_ =	sdelay $0xd  }
0x356: {  	s2 =	sadd.s32 $0xFFFFFFFF, s2  }
0x357: {  	p1 =	sne.s32 s2, $0x0;
	s0 =	spop (v2sf)  }
.Ltmp32:
0x358: {  	p0 =	sgt.u32 s0, $0x3FF;
	(pc) =	sbr.rel @!p1 .LBB3_34-.Ltmp32, $4  }
0x359: {  	s4 =	simm.s32 $0x3678;
	s5 =	sand.u32 @!p0 $0x3F8, s0  }
0x35a: {  	s6 =	simm.s32 $0x0;
	s0 =	sand.u32 @!p0 $0x7, s0;
	s5 =	sadd.s32 @!p0 s1, s5  }
0x35b: {  	[hbm4b:s5+s0] =	stream.linear.scatter @!p0 [tilespmem:s4], [sflag:$0x5], $0x3, $0x38;
	[tilespmem:$0x1F0E8] =	vst v63  }
0x35c: {  	s6 =	simm.s32 @!p0 $0xC;
	s5 =	simm.s32 $0x3659  }
.LBB3_33:
0x35d: {  	v0 =	vld.msk [tilespmem:s5+$0x0], $0x1;
	s2 =	sadd.s32 $0xFFFFFFFF, s2;
	s3 =	sadd.s32 s3, s6  }
0x35e: {  	p0 =	sne.s32 s2, $0x0;
	_ =	sdelay $0x3  }
0x35f: {  	(v2sf) =	vpush v0, $0x0;
	_ =	sdelay $0xe  }
.Ltmp33:
0x360: {  	s0 =	spop (v2sf);
	(pc) =	sbr.rel @p0 .LBB3_33-.Ltmp33, $4  }
0x361: {  	s6 =	simm.s32 $0x0;
	p1 =	sgt.u32 s0, $0x3FF  }
0x362: {  	s4 =	sadd.s32 $0x10, s4;
	s6 =	simm.s32 @!p1 $0xC;
	s7 =	sand.u32 @!p1 $0x3F8, s0  }
0x363: {  	s5 =	sadd.s32 $0x1, s5;
	s0 =	sand.u32 @!p1 $0x7, s0;
	s7 =	sadd.s32 @!p1 s1, s7  }
0x364: {  	[hbm4b:s7+s0] =	stream.linear.scatter @!p1 [tilespmem:s4], [sflag:$0x5], $0x3, $0x38;
	[tilespmem:$0x1F0E8] =	vst v63  }
.LBB3_34:
0x365: {  	s0 =	sadd.s32 s3, s6  }
0x366: {  	s3 =	sshrl.u32 s0, $0x2  }
.LBB3_35:
0x367: {  	s0 =	simm.s32 $0x5  }
0x368: {  	_ =	swait.ge [sflag:s0], s3  }
0x369: {  	s1 =	ssub.s32 $0x0, s3;
	[sflag:s0] =	ssyncset.done $0x0  }
0x36a: {  	[sflag:s0] =	ssyncadd.s32 s1  }
0x36b: {  	[sflag:s0] =	ssyncpa.u1 $0x1  }
0x36c: {  	s30 =	simm.s32 $0x1;
	_ =	sfence  }
0x36d: {  	[sflag:s30] =	ssyncpa.u1 $0x1  }
0x36e: {  	_ =	strace $0x90000053  }
0x36f: {  	[bflag:$0x2] =	sbarrier.arrive $0xFFFF  }
0x370: {  	s31 =	rddreg [dreg:$0x1]  }
0x371: {  	s0 =	sadd.s32 $0x100000, s31  }
0x372: {  	[sflag:s0] =	ssyncadd.tile.s32 $0x1;
	_ =	shalt  }
.Lfunc_end3:
_tile_overlayer_lowered:
.L_overlay_start_3:
0x373: {  	(tag) =	ssettag $0x3  }
0x374: {  	s0 =	rddreg [dreg:$0x0];
	s2 =	stileid.u32  }
0x375: {  	s1 =	rddreg [dreg:$0x1];
	p0 =	sne.s32 s2, $0x0  }
0x376: {  	s3 =	rddreg [dreg:$0x2];
	[bflag:$0x3] =	sbarrier.arrive $0xFFFF;
	s2 =	simm.s32 @!p0 $0x1C01  }
0x377: {  	[timem:s3], [sflag:s2] =	dma.local @!p0 [hbm:s0], s1  }
0x378: {  	s0 =	simm.s32 @!p0 $0x1  }
0x379: {  	_ =	swait.ge @!p0 [sflag:s0], s1  }
0x37a: {  	s1 =	ssub.s32 @!p0 $0x0, s1;
	[sflag:s0] =	ssyncset.done @!p0 $0x0  }
0x37b: {  	[sflag:s0] =	ssyncadd.s32 @!p0 s1  }
0x37c: {  	[bflag:$0x3] =	sbarrier.arrive $0xFFFF  }
0x37d: {  	_ =	shalt  }

// kernel: scatter_offload_async_start.3
scs
__scs_entry_jumppad:
0x0: {  	(pc) =	sbr.rel $0x88, $3  }
0x1: {  	(tag) =	ssettag $0x0;
	lr =	simm.s32 $0x1  }
0x2: {  	[smem:$0x3F8D] =	sst lr;
	_ =	strace $0xD0000000  }
0x3: {  	_ = 	snop  }
0x4: {  	_ = 	snop  }
0x5: {  	_ = 	snop  }
0x6: {  	_ = 	snop  }
0x7: {  	_ = 	snop  }
__scs_overlays_trampoline_lowered:
0x8: {  	[smem:$0x3F9C] =	sst s0  }
0x9: {  	[smem:$0x3F9D] =	sst s1  }
0xa: {  	[smem:$0x3F9E] =	sst s2  }
0xb: {  	[smem:$0x3F9F] =	sst s3  }
0xc: {  	[smem:$0x3FA0] =	sst s4  }
0xd: {  	[smem:$0x3FA1] =	sst s5  }
0xe: {  	[smem:$0x3FA2] =	sst s6  }
0xf: {  	[smem:$0x3FA3] =	sst s7  }
0x10: {  	[smem:$0x3FA4] =	sst s8  }
0x11: {  	[smem:$0x3FA5] =	sst s9;
	s0 =	simm.s32 @!p0 $0x0  }
0x12: {  	s1 =	sld [smem:$0x3F8B];
	s0 =	simm.s32 @p0 $0x1  }
0x13: {  	[smem:$0x3FA6] =	sst s0;
	s0 =	simm.s32 @!p1 $0x0  }
0x14: {  	s2 =	sld [smem:$0x3F8A];
	s0 =	simm.s32 @p1 $0x1  }
0x15: {  	[smem:$0x3FA7] =	sst s0;
	s0 =	simm.s32 @!p2 $0x0  }
0x16: {  	s3 =	sld [smem:$0x3FDB];
	s0 =	simm.s32 @p2 $0x1  }
0x17: {  	s4 =	simm.s32 $0x1BF5;
	[smem:$0x3FA9] =	sst s0  }
0x18: {  	s0 =	sld [smem:$0x3F8C];
	_ =	swait.ge [sflag:s4], $0x0  }
0x19: {  	s7 =	sld [smem:$0x3F8D]  }
0x1a: {  	s8 =	sadd.s32 $0xFFFFE003, lr  }
0x1b: {  	s9 =	sadd.s32 $0xFFFFFEF7, lr;
	s5 =	simm.s32 $0xFFFFFFFF;
	p2 =	slt.u32 s8, $0xFFFFF086  }
0x1c: {  	p1 =	slt.u32 s9, $0xF7A;
	s5 =	simm.s32 @!p2 $0x0  }
0x1d: {  	s5 =	simm.s32 @p1 $0x1;
	p0 =	seq.s32 s7, s2  }
0x1e: {  	s7 =	smul.u32 @!p0 $0xF7A, s2;
	p2 =	seq.s32 @!p0 s5, $0x0  }
0x1f: {  	s9 =	smul.u32 $0xF7A, s1;
	s8 =	simm.s32 @!p0 $0x1BF5;
	p2 =	por !p2, p0  }
0x20: {  	[sflag:s8] =	ssyncset.s32 @!p0 $0xFFFFF086;
	s6 =	sadd.s32 @!p0 s3, s7;
	s7 =	simm.s32 @!p0 $0x108  }
0x21: {  	s3 =	sadd.s32 s3, s9;
	s6 =	sadd.s32 @!p0 $0x88, s6;
	s7 =	simm.s32 @p2 $0x1082  }
0x22: {  	[simem:s7], [sflag:s8] =	dma.local @!p0 [hbm:s6], $0xF7A  }
0x23: {  	s9 =	sor.u32 $0xD0000000, s2;
	s6 =	simm.s32 $0x108;
	_ =	swait.ge @!p0 [sflag:s8], $0x0  }
0x24: {  	s3 =	sadd.s32 $0x88, s3;
	s6 =	simm.s32 @!p1 $0x1082;
	[sflag:s4] =	ssyncset.s32 $0xFFFFF086  }
0x25: {  	[simem:s6], [sflag:s4] =	dma.local [hbm:s3], $0xF7A  }
0x26: {  	[smem:$0x3F8D] =	sst s1;
	(tag) =	ssettag s2;
	_ =	strace s9  }
0x27: {  	s1 =	sld [smem:$0x3F9D]  }
0x28: {  	s2 =	sld [smem:$0x3F9E]  }
0x29: {  	s4 =	sld [smem:$0x3FA0]  }
0x2a: {  	p0 =	seq.s32 s5, $0x0;
	s5 =	sld [smem:$0x3FA1]  }
0x2b: {  	s6 =	sld [smem:$0x3FA2]  }
0x2c: {  	s7 =	sld [smem:$0x3FA3]  }
0x2d: {  	s3 =	simm.s32 $0x108;
	s8 =	sld [smem:$0x3FA4]  }
0x2e: {  	s3 =	simm.s32 @!p0 $0x1082;
	s9 =	sld [smem:$0x3FA5]  }
0x2f: {  	lr =	sadd.s32 s0, s3;
	s0 =	sld [smem:$0x3F9C]  }
0x30: {  	s3 =	sld [smem:$0x3F9F]  }
0x31: {  	[smem:$0x3FA8] =	sst s10  }
0x32: {  	s10 =	sld [smem:$0x3FA6];
	_ =	sdelay $0x3  }
0x33: {  	p0 =	seq.s32 s10, $0x1;
	s10 =	sld [smem:$0x3FA8];
	_ =	sdelay $0x3  }
0x34: {  	[smem:$0x3FA8] =	sst s10  }
0x35: {  	s10 =	sld [smem:$0x3FA7];
	_ =	sdelay $0x3  }
0x36: {  	p1 =	seq.s32 s10, $0x1;
	s10 =	sld [smem:$0x3FA8];
	_ =	sdelay $0x3  }
0x37: {  	[smem:$0x3FA8] =	sst s10  }
0x38: {  	s10 =	sld [smem:$0x3FA9]  }
0x39: {  	_ = 	snop;
	(pc) =	sbr.ind lr, $3  }
0x3a: {  	_ = 	snop  }
0x3b: {  	_ = 	snop  }
0x3c: {  	p2 =	seq.s32 s10, $0x1;
	s10 =	sld [smem:$0x3FA8]  }
0x3d: {  	_ =	shalt  }
0x3e: {  	_ =	shalt  }
0x3f: {  	_ =	shalt  }
0x40: {  	_ =	shalt  }
0x41: {  	_ =	shalt  }
0x42: {  	_ =	shalt  }
0x43: {  	_ =	shalt  }
0x44: {  	_ =	shalt  }
0x45: {  	_ =	shalt  }
0x46: {  	_ =	shalt  }
0x47: {  	_ =	shalt  }
0x48: {  	_ =	shalt  }
0x49: {  	_ =	shalt  }
0x4a: {  	_ =	shalt  }
0x4b: {  	_ =	shalt  }
0x4c: {  	_ =	shalt  }
0x4d: {  	_ =	shalt  }
0x4e: {  	_ =	shalt  }
0x4f: {  	_ =	shalt  }
0x50: {  	_ =	shalt  }
0x51: {  	_ =	shalt  }
0x52: {  	_ =	shalt  }
0x53: {  	_ =	shalt  }
0x54: {  	_ =	shalt  }
0x55: {  	_ =	shalt  }
0x56: {  	_ =	shalt  }
0x57: {  	_ =	shalt  }
0x58: {  	_ =	shalt  }
0x59: {  	_ =	shalt  }
0x5a: {  	_ =	shalt  }
0x5b: {  	_ =	shalt  }
0x5c: {  	_ =	shalt  }
0x5d: {  	_ =	shalt  }
0x5e: {  	_ =	shalt  }
0x5f: {  	_ =	shalt  }
0x60: {  	_ =	shalt  }
0x61: {  	_ =	shalt  }
0x62: {  	_ =	shalt  }
0x63: {  	_ =	shalt  }
0x64: {  	_ =	shalt  }
0x65: {  	_ =	shalt  }
0x66: {  	_ =	shalt  }
0x67: {  	_ =	shalt  }
0x68: {  	_ =	shalt  }
0x69: {  	_ =	shalt  }
0x6a: {  	_ =	shalt  }
0x6b: {  	_ =	shalt  }
0x6c: {  	_ =	shalt  }
0x6d: {  	_ =	shalt  }
0x6e: {  	_ =	shalt  }
0x6f: {  	_ =	shalt  }
0x70: {  	_ =	shalt  }
0x71: {  	_ =	shalt  }
0x72: {  	_ =	shalt  }
0x73: {  	_ =	shalt  }
0x74: {  	_ =	shalt  }
0x75: {  	_ =	shalt  }
0x76: {  	_ =	shalt  }
0x77: {  	_ =	shalt  }
0x78: {  	_ =	shalt  }
0x79: {  	_ =	shalt  }
0x7a: {  	_ =	shalt  }
0x7b: {  	_ =	shalt  }
0x7c: {  	_ =	shalt  }
0x7d: {  	_ =	shalt  }
0x7e: {  	_ =	shalt  }
0x7f: {  	_ =	shalt  }
0x80: {  	_ =	shalt  }
0x81: {  	_ =	shalt  }
0x82: {  	_ =	shalt  }
0x83: {  	_ =	shalt  }
0x84: {  	_ =	shalt  }
0x85: {  	_ =	shalt  }
0x86: {  	_ =	shalt  }
0x87: {  	_ =	shalt  }
.Lfunc_end0:
.L_simem_size_0:
called_computation.3_lowered:
.L_overlay_start_0:
0x88: {  	s0 =	sld [smem:$0x3FD9]  }
0x89: {  	s1 =	sld [smem:$0x3FFE];
	_ =	sdelay $0x3  }
0x8a: {  	s0 =	sadd.s32 s1, s0  }
0x8b: {  	[smem:$0x3FB4] =	sst s0  }
0x8c: {  	_ = 	snop  }
0x8d: {  	(tm) =	ssettm $0x1  }
0x8e: {  	s15 =	sld [smem:$0x3FFB];
	_ =	sdelay $0x3  }
0x8f: {  	_ =	strace s15  }
0x90: {  	s0 =	sld [smem:$0x3FFC];
	_ =	sdelay $0x3  }
0x91: {  	_ =	strace s0  }
0x92: {  	s0 =	sld [smem:$0x3FFD];
	_ =	sdelay $0x3  }
0x93: {  	_ =	strace s0  }
0x94: {  	_ =	strace $0x8FFFFFFF  }
0x95: {  	s16 =	sld [smem:$0x3FDB];
	_ =	sdelay $0x1  }
0x96: {  	s17 =	simm.s32 $_scs_section_size  }
0x97: {  	s2 =	simm.s32 $_size__tile_overlayer_lowered;
	s3 =	simm.s32 $_tile_overlayer_lowered  }
0x98: {  	s20 =	simm.s32 $0x1BFF;
	s19 =	sshll.u32 s3, $0x1;
	s0 =	sadd.s32 s17, s16  }
0x99: {  	s4 =	simm.s32 $0x0;
	s18 =	sshll.u32 s2, $0x1;
	s2 =	sadd.s32 s19, s0  }
0x9a: {  	[timem:s4], [sflag:s20] =	dma.local [hbm:s2], s18  }
0x9b: {  	_ =	swait.ge [sflag:s20], s18  }
0x9c: {  	s1 =	ssub.s32 $0x0, s18;
	[sflag:s20] =	ssyncset.done $0x0  }
0x9d: {  	[sflag:s20] =	ssyncadd.s32 s1;
	_ =	sdelay $0x1  }
0x9e: {  	s21 =	simm.s32 $0x1B8B  }
0x9f: {  	_ =	swait.ge [sflag:s21], $0x1  }
0xa0: {  	[sflag:s21] =	ssyncset.done $0x0  }
0xa1: {  	s23 =	simm.s32 $0x1B8E;
	s22 =	sld [smem:$0x3FFE];
	[sflag:s21] =	ssyncadd.s32 $0xFFFFFFFF  }
0xa2: {  	s24 =	simm.s32 $execute0_lowered;
	[smem:$0x3FD2] =	sst s23  }
0xa3: {  	s2 =	sshll.u32 s24, $0x1;
	_ =	strace $0x8000005B;
	[dreg:$0x1] =	wrdreg $0xFFFFFFFF  }
0xa4: {  	s25 =	simm.s32 $_size_execute0_lowered;
	s0 =	sadd.s32 s0, s2;
	[dreg:$0x0] =	wrdreg $0x0  }
0xa5: {  	s2 =	sshll.u32 s25, $0x1;
	[dreg:$0x2] =	wrdreg s0  }
0xa6: {  	[dreg:$0x3] =	wrdreg s2  }
0xa7: {  	[dreg:$0x4] =	wrdreg $0xC0  }
0xa8: {  	_ =	task [dreg:s4], $0x5FFFF  }
0xa9: {  	[dreg:$0x1] =	wrdreg $0xFFFFFFFF  }
0xaa: {  	[dreg:$0x0] =	wrdreg $0x60  }
0xab: {  	[dreg:$0x2] =	wrdreg s22  }
0xac: {  	[dreg:$0x3] =	wrdreg $0x9  }
0xad: {  	_ =	task.clear_ibuf [dreg:s4], $0x4FFFF;
	_ =	strace $0x9000005B  }
0xae: {  	s26 =	simm.s32 $0x9;
	_ =	strace $0x8000005D  }
0xaf: {  	_ =	swait.ge [sflag:s26], $0x1  }
0xb0: {  	[sflag:s26] =	ssyncadd.s32 $0xFFFFFFFF  }
0xb1: {  	_ =	strace $0x9000005D  }
0xb2: {  	_ =	sfence  }
0xb3: {  	s28 =	sld [smem:$0x0];
	_ =	sdelay $0x1  }
0xb4: {  	s29 =	srdreg.scid  }
0xb5: {  	s30 =	sshll.u32 s29, $0xD;
	s31 =	sshrl.u32 s29, $0x2  }
0xb6: {  	s1 =	sand.u32 $0x1, s29;
	s2 =	sand.u32 $0x4000, s30;
	s0 =	sadd.s32 s31, s28  }
0xb7: {  	s1 =	sor.u32 s2, s1;
	s0 =	sshll.u32 s0, $0x11  }
0xb8: {  	s0 =	sor.u32 s0, s1  }
0xb9: {  	s0 =	sadd.s32 $0x8F2B, s0  }
0xba: {  	[sflag:s0] =	ssyncadd.remote.s32 $0x1  }
0xbb: {  	_ =	sfence.sel $0xFFFF  }
0xbc: {  	[dreg:$0x0] =	wrdreg $0xFFFFFFFF;
	(pc) =	sbr.abs _section_cstart, $3  }
0xbd: {  	[dreg:$0x1] =	wrdreg $0xFFFFFFFF  }
0xbe: {  	_ =	task.clear_ibuf [dreg:s4], $0x2FFFF;
	_ =	strace $0x9FFFFFFF  }
0xbf: {  	(tm) =	ssettm $0x7FFFFFFF  }
tec
execute0_lowered:
.L_overlay_start_1:
0x0: {  	(tag) =	ssettag $0x1  }
0x1: {  	s0 =	rddreg [dreg:$0x0];
	_ =	strace $0x8000005C;
	s15 =	stileid.u32  }
0x2: {  	s2 =	simm.s32 $0x1;
	s1 =	smin.u32 s15, $0x8;
	s3 =	sshll.u32 s15, $0x1  }
0x3: {  	v1 =	vimm.s32 $0xFFFFFFFF;
	[sflag:s2] =	ssyncpa.u1 $0x0;
	s1 =	sadd.s32 s1, s3  }
0x4: {  	p0 =	slt.u32 s15, $0x8;
	[tilespmem:$0x10] =	vst v1;
	s4 =	smul.u32 $0x1F40, s1;
	s1 =	simm.s32 $0x5DC0  }
0x5: {  	v0 =	vimm.f32 $0.0e+00;
	[tilespmem:$0x20] =	vst v1;
	s1 =	simm.s32 @!p0 $0x3E80  }
0x6: {  	[tilespmem:$0x30] =	vst v0;
	s1 =	sadd.s32 s1, s4  }
0x7: {  	[tilespmem:$0x40] =	vst v0;
	s5 =	smin.u32 s1, $0x4E200  }
0x8: {  	s7 =	simm.s32 $0x2;
	s8 =	simm.s32 $0x8;
	[tilespmem:$0x50] =	vst v0;
	s9 =	ssub.s32 s5, s4  }
0x9: {  	s31 =	simm.s32 $0x9;
	s16 =	simm.s32 $0x0;
	[tilespmem:$0x60] =	vst v1;
	p0 =	sgt.s32 s9, $0x0  }
0xa: {  	s17 =	simm.s32 $0xF0;
	s18 =	simm.s32 $0xFFFFFFFF;
	[tilespmem:$0x70] =	vst v1;
	s9 =	simm.s32 @!p0 $0x0  }
0xb: {  	s19 =	simm.s32 $0xFFFFC280;
	s20 =	simm.s32 $0xFFFFFFFE;
	[tilespmem:$0x80] =	vst v1;
	s30 =	smulhi.u32 $0x10624DD3, s9  }
0xc: {  	s21 =	simm.s32 $0xF;
	s25 =	simm.s32 $0x0;
	s24 =	simm.s32 $0x0;
	v1 =	vimm.s32 $0x0;
	[tilespmem:$0xB0] =	vst v0  }
0xd: {  	s6 =	sadd.s32 $0x32A00, s0;
	s15 =	sshllo.u32 s15, $0x1;
	[tilespmem:$0x90] =	vst v1;
	s10 =	sshrl.u32 s30, $0x9  }
0xe: {  	[tilespmem:$0xA0] =	vst v1;
	[sflag:s7] =	ssyncpa.u1 $0x0;
	s7 =	simm.s32 $0x7;
	s11 =	smul.u32 $0x1F40, s10  }
.Ltmp0:
0xf: {  	s13 =	sor.u32 $0x80, s3;
	[sflag:s7] =	ssyncpa.u1 $0x0;
	(pc) =	sbr.rel .LBB2_1-.Ltmp0, $4  }
0x10: {  	s14 =	sor.u32 $0x81, s3;
	[sflag:s8] =	ssyncpa.u1 $0x0;
	p0 =	sne.s32 s9, s11  }
0x11: {  	s23 =	smov.u32 s4;
	s1 =	sadd.s32 $0x9E800, s0;
	s2 =	simm.s32 @!p0 $0x0  }
0x12: {  	vm0 =	vmmov $0xffff;
	v2 =	vlaneseq.u32;
	[sflag:s31] =	ssyncpa.u1 $0x0;
	s9 =	sadd.s32 $0x46600, s0;
	s10 =	sadd.s32 s2, s10  }
0x13: {  	vm1 =	vmxor vm1, vm1;
	vm2 =	vmmov $0x1;
	vm3 =	vcmask $0x3F3C;
	p0 =	por $0x0, $0x0;
	s11 =	sadd.s32 $0x1, s10;
	s12 =	sadd.s32 $0x2, s10  }
.LBB2_9:
0x14: {  	p1 =	slt.u32 s24, $0x3  }
0x15: {  	s0 =	simm.s32 @!p1 $0x2  }
0x16: {  	_ =	swait.ge @!p1 [sflag:s0], $0x1F40  }
0x17: {  	[sflag:s0] =	ssyncset.done @!p1 $0x0  }
0x18: {  	[sflag:s0] =	ssyncadd.s32 @!p1 $0xFFFFE0C0;
	s0 =	simm.s32 @!p1 $0x9  }
0x19: {  	_ =	swait.ge @!p1 [sflag:s0], $0x10  }
0x1a: {  	[sflag:s0] =	ssyncset.done @!p1 $0x0  }
0x1b: {  	[sflag:s0] =	ssyncadd.s32 @!p1 $0xFFFFFFF0;
	p1 =	sne.s32 s24, s12  }
.Ltmp1:
0x1c: {  	s2 =	sadd.s32 $0x1F40, s23;
	(pc) =	sbr.rel @!p1 .LBB2_10-.Ltmp1, $4  }
0x1d: {  	s22 =	smov.u32 s4;
	s31 =	sadd.s32 $0x1, s24;
	s17 =	sadd.s32 $0x1F40, s17  }
0x1e: {  	s18 =	sadd.s32 $0x1, s18;
	s25 =	smov.u32 s23;
	p2 =	slt.s32 s2, s5  }
0x1f: {  	p0 =	por !p0, !p0;
	s19 =	sadd.s32 $0x1F40, s19;
	s22 =	smov.u32 @p2 s2  }
0x20: {  	s20 =	sadd.s32 $0x1, s20;
	s23 =	smov.u32 s22;
	s24 =	smov.u32 s31  }
.LBB2_1:
0x21: {  	p1 =	sge.u32 s24, s10  }
0x22: {  	s0 =	smulhi.u32 @!p1 $0xAAAAAAAB, s24;
	_ =	sdelay $0x1  }
0x23: {  	s0 =	sshrl.u32 @!p1 s0, $0x1  }
0x24: {  	s0 =	smul.u32 @!p1 $0x3, s0;
	_ =	sdelay $0x1  }
0x25: {  	s0 =	ssub.s32 @!p1 s24, s0  }
0x26: {  	s0 =	smul.u32 @!p1 $0x7D00, s0;
	_ =	sdelay $0x1  }
0x27: {  	s2 =	sshrl.u32 @!p1 s23, $0x3;
	s0 =	sshrl.u32 @!p1 s0, $0x2  }
0x28: {  	s22 =	sand.u32 @!p1 $0x7, s23;
	s2 =	sadd.s32 @!p1 s6, s2;
	s0 =	sadd.s32 @!p1 $0x100, s0  }
0x29: {  	[tilespmem:s0], [sflag:$0x7] =	stream.linear.gather @!p1 [hbm4b:s2+s22], $0x1F40, $0x38;
	[tilespmem:$0x11A60] =	vst v63  }
0x2a: {  	s0 =	sadd.s32 $0xFFFFFFFF, s24  }
0x2b: {  	p1 =	sge.u32 s0, s10  }
.Ltmp2:
0x2c: {  	_ = 	snop;
	(pc) =	sbr.rel @p1 .LBB2_5-.Ltmp2, $1  }
0x2d: {  	_ =	sdelay $0x3  }
0x2e: {  	s2 =	smulhi.u32 $0xAAAAAAAB, s0;
	_ =	sdelay $0x1  }
0x2f: {  	s2 =	sshrl.u32 s2, $0x1  }
0x30: {  	s2 =	smul.u32 $0x3, s2;
	_ =	sdelay $0x1  }
0x31: {  	s2 =	ssub.s32 s0, s2  }
0x32: {  	s2 =	smul.u32 $0x7D00, s2  }
0x33: {  	_ =	swait.ge [sflag:s7], $0x1F40  }
0x34: {  	[sflag:s7] =	ssyncset.done $0x0;
	s2 =	sshrl.u32 s2, $0x2  }
0x35: {  	[sflag:s7] =	ssyncadd.s32 $0xFFFFE0C0;
	(ifvalue) =	ssetifvalue $0xFFFFFFFF;
	v3 =	vld.msk [tilespmem:s2+$0x100 ss:$0x1], $0xffff;
	_ =	sdelay $0x2  }
0x36: {  	s30 =	smulhi.u32 $0xAAAAAAAB, s18;
	p1 =	sne.s32 s24, $0x1  }
0x37: {  	v4 =	vimm.s32 @!p1 $0x0  }
0x38: {  	s2 =	sshrl.u32 s30, $0x1;
	v4 =	vperm.xlane @!p1 v3, v4  }
0x39: {  	s22 =	sshll.u32 s24, $0x4;
	s2 =	smul.u32 $0xFFFE8900, s2;
	vm4 =	vlt.u32 v3, $0x2800  }
0x3a: {  	s22 =	sand.u32 $0x10, s22;
	v3 =	vnsel vm4, $0xFFFFFFFE, v3;
	vm4 =	vlt.u32 @!p1 v4, $0x2800  }
0x3b: {  	s2 =	sshra.s32 s2, $0x2;
	[tilespmem:s22+$0x60] =	vst v3;
	v3 =	vnsel @!p1 vm4, $0xFFFFFFFE, v4  }
0x3c: {  	s28 =	sadd.s32 s2, s17;
	[tilespmem:$0x80] =	vst @!p1 v3  }
0x3d: {  	v3 =	vld.msk [tilespmem:s28+$0x0 ss:$0x1], $0xffff;
	_ =	sdelay $0x4  }
0x3e: {  	(xrf1) =	vunique.msk.u32 $0xffff, v3;
	_ =	sdelay $0xd  }
0x3f: {  	v4 =	vimm.s32 $0xFFFFFFFF;
	v5, _, _ =	vpop (xrf1)  }
0x40: {  	vm5 =	vne.s32 v3, v4;
	vm4 =	veq.s32 v5, v2  }
0x41: {  	vm6 =	vlt.u32 v3, $0x2800;
	vm4 =	vmand vm5, vm4  }
0x42: {  	vm4 =	vmand vm6, vm4  }
0x43: {  	v4 =	vnsel vm4, $0xFFFFFFFF, v3  }
0x44: {  	s31 =	sand.u32 $0x1, s0  }
0x45: {  	s0 =	simm.s32 $0x1F40;
	p1 =	seq.s32 s31, $0x1  }
0x46: {  	s0 =	simm.s32 @!p1 $0x0  }
0x47: {  	s26 =	sadd.s32 $0x7DF0, s0;
	(ifvalue) =	ssetifvalue $0xFFFFFFFF  }
0x48: {  	v3 =	vperm.xlane v3, v1;
	[tilespmem:s26], [sflag:$0x8] =	stream.indirect_vreg.gather [hbm4b:s1+s16], $0x1, v4, vm0, $0x4038;
	v4 =	vnsel vm6, $0xFFFFFFFE, v4;
	[tilespmem:$0x11A60] =	vst v63  }
0x49: {  	s2 =	simm.s32 $0x0;
	s22 =	sadd.s32 $0xFFFFFFF0, s28;
	[tilespmem:s28+$0x0] =	vst v4  }
.LBB2_3:
0x4a: {  	v4 =	vld.msk [tilespmem:s22+$0x0 ss:$0x1], $0xffff;
	s2 =	sadd.s32 $0x10, s2;
	v5 =	vmov v3;
	s28 =	smov.u32 s22  }
0x4b: {  	p1 =	slt.u32 s2, $0x1F30;
	_ =	sdelay $0x4  }
0x4c: {  	v3 =	vperm.xlane v4, v1;
	(xrf1) =	vunique.msk.u32 $0xffff, v4;
	_ =	sdelay $0xd  }
0x4d: {  	v6, _, _ =	vpop (xrf1)  }
0x4e: {  	vm5 =	vne.s32 v4, v5;
	vm4 =	veq.s32 v6, v2  }
0x4f: {  	vm6 =	vlt.u32 v4, $0x2800;
	vm4 =	vmand vm5, vm4  }
0x50: {  	vm4 =	vmand vm6, vm4  }
0x51: {  	v4 =	vnsel vm4, $0xFFFFFFFF, v4  }
.Ltmp3:
0x52: {  	v5 =	vnsel vm6, $0xFFFFFFFE, v4;
	(pc) =	sbr.rel @p1 .LBB2_3-.Ltmp3, $3  }
0x53: {  	_ =	sdelay $0x1  }
0x54: {  	s22 =	sadd.s32 $0xFFFFFFF0, s22;
	s26 =	sadd.s32 $0xFFFFFFF0, s26;
	(ifvalue) =	ssetifvalue $0xFFFFFFFF  }
0x55: {  	[tilespmem:s26], [sflag:$0x8] =	stream.indirect_vreg.gather [hbm4b:s1+s16], $0x1, v4, vm0, $0x4038;
	[tilespmem:s28+$0x0] =	vst v5  }
0x56: {  	s2 =	sshrl.u32 s25, $0x3  }
0x57: {  	s0 =	sadd.s32 $0x9D40, s0;
	s2 =	sadd.s32 s9, s2  }
0x58: {  	[tilespmem:s0], [sflag:$0x8] =	stream.linear.gather [hbm:s2], $0x1F40, $0x38;
	[tilespmem:$0x11A60] =	vst v63  }
.LBB2_5:
0x59: {  	p1 =	slt.u32 s24, $0x2  }
0x5a: {  	p2 =	sge.u32 @!p1 s24, s12  }
0x5b: {  	p1 =	por p1, p2  }
.Ltmp4:
0x5c: {  	_ = 	snop;
	(pc) =	sbr.rel @p1 .LBB2_9-.Ltmp4, $1  }
0x5d: {  	_ =	sdelay $0x3  }
0x5e: {  	s0 =	sadd.s32 $0xFFFFFFFE, s24  }
0x5f: {  	s2 =	smulhi.u32 $0xAAAAAAAB, s0;
	_ =	sdelay $0x1  }
0x60: {  	s2 =	sshrl.u32 s2, $0x1  }
0x61: {  	s2 =	smul.u32 $0x3, s2;
	_ =	sdelay $0x1  }
0x62: {  	s0 =	ssub.s32 s0, s2  }
0x63: {  	_ =	swait.ge [sflag:s8], $0x3E80;
	s0 =	smul.u32 $0x1F40, s0  }
0x64: {  	p1 =	sne.s32 s24, s11;
	[sflag:s8] =	ssyncset.done $0x0  }
0x65: {  	[sflag:s8] =	ssyncadd.s32 $0xFFFFC180;
	s2 =	sadd.s32 @!p1 $0x203F, s0  }
0x66: {  	[spmem:s14] =	stream.linear.scatter @!p1 [tilespmem:s2], [sflag:$0x1], $0x1, $0x38;
	[tilespmem:$0x11A60] =	vst v63  }
0x67: {  	s2 =	simm.s32 @!p1 $0x1  }
0x68: {  	_ =	swait.ge @!p1 [sflag:s2], $0x1  }
0x69: {  	s22 =	sshll.u32 s24, $0x4;
	[sflag:s2] =	ssyncset.done @!p1 $0x0  }
0x6a: {  	s25 =	sand.u32 $0x10, s22;
	[sflag:s2] =	ssyncadd.s32 @!p1 $0xFFFFFFFF  }
0x6b: {  	s2 =	sxor.u32 $0x10, s25;
	v4 =	vld [tilespmem:s25+$0x10]  }
0x6c: {  	v5 =	vld [tilespmem:s2+$0x60]  }
0x6d: {  	v3 =	vld [tilespmem:$0x80];
	_ =	sdelay $0x2  }
0x6e: {  	(v2sf) =	vpush v4, $0x0  }
0x6f: {  	(v2sf) =	vpush v5, $0x0  }
0x70: {  	(v2sf) =	vpush v3, $0x0;
	_ =	sdelay $0xc  }
0x71: {  	s22 =	spop (v2sf)  }
0x72: {  	s26 =	spop (v2sf)  }
0x73: {  	s28 =	spop (v2sf)  }
0x74: {  	p2 =	seq.s32 s22, s26;
	p3 =	seq.s32 s28, s22  }
0x75: {  	p3 =	por p2, p3  }
0x76: {  	s26 =	sand.u32 $0x1, s24;
	v4 =	vpsel p3, $0xFFFFFFFF, v4  }
0x77: {  	s29 =	smul.u32 $0x1F40, s26;
	[tilespmem:s25+$0x10] =	vst.msk $0x1, v4  }
0x78: {  	v4 =	vld [tilespmem:$0x30]  }
0x79: {  	v5 =	vld [tilespmem:s29+$0x9D40]  }
0x7a: {  	v6 =	vld [tilespmem:s25+$0x40];
	_ =	sdelay $0x3  }
0x7b: {  	vm4 =	vmmov vm1;
	v5 =	vadd.f32 v5, v4  }
0x7c: {  	vm5 =	vmmov vm2;
	vm4 =	vmmov @p2 vm2;
	s22 =	sshll.u32 s26, $0x4;
	v4 =	vadd.f32 v6, v4  }
0x7d: {  	s26 =	sor.u32 $0x11A40, s22;
	vm5 =	vmmov @p3 vm1;
	[tilespmem:s29+$0x9D40] =	vst.msk vm4, v5  }
0x7e: {  	[tilespmem:s26+$0x0] =	vst.msk vm5, v4  }
0x7f: {  	v4 =	vld [tilespmem:s29+$0x7DF0];
	_ =	sdelay $0x3  }
0x80: {  	v5 =	vimm.f32 $0.0e+00  }
0x81: {  	v4 =	vshift.insert v4, v5, s21  }
0x82: {  	s22 =	sor.u32 $0x40, s2  }
0x83: {  	[tilespmem:s22+$0x0] =	vst.msk $0x1, v4  }
0x84: {  	[tilespmem:s29+$0x7DFF] =	vst.msk $0x1, v5  }
0x85: {  	v4 =	vld [tilespmem:s0+$0x2030];
	_ =	sdelay $0x1  }
0x86: {  	s22 =	smulhi.u32 $0xAAAAAAAB, s20;
	s0 =	simm.s32 $0x1  }
0x87: {  	s0 =	simm.s32 @!p0 $0x0  }
0x88: {  	s22 =	sshrl.u32 s22, $0x1;
	s0 =	smul.u32 $0x7D00, s0  }
0x89: {  	s22 =	smul.u32 $0xFFFE8900, s22;
	v4 =	vshift.insert v4, v1, s21  }
0x8a: {  	s0 =	sshrl.u32 s0, $0x2  }
0x8b: {  	s22 =	sshra.s32 s22, $0x2;
	s30 =	sadd.s32 $0x9D40, s0;
	[tilespmem:s2+$0x10] =	vst.msk $0x1, v4  }
0x8c: {  	s22 =	sadd.s32 s22, s19;
	v6 =	vld [tilespmem:s30+$0x0]  }
0x8d: {  	v7 =	vld [tilespmem:s22+$0x0];
	_ =	sdelay $0x3  }
0x8e: {  	v5 =	vadd.f32 v6, v5  }
0x8f: {  	vm4 =	vne.s32 v7, $0xFFFFFFFF  }
0x90: {  	(xrf2) =	vadd.seg.scan.f32 vm4, v5;
	_ =	sdelay $0x3  }
0x91: {  	s31 =	sadd.s32 $0x5EC0, s0;
	v5 =	vperm.xlane v4, v1  }
0x92: {  	v6 =	vld [tilespmem:s31+$0x0]  }
0x93: {  	vm5 =	veq.s32 v7, v3;
	vm6 =	veq.s32 v7, v5  }
0x94: {  	vm7 =	vgt.u32 v7, $0xFFFFFFFD;
	vm6 =	vmor vm6, vm5  }
0x95: {  	vm6 =	vmor vm6, vm7  }
0x96: {  	v9 =	vld [tilespmem:$0xA0];
	v7 =	vsel vm6, $0xFFFFFFFF, v7  }
0x97: {  	v10 =	vld [tilespmem:$0x90];
	v6 =	vsel vm5, $0x0, v6;
	v8, _, _ =	vpop (xrf2)  }
0x98: {  	v6 =	vadd.f32 v8, v6  }
0x99: {  	s0 =	sadd.s32 $0xDBC0, s0  }
0x9a: {  	vm4 =	vmand vm4, vm3;
	[tilespmem:s0+$0x0] =	vst v6;
	(ifvalue) =	ssetifvalue $0xFFFFFFFF  }
0x9b: {  	vm6 =	veq.s32 v9, $0x1;
	[hbm4b:s1+s16] =	stream.indirect_vreg.scatter [tilespmem:s0], [sflag:$0x2], $0x1, v7, vm0, $0x4038;
	v7 =	vsel vm4, $0x0, v8;
	[tilespmem:$0x11A60] =	vst v63  }
0x9c: {  	s2 =	simm.s32 $0x0;
	s22 =	sadd.s32 $0x10, s22;
	vm4 =	vmor vm6, vm5;
	v6 =	vsel vm5, v8, v10;
	v7 =	vshift.insert v7, v0, s21  }
.LBB2_7:
0x9d: {  	v8 =	vld [tilespmem:s22+$0x0];
	s30 =	sadd.s32 $0x10, s30  }
0x9e: {  	s31 =	sadd.s32 $0x10, s31;
	v9 =	vld [tilespmem:s30+$0x0]  }
0x9f: {  	s2 =	sadd.s32 $0x10, s2;
	v10 =	vld [tilespmem:s31+$0x0]  }
0xa0: {  	p2 =	slt.u32 s2, $0x1F30;
	_ =	sdelay $0x2  }
0xa1: {  	v7 =	vadd.f32 v9, v7  }
0xa2: {  	vm5 =	vne.s32 v8, $0xFFFFFFFF  }
0xa3: {  	vm6 =	vmand vm5, vm3;
	(xrf2) =	vadd.seg.scan.f32 vm5, v7;
	_ =	sdelay $0x5  }
0xa4: {  	vm7 =	veq.s32 v8, v5;
	vm5 =	veq.s32 v8, v3  }
0xa5: {  	vm8 =	vgt.u32 v8, $0xFFFFFFFD;
	vm4 =	vmor vm4, vm5;
	vm7 =	vmor vm7, vm5  }
0xa6: {  	vm7 =	vmor vm7, vm8  }
0xa7: {  	v8 =	vsel vm7, $0xFFFFFFFF, v8  }
.Ltmp5:
0xa8: {  	v7 =	vsel vm5, $0x0, v10;
	v9, _, _ =	vpop (xrf2);
	(pc) =	sbr.rel @p2 .LBB2_7-.Ltmp5, $4  }
0xa9: {  	v6 =	vsel vm5, v9, v6;
	v10 =	vadd.f32 v9, v7;
	v7 =	vsel vm6, $0x0, v9  }
0xaa: {  	s0 =	sadd.s32 $0x10, s0;
	v7 =	vshift.insert v7, v0, s21  }
0xab: {  	s22 =	sadd.s32 $0x10, s22;
	[tilespmem:s0+$0x0] =	vst v10;
	(ifvalue) =	ssetifvalue $0xFFFFFFFF  }
0xac: {  	[hbm4b:s1+s16] =	stream.indirect_vreg.scatter [tilespmem:s0], [sflag:$0x2], $0x1, v8, vm0, $0x4038;
	[tilespmem:$0x11A60] =	vst v63  }
0xad: {  	v3 =	vld [tilespmem:s29+$0xFAF0];
	_ =	sdelay $0x4  }
0xae: {  	v3 =	vshift.insert v3, v0, s21  }
0xaf: {  	s0 =	simm.s32 $0x30  }
0xb0: {  	[tilespmem:s0+$0x0] =	vst.msk $0x1, v3  }
0xb1: {  	v3 =	vsel vm4, $0x1, v1;
	[tilespmem:$0x90] =	vst v6  }
0xb2: {  	s0 =	sadd.s32 @!p1 $0xFAFF, s29;
	[tilespmem:$0xA0] =	vst v3  }
0xb3: {  	[spmem:s15] =	stream.linear.scatter @!p1 [tilespmem:s0], [sflag:$0x1], $0x1, $0x38;
	[tilespmem:$0x11A60] =	vst v63  }
0xb4: {  	s0 =	simm.s32 @!p1 $0x1  }
0xb5: {  	v3 =	vmctz.xlane @!p1 vm4;
	_ =	swait.ge @!p1 [sflag:s0], $0x1  }
0xb6: {  	(v2sf) =	vpush @!p1 v4, $0x0  }
0xb7: {  	(v2sf) =	vpush @!p1 v3, $0x0;
	_ =	sdelay $0xd  }
0xb8: {  	s2 =	spop @!p1 (v2sf)  }
0xb9: {  	s22 =	spop @!p1 (v2sf)  }
0xba: {  	p2 =	sne.s32 @!p1 s28, s2;
	p3 =	slt.s32 @!p1 s22, $0xF  }
0xbb: {  	[sflag:s0] =	ssyncset.done @!p1 $0x0;
	p2 =	por p2, p1;
	p3 =	por !p3, p1  }
0xbc: {  	[sflag:s0] =	ssyncadd.s32 @!p1 $0xFFFFFFFF;
	v3 =	vimm.s32 @!p2 $0xFFFFFFFF;
	s22 =	simm.s32 @p3 $0xF  }
0xbd: {  	[tilespmem:$0x80] =	vst @!p2 v3;
	s2 =	sadd.s32 @!p1 $0x90, s22  }
0xbe: {  	[spmem:s3] =	stream.linear.scatter @!p1 [tilespmem:s2], [sflag:$0x1], $0x1, $0x38;
	[tilespmem:$0x11A60] =	vst v63  }
0xbf: {  	_ =	swait.ge @!p1 [sflag:s0], $0x1  }
0xc0: {  	[sflag:s0] =	ssyncset.done @!p1 $0x0  }
0xc1: {  	s2 =	simm.s32 @!p1 $0x80;
	[sflag:s0] =	ssyncadd.s32 @!p1 $0xFFFFFFFF  }
0xc2: {  	[spmem:s13] =	stream.linear.scatter @!p1 [tilespmem:s2], [sflag:$0x1], $0x1, $0x38;
	[tilespmem:$0x11A60] =	vst v63  }
0xc3: {  	_ =	swait.ge @!p1 [sflag:s0], $0x1  }
0xc4: {  	[sflag:s0] =	ssyncset.done @!p1 $0x0  }
0xc5: {  	[sflag:s0] =	ssyncadd.s32 @!p1 $0xFFFFFFFF;
	(ifvalue) =	ssetifvalue $0xFFFFFFFF;
	v3 =	vld [tilespmem:s25+$0x10];
	_ =	sdelay $0x3  }
.Ltmp6:
0xc6: {  	_ = 	snop;
	(pc) =	sbr.rel .LBB2_9-.Ltmp6, $3  }
0xc7: {  	_ =	sdelay $0x1  }
0xc8: {  	(ifvalue) =	ssetifvalue $0xFFFFFFFF  }
0xc9: {  	[hbm4b:s1+s16] =	stream.indirect_vreg.scatter [tilespmem:s26], [sflag:$0x9], $0x1, v3, vm0, $0x4038;
	[tilespmem:$0x11A60] =	vst v63  }
.LBB2_10:
0xca: {  	_ =	sfence.sel $0x180000  }
0xcb: {  	s0 =	simm.s32 $0x7;
	[bflag:$0x0] =	sbarrier.arrive $0xFFFF  }
0xcc: {  	s26 =	simm.s32 $0x8;
	[sflag:s0] =	ssyncpa.u1 $0x1  }
0xcd: {  	s28 =	simm.s32 $0x9;
	[sflag:s26] =	ssyncpa.u1 $0x1  }
0xce: {  	[sflag:s28] =	ssyncpa.u1 $0x1  }
0xcf: {  	_ =	sfence.stream.spmem  }
0xd0: {  	s29 =	simm.s32 $0x3;
	[bflag:$0x0] =	sbarrier.arrive $0xFFFF  }
0xd1: {  	s30 =	simm.s32 $0x4;
	[sflag:s29] =	ssyncpa.u1 $0x1  }
0xd2: {  	s31 =	simm.s32 $0x3C;
	s2 =	stileid.u32;
	[sflag:s30] =	ssyncpa.u1 $0x1  }
0xd3: {  	p0 =	sne.s32 s2, $0x0;
	[sflag:s31] =	ssyncpa.u1 $0x1  }
0xd4: {  	s0 =	simm.s32 @p0 $0x1;
	_ =	sfence @p0  }
0xd5: {  	[sflag:s0] =	ssyncpa.u1 @p0 $0x1;
	s0 =	simm.s32 @p0 $0x2  }
0xd6: {  	[sflag:s0] =	ssyncpa.u1 @p0 $0x1  }
0xd7: {  	_ =	strace @p0 $0x9000005C  }
0xd8: {  	[bflag:$0x2] =	sbarrier.arrive @p0 $0xFFFF  }
0xd9: {  	_ =	shalt @p0  }
.LBB2_11:
0xda: {  	_ =	sfence.stream.spmem;
	s0 =	simm.s32 $0x5  }
0xdb: {  	s2 =	simm.s32 $0x80;
	s3 =	simm.s32 $0xC0;
	[sflag:s0] =	ssyncpa.u1 $0x0  }
0xdc: {  	[tilespmem:s3], [sflag:$0x5] =	stream.linear.gather [spmem:s2], $0x20, $0x38;
	[tilespmem:$0x11A60] =	vst v63  }
0xdd: {  	s2 =	simm.s32 $0x0;
	s3 =	simm.s32 $0xE0  }
0xde: {  	[tilespmem:s3], [sflag:$0x5] =	stream.linear.gather [spmem:s2], $0x20, $0x38;
	[tilespmem:$0x11A60] =	vst v63  }
.Ltmp7:
0xdf: {  	_ = 	snop;
	(pc) =	sbr.rel .LBB2_12-.Ltmp7, $4  }
0xe0: {  	_ =	swait.ge [sflag:s0], $0x40  }
0xe1: {  	[sflag:s0] =	ssyncset.done $0x0  }
0xe2: {  	s31 =	simm.s32 $0x6;
	[sflag:s0] =	ssyncadd.s32 $0xFFFFFFC0  }
0xe3: {  	s4 =	simm.s32 $0x0;
	[sflag:s31] =	ssyncpa.u1 $0x0  }
.LBB2_17:
0xe4: {  	p0 =	sgt.u32 s5, $0x27FF  }
0xe5: {  	s0 =	sshrl.u32 @!p0 s5, $0x3  }
0xe6: {  	s5 =	sand.u32 @!p0 $0x7, s5;
	s6 =	simm.s32 @!p0 $0xB0;
	s0 =	sadd.s32 @!p0 s1, s0  }
0xe7: {  	[tilespmem:s6], [sflag:$0x6] =	stream.linear.gather @!p0 [hbm4b:s0+s5], $0x1, $0x38;
	[tilespmem:$0x11A60] =	vst v63  }
0xe8: {  	s0 =	simm.s32 @!p0 $0x6  }
0xe9: {  	_ =	swait.ge @!p0 [sflag:s0], $0x1  }
0xea: {  	[sflag:s0] =	ssyncset.done @!p0 $0x0  }
0xeb: {  	[sflag:s0] =	ssyncadd.s32 @!p0 $0xFFFFFFFF  }
0xec: {  	v2 =	vmov @!p0 s4;
	v1 =	vld.msk @!p0 [tilespmem:$0xB0], $0x1;
	_ =	sdelay $0x3  }
0xed: {  	s0 =	simm.s32 @!p0 $0xE0  }
0xee: {  	[tilespmem:v2+s0+$0x0], v1 =	vst.idx.ret.add.f32.msk @!p0 $0x1, v1  }
0xef: {  	[tilespmem:s2+$0xC0] =	vst.msk $0x1, v0  }
0xf0: {  	v0 =	vld.msk [tilespmem:s4+$0xE0], $0x1;
	_ =	sdelay $0x4  }
0xf1: {  	[tilespmem:s2+$0xE0] =	vst.msk $0x1, v0;
	s2 =	sadd.s32 $0x1, s2  }
.LBB2_19:
0xf2: {  	s4 =	sadd.s32 $0x1, s4  }
0xf3: {  	p0 =	sne.s32 s4, $0x20  }
.Ltmp8:
0xf4: {  	_ = 	snop;
	(pc) =	sbr.rel @!p0 .LBB2_20-.Ltmp8, $1  }
0xf5: {  	_ =	sdelay $0x3  }
.LBB2_12:
0xf6: {  	v0 =	vld.msk [tilespmem:s4+$0xC0], $0x1;
	_ =	sdelay $0x4  }
0xf7: {  	(v2sf) =	vpush v0, $0x0;
	_ =	sdelay $0xe  }
0xf8: {  	s5 =	spop (v2sf)  }
0xf9: {  	p0 =	seq.s32 s5, $0xFFFFFFFF  }
.Ltmp9:
0xfa: {  	_ = 	snop;
	(pc) =	sbr.rel @p0 .LBB2_19-.Ltmp9, $1  }
0xfb: {  	_ =	sdelay $0x3  }
0xfc: {  	p0 =	slt.s32 s2, $0x1  }
.Ltmp10:
0xfd: {  	_ = 	snop;
	(pc) =	sbr.rel @p0 .LBB2_17-.Ltmp10, $1  }
0xfe: {  	_ =	sdelay $0x3  }
0xff: {  	s0 =	simm.s32 $0xC0;
	p0 =	por $0x0, $0x0  }
0x100: {  	v1 =	vld.msk @!p0 [tilespmem:s0+$0x0], $0x1;
	_ =	sdelay $0x4  }
0x101: {  	(v2sf) =	vpush @!p0 v1, $0x0;
	_ =	sdelay $0xd  }
0x102: {  	p2 =	sne.s32 s2, $0x1  }
.Ltmp11:
0x103: {  	s6 =	spop @!p0 (v2sf);
	(pc) =	sbr.rel @!p2 .LBB2_16-.Ltmp11, $4  }
0x104: {  	p1 =	seq.s32 @!p0 s5, s6  }
0x105: {  	s6 =	simm.s32 $0x0;
	p1 =	por !p1, p0  }
0x106: {  	s8 =	simm.s32 $0xFFFFFFFF;
	s6 =	simm.s32 @p1 $0xFFFFFFFF  }
0x107: {  	s7 =	simm.s32 $0x1;
	s6 =	smov.u32 @p0 s8  }
.LBB2_15:
0x108: {  	s8 =	smov.u32 s6;
	p0 =	sne.s32 s6, $0xFFFFFFFF  }
0x109: {  	s0 =	sadd.s32 $0x1, s0;
	s6 =	smov.u32 s7;
	s7 =	sadd.s32 $0x1, s7  }
0x10a: {  	p1 =	sne.s32 s2, s7;
	v1 =	vld.msk @!p0 [tilespmem:s0+$0x0], $0x1;
	_ =	sdelay $0x4  }
0x10b: {  	(v2sf) =	vpush @!p0 v1, $0x0;
	_ =	sdelay $0xe  }
.Ltmp12:
0x10c: {  	s9 =	spop @!p0 (v2sf);
	(pc) =	sbr.rel @p1 .LBB2_15-.Ltmp12, $4  }
0x10d: {  	p2 =	seq.s32 @!p0 s5, s9  }
0x10e: {  	p2 =	por !p2, p0  }
0x10f: {  	s6 =	simm.s32 @p2 $0xFFFFFFFF  }
0x110: {  	s6 =	smov.u32 @p0 s8  }
.LBB2_16:
0x111: {  	p0 =	sne.s32 s6, $0xFFFFFFFF  }
.Ltmp13:
0x112: {  	_ = 	snop;
	(pc) =	sbr.rel @!p0 .LBB2_17-.Ltmp13, $1  }
0x113: {  	_ =	sdelay $0x3  }
0x114: {  	v0 =	vld.msk [tilespmem:s4+$0xE0], $0x1;
	v1 =	vmov s6  }
.Ltmp14:
0x115: {  	_ = 	snop;
	(pc) =	sbr.rel .LBB2_19-.Ltmp14, $2  }
0x116: {  	_ =	sdelay $0x2  }
0x117: {  	[tilespmem:v1+s3+$0x0], v0 =	vst.idx.ret.add.f32.msk $0x1, v0  }
.LBB2_20:
0x118: {  	p0 =	slt.s32 s2, $0x1  }
.Ltmp15:
0x119: {  	_ = 	snop;
	(pc) =	sbr.rel @p0 .LBB2_24-.Ltmp15, $3  }
0x11a: {  	_ =	sdelay $0x1  }
0x11b: {  	s0 =	simm.s32 $0x6  }
0x11c: {  	s3 =	simm.s32 $0x0;
	[sflag:s0] =	ssyncpa.u1 $0x1  }
0x11d: {  	s0 =	simm.s32 $0xC0  }
0x11e: {  	v0 =	vld.msk [tilespmem:s0+$0x0], $0x1;
	_ =	sdelay $0x4  }
0x11f: {  	(v2sf) =	vpush v0, $0x0;
	_ =	sdelay $0xe  }
0x120: {  	s2 =	sadd.s32 $0xFFFFFFFF, s2;
	s4 =	spop (v2sf)  }
0x121: {  	p1 =	sne.s32 s2, $0x0;
	p0 =	sgt.u32 s4, $0x27FF  }
.Ltmp16:
0x122: {  	s5 =	sshrl.u32 @!p0 s4, $0x3;
	(pc) =	sbr.rel @!p1 .LBB2_23-.Ltmp16, $4  }
0x123: {  	s0 =	simm.s32 $0xE0;
	s4 =	sand.u32 @!p0 $0x7, s4;
	s5 =	sadd.s32 @!p0 s1, s5  }
0x124: {  	[hbm4b:s5+s4] =	stream.linear.scatter @!p0 [tilespmem:s0], [sflag:$0x5], $0x1, $0x38;
	[tilespmem:$0x11A60] =	vst v63  }
0x125: {  	s5 =	simm.s32 $0x0  }
0x126: {  	s4 =	simm.s32 $0xC1;
	s5 =	simm.s32 @!p0 $0x4  }
.LBB2_22:
0x127: {  	v0 =	vld.msk [tilespmem:s4+$0x0], $0x1;
	s2 =	sadd.s32 $0xFFFFFFFF, s2;
	s3 =	sadd.s32 s3, s5  }
0x128: {  	p0 =	sne.s32 s2, $0x0;
	_ =	sdelay $0x3  }
0x129: {  	(v2sf) =	vpush v0, $0x0;
	_ =	sdelay $0xe  }
.Ltmp17:
0x12a: {  	s6 =	spop (v2sf);
	(pc) =	sbr.rel @p0 .LBB2_22-.Ltmp17, $4  }
0x12b: {  	s5 =	simm.s32 $0x0;
	p1 =	sgt.u32 s6, $0x27FF  }
0x12c: {  	s0 =	sadd.s32 $0x1, s0;
	s5 =	simm.s32 @!p1 $0x4;
	s7 =	sshrl.u32 @!p1 s6, $0x3  }
0x12d: {  	s4 =	sadd.s32 $0x1, s4;
	s6 =	sand.u32 @!p1 $0x7, s6;
	s7 =	sadd.s32 @!p1 s1, s7  }
0x12e: {  	[hbm4b:s7+s6] =	stream.linear.scatter @!p1 [tilespmem:s0], [sflag:$0x5], $0x1, $0x38;
	[tilespmem:$0x11A60] =	vst v63  }
.LBB2_23:
0x12f: {  	s0 =	sadd.s32 s3, s5  }
0x130: {  	s3 =	sshrl.u32 s0, $0x2  }
.LBB2_24:
0x131: {  	s0 =	simm.s32 $0x5  }
0x132: {  	_ =	swait.ge [sflag:s0], s3  }
0x133: {  	s1 =	ssub.s32 $0x0, s3;
	[sflag:s0] =	ssyncset.done $0x0  }
0x134: {  	[sflag:s0] =	ssyncadd.s32 s1  }
0x135: {  	[sflag:s0] =	ssyncpa.u1 $0x1  }
0x136: {  	s29 =	simm.s32 $0x1;
	_ =	sfence  }
0x137: {  	s30 =	simm.s32 $0x2;
	[sflag:s29] =	ssyncpa.u1 $0x1  }
0x138: {  	[sflag:s30] =	ssyncpa.u1 $0x1  }
0x139: {  	_ =	strace $0x9000005C  }
0x13a: {  	[bflag:$0x2] =	sbarrier.arrive $0xFFFF  }
0x13b: {  	s31 =	rddreg [dreg:$0x1]  }
0x13c: {  	s0 =	sadd.s32 $0x100000, s31  }
0x13d: {  	[sflag:s0] =	ssyncadd.tile.s32 $0x1;
	_ =	shalt  }
.Lfunc_end2:
_tile_overlayer_lowered:
.L_overlay_start_2:
0x13e: {  	(tag) =	ssettag $0x2  }
0x13f: {  	s0 =	rddreg [dreg:$0x0];
	s2 =	stileid.u32  }
0x140: {  	s1 =	rddreg [dreg:$0x1];
	p0 =	sne.s32 s2, $0x0  }
0x141: {  	s3 =	rddreg [dreg:$0x2];
	[bflag:$0x3] =	sbarrier.arrive $0xFFFF;
	s2 =	simm.s32 @!p0 $0x1C01  }
0x142: {  	[timem:s3], [sflag:s2] =	dma.local @!p0 [hbm:s0], s1  }
0x143: {  	s0 =	simm.s32 @!p0 $0x1  }
0x144: {  	_ =	swait.ge @!p0 [sflag:s0], s1  }
0x145: {  	s1 =	ssub.s32 @!p0 $0x0, s1;
	[sflag:s0] =	ssyncset.done @!p0 $0x0  }
0x146: {  	[sflag:s0] =	ssyncadd.s32 @!p0 s1  }
0x147: {  	[bflag:$0x3] =	sbarrier.arrive $0xFFFF  }
0x148: {  	_ =	shalt  }

// kernel: scatter_offload_async_start
scs
__scs_entry_jumppad:
0x0: {  	(pc) =	sbr.rel $0x88, $3  }
0x1: {  	(tag) =	ssettag $0x0;
	lr =	simm.s32 $0x1  }
0x2: {  	[smem:$0x3F8D] =	sst lr;
	_ =	strace $0xD0000000  }
0x3: {  	_ = 	snop  }
0x4: {  	_ = 	snop  }
0x5: {  	_ = 	snop  }
0x6: {  	_ = 	snop  }
0x7: {  	_ = 	snop  }
__scs_overlays_trampoline_lowered:
0x8: {  	[smem:$0x3F9C] =	sst s0  }
0x9: {  	[smem:$0x3F9D] =	sst s1  }
0xa: {  	[smem:$0x3F9E] =	sst s2  }
0xb: {  	[smem:$0x3F9F] =	sst s3  }
0xc: {  	[smem:$0x3FA0] =	sst s4  }
0xd: {  	[smem:$0x3FA1] =	sst s5  }
0xe: {  	[smem:$0x3FA2] =	sst s6  }
0xf: {  	[smem:$0x3FA3] =	sst s7  }
0x10: {  	[smem:$0x3FA4] =	sst s8  }
0x11: {  	[smem:$0x3FA5] =	sst s9;
	s0 =	simm.s32 @!p0 $0x0  }
0x12: {  	s1 =	sld [smem:$0x3F8B];
	s0 =	simm.s32 @p0 $0x1  }
0x13: {  	[smem:$0x3FA6] =	sst s0;
	s0 =	simm.s32 @!p1 $0x0  }
0x14: {  	s2 =	sld [smem:$0x3F8A];
	s0 =	simm.s32 @p1 $0x1  }
0x15: {  	[smem:$0x3FA7] =	sst s0;
	s0 =	simm.s32 @!p2 $0x0  }
0x16: {  	s3 =	sld [smem:$0x3FDB];
	s0 =	simm.s32 @p2 $0x1  }
0x17: {  	s4 =	simm.s32 $0x1BF5;
	[smem:$0x3FA9] =	sst s0  }
0x18: {  	s0 =	sld [smem:$0x3F8C];
	_ =	swait.ge [sflag:s4], $0x0  }
0x19: {  	s7 =	sld [smem:$0x3F8D]  }
0x1a: {  	s8 =	sadd.s32 $0xFFFFE003, lr  }
0x1b: {  	s9 =	sadd.s32 $0xFFFFFEF7, lr;
	s5 =	simm.s32 $0xFFFFFFFF;
	p2 =	slt.u32 s8, $0xFFFFF086  }
0x1c: {  	p1 =	slt.u32 s9, $0xF7A;
	s5 =	simm.s32 @!p2 $0x0  }
0x1d: {  	s5 =	simm.s32 @p1 $0x1;
	p0 =	seq.s32 s7, s2  }
0x1e: {  	s7 =	smul.u32 @!p0 $0xF7A, s2;
	p2 =	seq.s32 @!p0 s5, $0x0  }
0x1f: {  	s9 =	smul.u32 $0xF7A, s1;
	s8 =	simm.s32 @!p0 $0x1BF5;
	p2 =	por !p2, p0  }
0x20: {  	[sflag:s8] =	ssyncset.s32 @!p0 $0xFFFFF086;
	s6 =	sadd.s32 @!p0 s3, s7;
	s7 =	simm.s32 @!p0 $0x108  }
0x21: {  	s3 =	sadd.s32 s3, s9;
	s6 =	sadd.s32 @!p0 $0x88, s6;
	s7 =	simm.s32 @p2 $0x1082  }
0x22: {  	[simem:s7], [sflag:s8] =	dma.local @!p0 [hbm:s6], $0xF7A  }
0x23: {  	s9 =	sor.u32 $0xD0000000, s2;
	s6 =	simm.s32 $0x108;
	_ =	swait.ge @!p0 [sflag:s8], $0x0  }
0x24: {  	s3 =	sadd.s32 $0x88, s3;
	s6 =	simm.s32 @!p1 $0x1082;
	[sflag:s4] =	ssyncset.s32 $0xFFFFF086  }
0x25: {  	[simem:s6], [sflag:s4] =	dma.local [hbm:s3], $0xF7A  }
0x26: {  	[smem:$0x3F8D] =	sst s1;
	(tag) =	ssettag s2;
	_ =	strace s9  }
0x27: {  	s1 =	sld [smem:$0x3F9D]  }
0x28: {  	s2 =	sld [smem:$0x3F9E]  }
0x29: {  	s4 =	sld [smem:$0x3FA0]  }
0x2a: {  	p0 =	seq.s32 s5, $0x0;
	s5 =	sld [smem:$0x3FA1]  }
0x2b: {  	s6 =	sld [smem:$0x3FA2]  }
0x2c: {  	s7 =	sld [smem:$0x3FA3]  }
0x2d: {  	s3 =	simm.s32 $0x108;
	s8 =	sld [smem:$0x3FA4]  }
0x2e: {  	s3 =	simm.s32 @!p0 $0x1082;
	s9 =	sld [smem:$0x3FA5]  }
0x2f: {  	lr =	sadd.s32 s0, s3;
	s0 =	sld [smem:$0x3F9C]  }
0x30: {  	s3 =	sld [smem:$0x3F9F]  }
0x31: {  	[smem:$0x3FA8] =	sst s10  }
0x32: {  	s10 =	sld [smem:$0x3FA6];
	_ =	sdelay $0x3  }
0x33: {  	p0 =	seq.s32 s10, $0x1;
	s10 =	sld [smem:$0x3FA8];
	_ =	sdelay $0x3  }
0x34: {  	[smem:$0x3FA8] =	sst s10  }
0x35: {  	s10 =	sld [smem:$0x3FA7];
	_ =	sdelay $0x3  }
0x36: {  	p1 =	seq.s32 s10, $0x1;
	s10 =	sld [smem:$0x3FA8];
	_ =	sdelay $0x3  }
0x37: {  	[smem:$0x3FA8] =	sst s10  }
0x38: {  	s10 =	sld [smem:$0x3FA9]  }
0x39: {  	_ = 	snop;
	(pc) =	sbr.ind lr, $3  }
0x3a: {  	_ = 	snop  }
0x3b: {  	_ = 	snop  }
0x3c: {  	p2 =	seq.s32 s10, $0x1;
	s10 =	sld [smem:$0x3FA8]  }
0x3d: {  	_ =	shalt  }
0x3e: {  	_ =	shalt  }
0x3f: {  	_ =	shalt  }
0x40: {  	_ =	shalt  }
0x41: {  	_ =	shalt  }
0x42: {  	_ =	shalt  }
0x43: {  	_ =	shalt  }
0x44: {  	_ =	shalt  }
0x45: {  	_ =	shalt  }
0x46: {  	_ =	shalt  }
0x47: {  	_ =	shalt  }
0x48: {  	_ =	shalt  }
0x49: {  	_ =	shalt  }
0x4a: {  	_ =	shalt  }
0x4b: {  	_ =	shalt  }
0x4c: {  	_ =	shalt  }
0x4d: {  	_ =	shalt  }
0x4e: {  	_ =	shalt  }
0x4f: {  	_ =	shalt  }
0x50: {  	_ =	shalt  }
0x51: {  	_ =	shalt  }
0x52: {  	_ =	shalt  }
0x53: {  	_ =	shalt  }
0x54: {  	_ =	shalt  }
0x55: {  	_ =	shalt  }
0x56: {  	_ =	shalt  }
0x57: {  	_ =	shalt  }
0x58: {  	_ =	shalt  }
0x59: {  	_ =	shalt  }
0x5a: {  	_ =	shalt  }
0x5b: {  	_ =	shalt  }
0x5c: {  	_ =	shalt  }
0x5d: {  	_ =	shalt  }
0x5e: {  	_ =	shalt  }
0x5f: {  	_ =	shalt  }
0x60: {  	_ =	shalt  }
0x61: {  	_ =	shalt  }
0x62: {  	_ =	shalt  }
0x63: {  	_ =	shalt  }
0x64: {  	_ =	shalt  }
0x65: {  	_ =	shalt  }
0x66: {  	_ =	shalt  }
0x67: {  	_ =	shalt  }
0x68: {  	_ =	shalt  }
0x69: {  	_ =	shalt  }
0x6a: {  	_ =	shalt  }
0x6b: {  	_ =	shalt  }
0x6c: {  	_ =	shalt  }
0x6d: {  	_ =	shalt  }
0x6e: {  	_ =	shalt  }
0x6f: {  	_ =	shalt  }
0x70: {  	_ =	shalt  }
0x71: {  	_ =	shalt  }
0x72: {  	_ =	shalt  }
0x73: {  	_ =	shalt  }
0x74: {  	_ =	shalt  }
0x75: {  	_ =	shalt  }
0x76: {  	_ =	shalt  }
0x77: {  	_ =	shalt  }
0x78: {  	_ =	shalt  }
0x79: {  	_ =	shalt  }
0x7a: {  	_ =	shalt  }
0x7b: {  	_ =	shalt  }
0x7c: {  	_ =	shalt  }
0x7d: {  	_ =	shalt  }
0x7e: {  	_ =	shalt  }
0x7f: {  	_ =	shalt  }
0x80: {  	_ =	shalt  }
0x81: {  	_ =	shalt  }
0x82: {  	_ =	shalt  }
0x83: {  	_ =	shalt  }
0x84: {  	_ =	shalt  }
0x85: {  	_ =	shalt  }
0x86: {  	_ =	shalt  }
0x87: {  	_ =	shalt  }
.Lfunc_end0:
.L_simem_size_0:
called_computation_lowered:
.L_overlay_start_0:
0x88: {  	s0 =	sld [smem:$0x3FD9]  }
0x89: {  	s1 =	sld [smem:$0x3FFE];
	_ =	sdelay $0x3  }
0x8a: {  	s0 =	sadd.s32 s1, s0  }
0x8b: {  	[smem:$0x3FB4] =	sst s0  }
0x8c: {  	_ = 	snop  }
0x8d: {  	s0 =	sld [smem:$0x3FD0];
	(tm) =	ssettm $0x1  }
0x8e: {  	s16 =	sld [smem:$0x3FFB];
	_ =	sdelay $0x3  }
0x8f: {  	_ =	strace s16  }
0x90: {  	s1 =	sld [smem:$0x3FFC];
	_ =	sdelay $0x3  }
0x91: {  	_ =	strace s1  }
0x92: {  	s1 =	sld [smem:$0x3FFD];
	_ =	sdelay $0x3  }
0x93: {  	_ =	strace s1  }
0x94: {  	_ =	strace $0x8FFFFFFF  }
0x95: {  	s17 =	sld [smem:$0x3FDB];
	_ =	sdelay $0x1  }
0x96: {  	s2 =	simm.s32 $_scs_section_size  }
0x97: {  	s3 =	simm.s32 $_size__tile_overlayer_lowered;
	s4 =	simm.s32 $_tile_overlayer_lowered  }
0x98: {  	s20 =	simm.s32 $0x1BFF;
	s19 =	sshll.u32 s4, $0x1;
	s1 =	sadd.s32 s2, s17  }
0x99: {  	s5 =	simm.s32 $0x0;
	s18 =	sshll.u32 s3, $0x1;
	s3 =	sadd.s32 s19, s1  }
0x9a: {  	[timem:s5], [sflag:s20] =	dma.local [hbm:s3], s18  }
0x9b: {  	_ =	swait.ge [sflag:s20], s18  }
0x9c: {  	s2 =	ssub.s32 $0x0, s18;
	[sflag:s20] =	ssyncset.done $0x0  }
0x9d: {  	[sflag:s20] =	ssyncadd.s32 s2;
	_ =	sdelay $0x1  }
0x9e: {  	s21 =	simm.s32 $0x1B8B  }
0x9f: {  	_ =	swait.ge [sflag:s21], $0x1  }
0xa0: {  	[sflag:s21] =	ssyncset.done $0x0  }
0xa1: {  	s23 =	simm.s32 $0x1B8E;
	s22 =	sld [smem:$0x3FFE];
	[sflag:s21] =	ssyncadd.s32 $0xFFFFFFFF  }
0xa2: {  	s24 =	simm.s32 $execute0_lowered;
	[smem:$0x3FD2] =	sst s23  }
0xa3: {  	s3 =	sshll.u32 s24, $0x1;
	_ =	strace $0x8000004C;
	[dreg:$0x1] =	wrdreg $0xFFFFFFFF  }
0xa4: {  	s25 =	simm.s32 $_size_execute0_lowered;
	s1 =	sadd.s32 s1, s3;
	[dreg:$0x0] =	wrdreg $0x0  }
0xa5: {  	s3 =	sshll.u32 s25, $0x1;
	[dreg:$0x2] =	wrdreg s1  }
0xa6: {  	[dreg:$0x3] =	wrdreg s3  }
0xa7: {  	[dreg:$0x4] =	wrdreg $0xC0  }
0xa8: {  	_ =	task [dreg:s5], $0x5FFFF  }
0xa9: {  	[dreg:$0x1] =	wrdreg $0xFFFFFFFF  }
0xaa: {  	[dreg:$0x0] =	wrdreg $0x60  }
0xab: {  	[dreg:$0x2] =	wrdreg s0  }
0xac: {  	[dreg:$0x3] =	wrdreg s22  }
0xad: {  	[dreg:$0x4] =	wrdreg $0x9  }
0xae: {  	_ =	task.clear_ibuf [dreg:s5], $0x5FFFF;
	_ =	strace $0x9000004C  }
0xaf: {  	s26 =	simm.s32 $0x9;
	_ =	strace $0x8000004E  }
0xb0: {  	_ =	swait.ge [sflag:s26], $0x1  }
0xb1: {  	[sflag:s26] =	ssyncadd.s32 $0xFFFFFFFF  }
0xb2: {  	_ =	strace $0x9000004E  }
0xb3: {  	_ =	sfence  }
0xb4: {  	s28 =	sld [smem:$0x0];
	_ =	sdelay $0x1  }
0xb5: {  	s29 =	srdreg.scid  }
0xb6: {  	s30 =	sshll.u32 s29, $0xD;
	s31 =	sshrl.u32 s29, $0x2  }
0xb7: {  	s2 =	sand.u32 $0x4000, s30;
	s1 =	sand.u32 $0x1, s29;
	s0 =	sadd.s32 s31, s28  }
0xb8: {  	s1 =	sor.u32 s2, s1;
	s0 =	sshll.u32 s0, $0x11  }
0xb9: {  	s0 =	sor.u32 s0, s1  }
0xba: {  	s0 =	sadd.s32 $0x8F2B, s0  }
0xbb: {  	[sflag:s0] =	ssyncadd.remote.s32 $0x1  }
0xbc: {  	_ =	sfence.sel $0xFFFF  }
0xbd: {  	[dreg:$0x0] =	wrdreg $0xFFFFFFFF;
	(pc) =	sbr.abs _section_cstart, $3  }
0xbe: {  	[dreg:$0x1] =	wrdreg $0xFFFFFFFF  }
0xbf: {  	_ =	task.clear_ibuf [dreg:s5], $0x2FFFF;
	_ =	strace $0x9FFFFFFF  }
0xc0: {  	(tm) =	ssettm $0x7FFFFFFF  }
0xc1: {  	_ =	shalt  }
tec
execute0_lowered:
.L_overlay_start_1:
0x0: {  	(tag) =	ssettag $0x1  }
0x1: {  	s1 =	rddreg [dreg:$0x0];
	s6 =	stileid.u32  }
0x2: {  	s0 =	rddreg [dreg:$0x1];
	_ =	strace $0x8000004D;
	s2 =	smin.u32 s6, $0x9  }
0x3: {  	s9 =	simm.s32 $0x1;
	p0 =	slt.u32 s6, $0x9;
	s2 =	sadd.s32 s6, s2  }
0x4: {  	v1 =	vimm.s32 $0xFFFFFFFF;
	[sflag:s9] =	ssyncpa.u1 $0x0;
	s3 =	smul.u32 $0x190, s2;
	s2 =	simm.s32 $0x320  }
0x5: {  	[tilespmem:$0x10] =	vst v1;
	s2 =	simm.s32 @!p0 $0x190  }
0x6: {  	v0 =	vimm.f32 $0.0e+00;
	[tilespmem:$0x20] =	vst v1;
	s2 =	sadd.s32 s2, s3  }
0x7: {  	[tilespmem:$0x30] =	vst v0;
	s4 =	smin.u32 s2, $0x2710  }
0x8: {  	[tilespmem:$0x40] =	vst v0;
	s2 =	ssub.s32 s4, s3  }
0x9: {  	[tilespmem:$0x50] =	vst v0;
	p0 =	sgt.s32 s2, $0x0  }
0xa: {  	[tilespmem:$0x60] =	vst v1;
	s2 =	simm.s32 @!p0 $0x0  }
0xb: {  	s7 =	simm.s32 $0x2;
	s8 =	simm.s32 $0x8;
	[tilespmem:$0x70] =	vst v1;
	s5 =	sand.u32 $0xFFF0, s2  }
0xc: {  	s31 =	simm.s32 $0x9;
	s16 =	simm.s32 $0x0;
	[tilespmem:$0x80] =	vst v1;
	s5 =	sshrl.u32 s5, $0x4  }
0xd: {  	s17 =	simm.s32 $0xF0;
	s18 =	simm.s32 $0xFFFFFFFF;
	v1 =	vimm.s32 $0x0;
	[tilespmem:$0xB0] =	vst v0;
	s5 =	smul.u32 $0xA3E, s5  }
0xe: {  	s19 =	simm.s32 $0xFFFFFDE0;
	s20 =	simm.s32 $0xFFFFFFFE;
	s21 =	simm.s32 $0xF;
	[tilespmem:$0x90] =	vst v1  }
0xf: {  	[tilespmem:$0xA0] =	vst v1;
	[sflag:s7] =	ssyncpa.u1 $0x0;
	s7 =	simm.s32 $0x7;
	s10 =	sshrl.u32 s5, $0x10  }
0x10: {  	s25 =	simm.s32 $0x0;
	[sflag:s7] =	ssyncpa.u1 $0x0;
	s11 =	smul.u32 $0x190, s10  }
0x11: {  	s24 =	simm.s32 $0x0;
	s14 =	sshllo.u32 s6, $0x1;
	[sflag:s8] =	ssyncpa.u1 $0x0  }
.Ltmp0:
0x12: {  	s23 =	smov.u32 s3;
	p0 =	sne.s32 s2, s11;
	(pc) =	sbr.rel .LBB2_1-.Ltmp0, $4  }
0x13: {  	s5 =	sadd.s32 $0x2000, s0;
	s0 =	sadd.s32 $0x2600, s0;
	s9 =	simm.s32 @!p0 $0x0  }
0x14: {  	[sflag:s31] =	ssyncpa.u1 $0x0;
	[dreg:$0x3] =	wrdreg s0;
	s9 =	sadd.s32 s10, s9  }
0x15: {  	vm0 =	vmmov $0xffff;
	v2 =	vlaneseq.u32;
	p0 =	por $0x0, $0x0;
	s10 =	sshll.u32 s6, $0x1;
	s11 =	sadd.s32 $0x1, s9  }
0x16: {  	vm1 =	vmxor vm1, vm1;
	vm2 =	vmmov $0x1;
	vm3 =	vcmask $0x3F3C;
	s12 =	sadd.s32 $0x2, s9;
	s13 =	sor.u32 $0x81, s10;
	s15 =	sor.u32 $0x80, s10  }
.LBB2_9:
0x17: {  	p1 =	slt.u32 s24, $0x3  }
0x18: {  	s0 =	simm.s32 @!p1 $0x2  }
0x19: {  	_ =	swait.ge @!p1 [sflag:s0], $0x190  }
0x1a: {  	[sflag:s0] =	ssyncset.done @!p1 $0x0  }
0x1b: {  	[sflag:s0] =	ssyncadd.s32 @!p1 $0xFFFFFE70;
	s0 =	simm.s32 @!p1 $0x9  }
0x1c: {  	_ =	swait.ge @!p1 [sflag:s0], $0x10  }
0x1d: {  	[sflag:s0] =	ssyncset.done @!p1 $0x0  }
0x1e: {  	[sflag:s0] =	ssyncadd.s32 @!p1 $0xFFFFFFF0;
	p1 =	sne.s32 s24, s12  }
.Ltmp1:
0x1f: {  	s2 =	sadd.s32 $0x190, s23;
	(pc) =	sbr.rel @!p1 .LBB2_10-.Ltmp1, $4  }
0x20: {  	s6 =	smov.u32 s3;
	s31 =	sadd.s32 $0x1, s24;
	s17 =	sadd.s32 $0x190, s17  }
0x21: {  	s18 =	sadd.s32 $0x1, s18;
	s25 =	smov.u32 s23;
	p2 =	slt.s32 s2, s4  }
0x22: {  	p0 =	por !p0, !p0;
	s19 =	sadd.s32 $0x190, s19;
	s6 =	smov.u32 @p2 s2  }
0x23: {  	s20 =	sadd.s32 $0x1, s20;
	s23 =	smov.u32 s6;
	s24 =	smov.u32 s31  }
.LBB2_1:
0x24: {  	p1 =	sge.u32 s24, s9  }
0x25: {  	s0 =	smulhi.u32 @!p1 $0xAAAAAAAB, s24;
	_ =	sdelay $0x1  }
0x26: {  	s0 =	sshrl.u32 @!p1 s0, $0x1  }
0x27: {  	s0 =	smul.u32 @!p1 $0x3, s0;
	_ =	sdelay $0x1  }
0x28: {  	s0 =	ssub.s32 @!p1 s24, s0  }
0x29: {  	s0 =	smul.u32 @!p1 $0x640, s0;
	_ =	sdelay $0x1  }
0x2a: {  	s2 =	sshrl.u32 @!p1 s23, $0x3;
	s0 =	sshrl.u32 @!p1 s0, $0x2  }
0x2b: {  	s22 =	sand.u32 @!p1 $0x7, s23;
	s2 =	sadd.s32 @!p1 s5, s2;
	s0 =	sadd.s32 @!p1 $0x100, s0  }
0x2c: {  	[tilespmem:s0], [sflag:$0x7] =	stream.linear.gather @!p1 [hbm4b:s2+s22], $0x190, $0x38;
	[tilespmem:$0xF30] =	vst v63  }
0x2d: {  	s0 =	sadd.s32 $0xFFFFFFFF, s24  }
0x2e: {  	p1 =	sge.u32 s0, s9  }
.Ltmp2:
0x2f: {  	_ = 	snop;
	(pc) =	sbr.rel @p1 .LBB2_5-.Ltmp2, $1  }
0x30: {  	_ =	sdelay $0x3  }
0x31: {  	s2 =	smulhi.u32 $0xAAAAAAAB, s0;
	_ =	sdelay $0x1  }
0x32: {  	s2 =	sshrl.u32 s2, $0x1  }
0x33: {  	s2 =	smul.u32 $0x3, s2;
	_ =	sdelay $0x1  }
0x34: {  	s2 =	ssub.s32 s0, s2  }
0x35: {  	s2 =	smul.u32 $0x640, s2  }
0x36: {  	_ =	swait.ge [sflag:s7], $0x190  }
0x37: {  	[sflag:s7] =	ssyncset.done $0x0;
	s2 =	sshrl.u32 s2, $0x2  }
0x38: {  	[sflag:s7] =	ssyncadd.s32 $0xFFFFFE70;
	(ifvalue) =	ssetifvalue $0xFFFFFFFF;
	v3 =	vld.msk [tilespmem:s2+$0x100 ss:$0x1], $0xffff;
	_ =	sdelay $0x2  }
0x39: {  	s30 =	smulhi.u32 $0xAAAAAAAB, s18;
	p1 =	sne.s32 s24, $0x1  }
0x3a: {  	v4 =	vimm.s32 @!p1 $0x0  }
0x3b: {  	s2 =	sshrl.u32 s30, $0x1;
	v4 =	vperm.xlane @!p1 v3, v4  }
0x3c: {  	s22 =	sshll.u32 s24, $0x4;
	s2 =	smul.u32 $0xFFFFED40, s2;
	vm4 =	vlt.u32 v3, $0x80  }
0x3d: {  	s22 =	sand.u32 $0x10, s22;
	v3 =	vnsel vm4, $0xFFFFFFFE, v3;
	vm4 =	vlt.u32 @!p1 v4, $0x80  }
0x3e: {  	s2 =	sshra.s32 s2, $0x2;
	[tilespmem:s22+$0x60] =	vst v3;
	v3 =	vnsel @!p1 vm4, $0xFFFFFFFE, v4  }
0x3f: {  	s28 =	sadd.s32 s2, s17;
	[tilespmem:$0x80] =	vst @!p1 v3  }
0x40: {  	v3 =	vld.msk [tilespmem:s28+$0x0 ss:$0x1], $0xffff;
	_ =	sdelay $0x4  }
0x41: {  	(xrf1) =	vunique.msk.u32 $0xffff, v3;
	_ =	sdelay $0xd  }
0x42: {  	v4 =	vimm.s32 $0xFFFFFFFF;
	v5, _, _ =	vpop (xrf1)  }
0x43: {  	vm5 =	vne.s32 v3, v4;
	vm4 =	veq.s32 v5, v2  }
0x44: {  	vm6 =	vlt.u32 v3, $0x80;
	vm4 =	vmand vm5, vm4  }
0x45: {  	vm4 =	vmand vm6, vm4  }
0x46: {  	v4 =	vnsel vm4, $0xFFFFFFFF, v3  }
0x47: {  	s31 =	sand.u32 $0x1, s0  }
0x48: {  	s0 =	simm.s32 $0x190;
	p1 =	seq.s32 s31, $0x1  }
0x49: {  	s0 =	simm.s32 @!p1 $0x0  }
0x4a: {  	s26 =	sadd.s32 $0x730, s0;
	(ifvalue) =	ssetifvalue $0xFFFFFFFF  }
0x4b: {  	v3 =	vperm.xlane v3, v1;
	[tilespmem:s26], [sflag:$0x8] =	stream.indirect_vreg.gather [hbm4b:s1+s16], $0x1, v4, vm0, $0x4038;
	v4 =	vnsel vm6, $0xFFFFFFFE, v4;
	[tilespmem:$0xF30] =	vst v63  }
0x4c: {  	s2 =	simm.s32 $0x0;
	s22 =	sadd.s32 $0xFFFFFFF0, s28;
	[tilespmem:s28+$0x0] =	vst v4  }
.LBB2_3:
0x4d: {  	v4 =	vld.msk [tilespmem:s22+$0x0 ss:$0x1], $0xffff;
	s2 =	sadd.s32 $0x10, s2;
	v5 =	vmov v3;
	s28 =	smov.u32 s22  }
0x4e: {  	p1 =	slt.u32 s2, $0x180;
	_ =	sdelay $0x4  }
0x4f: {  	v3 =	vperm.xlane v4, v1;
	(xrf1) =	vunique.msk.u32 $0xffff, v4;
	_ =	sdelay $0xd  }
0x50: {  	v6, _, _ =	vpop (xrf1)  }
0x51: {  	vm5 =	vne.s32 v4, v5;
	vm4 =	veq.s32 v6, v2  }
0x52: {  	vm6 =	vlt.u32 v4, $0x80;
	vm4 =	vmand vm5, vm4  }
0x53: {  	vm4 =	vmand vm6, vm4  }
0x54: {  	v4 =	vnsel vm4, $0xFFFFFFFF, v4  }
.Ltmp3:
0x55: {  	v5 =	vnsel vm6, $0xFFFFFFFE, v4;
	(pc) =	sbr.rel @p1 .LBB2_3-.Ltmp3, $3  }
0x56: {  	_ =	sdelay $0x1  }
0x57: {  	s22 =	sadd.s32 $0xFFFFFFF0, s22;
	s26 =	sadd.s32 $0xFFFFFFF0, s26;
	(ifvalue) =	ssetifvalue $0xFFFFFFFF  }
0x58: {  	[tilespmem:s26], [sflag:$0x8] =	stream.indirect_vreg.gather [hbm4b:s1+s16], $0x1, v4, vm0, $0x4038;
	[tilespmem:s28+$0x0] =	vst v5  }
0x59: {  	s2 =	sshrl.u32 s25, $0x3;
	s6 =	rddreg [dreg:$0x3]  }
0x5a: {  	s0 =	sadd.s32 $0x8D0, s0;
	s2 =	sadd.s32 s6, s2  }
0x5b: {  	[tilespmem:s0], [sflag:$0x8] =	stream.linear.gather [hbm:s2], $0x190, $0x38;
	[tilespmem:$0xF30] =	vst v63  }
.LBB2_5:
0x5c: {  	p1 =	slt.u32 s24, $0x2  }
0x5d: {  	p2 =	sge.u32 @!p1 s24, s12  }
0x5e: {  	p1 =	por p1, p2  }
.Ltmp4:
0x5f: {  	_ = 	snop;
	(pc) =	sbr.rel @p1 .LBB2_9-.Ltmp4, $1  }
0x60: {  	_ =	sdelay $0x3  }
0x61: {  	s0 =	sadd.s32 $0xFFFFFFFE, s24  }
0x62: {  	s2 =	smulhi.u32 $0xAAAAAAAB, s0;
	_ =	sdelay $0x1  }
0x63: {  	s2 =	sshrl.u32 s2, $0x1  }
0x64: {  	s2 =	smul.u32 $0x3, s2;
	_ =	sdelay $0x1  }
0x65: {  	s0 =	ssub.s32 s0, s2  }
0x66: {  	_ =	swait.ge [sflag:s8], $0x320;
	s0 =	smul.u32 $0x190, s0  }
0x67: {  	p1 =	sne.s32 s24, s11;
	[sflag:s8] =	ssyncset.done $0x0  }
0x68: {  	[sflag:s8] =	ssyncadd.s32 $0xFFFFFCE0;
	s2 =	sadd.s32 @!p1 $0x28F, s0  }
0x69: {  	[spmem:s13] =	stream.linear.scatter @!p1 [tilespmem:s2], [sflag:$0x1], $0x1, $0x38;
	[tilespmem:$0xF30] =	vst v63  }
0x6a: {  	s2 =	simm.s32 @!p1 $0x1  }
0x6b: {  	_ =	swait.ge @!p1 [sflag:s2], $0x1  }
0x6c: {  	s22 =	sshll.u32 s24, $0x4;
	[sflag:s2] =	ssyncset.done @!p1 $0x0  }
0x6d: {  	s25 =	sand.u32 $0x10, s22;
	[sflag:s2] =	ssyncadd.s32 @!p1 $0xFFFFFFFF  }
0x6e: {  	s2 =	sxor.u32 $0x10, s25;
	v4 =	vld [tilespmem:s25+$0x10]  }
0x6f: {  	v5 =	vld [tilespmem:s2+$0x60]  }
0x70: {  	v3 =	vld [tilespmem:$0x80];
	_ =	sdelay $0x2  }
0x71: {  	(v2sf) =	vpush v4, $0x0  }
0x72: {  	(v2sf) =	vpush v5, $0x0  }
0x73: {  	(v2sf) =	vpush v3, $0x0;
	_ =	sdelay $0xc  }
0x74: {  	s6 =	spop (v2sf)  }
0x75: {  	s28 =	spop (v2sf)  }
0x76: {  	s26 =	spop (v2sf)  }
0x77: {  	p2 =	seq.s32 s6, s28;
	p3 =	seq.s32 s26, s6  }
0x78: {  	p3 =	por p2, p3  }
0x79: {  	s6 =	sand.u32 $0x1, s24;
	v4 =	vpsel p3, $0xFFFFFFFF, v4  }
0x7a: {  	s28 =	smul.u32 $0x190, s6;
	[tilespmem:s25+$0x10] =	vst.msk $0x1, v4  }
0x7b: {  	v4 =	vld [tilespmem:$0x30]  }
0x7c: {  	v5 =	vld [tilespmem:s28+$0x8D0]  }
0x7d: {  	v6 =	vld [tilespmem:s25+$0x40];
	_ =	sdelay $0x3  }
0x7e: {  	vm4 =	vmmov vm1;
	v5 =	vadd.f32 v5, v4  }
0x7f: {  	vm5 =	vmmov vm2;
	vm4 =	vmmov @p2 vm2;
	v4 =	vadd.f32 v6, v4  }
0x80: {  	s22 =	sshll.u32 s6, $0x4;
	vm5 =	vmmov @p3 vm1;
	[tilespmem:s28+$0x8D0] =	vst.msk vm4, v5  }
0x81: {  	[tilespmem:s22+$0xF10] =	vst.msk vm5, v4  }
0x82: {  	v4 =	vld [tilespmem:s28+$0x730];
	_ =	sdelay $0x3  }
0x83: {  	v5 =	vimm.f32 $0.0e+00  }
0x84: {  	v4 =	vshift.insert v4, v5, s21  }
0x85: {  	s29 =	sor.u32 $0x40, s2  }
0x86: {  	[tilespmem:s29+$0x0] =	vst.msk $0x1, v4  }
0x87: {  	[tilespmem:s28+$0x73F] =	vst.msk $0x1, v5  }
0x88: {  	v4 =	vld [tilespmem:s0+$0x280];
	_ =	sdelay $0x1  }
0x89: {  	s29 =	smulhi.u32 $0xAAAAAAAB, s20;
	s0 =	simm.s32 $0x1  }
0x8a: {  	s0 =	simm.s32 @!p0 $0x0  }
0x8b: {  	s29 =	sshrl.u32 s29, $0x1;
	s0 =	smul.u32 $0x640, s0  }
0x8c: {  	s29 =	smul.u32 $0xFFFFED40, s29;
	v4 =	vshift.insert v4, v1, s21  }
0x8d: {  	s0 =	sshrl.u32 s0, $0x2  }
0x8e: {  	s29 =	sshra.s32 s29, $0x2;
	s30 =	sadd.s32 $0x8D0, s0;
	[tilespmem:s2+$0x10] =	vst.msk $0x1, v4  }
0x8f: {  	s6 =	sadd.s32 s29, s19;
	v6 =	vld [tilespmem:s30+$0x0]  }
0x90: {  	v7 =	vld [tilespmem:s6+$0x0];
	_ =	sdelay $0x3  }
0x91: {  	v5 =	vadd.f32 v6, v5  }
0x92: {  	vm4 =	vne.s32 v7, $0xFFFFFFFF  }
0x93: {  	(xrf2) =	vadd.seg.scan.f32 vm4, v5;
	_ =	sdelay $0x3  }
0x94: {  	s31 =	sadd.s32 $0x5B0, s0;
	v5 =	vperm.xlane v4, v1  }
0x95: {  	v6 =	vld [tilespmem:s31+$0x0]  }
0x96: {  	vm5 =	veq.s32 v7, v3;
	vm6 =	veq.s32 v7, v5  }
0x97: {  	vm7 =	vgt.u32 v7, $0xFFFFFFFD;
	vm6 =	vmor vm6, vm5  }
0x98: {  	vm6 =	vmor vm6, vm7  }
0x99: {  	v9 =	vld [tilespmem:$0xA0];
	v7 =	vsel vm6, $0xFFFFFFFF, v7  }
0x9a: {  	v10 =	vld [tilespmem:$0x90];
	v6 =	vsel vm5, $0x0, v6;
	v8, _, _ =	vpop (xrf2)  }
0x9b: {  	v6 =	vadd.f32 v8, v6  }
0x9c: {  	s0 =	sadd.s32 $0xBF0, s0  }
0x9d: {  	vm4 =	vmand vm4, vm3;
	[tilespmem:s0+$0x0] =	vst v6;
	(ifvalue) =	ssetifvalue $0xFFFFFFFF  }
0x9e: {  	vm6 =	veq.s32 v9, $0x1;
	[hbm4b:s1+s16] =	stream.indirect_vreg.scatter [tilespmem:s0], [sflag:$0x2], $0x1, v7, vm0, $0x4038;
	v7 =	vsel vm4, $0x0, v8;
	[tilespmem:$0xF30] =	vst v63  }
0x9f: {  	s29 =	sadd.s32 $0xF10, s22;
	s22 =	sadd.s32 $0x10, s6;
	s2 =	simm.s32 $0x0;
	vm4 =	vmor vm6, vm5;
	v6 =	vsel vm5, v8, v10;
	v7 =	vshift.insert v7, v0, s21  }
.LBB2_7:
0xa0: {  	v8 =	vld [tilespmem:s22+$0x0];
	s30 =	sadd.s32 $0x10, s30  }
0xa1: {  	s31 =	sadd.s32 $0x10, s31;
	v9 =	vld [tilespmem:s30+$0x0]  }
0xa2: {  	s2 =	sadd.s32 $0x10, s2;
	v10 =	vld [tilespmem:s31+$0x0]  }
0xa3: {  	p2 =	slt.u32 s2, $0x180;
	_ =	sdelay $0x2  }
0xa4: {  	v7 =	vadd.f32 v9, v7  }
0xa5: {  	vm5 =	vne.s32 v8, $0xFFFFFFFF  }
0xa6: {  	vm6 =	vmand vm5, vm3;
	(xrf2) =	vadd.seg.scan.f32 vm5, v7;
	_ =	sdelay $0x5  }
0xa7: {  	vm7 =	veq.s32 v8, v5;
	vm5 =	veq.s32 v8, v3  }
0xa8: {  	vm8 =	vgt.u32 v8, $0xFFFFFFFD;
	vm4 =	vmor vm4, vm5;
	vm7 =	vmor vm7, vm5  }
0xa9: {  	vm7 =	vmor vm7, vm8  }
0xaa: {  	v8 =	vsel vm7, $0xFFFFFFFF, v8  }
.Ltmp5:
0xab: {  	v7 =	vsel vm5, $0x0, v10;
	v9, _, _ =	vpop (xrf2);
	(pc) =	sbr.rel @p2 .LBB2_7-.Ltmp5, $4  }
0xac: {  	v6 =	vsel vm5, v9, v6;
	v10 =	vadd.f32 v9, v7;
	v7 =	vsel vm6, $0x0, v9  }
0xad: {  	s0 =	sadd.s32 $0x10, s0;
	v7 =	vshift.insert v7, v0, s21  }
0xae: {  	s22 =	sadd.s32 $0x10, s22;
	[tilespmem:s0+$0x0] =	vst v10;
	(ifvalue) =	ssetifvalue $0xFFFFFFFF  }
0xaf: {  	[hbm4b:s1+s16] =	stream.indirect_vreg.scatter [tilespmem:s0], [sflag:$0x2], $0x1, v8, vm0, $0x4038;
	[tilespmem:$0xF30] =	vst v63  }
0xb0: {  	v3 =	vld [tilespmem:s28+$0xD70];
	_ =	sdelay $0x4  }
0xb1: {  	v3 =	vshift.insert v3, v0, s21  }
0xb2: {  	s0 =	simm.s32 $0x30  }
0xb3: {  	[tilespmem:s0+$0x0] =	vst.msk $0x1, v3  }
0xb4: {  	v3 =	vsel vm4, $0x1, v1;
	[tilespmem:$0x90] =	vst v6  }
0xb5: {  	s0 =	sadd.s32 @!p1 $0xD7F, s28;
	[tilespmem:$0xA0] =	vst v3  }
0xb6: {  	[spmem:s14] =	stream.linear.scatter @!p1 [tilespmem:s0], [sflag:$0x1], $0x1, $0x38;
	[tilespmem:$0xF30] =	vst v63  }
0xb7: {  	s0 =	simm.s32 @!p1 $0x1  }
0xb8: {  	v3 =	vmctz.xlane @!p1 vm4;
	_ =	swait.ge @!p1 [sflag:s0], $0x1  }
0xb9: {  	(v2sf) =	vpush @!p1 v4, $0x0  }
0xba: {  	(v2sf) =	vpush @!p1 v3, $0x0;
	_ =	sdelay $0xd  }
0xbb: {  	s2 =	spop @!p1 (v2sf)  }
0xbc: {  	s6 =	spop @!p1 (v2sf)  }
0xbd: {  	p2 =	sne.s32 @!p1 s26, s2;
	p3 =	slt.s32 @!p1 s6, $0xF  }
0xbe: {  	[sflag:s0] =	ssyncset.done @!p1 $0x0;
	p2 =	por p2, p1;
	p3 =	por !p3, p1  }
0xbf: {  	[sflag:s0] =	ssyncadd.s32 @!p1 $0xFFFFFFFF;
	v3 =	vimm.s32 @!p2 $0xFFFFFFFF;
	s6 =	simm.s32 @p3 $0xF  }
0xc0: {  	[tilespmem:$0x80] =	vst @!p2 v3;
	s2 =	sadd.s32 @!p1 $0x90, s6  }
0xc1: {  	[spmem:s10] =	stream.linear.scatter @!p1 [tilespmem:s2], [sflag:$0x1], $0x1, $0x38;
	[tilespmem:$0xF30] =	vst v63  }
0xc2: {  	_ =	swait.ge @!p1 [sflag:s0], $0x1  }
0xc3: {  	[sflag:s0] =	ssyncset.done @!p1 $0x0  }
0xc4: {  	s2 =	simm.s32 @!p1 $0x80;
	[sflag:s0] =	ssyncadd.s32 @!p1 $0xFFFFFFFF  }
0xc5: {  	[spmem:s15] =	stream.linear.scatter @!p1 [tilespmem:s2], [sflag:$0x1], $0x1, $0x38;
	[tilespmem:$0xF30] =	vst v63  }
0xc6: {  	_ =	swait.ge @!p1 [sflag:s0], $0x1  }
0xc7: {  	[sflag:s0] =	ssyncset.done @!p1 $0x0  }
0xc8: {  	[sflag:s0] =	ssyncadd.s32 @!p1 $0xFFFFFFFF;
	(ifvalue) =	ssetifvalue $0xFFFFFFFF;
	v3 =	vld [tilespmem:s25+$0x10];
	_ =	sdelay $0x3  }
.Ltmp6:
0xc9: {  	_ = 	snop;
	(pc) =	sbr.rel .LBB2_9-.Ltmp6, $3  }
0xca: {  	_ =	sdelay $0x1  }
0xcb: {  	(ifvalue) =	ssetifvalue $0xFFFFFFFF  }
0xcc: {  	[hbm4b:s1+s16] =	stream.indirect_vreg.scatter [tilespmem:s29], [sflag:$0x9], $0x1, v3, vm0, $0x4038;
	[tilespmem:$0xF30] =	vst v63  }
.LBB2_10:
0xcd: {  	_ =	sfence.sel $0x180000  }
0xce: {  	s0 =	simm.s32 $0x7;
	[bflag:$0x0] =	sbarrier.arrive $0xFFFF  }
0xcf: {  	s26 =	simm.s32 $0x8;
	[sflag:s0] =	ssyncpa.u1 $0x1  }
0xd0: {  	s28 =	simm.s32 $0x9;
	[sflag:s26] =	ssyncpa.u1 $0x1  }
0xd1: {  	[sflag:s28] =	ssyncpa.u1 $0x1  }
0xd2: {  	_ =	sfence.stream.spmem  }
0xd3: {  	s29 =	simm.s32 $0x3;
	[bflag:$0x0] =	sbarrier.arrive $0xFFFF  }
0xd4: {  	s30 =	simm.s32 $0x4;
	[sflag:s29] =	ssyncpa.u1 $0x1  }
0xd5: {  	s31 =	simm.s32 $0x3C;
	s2 =	stileid.u32;
	[sflag:s30] =	ssyncpa.u1 $0x1  }
0xd6: {  	p0 =	sne.s32 s2, $0x0;
	[sflag:s31] =	ssyncpa.u1 $0x1  }
0xd7: {  	s0 =	simm.s32 @p0 $0x1;
	_ =	sfence @p0  }
0xd8: {  	[sflag:s0] =	ssyncpa.u1 @p0 $0x1;
	s0 =	simm.s32 @p0 $0x2  }
0xd9: {  	[sflag:s0] =	ssyncpa.u1 @p0 $0x1  }
0xda: {  	_ =	strace @p0 $0x9000004D  }
0xdb: {  	[bflag:$0x2] =	sbarrier.arrive @p0 $0xFFFF  }
0xdc: {  	_ =	shalt @p0  }
.LBB2_11:
0xdd: {  	_ =	sfence.stream.spmem;
	s0 =	simm.s32 $0x5  }
0xde: {  	s2 =	simm.s32 $0x80;
	s3 =	simm.s32 $0xC0;
	[sflag:s0] =	ssyncpa.u1 $0x0  }
0xdf: {  	[tilespmem:s3], [sflag:$0x5] =	stream.linear.gather [spmem:s2], $0x20, $0x38;
	[tilespmem:$0xF30] =	vst v63  }
0xe0: {  	s2 =	simm.s32 $0x0;
	s3 =	simm.s32 $0xE0  }
0xe1: {  	[tilespmem:s3], [sflag:$0x5] =	stream.linear.gather [spmem:s2], $0x20, $0x38;
	[tilespmem:$0xF30] =	vst v63  }
.Ltmp7:
0xe2: {  	_ = 	snop;
	(pc) =	sbr.rel .LBB2_12-.Ltmp7, $4  }
0xe3: {  	_ =	swait.ge [sflag:s0], $0x40  }
0xe4: {  	[sflag:s0] =	ssyncset.done $0x0  }
0xe5: {  	s31 =	simm.s32 $0x6;
	[sflag:s0] =	ssyncadd.s32 $0xFFFFFFC0  }
0xe6: {  	s4 =	simm.s32 $0x0;
	[sflag:s31] =	ssyncpa.u1 $0x0  }
.LBB2_17:
0xe7: {  	p0 =	sgt.u32 s5, $0x7F  }
0xe8: {  	s0 =	sshrl.u32 @!p0 s5, $0x3  }
0xe9: {  	s5 =	sand.u32 @!p0 $0x7, s5;
	s6 =	simm.s32 @!p0 $0xB0;
	s0 =	sadd.s32 @!p0 s1, s0  }
0xea: {  	[tilespmem:s6], [sflag:$0x6] =	stream.linear.gather @!p0 [hbm4b:s0+s5], $0x1, $0x38;
	[tilespmem:$0xF30] =	vst v63  }
0xeb: {  	s0 =	simm.s32 @!p0 $0x6  }
0xec: {  	_ =	swait.ge @!p0 [sflag:s0], $0x1  }
0xed: {  	[sflag:s0] =	ssyncset.done @!p0 $0x0  }
0xee: {  	[sflag:s0] =	ssyncadd.s32 @!p0 $0xFFFFFFFF  }
0xef: {  	v2 =	vmov @!p0 s4;
	v1 =	vld.msk @!p0 [tilespmem:$0xB0], $0x1;
	_ =	sdelay $0x3  }
0xf0: {  	s0 =	simm.s32 @!p0 $0xE0  }
0xf1: {  	[tilespmem:v2+s0+$0x0], v1 =	vst.idx.ret.add.f32.msk @!p0 $0x1, v1  }
0xf2: {  	[tilespmem:s2+$0xC0] =	vst.msk $0x1, v0  }
0xf3: {  	v0 =	vld.msk [tilespmem:s4+$0xE0], $0x1;
	_ =	sdelay $0x4  }
0xf4: {  	[tilespmem:s2+$0xE0] =	vst.msk $0x1, v0;
	s2 =	sadd.s32 $0x1, s2  }
.LBB2_19:
0xf5: {  	s4 =	sadd.s32 $0x1, s4  }
0xf6: {  	p0 =	sne.s32 s4, $0x20  }
.Ltmp8:
0xf7: {  	_ = 	snop;
	(pc) =	sbr.rel @!p0 .LBB2_20-.Ltmp8, $1  }
0xf8: {  	_ =	sdelay $0x3  }
.LBB2_12:
0xf9: {  	v0 =	vld.msk [tilespmem:s4+$0xC0], $0x1;
	_ =	sdelay $0x4  }
0xfa: {  	(v2sf) =	vpush v0, $0x0;
	_ =	sdelay $0xe  }
0xfb: {  	s5 =	spop (v2sf)  }
0xfc: {  	p0 =	seq.s32 s5, $0xFFFFFFFF  }
.Ltmp9:
0xfd: {  	_ = 	snop;
	(pc) =	sbr.rel @p0 .LBB2_19-.Ltmp9, $1  }
0xfe: {  	_ =	sdelay $0x3  }
0xff: {  	p0 =	slt.s32 s2, $0x1  }
.Ltmp10:
0x100: {  	_ = 	snop;
	(pc) =	sbr.rel @p0 .LBB2_17-.Ltmp10, $1  }
0x101: {  	_ =	sdelay $0x3  }
0x102: {  	s0 =	simm.s32 $0xC0;
	p0 =	por $0x0, $0x0  }
0x103: {  	v1 =	vld.msk @!p0 [tilespmem:s0+$0x0], $0x1;
	_ =	sdelay $0x4  }
0x104: {  	(v2sf) =	vpush @!p0 v1, $0x0;
	_ =	sdelay $0xd  }
0x105: {  	p2 =	sne.s32 s2, $0x1  }
.Ltmp11:
0x106: {  	s6 =	spop @!p0 (v2sf);
	(pc) =	sbr.rel @!p2 .LBB2_16-.Ltmp11, $4  }
0x107: {  	p1 =	seq.s32 @!p0 s5, s6  }
0x108: {  	s6 =	simm.s32 $0x0;
	p1 =	por !p1, p0  }
0x109: {  	s8 =	simm.s32 $0xFFFFFFFF;
	s6 =	simm.s32 @p1 $0xFFFFFFFF  }
0x10a: {  	s7 =	simm.s32 $0x1;
	s6 =	smov.u32 @p0 s8  }
.LBB2_15:
0x10b: {  	s8 =	smov.u32 s6;
	p0 =	sne.s32 s6, $0xFFFFFFFF  }
0x10c: {  	s0 =	sadd.s32 $0x1, s0;
	s6 =	smov.u32 s7;
	s7 =	sadd.s32 $0x1, s7  }
0x10d: {  	p1 =	sne.s32 s2, s7;
	v1 =	vld.msk @!p0 [tilespmem:s0+$0x0], $0x1;
	_ =	sdelay $0x4  }
0x10e: {  	(v2sf) =	vpush @!p0 v1, $0x0;
	_ =	sdelay $0xe  }
.Ltmp12:
0x10f: {  	s9 =	spop @!p0 (v2sf);
	(pc) =	sbr.rel @p1 .LBB2_15-.Ltmp12, $4  }
0x110: {  	p2 =	seq.s32 @!p0 s5, s9  }
0x111: {  	p2 =	por !p2, p0  }
0x112: {  	s6 =	simm.s32 @p2 $0xFFFFFFFF  }
0x113: {  	s6 =	smov.u32 @p0 s8  }
.LBB2_16:
0x114: {  	p0 =	sne.s32 s6, $0xFFFFFFFF  }
.Ltmp13:
0x115: {  	_ = 	snop;
	(pc) =	sbr.rel @!p0 .LBB2_17-.Ltmp13, $1  }
0x116: {  	_ =	sdelay $0x3  }
0x117: {  	v0 =	vld.msk [tilespmem:s4+$0xE0], $0x1;
	v1 =	vmov s6  }
.Ltmp14:
0x118: {  	_ = 	snop;
	(pc) =	sbr.rel .LBB2_19-.Ltmp14, $2  }
0x119: {  	_ =	sdelay $0x2  }
0x11a: {  	[tilespmem:v1+s3+$0x0], v0 =	vst.idx.ret.add.f32.msk $0x1, v0  }
.LBB2_20:
0x11b: {  	p0 =	slt.s32 s2, $0x1  }
.Ltmp15:
0x11c: {  	_ = 	snop;
	(pc) =	sbr.rel @p0 .LBB2_24-.Ltmp15, $3  }
0x11d: {  	_ =	sdelay $0x1  }
0x11e: {  	s0 =	simm.s32 $0x6  }
0x11f: {  	s3 =	simm.s32 $0x0;
	[sflag:s0] =	ssyncpa.u1 $0x1  }
0x120: {  	s0 =	simm.s32 $0xC0  }
0x121: {  	v0 =	vld.msk [tilespmem:s0+$0x0], $0x1;
	_ =	sdelay $0x4  }
0x122: {  	(v2sf) =	vpush v0, $0x0;
	_ =	sdelay $0xe  }
0x123: {  	s2 =	sadd.s32 $0xFFFFFFFF, s2;
	s4 =	spop (v2sf)  }
0x124: {  	p1 =	sne.s32 s2, $0x0;
	p0 =	sgt.u32 s4, $0x7F  }
.Ltmp16:
0x125: {  	s5 =	sshrl.u32 @!p0 s4, $0x3;
	(pc) =	sbr.rel @!p1 .LBB2_23-.Ltmp16, $4  }
0x126: {  	s0 =	simm.s32 $0xE0;
	s4 =	sand.u32 @!p0 $0x7, s4;
	s5 =	sadd.s32 @!p0 s1, s5  }
0x127: {  	[hbm4b:s5+s4] =	stream.linear.scatter @!p0 [tilespmem:s0], [sflag:$0x5], $0x1, $0x38;
	[tilespmem:$0xF30] =	vst v63  }
0x128: {  	s5 =	simm.s32 $0x0  }
0x129: {  	s4 =	simm.s32 $0xC1;
	s5 =	simm.s32 @!p0 $0x4  }
.LBB2_22:
0x12a: {  	v0 =	vld.msk [tilespmem:s4+$0x0], $0x1;
	s2 =	sadd.s32 $0xFFFFFFFF, s2;
	s3 =	sadd.s32 s3, s5  }
0x12b: {  	p0 =	sne.s32 s2, $0x0;
	_ =	sdelay $0x3  }
0x12c: {  	(v2sf) =	vpush v0, $0x0;
	_ =	sdelay $0xe  }
.Ltmp17:
0x12d: {  	s6 =	spop (v2sf);
	(pc) =	sbr.rel @p0 .LBB2_22-.Ltmp17, $4  }
0x12e: {  	s5 =	simm.s32 $0x0;
	p1 =	sgt.u32 s6, $0x7F  }
0x12f: {  	s0 =	sadd.s32 $0x1, s0;
	s5 =	simm.s32 @!p1 $0x4;
	s7 =	sshrl.u32 @!p1 s6, $0x3  }
0x130: {  	s4 =	sadd.s32 $0x1, s4;
	s6 =	sand.u32 @!p1 $0x7, s6;
	s7 =	sadd.s32 @!p1 s1, s7  }
0x131: {  	[hbm4b:s7+s6] =	stream.linear.scatter @!p1 [tilespmem:s0], [sflag:$0x5], $0x1, $0x38;
	[tilespmem:$0xF30] =	vst v63  }
.LBB2_23:
0x132: {  	s0 =	sadd.s32 s3, s5  }
0x133: {  	s3 =	sshrl.u32 s0, $0x2  }
.LBB2_24:
0x134: {  	s0 =	simm.s32 $0x5  }
0x135: {  	_ =	swait.ge [sflag:s0], s3  }
0x136: {  	s1 =	ssub.s32 $0x0, s3;
	[sflag:s0] =	ssyncset.done $0x0  }
0x137: {  	[sflag:s0] =	ssyncadd.s32 s1  }
0x138: {  	[sflag:s0] =	ssyncpa.u1 $0x1  }
0x139: {  	s29 =	simm.s32 $0x1;
	_ =	sfence  }
0x13a: {  	s30 =	simm.s32 $0x2;
	[sflag:s29] =	ssyncpa.u1 $0x1  }
0x13b: {  	[sflag:s30] =	ssyncpa.u1 $0x1  }
0x13c: {  	_ =	strace $0x9000004D  }
0x13d: {  	[bflag:$0x2] =	sbarrier.arrive $0xFFFF  }
0x13e: {  	s31 =	rddreg [dreg:$0x2]  }
0x13f: {  	s0 =	sadd.s32 $0x100000, s31  }
0x140: {  	[sflag:s0] =	ssyncadd.tile.s32 $0x1;
	_ =	shalt  }
.Lfunc_end2:
_tile_overlayer_lowered:
.L_overlay_start_2:
0x141: {  	(tag) =	ssettag $0x2  }
0x142: {  	s0 =	rddreg [dreg:$0x0];
	s2 =	stileid.u32  }
0x143: {  	s1 =	rddreg [dreg:$0x1];
	p0 =	sne.s32 s2, $0x0  }
0x144: {  	s3 =	rddreg [dreg:$0x2];
	[bflag:$0x3] =	sbarrier.arrive $0xFFFF;
	s2 =	simm.s32 @!p0 $0x1C01  }
0x145: {  	[timem:s3], [sflag:s2] =	dma.local @!p0 [hbm:s0], s1  }
0x146: {  	s0 =	simm.s32 @!p0 $0x1  }
0x147: {  	_ =	swait.ge @!p0 [sflag:s0], s1  }
0x148: {  	s1 =	ssub.s32 @!p0 $0x0, s1;
	[sflag:s0] =	ssyncset.done @!p0 $0x0  }
0x149: {  	[sflag:s0] =	ssyncadd.s32 @!p0 s1  }
0x14a: {  	[bflag:$0x3] =	sbarrier.arrive $0xFFFF  }
0x14b: {  	_ =	shalt  }

</sc_bundles>
